<compile_context>
chip_gen: v7x
topology: tpu7x:2x2x1
jax: 0.10.2.dev20260603
libtpu: 0.0.44.dev20260713+nightly
codegen_flags: <defaults>
</compile_context>

<pallas_src>
import functools

import jax
import jax.numpy as jnp
from jax import lax
from jax.experimental import pallas as pl
from jax.experimental.pallas import tpu as pltpu
from jax.experimental.pallas import tpu_sc as plsc

N = 10000
D = 128
NP = 10240
NW = 32
CHUNK = 128
RPT = NP // 16

_mesh = plsc.VectorSubcoreMesh(core_axis_name="c", subcore_axis_name="s")



def _deg_body(ei_hbm, zer_hbm, out_hbm, dst_v, ones_v, dacc, sem):
    ncht = ei_hbm.shape[1]
    nb = ncht // NW
    c = lax.axis_index("c")
    s = lax.axis_index("s")
    wid = c * 16 + s

    @pl.loop(0, CHUNK // 16)
    def _(i):
        ones_v[pl.ds(i * 16, 16)] = jnp.ones((16,), jnp.float32)

    pltpu.sync_copy(zer_hbm, dacc.at[pl.ds(s * RPT, RPT)])
    pltpu.sync_copy(ei_hbm.at[1, pl.ds(wid * nb, nb)], dst_v)
    plsc.subcore_barrier()

    @pl.loop(0, nb)
    def _(j):
        pltpu.async_copy(ones_v, dacc.at[dst_v.at[j]], sem, add=True)

    @pl.loop(0, nb)
    def _(j):
        pltpu.make_async_copy(ones_v, dacc.at[dst_v.at[0]], sem).wait()

    plsc.subcore_barrier()
    sl = pl.ds(s * RPT, RPT)
    pltpu.sync_copy(dacc.at[sl], out_hbm.at[c, sl])


def _deg_call(ei3, zer1):
    ncht = ei3.shape[1]
    f = functools.partial(
        pl.kernel,
        out_type=jax.ShapeDtypeStruct((2, NP), jnp.float32),
        mesh=_mesh,
        scratch_types=[
            pltpu.VMEM((ncht // NW, CHUNK), jnp.int32),
            pltpu.VMEM((CHUNK,), jnp.float32),
            pltpu.VMEM_SHARED((NP,), jnp.float32),
            pltpu.SemaphoreType.DMA,
        ],
    )(_deg_body)
    return f(ei3, zer1)


def _edge_body(g_hbm, ei_hbm, zer_hbm, out_hbm, ring, buf_a, buf_b, acc,
               sem_i, sem_a, sem_b):
    ncht = ei_hbm.shape[1]
    nk = ncht // NW
    nblk = nk // 8
    c = lax.axis_index("c")
    s = lax.axis_index("s")
    wid = c * 16 + s
    base = wid * nk

    def idx_fetch(slot, m):
        off = jnp.minimum(base + 8 * m, ncht - 8)
        pltpu.async_copy(ei_hbm.at[0, pl.ds(off, 8)], ring.at[slot, 0], sem_i)
        pltpu.async_copy(ei_hbm.at[1, pl.ds(off, 8)], ring.at[slot, 1], sem_i)

    def wait_idx():
        for _ in range(2):
            pltpu.make_async_copy(ei_hbm.at[0, pl.ds(0, 8)], ring.at[0, 0],
                                  sem_i).wait()

    def gather(slot, r, buf, sem):
        pltpu.async_copy(g_hbm.at[ring.at[slot, 0, r]], buf, sem)

    def wait_g(buf, sem):
        pltpu.make_async_copy(g_hbm.at[ring.at[0, 0, 0]], buf, sem).wait()

    def scat(slot, r, buf):
        pltpu.sync_copy(buf, acc.at[ring.at[slot, 1, r]], add=True)

    idx_fetch(0, 0)
    pltpu.sync_copy(zer_hbm, acc.at[pl.ds(s * RPT, RPT)])
    wait_idx()
    idx_fetch(1, 1)
    gather(0, 0, buf_a, sem_a)
    gather(0, 1, buf_b, sem_b)
    plsc.subcore_barrier()

    @pl.loop(0, nblk - 1)
    def _(m):
        p = m % 2
        q = 1 - p
        for t in range(4):
            ra, rb = 2 * t, 2 * t + 1
            wait_g(buf_a, sem_a)
            scat(p, ra, buf_a)
            if t < 3:
                gather(p, ra + 2, buf_a, sem_a)
                wait_g(buf_b, sem_b)
                scat(p, rb, buf_b)
                gather(p, rb + 2, buf_b, sem_b)
            else:
                wait_idx()
                gather(q, 0, buf_a, sem_a)
                wait_g(buf_b, sem_b)
                scat(p, rb, buf_b)
                gather(q, 1, buf_b, sem_b)
                idx_fetch(p, m + 2)

    pe = (nblk - 1) % 2
    for t in range(4):
        ra, rb = 2 * t, 2 * t + 1
        wait_g(buf_a, sem_a)
        scat(pe, ra, buf_a)
        if t < 3:
            gather(pe, ra + 2, buf_a, sem_a)
        wait_g(buf_b, sem_b)
        scat(pe, rb, buf_b)
        if t < 3:
            gather(pe, rb + 2, buf_b, sem_b)
    wait_idx()

    plsc.subcore_barrier()
    sl = pl.ds(s * RPT, RPT)
    pltpu.sync_copy(acc.at[sl], out_hbm.at[c, sl])


def _edge_call(g, ei3, zer2):
    f = functools.partial(
        pl.kernel,
        out_type=jax.ShapeDtypeStruct((2, NP, D), jnp.float32),
        mesh=_mesh,
        scratch_types=[
            pltpu.VMEM((2, 2, 8, CHUNK), jnp.int32),
            pltpu.VMEM((CHUNK, D), jnp.float32),
            pltpu.VMEM((CHUNK, D), jnp.float32),
            pltpu.VMEM_SHARED((NP, D), jnp.float32),
            pltpu.SemaphoreType.DMA,
            pltpu.SemaphoreType.DMA,
            pltpu.SemaphoreType.DMA,
        ],
    )(_edge_body)
    return f(g, ei3, zer2)



def _dinv_col(degp_ref):
    deg = degp_ref[0:1, :] + degp_ref[1:2, :] + 1.0
    return jnp.transpose(lax.rsqrt(deg), (1, 0))


def _tc1_body(x_ref, w_ref, degp_ref, o_ref):
    h = jnp.dot(x_ref[...], w_ref[...], preferred_element_type=jnp.float32,
                precision=lax.Precision.HIGHEST)
    o_ref[...] = h * _dinv_col(degp_ref)


def _tc2_body(s_ref, g_ref, degp_ref, w_ref, b_ref, o_ref):
    dinv = _dinv_col(degp_ref)
    u = jnp.maximum(dinv * (s_ref[0] + s_ref[1] + g_ref[...]) + b_ref[...], 0.0)
    h = jnp.dot(u, w_ref[...], preferred_element_type=jnp.float32,
                precision=lax.Precision.HIGHEST)
    o_ref[...] = h * dinv


def _tc3_body(s_ref, g_ref, degp_ref, b_ref, o_ref):
    o_ref[...] = (_dinv_col(degp_ref) * (s_ref[0] + s_ref[1] + g_ref[...])
                  + b_ref[...])


_B1 = 1280

_row = lambda i: (i, 0)
_full = lambda i: (0, 0)
_mid = lambda i: (0, i, 0)
_rowT = lambda i: (0, i)

_tc1 = pl.pallas_call(
    _tc1_body,
    grid=(NP // _B1,),
    in_specs=[pl.BlockSpec((_B1, D), _row),
              pl.BlockSpec((D, D), _full),
              pl.BlockSpec((2, _B1), _rowT)],
    out_specs=pl.BlockSpec((_B1, D), _row),
    out_shape=jax.ShapeDtypeStruct((NP, D), jnp.float32),
)
_tc2 = pl.pallas_call(
    _tc2_body,
    grid=(NP // _B1,),
    in_specs=[pl.BlockSpec((2, _B1, D), _mid),
              pl.BlockSpec((_B1, D), _row),
              pl.BlockSpec((2, _B1), _rowT),
              pl.BlockSpec((D, D), _full),
              pl.BlockSpec((1, D), _full)],
    out_specs=pl.BlockSpec((_B1, D), _row),
    out_shape=jax.ShapeDtypeStruct((NP, D), jnp.float32),
)
_tc3 = pl.pallas_call(
    _tc3_body,
    grid=(NP // _B1,),
    in_specs=[pl.BlockSpec((2, _B1, D), _mid),
              pl.BlockSpec((_B1, D), _row),
              pl.BlockSpec((2, _B1), _rowT),
              pl.BlockSpec((1, D), _full)],
    out_specs=pl.BlockSpec((_B1, D), _row),
    out_shape=jax.ShapeDtypeStruct((N, D), jnp.float32),
)



def kernel(x, edge_index, cache_name, W1, b1, W2, b2):
    e = edge_index.shape[1]
    if e % CHUNK:
        pe_ = CHUNK - e % CHUNK
        padv = jnp.broadcast_to(N + (jnp.arange(pe_, dtype=jnp.int32) % 32),
                                (2, pe_))
        edge_index = jnp.concatenate([edge_index, padv], axis=1)
        e += pe_
    nch0 = e // CHUNK
    ncht = ((nch0 + 255) // 256) * 256
    ei3r = edge_index.reshape(2, nch0, CHUNK)
    padc = jnp.broadcast_to(
        N + (jnp.arange((ncht - nch0) * CHUNK, dtype=jnp.int32) % 32)
        .reshape(1, ncht - nch0, CHUNK), (2, ncht - nch0, CHUNK))
    ei3 = jnp.concatenate([ei3r, padc], axis=1)
    xp = jnp.pad(x, ((0, NP - N), (0, 0)))
    zer1 = jnp.zeros((RPT,), jnp.float32)
    zer2 = jnp.zeros((RPT, D), jnp.float32)

    degp = _deg_call(ei3, zer1)
    g1 = _tc1(xp, W1, degp)
    s1 = _edge_call(g1, ei3, zer2)
    g2 = _tc2(s1, g1, degp, W2, b1.reshape(1, D))
    s2 = _edge_call(g2, ei3, zer2)
    return _tc3(s2, g2, degp, b2.reshape(1, D))

# --- scband reference (transcript-rebuilt; emitter-appended) ---
"""Pipeline reference for scband-simple-ppmiencoder-28948079575219 (READ-ONLY COPY).

The authoritative reference and input builder live on the scoring server;
editing this copy changes nothing except your own understanding.
"""

import jax, jax.numpy as jnp
import numpy as np

N = 10000
E = 320000
D_IN = 128
D_HID = 128  # config.encoder_dim
D_OUT = 128


def setup_inputs(seed: int = 0) -> dict:
    key = jax.random.key(seed)
    ks = jax.random.split(key, 6)
    x = jax.random.normal(ks[0], (N, D_IN), dtype=jnp.float32)
    edge_index = jax.random.randint(ks[1], (2, E), 0, N).astype(jnp.int32)
    cache_name = 0  # string cache key in torch; inert here
    W1 = jax.random.normal(ks[2], (D_IN, D_HID), dtype=jnp.float32) * (1.0 / np.sqrt(D_IN))
    b1 = jnp.zeros((D_HID,), dtype=jnp.float32)
    W2 = jax.random.normal(ks[3], (D_HID, D_OUT), dtype=jnp.float32) * (1.0 / np.sqrt(D_HID))
    b2 = jnp.zeros((D_OUT,), dtype=jnp.float32)
    return {"x": x, "edge_index": edge_index, "cache_name": cache_name,
            "W1": W1, "b1": b1, "W2": W2, "b2": b2}


def _ppmi_gcn_conv(x, edge_index, W, b):
    # PPMIConv caches (per cache_name) GCN-style symmetrically normalized edge
    # weights derived from the PPMI matrix; with weights cached this reduces to
    # linear transform -> gather(src) -> weighted scatter-add(dst) -> bias.
    n = x.shape[0]
    src = edge_index[0]
    dst = edge_index[1]
    loop = jnp.arange(n, dtype=src.dtype)
    src_f = jnp.concatenate([src, loop])
    dst_f = jnp.concatenate([dst, loop])
    deg = jnp.zeros((n,), dtype=x.dtype).at[dst_f].add(1.0)
    dinv = jnp.where(deg > 0, jax.lax.rsqrt(deg), 0.0)
    norm = dinv[src_f] * dinv[dst_f]
    h = x @ W
    msg = jnp.take(h, src_f, axis=0) * norm[:, None]
    out = jnp.zeros((n, W.shape[1]), dtype=x.dtype).at[dst_f].add(msg)
    return out + b


def reference(x, edge_index, cache_name, W1, b1, W2, b2):
    h = _ppmi_gcn_conv(x, edge_index, W1, b1)
    h = jax.nn.relu(h)
    h = _ppmi_gcn_conv(h, edge_index, W2, b2)
    return h

if __name__ == "__main__":
    import jax
    _d = setup_inputs()
    print(jax.jit(kernel)(*tuple(_d.values())))

</pallas_src>

<mosaic_0001>
#map = affine_map<(d0, d1) -> (0, 0, 0)>
#map1 = affine_map<(d0, d1) -> (0)>
#map2 = affine_map<(d0, d1) -> (0, 0)>
module attributes {stable_mosaic.version = 14 : i64} {
  func.func @_deg_body(%arg0: i32, %arg1: i32, %arg2: memref<2x2560x128xi32, #tpu.memory_space<hbm>>, %arg3: memref<640xf32, #tpu.memory_space<hbm>>, %arg4: memref<2x10240xf32, #tpu.memory_space<hbm>>, %arg5: memref<80x128xi32, #tpu.memory_space<vmem>>, %arg6: memref<128xf32, #tpu.memory_space<vmem>>, %arg7: memref<10240xf32, #tpu.memory_space<vmem_shared>>, %arg8: memref<!tpu.dma_semaphore, #tpu.memory_space<semaphore_mem>>) attributes {dimension_semantics = [#tpu.dimension_semantics<core_parallel>, #tpu.dimension_semantics<subcore_parallel>], iteration_bounds = array<i64: 2, 16>, scalar_prefetch = 0 : i64, scratch_operands = 4 : i64, tpu.core_type = #tpu.core_type<sc_vector_subcore>, window_params = [{transform_indices = #map}, {transform_indices = #map1}, {transform_indices = #map2}]} {
    %mul3A = arith.constant 16 : i32
    %mul3A_0 = arith.muli %arg0, %mul3A : i32
    %add3A = arith.addi %mul3A_0, %arg1 : i32
    %scan3A = arith.constant 0 : i32
    %scan3A_1 = arith.constant 8 : i32
    %scan3A_2 = arith.addi %scan3A, %scan3A_1 : i32
    %scan3A_3 = arith.constant 1 : i32
    scf.for %scan3A_22 = %scan3A to %scan3A_2 step %scan3A_3  : i32 {
      %mul3A_23 = arith.constant 1 : i32
      %mul3A_24 = arith.muli %scan3A_22, %mul3A_23 : i32
      %add3A_25 = arith.constant 0 : i32
      %add3A_26 = arith.addi %add3A_25, %mul3A_24 : i32
      %broadcast_in_dim3A = arith.constant 1.000000e+00 : f32
      %broadcast_in_dim3A_27 = vector.broadcast %broadcast_in_dim3A : f32 to vector<16xf32>
      %mul3A_28 = arith.constant 16 : i32
      %mul3A_29 = arith.muli %add3A_26, %mul3A_28 : i32
      %swap3A = arith.index_cast %mul3A_29 : i32 to index
      %swap3A_30 = tpu.vector_load %arg6[%swap3A] {strides = array<i32>} : memref<128xf32, #tpu.memory_space<vmem>>, vector<16xf32>,
      %swap3A_31 = vector.shape_cast %swap3A_30 : vector<16xf32> to vector<16xf32>
      %swap3A_32 = vector.shape_cast %broadcast_in_dim3A_27 : vector<16xf32> to vector<16xf32>
      tpu.vector_store %arg6[%swap3A], %swap3A_32 {strides = array<i32>} : memref<128xf32, #tpu.memory_space<vmem>>, vector<16xf32>,
    }
    %scan3A_4 = arith.constant 8 : i32
    %mul3A_5 = arith.constant 640 : i32
    %mul3A_6 = arith.muli %arg1, %mul3A_5 : i32
    "tpu.region"() ({
      %run_scoped3A_22 = tpu.sem_alloc : memref<!tpu.dma_semaphore, #tpu.memory_space<semaphore_mem>>
      %dma_start3A = tpu.memref_slice %arg7[%mul3A_6] : memref<10240xf32, #tpu.memory_space<vmem_shared>> -> memref<640xf32, #tpu.memory_space<vmem_shared>>
      tpu.enqueue_dma source(%arg3 : memref<640xf32, #tpu.memory_space<hbm>>) target(%dma_start3A : memref<640xf32, #tpu.memory_space<vmem_shared>>) target_semaphore(%run_scoped3A_22 : memref<!tpu.dma_semaphore, #tpu.memory_space<semaphore_mem>>)
      %dma_wait3A = tpu.memref_slice %arg7[%mul3A_6] : memref<10240xf32, #tpu.memory_space<vmem_shared>> -> memref<640xf32, #tpu.memory_space<vmem_shared>>
      tpu.wait_dma2 semaphore(%run_scoped3A_22 : memref<!tpu.dma_semaphore, #tpu.memory_space<semaphore_mem>>) src(%arg3 : memref<640xf32, #tpu.memory_space<hbm>>) dst(%dma_wait3A : memref<640xf32, #tpu.memory_space<vmem_shared>>)
      tpu.yield
    }) : () -> ()
    %mul3A_7 = arith.constant 80 : i32
    %mul3A_8 = arith.muli %add3A, %mul3A_7 : i32
    %run_scoped3A = arith.constant 1 : i32
    "tpu.region"() ({
      %run_scoped3A_22 = tpu.sem_alloc : memref<!tpu.dma_semaphore, #tpu.memory_space<semaphore_mem>>
      %dma_start3A = arith.constant 0 : i32
      %dma_start3A_23 = tpu.memref_slice %arg2[%run_scoped3A, %mul3A_8, %dma_start3A] : memref<2x2560x128xi32, #tpu.memory_space<hbm>> -> memref<1x80x128xi32, #tpu.memory_space<hbm>>
      %dma_start3A_24 = tpu.memref_squeeze %dma_start3A_23 : memref<1x80x128xi32, #tpu.memory_space<hbm>> -> memref<80x128xi32, #tpu.memory_space<hbm>>
      %dma_start3A_25 = arith.constant 0 : i32
      %dma_start3A_26 = tpu.memref_slice %arg2[%run_scoped3A, %mul3A_8, %dma_start3A_25] : memref<2x2560x128xi32, #tpu.memory_space<hbm>> -> memref<1x80x128xi32, #tpu.memory_space<hbm>>
      %dma_start3A_27 = tpu.memref_squeeze %dma_start3A_26 : memref<1x80x128xi32, #tpu.memory_space<hbm>> -> memref<80x128xi32, #tpu.memory_space<hbm>>
      tpu.enqueue_dma source(%dma_start3A_27 : memref<80x128xi32, #tpu.memory_space<hbm>>) target(%arg5 : memref<80x128xi32, #tpu.memory_space<vmem>>) target_semaphore(%run_scoped3A_22 : memref<!tpu.dma_semaphore, #tpu.memory_space<semaphore_mem>>)
      %dma_wait3A = arith.constant 0 : i32
      %dma_wait3A_28 = tpu.memref_slice %arg2[%run_scoped3A, %mul3A_8, %dma_wait3A] : memref<2x2560x128xi32, #tpu.memory_space<hbm>> -> memref<1x80x128xi32, #tpu.memory_space<hbm>>
      %dma_wait3A_29 = tpu.memref_squeeze %dma_wait3A_28 : memref<1x80x128xi32, #tpu.memory_space<hbm>> -> memref<80x128xi32, #tpu.memory_space<hbm>>
      %dma_wait3A_30 = arith.constant 0 : i32
      %dma_wait3A_31 = tpu.memref_slice %arg2[%run_scoped3A, %mul3A_8, %dma_wait3A_30] : memref<2x2560x128xi32, #tpu.memory_space<hbm>> -> memref<1x80x128xi32, #tpu.memory_space<hbm>>
      %dma_wait3A_32 = tpu.memref_squeeze %dma_wait3A_31 : memref<1x80x128xi32, #tpu.memory_space<hbm>> -> memref<80x128xi32, #tpu.memory_space<hbm>>
      tpu.wait_dma2 semaphore(%run_scoped3A_22 : memref<!tpu.dma_semaphore, #tpu.memory_space<semaphore_mem>>) src(%dma_wait3A_32 : memref<80x128xi32, #tpu.memory_space<hbm>>) dst(%arg5 : memref<80x128xi32, #tpu.memory_space<vmem>>)
      tpu.yield
    }) : () -> ()
    %barrier3A = arith.constant 0 : index
    tpu.barrier barrier_id(%barrier3A)
    %scan3A_9 = arith.constant 0 : i32
    %scan3A_10 = arith.constant 80 : i32
    %scan3A_11 = arith.addi %scan3A_9, %scan3A_10 : i32
    %scan3A_12 = arith.constant 1 : i32
    scf.for %scan3A_22 = %scan3A_9 to %scan3A_11 step %scan3A_12  : i32 {
      %mul3A_23 = arith.constant 1 : i32
      %mul3A_24 = arith.muli %scan3A_22, %mul3A_23 : i32
      %add3A_25 = arith.constant 0 : i32
      %add3A_26 = arith.addi %add3A_25, %mul3A_24 : i32
      %dma_start3A = arith.constant 0 : i32
      %dma_start3A_27 = tpu.memref_slice %arg5[%add3A_26, %dma_start3A] : memref<80x128xi32, #tpu.memory_space<vmem>> -> memref<1x128xi32, #tpu.memory_space<vmem>>
      %dma_start3A_28 = tpu.memref_squeeze %dma_start3A_27 : memref<1x128xi32, #tpu.memory_space<vmem>> -> memref<128xi32, #tpu.memory_space<vmem>>
      %dma_start3A_29 = arith.constant 0 : i32
      %dma_start3A_30 = tpu.memref_slice %arg7[%dma_start3A_29] : memref<10240xf32, #tpu.memory_space<vmem_shared>> -> memref<10240xf32, #tpu.memory_space<vmem_shared>>
      tpu.enqueue_indirect_dma source(%arg6 : memref<128xf32, #tpu.memory_space<vmem>>) target(%dma_start3A_30 : memref<10240xf32, #tpu.memory_space<vmem_shared>>) offsets(%dma_start3A_28 : memref<128xi32, #tpu.memory_space<vmem>>) semaphore(%arg8 : memref<!tpu.dma_semaphore, #tpu.memory_space<semaphore_mem>>) {add = true}
    }
    %scan3A_13 = arith.constant 80 : i32
    %scan3A_14 = arith.constant 0 : i32
    %scan3A_15 = arith.constant 80 : i32
    %scan3A_16 = arith.addi %scan3A_14, %scan3A_15 : i32
    %scan3A_17 = arith.constant 1 : i32
    scf.for %scan3A_22 = %scan3A_14 to %scan3A_16 step %scan3A_17  : i32 {
      %mul3A_23 = arith.constant 1 : i32
      %mul3A_24 = arith.muli %scan3A_22, %mul3A_23 : i32
      %add3A_25 = arith.constant 0 : i32
      %add3A_26 = arith.addi %add3A_25, %mul3A_24 : i32
      %dma_wait3A = arith.constant 0 : i32
      %dma_wait3A_27 = arith.constant 0 : i32
      %dma_wait3A_28 = tpu.memref_slice %arg5[%dma_wait3A, %dma_wait3A_27] : memref<80x128xi32, #tpu.memory_space<vmem>> -> memref<1x128xi32, #tpu.memory_space<vmem>>
      %dma_wait3A_29 = tpu.memref_squeeze %dma_wait3A_28 : memref<1x128xi32, #tpu.memory_space<vmem>> -> memref<128xi32, #tpu.memory_space<vmem>>
      %dma_wait3A_30 = arith.constant 0 : i32
      %dma_wait3A_31 = tpu.memref_slice %arg7[%dma_wait3A_30] : memref<10240xf32, #tpu.memory_space<vmem_shared>> -> memref<10240xf32, #tpu.memory_space<vmem_shared>>
      tpu.wait_indirect_dma semaphore(%arg8 : memref<!tpu.dma_semaphore, #tpu.memory_space<semaphore_mem>>) src(%arg6 : memref<128xf32, #tpu.memory_space<vmem>>) dst(%dma_wait3A_31 : memref<10240xf32, #tpu.memory_space<vmem_shared>>)
    }
    %scan3A_18 = arith.constant 80 : i32
    %barrier3A_19 = arith.constant 0 : index
    tpu.barrier barrier_id(%barrier3A_19)
    %mul3A_20 = arith.constant 640 : i32
    %mul3A_21 = arith.muli %arg1, %mul3A_20 : i32
    "tpu.region"() ({
      %run_scoped3A_22 = tpu.sem_alloc : memref<!tpu.dma_semaphore, #tpu.memory_space<semaphore_mem>>
      %dma_start3A = tpu.memref_slice %arg4[%arg0, %mul3A_21] : memref<2x10240xf32, #tpu.memory_space<hbm>> -> memref<1x640xf32, #tpu.memory_space<hbm>>
      %dma_start3A_23 = tpu.memref_squeeze %dma_start3A : memref<1x640xf32, #tpu.memory_space<hbm>> -> memref<640xf32, #tpu.memory_space<hbm>>
      %dma_start3A_24 = tpu.memref_slice %arg7[%mul3A_21] : memref<10240xf32, #tpu.memory_space<vmem_shared>> -> memref<640xf32, #tpu.memory_space<vmem_shared>>
      tpu.enqueue_dma source(%dma_start3A_24 : memref<640xf32, #tpu.memory_space<vmem_shared>>) target(%dma_start3A_23 : memref<640xf32, #tpu.memory_space<hbm>>) target_semaphore(%run_scoped3A_22 : memref<!tpu.dma_semaphore, #tpu.memory_space<semaphore_mem>>)
      %dma_wait3A = tpu.memref_slice %arg4[%arg0, %mul3A_21] : memref<2x10240xf32, #tpu.memory_space<hbm>> -> memref<1x640xf32, #tpu.memory_space<hbm>>
      %dma_wait3A_25 = tpu.memref_squeeze %dma_wait3A : memref<1x640xf32, #tpu.memory_space<hbm>> -> memref<640xf32, #tpu.memory_space<hbm>>
      %dma_wait3A_26 = tpu.memref_slice %arg7[%mul3A_21] : memref<10240xf32, #tpu.memory_space<vmem_shared>> -> memref<640xf32, #tpu.memory_space<vmem_shared>>
      tpu.wait_dma2 semaphore(%run_scoped3A_22 : memref<!tpu.dma_semaphore, #tpu.memory_space<semaphore_mem>>) src(%dma_wait3A_26 : memref<640xf32, #tpu.memory_space<vmem_shared>>) dst(%dma_wait3A_25 : memref<640xf32, #tpu.memory_space<hbm>>)
      tpu.yield
    }) : () -> ()
    return
  }
}

#map = affine_map<(d0, d1) -> (0, 0)>
#map1 = affine_map<(d0, d1) -> (0, 0, 0)>
module attributes {stable_mosaic.version = 14 : i64} {
  func.func @_edge_body(%arg0: i32, %arg1: i32, %arg2: memref<10240x128xf32, #tpu.memory_space<hbm>>, %arg3: memref<2x2560x128xi32, #tpu.memory_space<hbm>>, %arg4: memref<640x128xf32, #tpu.memory_space<hbm>>, %arg5: memref<2x10240x128xf32, #tpu.memory_space<hbm>>, %arg6: memref<2x2x8x128xi32, #tpu.memory_space<vmem>>, %arg7: memref<128x128xf32, #tpu.memory_space<vmem>>, %arg8: memref<128x128xf32, #tpu.memory_space<vmem>>, %arg9: memref<10240x128xf32, #tpu.memory_space<vmem_shared>>, %arg10: memref<!tpu.dma_semaphore, #tpu.memory_space<semaphore_mem>>, %arg11: memref<!tpu.dma_semaphore, #tpu.memory_space<semaphore_mem>>, %arg12: memref<!tpu.dma_semaphore, #tpu.memory_space<semaphore_mem>>) attributes {dimension_semantics = [#tpu.dimension_semantics<core_parallel>, #tpu.dimension_semantics<subcore_parallel>], iteration_bounds = array<i64: 2, 16>, scalar_prefetch = 0 : i64, scratch_operands = 7 : i64, tpu.core_type = #tpu.core_type<sc_vector_subcore>, window_params = [{transform_indices = #map}, {transform_indices = #map1}, {transform_indices = #map}, {transform_indices = #map1}]} {
    %mul3A = arith.constant 16 : i32
    %mul3A_0 = arith.muli %arg0, %mul3A : i32
    %add3A = arith.addi %mul3A_0, %arg1 : i32
    %mul3A_1 = arith.constant 80 : i32
    %mul3A_2 = arith.muli %add3A, %mul3A_1 : i32
    %add3A_3 = arith.constant 0 : i32
    %add3A_4 = arith.addi %mul3A_2, %add3A_3 : i32
    %min3A = arith.constant 2552 : i32
    %min3A_5 = arith.minsi %add3A_4, %min3A : i32
    %dma_start3A = arith.constant 0 : i32
    %dma_start3A_6 = arith.constant 0 : i32
    %dma_start3A_7 = arith.constant 0 : i32
    %dma_start3A_8 = arith.constant 0 : i32
    %dma_start3A_9 = arith.constant 0 : i32
    %dma_start3A_10 = tpu.memref_slice %arg6[%dma_start3A_6, %dma_start3A_7, %dma_start3A_8, %dma_start3A_9] : memref<2x2x8x128xi32, #tpu.memory_space<vmem>> -> memref<1x1x8x128xi32, #tpu.memory_space<vmem>>
    %dma_start3A_11 = tpu.memref_squeeze %dma_start3A_10 : memref<1x1x8x128xi32, #tpu.memory_space<vmem>> -> memref<8x128xi32, #tpu.memory_space<vmem>>
    %dma_start3A_12 = arith.constant 0 : i32
    %dma_start3A_13 = tpu.memref_slice %arg3[%dma_start3A, %min3A_5, %dma_start3A_12] : memref<2x2560x128xi32, #tpu.memory_space<hbm>> -> memref<1x8x128xi32, #tpu.memory_space<hbm>>
    %dma_start3A_14 = tpu.memref_squeeze %dma_start3A_13 : memref<1x8x128xi32, #tpu.memory_space<hbm>> -> memref<8x128xi32, #tpu.memory_space<hbm>>
    %dma_start3A_15 = arith.constant 0 : i32
    %dma_start3A_16 = arith.constant 0 : i32
    %dma_start3A_17 = tpu.memref_slice %arg6[%dma_start3A_6, %dma_start3A_7, %dma_start3A_15, %dma_start3A_16] : memref<2x2x8x128xi32, #tpu.memory_space<vmem>> -> memref<1x1x8x128xi32, #tpu.memory_space<vmem>>
    %dma_start3A_18 = tpu.memref_squeeze %dma_start3A_17 : memref<1x1x8x128xi32, #tpu.memory_space<vmem>> -> memref<8x128xi32, #tpu.memory_space<vmem>>
    %dma_start3A_19 = arith.constant 0 : i32
    %dma_start3A_20 = tpu.memref_slice %arg3[%dma_start3A, %min3A_5, %dma_start3A_19] : memref<2x2560x128xi32, #tpu.memory_space<hbm>> -> memref<1x8x128xi32, #tpu.memory_space<hbm>>
    %dma_start3A_21 = tpu.memref_squeeze %dma_start3A_20 : memref<1x8x128xi32, #tpu.memory_space<hbm>> -> memref<8x128xi32, #tpu.memory_space<hbm>>
    tpu.enqueue_dma source(%dma_start3A_21 : memref<8x128xi32, #tpu.memory_space<hbm>>) target(%dma_start3A_18 : memref<8x128xi32, #tpu.memory_space<vmem>>) target_semaphore(%arg10 : memref<!tpu.dma_semaphore, #tpu.memory_space<semaphore_mem>>)
    %dma_start3A_22 = arith.constant 1 : i32
    %dma_start3A_23 = arith.constant 0 : i32
    %dma_start3A_24 = arith.constant 1 : i32
    %dma_start3A_25 = arith.constant 0 : i32
    %dma_start3A_26 = arith.constant 0 : i32
    %dma_start3A_27 = tpu.memref_slice %arg6[%dma_start3A_23, %dma_start3A_24, %dma_start3A_25, %dma_start3A_26] : memref<2x2x8x128xi32, #tpu.memory_space<vmem>> -> memref<1x1x8x128xi32, #tpu.memory_space<vmem>>
    %dma_start3A_28 = tpu.memref_squeeze %dma_start3A_27 : memref<1x1x8x128xi32, #tpu.memory_space<vmem>> -> memref<8x128xi32, #tpu.memory_space<vmem>>
    %dma_start3A_29 = arith.constant 0 : i32
    %dma_start3A_30 = tpu.memref_slice %arg3[%dma_start3A_22, %min3A_5, %dma_start3A_29] : memref<2x2560x128xi32, #tpu.memory_space<hbm>> -> memref<1x8x128xi32, #tpu.memory_space<hbm>>
    %dma_start3A_31 = tpu.memref_squeeze %dma_start3A_30 : memref<1x8x128xi32, #tpu.memory_space<hbm>> -> memref<8x128xi32, #tpu.memory_space<hbm>>
    %dma_start3A_32 = arith.constant 0 : i32
    %dma_start3A_33 = arith.constant 0 : i32
    %dma_start3A_34 = tpu.memref_slice %arg6[%dma_start3A_23, %dma_start3A_24, %dma_start3A_32, %dma_start3A_33] : memref<2x2x8x128xi32, #tpu.memory_space<vmem>> -> memref<1x1x8x128xi32, #tpu.memory_space<vmem>>
    %dma_start3A_35 = tpu.memref_squeeze %dma_start3A_34 : memref<1x1x8x128xi32, #tpu.memory_space<vmem>> -> memref<8x128xi32, #tpu.memory_space<vmem>>
    %dma_start3A_36 = arith.constant 0 : i32
    %dma_start3A_37 = tpu.memref_slice %arg3[%dma_start3A_22, %min3A_5, %dma_start3A_36] : memref<2x2560x128xi32, #tpu.memory_space<hbm>> -> memref<1x8x128xi32, #tpu.memory_space<hbm>>
    %dma_start3A_38 = tpu.memref_squeeze %dma_start3A_37 : memref<1x8x128xi32, #tpu.memory_space<hbm>> -> memref<8x128xi32, #tpu.memory_space<hbm>>
    tpu.enqueue_dma source(%dma_start3A_38 : memref<8x128xi32, #tpu.memory_space<hbm>>) target(%dma_start3A_35 : memref<8x128xi32, #tpu.memory_space<vmem>>) target_semaphore(%arg10 : memref<!tpu.dma_semaphore, #tpu.memory_space<semaphore_mem>>)
    %mul3A_39 = arith.constant 640 : i32
    %mul3A_40 = arith.muli %arg1, %mul3A_39 : i32
    "tpu.region"() ({
      %run_scoped3A_328 = tpu.sem_alloc : memref<!tpu.dma_semaphore, #tpu.memory_space<semaphore_mem>>
      %dma_start3A_329 = arith.constant 0 : i32
      %dma_start3A_330 = tpu.memref_slice %arg9[%mul3A_40, %dma_start3A_329] : memref<10240x128xf32, #tpu.memory_space<vmem_shared>> -> memref<640x128xf32, #tpu.memory_space<vmem_shared>>
      tpu.enqueue_dma source(%arg4 : memref<640x128xf32, #tpu.memory_space<hbm>>) target(%dma_start3A_330 : memref<640x128xf32, #tpu.memory_space<vmem_shared>>) target_semaphore(%run_scoped3A_328 : memref<!tpu.dma_semaphore, #tpu.memory_space<semaphore_mem>>)
      %dma_wait3A_331 = arith.constant 0 : i32
      %dma_wait3A_332 = tpu.memref_slice %arg9[%mul3A_40, %dma_wait3A_331] : memref<10240x128xf32, #tpu.memory_space<vmem_shared>> -> memref<640x128xf32, #tpu.memory_space<vmem_shared>>
      tpu.wait_dma2 semaphore(%run_scoped3A_328 : memref<!tpu.dma_semaphore, #tpu.memory_space<semaphore_mem>>) src(%arg4 : memref<640x128xf32, #tpu.memory_space<hbm>>) dst(%dma_wait3A_332 : memref<640x128xf32, #tpu.memory_space<vmem_shared>>)
      tpu.yield
    }) : () -> ()
    %dma_wait3A = arith.constant 0 : i32
    %dma_wait3A_41 = arith.constant 0 : i32
    %dma_wait3A_42 = arith.constant 0 : i32
    %dma_wait3A_43 = arith.constant 0 : i32
    %dma_wait3A_44 = arith.constant 0 : i32
    %dma_wait3A_45 = tpu.memref_slice %arg6[%dma_wait3A_41, %dma_wait3A_42, %dma_wait3A_43, %dma_wait3A_44] : memref<2x2x8x128xi32, #tpu.memory_space<vmem>> -> memref<1x1x8x128xi32, #tpu.memory_space<vmem>>
    %dma_wait3A_46 = tpu.memref_squeeze %dma_wait3A_45 : memref<1x1x8x128xi32, #tpu.memory_space<vmem>> -> memref<8x128xi32, #tpu.memory_space<vmem>>
    %dma_wait3A_47 = arith.constant 0 : i32
    %dma_wait3A_48 = arith.constant 0 : i32
    %dma_wait3A_49 = tpu.memref_slice %arg3[%dma_wait3A, %dma_wait3A_47, %dma_wait3A_48] : memref<2x2560x128xi32, #tpu.memory_space<hbm>> -> memref<1x8x128xi32, #tpu.memory_space<hbm>>
    %dma_wait3A_50 = tpu.memref_squeeze %dma_wait3A_49 : memref<1x8x128xi32, #tpu.memory_space<hbm>> -> memref<8x128xi32, #tpu.memory_space<hbm>>
    %dma_wait3A_51 = arith.constant 0 : i32
    %dma_wait3A_52 = arith.constant 0 : i32
    %dma_wait3A_53 = tpu.memref_slice %arg6[%dma_wait3A_41, %dma_wait3A_42, %dma_wait3A_51, %dma_wait3A_52] : memref<2x2x8x128xi32, #tpu.memory_space<vmem>> -> memref<1x1x8x128xi32, #tpu.memory_space<vmem>>
    %dma_wait3A_54 = tpu.memref_squeeze %dma_wait3A_53 : memref<1x1x8x128xi32, #tpu.memory_space<vmem>> -> memref<8x128xi32, #tpu.memory_space<vmem>>
    %dma_wait3A_55 = arith.constant 0 : i32
    %dma_wait3A_56 = arith.constant 0 : i32
    %dma_wait3A_57 = tpu.memref_slice %arg3[%dma_wait3A, %dma_wait3A_55, %dma_wait3A_56] : memref<2x2560x128xi32, #tpu.memory_space<hbm>> -> memref<1x8x128xi32, #tpu.memory_space<hbm>>
    %dma_wait3A_58 = tpu.memref_squeeze %dma_wait3A_57 : memref<1x8x128xi32, #tpu.memory_space<hbm>> -> memref<8x128xi32, #tpu.memory_space<hbm>>
    tpu.wait_dma2 semaphore(%arg10 : memref<!tpu.dma_semaphore, #tpu.memory_space<semaphore_mem>>) src(%dma_wait3A_58 : memref<8x128xi32, #tpu.memory_space<hbm>>) dst(%dma_wait3A_54 : memref<8x128xi32, #tpu.memory_space<vmem>>)
    %dma_wait3A_59 = arith.constant 0 : i32
    %dma_wait3A_60 = arith.constant 0 : i32
    %dma_wait3A_61 = arith.constant 0 : i32
    %dma_wait3A_62 = arith.constant 0 : i32
    %dma_wait3A_63 = arith.constant 0 : i32
    %dma_wait3A_64 = tpu.memref_slice %arg6[%dma_wait3A_60, %dma_wait3A_61, %dma_wait3A_62, %dma_wait3A_63] : memref<2x2x8x128xi32, #tpu.memory_space<vmem>> -> memref<1x1x8x128xi32, #tpu.memory_space<vmem>>
    %dma_wait3A_65 = tpu.memref_squeeze %dma_wait3A_64 : memref<1x1x8x128xi32, #tpu.memory_space<vmem>> -> memref<8x128xi32, #tpu.memory_space<vmem>>
    %dma_wait3A_66 = arith.constant 0 : i32
    %dma_wait3A_67 = arith.constant 0 : i32
    %dma_wait3A_68 = tpu.memref_slice %arg3[%dma_wait3A_59, %dma_wait3A_66, %dma_wait3A_67] : memref<2x2560x128xi32, #tpu.memory_space<hbm>> -> memref<1x8x128xi32, #tpu.memory_space<hbm>>
    %dma_wait3A_69 = tpu.memref_squeeze %dma_wait3A_68 : memref<1x8x128xi32, #tpu.memory_space<hbm>> -> memref<8x128xi32, #tpu.memory_space<hbm>>
    %dma_wait3A_70 = arith.constant 0 : i32
    %dma_wait3A_71 = arith.constant 0 : i32
    %dma_wait3A_72 = tpu.memref_slice %arg6[%dma_wait3A_60, %dma_wait3A_61, %dma_wait3A_70, %dma_wait3A_71] : memref<2x2x8x128xi32, #tpu.memory_space<vmem>> -> memref<1x1x8x128xi32, #tpu.memory_space<vmem>>
    %dma_wait3A_73 = tpu.memref_squeeze %dma_wait3A_72 : memref<1x1x8x128xi32, #tpu.memory_space<vmem>> -> memref<8x128xi32, #tpu.memory_space<vmem>>
    %dma_wait3A_74 = arith.constant 0 : i32
    %dma_wait3A_75 = arith.constant 0 : i32
    %dma_wait3A_76 = tpu.memref_slice %arg3[%dma_wait3A_59, %dma_wait3A_74, %dma_wait3A_75] : memref<2x2560x128xi32, #tpu.memory_space<hbm>> -> memref<1x8x128xi32, #tpu.memory_space<hbm>>
    %dma_wait3A_77 = tpu.memref_squeeze %dma_wait3A_76 : memref<1x8x128xi32, #tpu.memory_space<hbm>> -> memref<8x128xi32, #tpu.memory_space<hbm>>
    tpu.wait_dma2 semaphore(%arg10 : memref<!tpu.dma_semaphore, #tpu.memory_space<semaphore_mem>>) src(%dma_wait3A_77 : memref<8x128xi32, #tpu.memory_space<hbm>>) dst(%dma_wait3A_73 : memref<8x128xi32, #tpu.memory_space<vmem>>)
    %add3A_78 = arith.constant 8 : i32
    %add3A_79 = arith.addi %mul3A_2, %add3A_78 : i32
    %min3A_80 = arith.constant 2552 : i32
    %min3A_81 = arith.minsi %add3A_79, %min3A_80 : i32
    %dma_start3A_82 = arith.constant 0 : i32
    %dma_start3A_83 = arith.constant 1 : i32
    %dma_start3A_84 = arith.constant 0 : i32
    %dma_start3A_85 = arith.constant 0 : i32
    %dma_start3A_86 = arith.constant 0 : i32
    %dma_start3A_87 = tpu.memref_slice %arg6[%dma_start3A_83, %dma_start3A_84, %dma_start3A_85, %dma_start3A_86] : memref<2x2x8x128xi32, #tpu.memory_space<vmem>> -> memref<1x1x8x128xi32, #tpu.memory_space<vmem>>
    %dma_start3A_88 = tpu.memref_squeeze %dma_start3A_87 : memref<1x1x8x128xi32, #tpu.memory_space<vmem>> -> memref<8x128xi32, #tpu.memory_space<vmem>>
    %dma_start3A_89 = arith.constant 0 : i32
    %dma_start3A_90 = tpu.memref_slice %arg3[%dma_start3A_82, %min3A_81, %dma_start3A_89] : memref<2x2560x128xi32, #tpu.memory_space<hbm>> -> memref<1x8x128xi32, #tpu.memory_space<hbm>>
    %dma_start3A_91 = tpu.memref_squeeze %dma_start3A_90 : memref<1x8x128xi32, #tpu.memory_space<hbm>> -> memref<8x128xi32, #tpu.memory_space<hbm>>
    %dma_start3A_92 = arith.constant 0 : i32
    %dma_start3A_93 = arith.constant 0 : i32
    %dma_start3A_94 = tpu.memref_slice %arg6[%dma_start3A_83, %dma_start3A_84, %dma_start3A_92, %dma_start3A_93] : memref<2x2x8x128xi32, #tpu.memory_space<vmem>> -> memref<1x1x8x128xi32, #tpu.memory_space<vmem>>
    %dma_start3A_95 = tpu.memref_squeeze %dma_start3A_94 : memref<1x1x8x128xi32, #tpu.memory_space<vmem>> -> memref<8x128xi32, #tpu.memory_space<vmem>>
    %dma_start3A_96 = arith.constant 0 : i32
    %dma_start3A_97 = tpu.memref_slice %arg3[%dma_start3A_82, %min3A_81, %dma_start3A_96] : memref<2x2560x128xi32, #tpu.memory_space<hbm>> -> memref<1x8x128xi32, #tpu.memory_space<hbm>>
    %dma_start3A_98 = tpu.memref_squeeze %dma_start3A_97 : memref<1x8x128xi32, #tpu.memory_space<hbm>> -> memref<8x128xi32, #tpu.memory_space<hbm>>
    tpu.enqueue_dma source(%dma_start3A_98 : memref<8x128xi32, #tpu.memory_space<hbm>>) target(%dma_start3A_95 : memref<8x128xi32, #tpu.memory_space<vmem>>) target_semaphore(%arg10 : memref<!tpu.dma_semaphore, #tpu.memory_space<semaphore_mem>>)
    %dma_start3A_99 = arith.constant 1 : i32
    %dma_start3A_100 = arith.constant 1 : i32
    %dma_start3A_101 = arith.constant 1 : i32
    %dma_start3A_102 = arith.constant 0 : i32
    %dma_start3A_103 = arith.constant 0 : i32
    %dma_start3A_104 = tpu.memref_slice %arg6[%dma_start3A_100, %dma_start3A_101, %dma_start3A_102, %dma_start3A_103] : memref<2x2x8x128xi32, #tpu.memory_space<vmem>> -> memref<1x1x8x128xi32, #tpu.memory_space<vmem>>
    %dma_start3A_105 = tpu.memref_squeeze %dma_start3A_104 : memref<1x1x8x128xi32, #tpu.memory_space<vmem>> -> memref<8x128xi32, #tpu.memory_space<vmem>>
    %dma_start3A_106 = arith.constant 0 : i32
    %dma_start3A_107 = tpu.memref_slice %arg3[%dma_start3A_99, %min3A_81, %dma_start3A_106] : memref<2x2560x128xi32, #tpu.memory_space<hbm>> -> memref<1x8x128xi32, #tpu.memory_space<hbm>>
    %dma_start3A_108 = tpu.memref_squeeze %dma_start3A_107 : memref<1x8x128xi32, #tpu.memory_space<hbm>> -> memref<8x128xi32, #tpu.memory_space<hbm>>
    %dma_start3A_109 = arith.constant 0 : i32
    %dma_start3A_110 = arith.constant 0 : i32
    %dma_start3A_111 = tpu.memref_slice %arg6[%dma_start3A_100, %dma_start3A_101, %dma_start3A_109, %dma_start3A_110] : memref<2x2x8x128xi32, #tpu.memory_space<vmem>> -> memref<1x1x8x128xi32, #tpu.memory_space<vmem>>
    %dma_start3A_112 = tpu.memref_squeeze %dma_start3A_111 : memref<1x1x8x128xi32, #tpu.memory_space<vmem>> -> memref<8x128xi32, #tpu.memory_space<vmem>>
    %dma_start3A_113 = arith.constant 0 : i32
    %dma_start3A_114 = tpu.memref_slice %arg3[%dma_start3A_99, %min3A_81, %dma_start3A_113] : memref<2x2560x128xi32, #tpu.memory_space<hbm>> -> memref<1x8x128xi32, #tpu.memory_space<hbm>>
    %dma_start3A_115 = tpu.memref_squeeze %dma_start3A_114 : memref<1x8x128xi32, #tpu.memory_space<hbm>> -> memref<8x128xi32, #tpu.memory_space<hbm>>
    tpu.enqueue_dma source(%dma_start3A_115 : memref<8x128xi32, #tpu.memory_space<hbm>>) target(%dma_start3A_112 : memref<8x128xi32, #tpu.memory_space<vmem>>) target_semaphore(%arg10 : memref<!tpu.dma_semaphore, #tpu.memory_space<semaphore_mem>>)
    %dma_start3A_116 = arith.constant 0 : i32
    %dma_start3A_117 = arith.constant 0 : i32
    %dma_start3A_118 = arith.constant 0 : i32
    %dma_start3A_119 = arith.constant 0 : i32
    %dma_start3A_120 = tpu.memref_slice %arg6[%dma_start3A_116, %dma_start3A_117, %dma_start3A_118, %dma_start3A_119] : memref<2x2x8x128xi32, #tpu.memory_space<vmem>> -> memref<1x1x1x128xi32, #tpu.memory_space<vmem>>
    %dma_start3A_121 = tpu.memref_squeeze %dma_start3A_120 : memref<1x1x1x128xi32, #tpu.memory_space<vmem>> -> memref<128xi32, #tpu.memory_space<vmem>>
    %dma_start3A_122 = arith.constant 0 : i32
    %dma_start3A_123 = arith.constant 0 : i32
    %dma_start3A_124 = tpu.memref_slice %arg2[%dma_start3A_122, %dma_start3A_123] : memref<10240x128xf32, #tpu.memory_space<hbm>> -> memref<10240x128xf32, #tpu.memory_space<hbm>>
    tpu.enqueue_indirect_dma source(%dma_start3A_124 : memref<10240x128xf32, #tpu.memory_space<hbm>>) target(%arg7 : memref<128x128xf32, #tpu.memory_space<vmem>>) offsets(%dma_start3A_121 : memref<128xi32, #tpu.memory_space<vmem>>) semaphore(%arg11 : memref<!tpu.dma_semaphore, #tpu.memory_space<semaphore_mem>>)
    %dma_start3A_125 = arith.constant 0 : i32
    %dma_start3A_126 = arith.constant 0 : i32
    %dma_start3A_127 = arith.constant 1 : i32
    %dma_start3A_128 = arith.constant 0 : i32
    %dma_start3A_129 = tpu.memref_slice %arg6[%dma_start3A_125, %dma_start3A_126, %dma_start3A_127, %dma_start3A_128] : memref<2x2x8x128xi32, #tpu.memory_space<vmem>> -> memref<1x1x1x128xi32, #tpu.memory_space<vmem>>
    %dma_start3A_130 = tpu.memref_squeeze %dma_start3A_129 : memref<1x1x1x128xi32, #tpu.memory_space<vmem>> -> memref<128xi32, #tpu.memory_space<vmem>>
    %dma_start3A_131 = arith.constant 0 : i32
    %dma_start3A_132 = arith.constant 0 : i32
    %dma_start3A_133 = tpu.memref_slice %arg2[%dma_start3A_131, %dma_start3A_132] : memref<10240x128xf32, #tpu.memory_space<hbm>> -> memref<10240x128xf32, #tpu.memory_space<hbm>>
    tpu.enqueue_indirect_dma source(%dma_start3A_133 : memref<10240x128xf32, #tpu.memory_space<hbm>>) target(%arg8 : memref<128x128xf32, #tpu.memory_space<vmem>>) offsets(%dma_start3A_130 : memref<128xi32, #tpu.memory_space<vmem>>) semaphore(%arg12 : memref<!tpu.dma_semaphore, #tpu.memory_space<semaphore_mem>>)
    %barrier3A = arith.constant 0 : index
    tpu.barrier barrier_id(%barrier3A)
    %scan3A = arith.constant 0 : i32
    %scan3A_134 = arith.constant 9 : i32
    %scan3A_135 = arith.addi %scan3A, %scan3A_134 : i32
    %scan3A_136 = arith.constant 1 : i32
    scf.for %scan3A_328 = %scan3A to %scan3A_135 step %scan3A_136  : i32 {
      %mul3A_329 = arith.constant 1 : i32
      %mul3A_330 = arith.muli %scan3A_328, %mul3A_329 : i32
      %add3A_331 = arith.constant 0 : i32
      %add3A_332 = arith.addi %add3A_331, %mul3A_330 : i32
      %jit3A = arith.constant 2 : i32
      %eq3A = arith.constant 0 : i32
      %eq3A_333 = arith.cmpi eq, %jit3A, %eq3A : i32
      %jit3A_334 = arith.constant 1 : i32
      %select_n3A = arith.select %eq3A_333, %jit3A_334, %jit3A : i32
      %rem3A = arith.remsi %add3A_332, %select_n3A : i32
      %ne3A = arith.constant 0 : i32
      %ne3A_335 = arith.cmpi ne, %rem3A, %ne3A : i32
      %lt3A = arith.constant 0 : i32
      %lt3A_336 = arith.cmpi slt, %rem3A, %lt3A : i32
      %lt3A_337 = arith.constant 0 : i32
      %lt3A_338 = arith.cmpi slt, %select_n3A, %lt3A_337 : i32
      %ne3A_339 = arith.xori %lt3A_336, %lt3A_338 : i1
      %and3A = arith.andi %ne3A_339, %ne3A_335 : i1
      %add3A_340 = arith.addi %rem3A, %select_n3A : i32
      %select_n3A_341 = arith.select %and3A, %add3A_340, %rem3A : i32
      %sub3A = arith.constant 1 : i32
      %sub3A_342 = arith.subi %sub3A, %select_n3A_341 : i32
      %dma_wait3A_343 = arith.constant 0 : i32
      %dma_wait3A_344 = arith.constant 0 : i32
      %dma_wait3A_345 = arith.constant 0 : i32
      %dma_wait3A_346 = arith.constant 0 : i32
      %dma_wait3A_347 = tpu.memref_slice %arg6[%dma_wait3A_343, %dma_wait3A_344, %dma_wait3A_345, %dma_wait3A_346] : memref<2x2x8x128xi32, #tpu.memory_space<vmem>> -> memref<1x1x1x128xi32, #tpu.memory_space<vmem>>
      %dma_wait3A_348 = tpu.memref_squeeze %dma_wait3A_347 : memref<1x1x1x128xi32, #tpu.memory_space<vmem>> -> memref<128xi32, #tpu.memory_space<vmem>>
      %dma_wait3A_349 = arith.constant 0 : i32
      %dma_wait3A_350 = arith.constant 0 : i32
      %dma_wait3A_351 = tpu.memref_slice %arg2[%dma_wait3A_349, %dma_wait3A_350] : memref<10240x128xf32, #tpu.memory_space<hbm>> -> memref<10240x128xf32, #tpu.memory_space<hbm>>
      tpu.wait_indirect_dma semaphore(%arg11 : memref<!tpu.dma_semaphore, #tpu.memory_space<semaphore_mem>>) src(%dma_wait3A_351 : memref<10240x128xf32, #tpu.memory_space<hbm>>) dst(%arg7 : memref<128x128xf32, #tpu.memory_space<vmem>>)
      %run_scoped3A_352 = arith.constant 1 : i32
      %run_scoped3A_353 = arith.constant 0 : i32
      "tpu.region"() ({
        %run_scoped3A_572 = tpu.sem_alloc : memref<!tpu.dma_semaphore, #tpu.memory_space<semaphore_mem>>
        %dma_start3A_573 = arith.constant 0 : i32
        %dma_start3A_574 = tpu.memref_slice %arg6[%select_n3A_341, %run_scoped3A_352, %run_scoped3A_353, %dma_start3A_573] : memref<2x2x8x128xi32, #tpu.memory_space<vmem>> -> memref<1x1x1x128xi32, #tpu.memory_space<vmem>>
        %dma_start3A_575 = tpu.memref_squeeze %dma_start3A_574 : memref<1x1x1x128xi32, #tpu.memory_space<vmem>> -> memref<128xi32, #tpu.memory_space<vmem>>
        %dma_start3A_576 = arith.constant 0 : i32
        %dma_start3A_577 = arith.constant 0 : i32
        %dma_start3A_578 = tpu.memref_slice %arg9[%dma_start3A_576, %dma_start3A_577] : memref<10240x128xf32, #tpu.memory_space<vmem_shared>> -> memref<10240x128xf32, #tpu.memory_space<vmem_shared>>
        tpu.enqueue_indirect_dma source(%arg7 : memref<128x128xf32, #tpu.memory_space<vmem>>) target(%dma_start3A_578 : memref<10240x128xf32, #tpu.memory_space<vmem_shared>>) offsets(%dma_start3A_575 : memref<128xi32, #tpu.memory_space<vmem>>) semaphore(%run_scoped3A_572 : memref<!tpu.dma_semaphore, #tpu.memory_space<semaphore_mem>>) {add = true}
        %dma_wait3A_579 = arith.constant 0 : i32
        %dma_wait3A_580 = tpu.memref_slice %arg6[%select_n3A_341, %run_scoped3A_352, %run_scoped3A_353, %dma_wait3A_579] : memref<2x2x8x128xi32, #tpu.memory_space<vmem>> -> memref<1x1x1x128xi32, #tpu.memory_space<vmem>>
        %dma_wait3A_581 = tpu.memref_squeeze %dma_wait3A_580 : memref<1x1x1x128xi32, #tpu.memory_space<vmem>> -> memref<128xi32, #tpu.memory_space<vmem>>
        %dma_wait3A_582 = arith.constant 0 : i32
        %dma_wait3A_583 = arith.constant 0 : i32
        %dma_wait3A_584 = tpu.memref_slice %arg9[%dma_wait3A_582, %dma_wait3A_583] : memref<10240x128xf32, #tpu.memory_space<vmem_shared>> -> memref<10240x128xf32, #tpu.memory_space<vmem_shared>>
        tpu.wait_indirect_dma semaphore(%run_scoped3A_572 : memref<!tpu.dma_semaphore, #tpu.memory_space<semaphore_mem>>) src(%arg7 : memref<128x128xf32, #tpu.memory_space<vmem>>) dst(%dma_wait3A_584 : memref<10240x128xf32, #tpu.memory_space<vmem_shared>>)
        tpu.yield
      }) : () -> ()
      %dma_start3A_354 = arith.constant 0 : i32
      %dma_start3A_355 = arith.constant 2 : i32
      %dma_start3A_356 = arith.constant 0 : i32
      %dma_start3A_357 = tpu.memref_slice %arg6[%select_n3A_341, %dma_start3A_354, %dma_start3A_355, %dma_start3A_356] : memref<2x2x8x128xi32, #tpu.memory_space<vmem>> -> memref<1x1x1x128xi32, #tpu.memory_space<vmem>>
      %dma_start3A_358 = tpu.memref_squeeze %dma_start3A_357 : memref<1x1x1x128xi32, #tpu.memory_space<vmem>> -> memref<128xi32, #tpu.memory_space<vmem>>
      %dma_start3A_359 = arith.constant 0 : i32
      %dma_start3A_360 = arith.constant 0 : i32
      %dma_start3A_361 = tpu.memref_slice %arg2[%dma_start3A_359, %dma_start3A_360] : memref<10240x128xf32, #tpu.memory_space<hbm>> -> memref<10240x128xf32, #tpu.memory_space<hbm>>
      tpu.enqueue_indirect_dma source(%dma_start3A_361 : memref<10240x128xf32, #tpu.memory_space<hbm>>) target(%arg7 : memref<128x128xf32, #tpu.memory_space<vmem>>) offsets(%dma_start3A_358 : memref<128xi32, #tpu.memory_space<vmem>>) semaphore(%arg11 : memref<!tpu.dma_semaphore, #tpu.memory_space<semaphore_mem>>)
      %dma_wait3A_362 = arith.constant 0 : i32
      %dma_wait3A_363 = arith.constant 0 : i32
      %dma_wait3A_364 = arith.constant 0 : i32
      %dma_wait3A_365 = arith.constant 0 : i32
      %dma_wait3A_366 = tpu.memref_slice %arg6[%dma_wait3A_362, %dma_wait3A_363, %dma_wait3A_364, %dma_wait3A_365] : memref<2x2x8x128xi32, #tpu.memory_space<vmem>> -> memref<1x1x1x128xi32, #tpu.memory_space<vmem>>
      %dma_wait3A_367 = tpu.memref_squeeze %dma_wait3A_366 : memref<1x1x1x128xi32, #tpu.memory_space<vmem>> -> memref<128xi32, #tpu.memory_space<vmem>>
      %dma_wait3A_368 = arith.constant 0 : i32
      %dma_wait3A_369 = arith.constant 0 : i32
      %dma_wait3A_370 = tpu.memref_slice %arg2[%dma_wait3A_368, %dma_wait3A_369] : memref<10240x128xf32, #tpu.memory_space<hbm>> -> memref<10240x128xf32, #tpu.memory_space<hbm>>
      tpu.wait_indirect_dma semaphore(%arg12 : memref<!tpu.dma_semaphore, #tpu.memory_space<semaphore_mem>>) src(%dma_wait3A_370 : memref<10240x128xf32, #tpu.memory_space<hbm>>) dst(%arg8 : memref<128x128xf32, #tpu.memory_space<vmem>>)
      %run_scoped3A_371 = arith.constant 1 : i32
      %run_scoped3A_372 = arith.constant 1 : i32
      "tpu.region"() ({
        %run_scoped3A_572 = tpu.sem_alloc : memref<!tpu.dma_semaphore, #tpu.memory_space<semaphore_mem>>
        %dma_start3A_573 = arith.constant 0 : i32
        %dma_start3A_574 = tpu.memref_slice %arg6[%select_n3A_341, %run_scoped3A_371, %run_scoped3A_372, %dma_start3A_573] : memref<2x2x8x128xi32, #tpu.memory_space<vmem>> -> memref<1x1x1x128xi32, #tpu.memory_space<vmem>>
        %dma_start3A_575 = tpu.memref_squeeze %dma_start3A_574 : memref<1x1x1x128xi32, #tpu.memory_space<vmem>> -> memref<128xi32, #tpu.memory_space<vmem>>
        %dma_start3A_576 = arith.constant 0 : i32
        %dma_start3A_577 = arith.constant 0 : i32
        %dma_start3A_578 = tpu.memref_slice %arg9[%dma_start3A_576, %dma_start3A_577] : memref<10240x128xf32, #tpu.memory_space<vmem_shared>> -> memref<10240x128xf32, #tpu.memory_space<vmem_shared>>
        tpu.enqueue_indirect_dma source(%arg8 : memref<128x128xf32, #tpu.memory_space<vmem>>) target(%dma_start3A_578 : memref<10240x128xf32, #tpu.memory_space<vmem_shared>>) offsets(%dma_start3A_575 : memref<128xi32, #tpu.memory_space<vmem>>) semaphore(%run_scoped3A_572 : memref<!tpu.dma_semaphore, #tpu.memory_space<semaphore_mem>>) {add = true}
        %dma_wait3A_579 = arith.constant 0 : i32
        %dma_wait3A_580 = tpu.memref_slice %arg6[%select_n3A_341, %run_scoped3A_371, %run_scoped3A_372, %dma_wait3A_579] : memref<2x2x8x128xi32, #tpu.memory_space<vmem>> -> memref<1x1x1x128xi32, #tpu.memory_space<vmem>>
        %dma_wait3A_581 = tpu.memref_squeeze %dma_wait3A_580 : memref<1x1x1x128xi32, #tpu.memory_space<vmem>> -> memref<128xi32, #tpu.memory_space<vmem>>
        %dma_wait3A_582 = arith.constant 0 : i32
        %dma_wait3A_583 = arith.constant 0 : i32
        %dma_wait3A_584 = tpu.memref_slice %arg9[%dma_wait3A_582, %dma_wait3A_583] : memref<10240x128xf32, #tpu.memory_space<vmem_shared>> -> memref<10240x128xf32, #tpu.memory_space<vmem_shared>>
        tpu.wait_indirect_dma semaphore(%run_scoped3A_572 : memref<!tpu.dma_semaphore, #tpu.memory_space<semaphore_mem>>) src(%arg8 : memref<128x128xf32, #tpu.memory_space<vmem>>) dst(%dma_wait3A_584 : memref<10240x128xf32, #tpu.memory_space<vmem_shared>>)
        tpu.yield
      }) : () -> ()
      %dma_start3A_373 = arith.constant 0 : i32
      %dma_start3A_374 = arith.constant 3 : i32
      %dma_start3A_375 = arith.constant 0 : i32
      %dma_start3A_376 = tpu.memref_slice %arg6[%select_n3A_341, %dma_start3A_373, %dma_start3A_374, %dma_start3A_375] : memref<2x2x8x128xi32, #tpu.memory_space<vmem>> -> memref<1x1x1x128xi32, #tpu.memory_space<vmem>>
      %dma_start3A_377 = tpu.memref_squeeze %dma_start3A_376 : memref<1x1x1x128xi32, #tpu.memory_space<vmem>> -> memref<128xi32, #tpu.memory_space<vmem>>
      %dma_start3A_378 = arith.constant 0 : i32
      %dma_start3A_379 = arith.constant 0 : i32
      %dma_start3A_380 = tpu.memref_slice %arg2[%dma_start3A_378, %dma_start3A_379] : memref<10240x128xf32, #tpu.memory_space<hbm>> -> memref<10240x128xf32, #tpu.memory_space<hbm>>
      tpu.enqueue_indirect_dma source(%dma_start3A_380 : memref<10240x128xf32, #tpu.memory_space<hbm>>) target(%arg8 : memref<128x128xf32, #tpu.memory_space<vmem>>) offsets(%dma_start3A_377 : memref<128xi32, #tpu.memory_space<vmem>>) semaphore(%arg12 : memref<!tpu.dma_semaphore, #tpu.memory_space<semaphore_mem>>)
      %dma_wait3A_381 = arith.constant 0 : i32
      %dma_wait3A_382 = arith.constant 0 : i32
      %dma_wait3A_383 = arith.constant 0 : i32
      %dma_wait3A_384 = arith.constant 0 : i32
      %dma_wait3A_385 = tpu.memref_slice %arg6[%dma_wait3A_381, %dma_wait3A_382, %dma_wait3A_383, %dma_wait3A_384] : memref<2x2x8x128xi32, #tpu.memory_space<vmem>> -> memref<1x1x1x128xi32, #tpu.memory_space<vmem>>
      %dma_wait3A_386 = tpu.memref_squeeze %dma_wait3A_385 : memref<1x1x1x128xi32, #tpu.memory_space<vmem>> -> memref<128xi32, #tpu.memory_space<vmem>>
      %dma_wait3A_387 = arith.constant 0 : i32
      %dma_wait3A_388 = arith.constant 0 : i32
      %dma_wait3A_389 = tpu.memref_slice %arg2[%dma_wait3A_387, %dma_wait3A_388] : memref<10240x128xf32, #tpu.memory_space<hbm>> -> memref<10240x128xf32, #tpu.memory_space<hbm>>
      tpu.wait_indirect_dma semaphore(%arg11 : memref<!tpu.dma_semaphore, #tpu.memory_space<semaphore_mem>>) src(%dma_wait3A_389 : memref<10240x128xf32, #tpu.memory_space<hbm>>) dst(%arg7 : memref<128x128xf32, #tpu.memory_space<vmem>>)
      %run_scoped3A_390 = arith.constant 1 : i32
      %run_scoped3A_391 = arith.constant 2 : i32
      "tpu.region"() ({
        %run_scoped3A_572 = tpu.sem_alloc : memref<!tpu.dma_semaphore, #tpu.memory_space<semaphore_mem>>
        %dma_start3A_573 = arith.constant 0 : i32
        %dma_start3A_574 = tpu.memref_slice %arg6[%select_n3A_341, %run_scoped3A_390, %run_scoped3A_391, %dma_start3A_573] : memref<2x2x8x128xi32, #tpu.memory_space<vmem>> -> memref<1x1x1x128xi32, #tpu.memory_space<vmem>>
        %dma_start3A_575 = tpu.memref_squeeze %dma_start3A_574 : memref<1x1x1x128xi32, #tpu.memory_space<vmem>> -> memref<128xi32, #tpu.memory_space<vmem>>
        %dma_start3A_576 = arith.constant 0 : i32
        %dma_start3A_577 = arith.constant 0 : i32
        %dma_start3A_578 = tpu.memref_slice %arg9[%dma_start3A_576, %dma_start3A_577] : memref<10240x128xf32, #tpu.memory_space<vmem_shared>> -> memref<10240x128xf32, #tpu.memory_space<vmem_shared>>
        tpu.enqueue_indirect_dma source(%arg7 : memref<128x128xf32, #tpu.memory_space<vmem>>) target(%dma_start3A_578 : memref<10240x128xf32, #tpu.memory_space<vmem_shared>>) offsets(%dma_start3A_575 : memref<128xi32, #tpu.memory_space<vmem>>) semaphore(%run_scoped3A_572 : memref<!tpu.dma_semaphore, #tpu.memory_space<semaphore_mem>>) {add = true}
        %dma_wait3A_579 = arith.constant 0 : i32
        %dma_wait3A_580 = tpu.memref_slice %arg6[%select_n3A_341, %run_scoped3A_390, %run_scoped3A_391, %dma_wait3A_579] : memref<2x2x8x128xi32, #tpu.memory_space<vmem>> -> memref<1x1x1x128xi32, #tpu.memory_space<vmem>>
        %dma_wait3A_581 = tpu.memref_squeeze %dma_wait3A_580 : memref<1x1x1x128xi32, #tpu.memory_space<vmem>> -> memref<128xi32, #tpu.memory_space<vmem>>
        %dma_wait3A_582 = arith.constant 0 : i32
        %dma_wait3A_583 = arith.constant 0 : i32
        %dma_wait3A_584 = tpu.memref_slice %arg9[%dma_wait3A_582, %dma_wait3A_583] : memref<10240x128xf32, #tpu.memory_space<vmem_shared>> -> memref<10240x128xf32, #tpu.memory_space<vmem_shared>>
        tpu.wait_indirect_dma semaphore(%run_scoped3A_572 : memref<!tpu.dma_semaphore, #tpu.memory_space<semaphore_mem>>) src(%arg7 : memref<128x128xf32, #tpu.memory_space<vmem>>) dst(%dma_wait3A_584 : memref<10240x128xf32, #tpu.memory_space<vmem_shared>>)
        tpu.yield
      }) : () -> ()
      %dma_start3A_392 = arith.constant 0 : i32
      %dma_start3A_393 = arith.constant 4 : i32
      %dma_start3A_394 = arith.constant 0 : i32
      %dma_start3A_395 = tpu.memref_slice %arg6[%select_n3A_341, %dma_start3A_392, %dma_start3A_393, %dma_start3A_394] : memref<2x2x8x128xi32, #tpu.memory_space<vmem>> -> memref<1x1x1x128xi32, #tpu.memory_space<vmem>>
      %dma_start3A_396 = tpu.memref_squeeze %dma_start3A_395 : memref<1x1x1x128xi32, #tpu.memory_space<vmem>> -> memref<128xi32, #tpu.memory_space<vmem>>
      %dma_start3A_397 = arith.constant 0 : i32
      %dma_start3A_398 = arith.constant 0 : i32
      %dma_start3A_399 = tpu.memref_slice %arg2[%dma_start3A_397, %dma_start3A_398] : memref<10240x128xf32, #tpu.memory_space<hbm>> -> memref<10240x128xf32, #tpu.memory_space<hbm>>
      tpu.enqueue_indirect_dma source(%dma_start3A_399 : memref<10240x128xf32, #tpu.memory_space<hbm>>) target(%arg7 : memref<128x128xf32, #tpu.memory_space<vmem>>) offsets(%dma_start3A_396 : memref<128xi32, #tpu.memory_space<vmem>>) semaphore(%arg11 : memref<!tpu.dma_semaphore, #tpu.memory_space<semaphore_mem>>)
      %dma_wait3A_400 = arith.constant 0 : i32
      %dma_wait3A_401 = arith.constant 0 : i32
      %dma_wait3A_402 = arith.constant 0 : i32
      %dma_wait3A_403 = arith.constant 0 : i32
      %dma_wait3A_404 = tpu.memref_slice %arg6[%dma_wait3A_400, %dma_wait3A_401, %dma_wait3A_402, %dma_wait3A_403] : memref<2x2x8x128xi32, #tpu.memory_space<vmem>> -> memref<1x1x1x128xi32, #tpu.memory_space<vmem>>
      %dma_wait3A_405 = tpu.memref_squeeze %dma_wait3A_404 : memref<1x1x1x128xi32, #tpu.memory_space<vmem>> -> memref<128xi32, #tpu.memory_space<vmem>>
      %dma_wait3A_406 = arith.constant 0 : i32
      %dma_wait3A_407 = arith.constant 0 : i32
      %dma_wait3A_408 = tpu.memref_slice %arg2[%dma_wait3A_406, %dma_wait3A_407] : memref<10240x128xf32, #tpu.memory_space<hbm>> -> memref<10240x128xf32, #tpu.memory_space<hbm>>
      tpu.wait_indirect_dma semaphore(%arg12 : memref<!tpu.dma_semaphore, #tpu.memory_space<semaphore_mem>>) src(%dma_wait3A_408 : memref<10240x128xf32, #tpu.memory_space<hbm>>) dst(%arg8 : memref<128x128xf32, #tpu.memory_space<vmem>>)
      %run_scoped3A_409 = arith.constant 1 : i32
      %run_scoped3A_410 = arith.constant 3 : i32
      "tpu.region"() ({
        %run_scoped3A_572 = tpu.sem_alloc : memref<!tpu.dma_semaphore, #tpu.memory_space<semaphore_mem>>
        %dma_start3A_573 = arith.constant 0 : i32
        %dma_start3A_574 = tpu.memref_slice %arg6[%select_n3A_341, %run_scoped3A_409, %run_scoped3A_410, %dma_start3A_573] : memref<2x2x8x128xi32, #tpu.memory_space<vmem>> -> memref<1x1x1x128xi32, #tpu.memory_space<vmem>>
        %dma_start3A_575 = tpu.memref_squeeze %dma_start3A_574 : memref<1x1x1x128xi32, #tpu.memory_space<vmem>> -> memref<128xi32, #tpu.memory_space<vmem>>
        %dma_start3A_576 = arith.constant 0 : i32
        %dma_start3A_577 = arith.constant 0 : i32
        %dma_start3A_578 = tpu.memref_slice %arg9[%dma_start3A_576, %dma_start3A_577] : memref<10240x128xf32, #tpu.memory_space<vmem_shared>> -> memref<10240x128xf32, #tpu.memory_space<vmem_shared>>
        tpu.enqueue_indirect_dma source(%arg8 : memref<128x128xf32, #tpu.memory_space<vmem>>) target(%dma_start3A_578 : memref<10240x128xf32, #tpu.memory_space<vmem_shared>>) offsets(%dma_start3A_575 : memref<128xi32, #tpu.memory_space<vmem>>) semaphore(%run_scoped3A_572 : memref<!tpu.dma_semaphore, #tpu.memory_space<semaphore_mem>>) {add = true}
        %dma_wait3A_579 = arith.constant 0 : i32
        %dma_wait3A_580 = tpu.memref_slice %arg6[%select_n3A_341, %run_scoped3A_409, %run_scoped3A_410, %dma_wait3A_579] : memref<2x2x8x128xi32, #tpu.memory_space<vmem>> -> memref<1x1x1x128xi32, #tpu.memory_space<vmem>>
        %dma_wait3A_581 = tpu.memref_squeeze %dma_wait3A_580 : memref<1x1x1x128xi32, #tpu.memory_space<vmem>> -> memref<128xi32, #tpu.memory_space<vmem>>
        %dma_wait3A_582 = arith.constant 0 : i32
        %dma_wait3A_583 = arith.constant 0 : i32
        %dma_wait3A_584 = tpu.memref_slice %arg9[%dma_wait3A_582, %dma_wait3A_583] : memref<10240x128xf32, #tpu.memory_space<vmem_shared>> -> memref<10240x128xf32, #tpu.memory_space<vmem_shared>>
        tpu.wait_indirect_dma semaphore(%run_scoped3A_572 : memref<!tpu.dma_semaphore, #tpu.memory_space<semaphore_mem>>) src(%arg8 : memref<128x128xf32, #tpu.memory_space<vmem>>) dst(%dma_wait3A_584 : memref<10240x128xf32, #tpu.memory_space<vmem_shared>>)
        tpu.yield
      }) : () -> ()
      %dma_start3A_411 = arith.constant 0 : i32
      %dma_start3A_412 = arith.constant 5 : i32
      %dma_start3A_413 = arith.constant 0 : i32
      %dma_start3A_414 = tpu.memref_slice %arg6[%select_n3A_341, %dma_start3A_411, %dma_start3A_412, %dma_start3A_413] : memref<2x2x8x128xi32, #tpu.memory_space<vmem>> -> memref<1x1x1x128xi32, #tpu.memory_space<vmem>>
      %dma_start3A_415 = tpu.memref_squeeze %dma_start3A_414 : memref<1x1x1x128xi32, #tpu.memory_space<vmem>> -> memref<128xi32, #tpu.memory_space<vmem>>
      %dma_start3A_416 = arith.constant 0 : i32
      %dma_start3A_417 = arith.constant 0 : i32
      %dma_start3A_418 = tpu.memref_slice %arg2[%dma_start3A_416, %dma_start3A_417] : memref<10240x128xf32, #tpu.memory_space<hbm>> -> memref<10240x128xf32, #tpu.memory_space<hbm>>
      tpu.enqueue_indirect_dma source(%dma_start3A_418 : memref<10240x128xf32, #tpu.memory_space<hbm>>) target(%arg8 : memref<128x128xf32, #tpu.memory_space<vmem>>) offsets(%dma_start3A_415 : memref<128xi32, #tpu.memory_space<vmem>>) semaphore(%arg12 : memref<!tpu.dma_semaphore, #tpu.memory_space<semaphore_mem>>)
      %dma_wait3A_419 = arith.constant 0 : i32
      %dma_wait3A_420 = arith.constant 0 : i32
      %dma_wait3A_421 = arith.constant 0 : i32
      %dma_wait3A_422 = arith.constant 0 : i32
      %dma_wait3A_423 = tpu.memref_slice %arg6[%dma_wait3A_419, %dma_wait3A_420, %dma_wait3A_421, %dma_wait3A_422] : memref<2x2x8x128xi32, #tpu.memory_space<vmem>> -> memref<1x1x1x128xi32, #tpu.memory_space<vmem>>
      %dma_wait3A_424 = tpu.memref_squeeze %dma_wait3A_423 : memref<1x1x1x128xi32, #tpu.memory_space<vmem>> -> memref<128xi32, #tpu.memory_space<vmem>>
      %dma_wait3A_425 = arith.constant 0 : i32
      %dma_wait3A_426 = arith.constant 0 : i32
      %dma_wait3A_427 = tpu.memref_slice %arg2[%dma_wait3A_425, %dma_wait3A_426] : memref<10240x128xf32, #tpu.memory_space<hbm>> -> memref<10240x128xf32, #tpu.memory_space<hbm>>
      tpu.wait_indirect_dma semaphore(%arg11 : memref<!tpu.dma_semaphore, #tpu.memory_space<semaphore_mem>>) src(%dma_wait3A_427 : memref<10240x128xf32, #tpu.memory_space<hbm>>) dst(%arg7 : memref<128x128xf32, #tpu.memory_space<vmem>>)
      %run_scoped3A_428 = arith.constant 1 : i32
      %run_scoped3A_429 = arith.constant 4 : i32
      "tpu.region"() ({
        %run_scoped3A_572 = tpu.sem_alloc : memref<!tpu.dma_semaphore, #tpu.memory_space<semaphore_mem>>
        %dma_start3A_573 = arith.constant 0 : i32
        %dma_start3A_574 = tpu.memref_slice %arg6[%select_n3A_341, %run_scoped3A_428, %run_scoped3A_429, %dma_start3A_573] : memref<2x2x8x128xi32, #tpu.memory_space<vmem>> -> memref<1x1x1x128xi32, #tpu.memory_space<vmem>>
        %dma_start3A_575 = tpu.memref_squeeze %dma_start3A_574 : memref<1x1x1x128xi32, #tpu.memory_space<vmem>> -> memref<128xi32, #tpu.memory_space<vmem>>
        %dma_start3A_576 = arith.constant 0 : i32
        %dma_start3A_577 = arith.constant 0 : i32
        %dma_start3A_578 = tpu.memref_slice %arg9[%dma_start3A_576, %dma_start3A_577] : memref<10240x128xf32, #tpu.memory_space<vmem_shared>> -> memref<10240x128xf32, #tpu.memory_space<vmem_shared>>
        tpu.enqueue_indirect_dma source(%arg7 : memref<128x128xf32, #tpu.memory_space<vmem>>) target(%dma_start3A_578 : memref<10240x128xf32, #tpu.memory_space<vmem_shared>>) offsets(%dma_start3A_575 : memref<128xi32, #tpu.memory_space<vmem>>) semaphore(%run_scoped3A_572 : memref<!tpu.dma_semaphore, #tpu.memory_space<semaphore_mem>>) {add = true}
        %dma_wait3A_579 = arith.constant 0 : i32
        %dma_wait3A_580 = tpu.memref_slice %arg6[%select_n3A_341, %run_scoped3A_428, %run_scoped3A_429, %dma_wait3A_579] : memref<2x2x8x128xi32, #tpu.memory_space<vmem>> -> memref<1x1x1x128xi32, #tpu.memory_space<vmem>>
        %dma_wait3A_581 = tpu.memref_squeeze %dma_wait3A_580 : memref<1x1x1x128xi32, #tpu.memory_space<vmem>> -> memref<128xi32, #tpu.memory_space<vmem>>
        %dma_wait3A_582 = arith.constant 0 : i32
        %dma_wait3A_583 = arith.constant 0 : i32
        %dma_wait3A_584 = tpu.memref_slice %arg9[%dma_wait3A_582, %dma_wait3A_583] : memref<10240x128xf32, #tpu.memory_space<vmem_shared>> -> memref<10240x128xf32, #tpu.memory_space<vmem_shared>>
        tpu.wait_indirect_dma semaphore(%run_scoped3A_572 : memref<!tpu.dma_semaphore, #tpu.memory_space<semaphore_mem>>) src(%arg7 : memref<128x128xf32, #tpu.memory_space<vmem>>) dst(%dma_wait3A_584 : memref<10240x128xf32, #tpu.memory_space<vmem_shared>>)
        tpu.yield
      }) : () -> ()
      %dma_start3A_430 = arith.constant 0 : i32
      %dma_start3A_431 = arith.constant 6 : i32
      %dma_start3A_432 = arith.constant 0 : i32
      %dma_start3A_433 = tpu.memref_slice %arg6[%select_n3A_341, %dma_start3A_430, %dma_start3A_431, %dma_start3A_432] : memref<2x2x8x128xi32, #tpu.memory_space<vmem>> -> memref<1x1x1x128xi32, #tpu.memory_space<vmem>>
      %dma_start3A_434 = tpu.memref_squeeze %dma_start3A_433 : memref<1x1x1x128xi32, #tpu.memory_space<vmem>> -> memref<128xi32, #tpu.memory_space<vmem>>
      %dma_start3A_435 = arith.constant 0 : i32
      %dma_start3A_436 = arith.constant 0 : i32
      %dma_start3A_437 = tpu.memref_slice %arg2[%dma_start3A_435, %dma_start3A_436] : memref<10240x128xf32, #tpu.memory_space<hbm>> -> memref<10240x128xf32, #tpu.memory_space<hbm>>
      tpu.enqueue_indirect_dma source(%dma_start3A_437 : memref<10240x128xf32, #tpu.memory_space<hbm>>) target(%arg7 : memref<128x128xf32, #tpu.memory_space<vmem>>) offsets(%dma_start3A_434 : memref<128xi32, #tpu.memory_space<vmem>>) semaphore(%arg11 : memref<!tpu.dma_semaphore, #tpu.memory_space<semaphore_mem>>)
      %dma_wait3A_438 = arith.constant 0 : i32
      %dma_wait3A_439 = arith.constant 0 : i32
      %dma_wait3A_440 = arith.constant 0 : i32
      %dma_wait3A_441 = arith.constant 0 : i32
      %dma_wait3A_442 = tpu.memref_slice %arg6[%dma_wait3A_438, %dma_wait3A_439, %dma_wait3A_440, %dma_wait3A_441] : memref<2x2x8x128xi32, #tpu.memory_space<vmem>> -> memref<1x1x1x128xi32, #tpu.memory_space<vmem>>
      %dma_wait3A_443 = tpu.memref_squeeze %dma_wait3A_442 : memref<1x1x1x128xi32, #tpu.memory_space<vmem>> -> memref<128xi32, #tpu.memory_space<vmem>>
      %dma_wait3A_444 = arith.constant 0 : i32
      %dma_wait3A_445 = arith.constant 0 : i32
      %dma_wait3A_446 = tpu.memref_slice %arg2[%dma_wait3A_444, %dma_wait3A_445] : memref<10240x128xf32, #tpu.memory_space<hbm>> -> memref<10240x128xf32, #tpu.memory_space<hbm>>
      tpu.wait_indirect_dma semaphore(%arg12 : memref<!tpu.dma_semaphore, #tpu.memory_space<semaphore_mem>>) src(%dma_wait3A_446 : memref<10240x128xf32, #tpu.memory_space<hbm>>) dst(%arg8 : memref<128x128xf32, #tpu.memory_space<vmem>>)
      %run_scoped3A_447 = arith.constant 1 : i32
      %run_scoped3A_448 = arith.constant 5 : i32
      "tpu.region"() ({
        %run_scoped3A_572 = tpu.sem_alloc : memref<!tpu.dma_semaphore, #tpu.memory_space<semaphore_mem>>
        %dma_start3A_573 = arith.constant 0 : i32
        %dma_start3A_574 = tpu.memref_slice %arg6[%select_n3A_341, %run_scoped3A_447, %run_scoped3A_448, %dma_start3A_573] : memref<2x2x8x128xi32, #tpu.memory_space<vmem>> -> memref<1x1x1x128xi32, #tpu.memory_space<vmem>>
        %dma_start3A_575 = tpu.memref_squeeze %dma_start3A_574 : memref<1x1x1x128xi32, #tpu.memory_space<vmem>> -> memref<128xi32, #tpu.memory_space<vmem>>
        %dma_start3A_576 = arith.constant 0 : i32
        %dma_start3A_577 = arith.constant 0 : i32
        %dma_start3A_578 = tpu.memref_slice %arg9[%dma_start3A_576, %dma_start3A_577] : memref<10240x128xf32, #tpu.memory_space<vmem_shared>> -> memref<10240x128xf32, #tpu.memory_space<vmem_shared>>
        tpu.enqueue_indirect_dma source(%arg8 : memref<128x128xf32, #tpu.memory_space<vmem>>) target(%dma_start3A_578 : memref<10240x128xf32, #tpu.memory_space<vmem_shared>>) offsets(%dma_start3A_575 : memref<128xi32, #tpu.memory_space<vmem>>) semaphore(%run_scoped3A_572 : memref<!tpu.dma_semaphore, #tpu.memory_space<semaphore_mem>>) {add = true}
        %dma_wait3A_579 = arith.constant 0 : i32
        %dma_wait3A_580 = tpu.memref_slice %arg6[%select_n3A_341, %run_scoped3A_447, %run_scoped3A_448, %dma_wait3A_579] : memref<2x2x8x128xi32, #tpu.memory_space<vmem>> -> memref<1x1x1x128xi32, #tpu.memory_space<vmem>>
        %dma_wait3A_581 = tpu.memref_squeeze %dma_wait3A_580 : memref<1x1x1x128xi32, #tpu.memory_space<vmem>> -> memref<128xi32, #tpu.memory_space<vmem>>
        %dma_wait3A_582 = arith.constant 0 : i32
        %dma_wait3A_583 = arith.constant 0 : i32
        %dma_wait3A_584 = tpu.memref_slice %arg9[%dma_wait3A_582, %dma_wait3A_583] : memref<10240x128xf32, #tpu.memory_space<vmem_shared>> -> memref<10240x128xf32, #tpu.memory_space<vmem_shared>>
        tpu.wait_indirect_dma semaphore(%run_scoped3A_572 : memref<!tpu.dma_semaphore, #tpu.memory_space<semaphore_mem>>) src(%arg8 : memref<128x128xf32, #tpu.memory_space<vmem>>) dst(%dma_wait3A_584 : memref<10240x128xf32, #tpu.memory_space<vmem_shared>>)
        tpu.yield
      }) : () -> ()
      %dma_start3A_449 = arith.constant 0 : i32
      %dma_start3A_450 = arith.constant 7 : i32
      %dma_start3A_451 = arith.constant 0 : i32
      %dma_start3A_452 = tpu.memref_slice %arg6[%select_n3A_341, %dma_start3A_449, %dma_start3A_450, %dma_start3A_451] : memref<2x2x8x128xi32, #tpu.memory_space<vmem>> -> memref<1x1x1x128xi32, #tpu.memory_space<vmem>>
      %dma_start3A_453 = tpu.memref_squeeze %dma_start3A_452 : memref<1x1x1x128xi32, #tpu.memory_space<vmem>> -> memref<128xi32, #tpu.memory_space<vmem>>
      %dma_start3A_454 = arith.constant 0 : i32
      %dma_start3A_455 = arith.constant 0 : i32
      %dma_start3A_456 = tpu.memref_slice %arg2[%dma_start3A_454, %dma_start3A_455] : memref<10240x128xf32, #tpu.memory_space<hbm>> -> memref<10240x128xf32, #tpu.memory_space<hbm>>
      tpu.enqueue_indirect_dma source(%dma_start3A_456 : memref<10240x128xf32, #tpu.memory_space<hbm>>) target(%arg8 : memref<128x128xf32, #tpu.memory_space<vmem>>) offsets(%dma_start3A_453 : memref<128xi32, #tpu.memory_space<vmem>>) semaphore(%arg12 : memref<!tpu.dma_semaphore, #tpu.memory_space<semaphore_mem>>)
      %dma_wait3A_457 = arith.constant 0 : i32
      %dma_wait3A_458 = arith.constant 0 : i32
      %dma_wait3A_459 = arith.constant 0 : i32
      %dma_wait3A_460 = arith.constant 0 : i32
      %dma_wait3A_461 = tpu.memref_slice %arg6[%dma_wait3A_457, %dma_wait3A_458, %dma_wait3A_459, %dma_wait3A_460] : memref<2x2x8x128xi32, #tpu.memory_space<vmem>> -> memref<1x1x1x128xi32, #tpu.memory_space<vmem>>
      %dma_wait3A_462 = tpu.memref_squeeze %dma_wait3A_461 : memref<1x1x1x128xi32, #tpu.memory_space<vmem>> -> memref<128xi32, #tpu.memory_space<vmem>>
      %dma_wait3A_463 = arith.constant 0 : i32
      %dma_wait3A_464 = arith.constant 0 : i32
      %dma_wait3A_465 = tpu.memref_slice %arg2[%dma_wait3A_463, %dma_wait3A_464] : memref<10240x128xf32, #tpu.memory_space<hbm>> -> memref<10240x128xf32, #tpu.memory_space<hbm>>
      tpu.wait_indirect_dma semaphore(%arg11 : memref<!tpu.dma_semaphore, #tpu.memory_space<semaphore_mem>>) src(%dma_wait3A_465 : memref<10240x128xf32, #tpu.memory_space<hbm>>) dst(%arg7 : memref<128x128xf32, #tpu.memory_space<vmem>>)
      %run_scoped3A_466 = arith.constant 1 : i32
      %run_scoped3A_467 = arith.constant 6 : i32
      "tpu.region"() ({
        %run_scoped3A_572 = tpu.sem_alloc : memref<!tpu.dma_semaphore, #tpu.memory_space<semaphore_mem>>
        %dma_start3A_573 = arith.constant 0 : i32
        %dma_start3A_574 = tpu.memref_slice %arg6[%select_n3A_341, %run_scoped3A_466, %run_scoped3A_467, %dma_start3A_573] : memref<2x2x8x128xi32, #tpu.memory_space<vmem>> -> memref<1x1x1x128xi32, #tpu.memory_space<vmem>>
        %dma_start3A_575 = tpu.memref_squeeze %dma_start3A_574 : memref<1x1x1x128xi32, #tpu.memory_space<vmem>> -> memref<128xi32, #tpu.memory_space<vmem>>
        %dma_start3A_576 = arith.constant 0 : i32
        %dma_start3A_577 = arith.constant 0 : i32
        %dma_start3A_578 = tpu.memref_slice %arg9[%dma_start3A_576, %dma_start3A_577] : memref<10240x128xf32, #tpu.memory_space<vmem_shared>> -> memref<10240x128xf32, #tpu.memory_space<vmem_shared>>
        tpu.enqueue_indirect_dma source(%arg7 : memref<128x128xf32, #tpu.memory_space<vmem>>) target(%dma_start3A_578 : memref<10240x128xf32, #tpu.memory_space<vmem_shared>>) offsets(%dma_start3A_575 : memref<128xi32, #tpu.memory_space<vmem>>) semaphore(%run_scoped3A_572 : memref<!tpu.dma_semaphore, #tpu.memory_space<semaphore_mem>>) {add = true}
        %dma_wait3A_579 = arith.constant 0 : i32
        %dma_wait3A_580 = tpu.memref_slice %arg6[%select_n3A_341, %run_scoped3A_466, %run_scoped3A_467, %dma_wait3A_579] : memref<2x2x8x128xi32, #tpu.memory_space<vmem>> -> memref<1x1x1x128xi32, #tpu.memory_space<vmem>>
        %dma_wait3A_581 = tpu.memref_squeeze %dma_wait3A_580 : memref<1x1x1x128xi32, #tpu.memory_space<vmem>> -> memref<128xi32, #tpu.memory_space<vmem>>
        %dma_wait3A_582 = arith.constant 0 : i32
        %dma_wait3A_583 = arith.constant 0 : i32
        %dma_wait3A_584 = tpu.memref_slice %arg9[%dma_wait3A_582, %dma_wait3A_583] : memref<10240x128xf32, #tpu.memory_space<vmem_shared>> -> memref<10240x128xf32, #tpu.memory_space<vmem_shared>>
        tpu.wait_indirect_dma semaphore(%run_scoped3A_572 : memref<!tpu.dma_semaphore, #tpu.memory_space<semaphore_mem>>) src(%arg7 : memref<128x128xf32, #tpu.memory_space<vmem>>) dst(%dma_wait3A_584 : memref<10240x128xf32, #tpu.memory_space<vmem_shared>>)
        tpu.yield
      }) : () -> ()
      %dma_wait3A_468 = arith.constant 0 : i32
      %dma_wait3A_469 = arith.constant 0 : i32
      %dma_wait3A_470 = arith.constant 0 : i32
      %dma_wait3A_471 = arith.constant 0 : i32
      %dma_wait3A_472 = arith.constant 0 : i32
      %dma_wait3A_473 = tpu.memref_slice %arg6[%dma_wait3A_469, %dma_wait3A_470, %dma_wait3A_471, %dma_wait3A_472] : memref<2x2x8x128xi32, #tpu.memory_space<vmem>> -> memref<1x1x8x128xi32, #tpu.memory_space<vmem>>
      %dma_wait3A_474 = tpu.memref_squeeze %dma_wait3A_473 : memref<1x1x8x128xi32, #tpu.memory_space<vmem>> -> memref<8x128xi32, #tpu.memory_space<vmem>>
      %dma_wait3A_475 = arith.constant 0 : i32
      %dma_wait3A_476 = arith.constant 0 : i32
      %dma_wait3A_477 = tpu.memref_slice %arg3[%dma_wait3A_468, %dma_wait3A_475, %dma_wait3A_476] : memref<2x2560x128xi32, #tpu.memory_space<hbm>> -> memref<1x8x128xi32, #tpu.memory_space<hbm>>
      %dma_wait3A_478 = tpu.memref_squeeze %dma_wait3A_477 : memref<1x8x128xi32, #tpu.memory_space<hbm>> -> memref<8x128xi32, #tpu.memory_space<hbm>>
      %dma_wait3A_479 = arith.constant 0 : i32
      %dma_wait3A_480 = arith.constant 0 : i32
      %dma_wait3A_481 = tpu.memref_slice %arg6[%dma_wait3A_469, %dma_wait3A_470, %dma_wait3A_479, %dma_wait3A_480] : memref<2x2x8x128xi32, #tpu.memory_space<vmem>> -> memref<1x1x8x128xi32, #tpu.memory_space<vmem>>
      %dma_wait3A_482 = tpu.memref_squeeze %dma_wait3A_481 : memref<1x1x8x128xi32, #tpu.memory_space<vmem>> -> memref<8x128xi32, #tpu.memory_space<vmem>>
      %dma_wait3A_483 = arith.constant 0 : i32
      %dma_wait3A_484 = arith.constant 0 : i32
      %dma_wait3A_485 = tpu.memref_slice %arg3[%dma_wait3A_468, %dma_wait3A_483, %dma_wait3A_484] : memref<2x2560x128xi32, #tpu.memory_space<hbm>> -> memref<1x8x128xi32, #tpu.memory_space<hbm>>
      %dma_wait3A_486 = tpu.memref_squeeze %dma_wait3A_485 : memref<1x8x128xi32, #tpu.memory_space<hbm>> -> memref<8x128xi32, #tpu.memory_space<hbm>>
      tpu.wait_dma2 semaphore(%arg10 : memref<!tpu.dma_semaphore, #tpu.memory_space<semaphore_mem>>) src(%dma_wait3A_486 : memref<8x128xi32, #tpu.memory_space<hbm>>) dst(%dma_wait3A_482 : memref<8x128xi32, #tpu.memory_space<vmem>>)
      %dma_wait3A_487 = arith.constant 0 : i32
      %dma_wait3A_488 = arith.constant 0 : i32
      %dma_wait3A_489 = arith.constant 0 : i32
      %dma_wait3A_490 = arith.constant 0 : i32
      %dma_wait3A_491 = arith.constant 0 : i32
      %dma_wait3A_492 = tpu.memref_slice %arg6[%dma_wait3A_488, %dma_wait3A_489, %dma_wait3A_490, %dma_wait3A_491] : memref<2x2x8x128xi32, #tpu.memory_space<vmem>> -> memref<1x1x8x128xi32, #tpu.memory_space<vmem>>
      %dma_wait3A_493 = tpu.memref_squeeze %dma_wait3A_492 : memref<1x1x8x128xi32, #tpu.memory_space<vmem>> -> memref<8x128xi32, #tpu.memory_space<vmem>>
      %dma_wait3A_494 = arith.constant 0 : i32
      %dma_wait3A_495 = arith.constant 0 : i32
      %dma_wait3A_496 = tpu.memref_slice %arg3[%dma_wait3A_487, %dma_wait3A_494, %dma_wait3A_495] : memref<2x2560x128xi32, #tpu.memory_space<hbm>> -> memref<1x8x128xi32, #tpu.memory_space<hbm>>
      %dma_wait3A_497 = tpu.memref_squeeze %dma_wait3A_496 : memref<1x8x128xi32, #tpu.memory_space<hbm>> -> memref<8x128xi32, #tpu.memory_space<hbm>>
      %dma_wait3A_498 = arith.constant 0 : i32
      %dma_wait3A_499 = arith.constant 0 : i32
      %dma_wait3A_500 = tpu.memref_slice %arg6[%dma_wait3A_488, %dma_wait3A_489, %dma_wait3A_498, %dma_wait3A_499] : memref<2x2x8x128xi32, #tpu.memory_space<vmem>> -> memref<1x1x8x128xi32, #tpu.memory_space<vmem>>
      %dma_wait3A_501 = tpu.memref_squeeze %dma_wait3A_500 : memref<1x1x8x128xi32, #tpu.memory_space<vmem>> -> memref<8x128xi32, #tpu.memory_space<vmem>>
      %dma_wait3A_502 = arith.constant 0 : i32
      %dma_wait3A_503 = arith.constant 0 : i32
      %dma_wait3A_504 = tpu.memref_slice %arg3[%dma_wait3A_487, %dma_wait3A_502, %dma_wait3A_503] : memref<2x2560x128xi32, #tpu.memory_space<hbm>> -> memref<1x8x128xi32, #tpu.memory_space<hbm>>
      %dma_wait3A_505 = tpu.memref_squeeze %dma_wait3A_504 : memref<1x8x128xi32, #tpu.memory_space<hbm>> -> memref<8x128xi32, #tpu.memory_space<hbm>>
      tpu.wait_dma2 semaphore(%arg10 : memref<!tpu.dma_semaphore, #tpu.memory_space<semaphore_mem>>) src(%dma_wait3A_505 : memref<8x128xi32, #tpu.memory_space<hbm>>) dst(%dma_wait3A_501 : memref<8x128xi32, #tpu.memory_space<vmem>>)
      %dma_start3A_506 = arith.constant 0 : i32
      %dma_start3A_507 = arith.constant 0 : i32
      %dma_start3A_508 = arith.constant 0 : i32
      %dma_start3A_509 = tpu.memref_slice %arg6[%sub3A_342, %dma_start3A_506, %dma_start3A_507, %dma_start3A_508] : memref<2x2x8x128xi32, #tpu.memory_space<vmem>> -> memref<1x1x1x128xi32, #tpu.memory_space<vmem>>
      %dma_start3A_510 = tpu.memref_squeeze %dma_start3A_509 : memref<1x1x1x128xi32, #tpu.memory_space<vmem>> -> memref<128xi32, #tpu.memory_space<vmem>>
      %dma_start3A_511 = arith.constant 0 : i32
      %dma_start3A_512 = arith.constant 0 : i32
      %dma_start3A_513 = tpu.memref_slice %arg2[%dma_start3A_511, %dma_start3A_512] : memref<10240x128xf32, #tpu.memory_space<hbm>> -> memref<10240x128xf32, #tpu.memory_space<hbm>>
      tpu.enqueue_indirect_dma source(%dma_start3A_513 : memref<10240x128xf32, #tpu.memory_space<hbm>>) target(%arg7 : memref<128x128xf32, #tpu.memory_space<vmem>>) offsets(%dma_start3A_510 : memref<128xi32, #tpu.memory_space<vmem>>) semaphore(%arg11 : memref<!tpu.dma_semaphore, #tpu.memory_space<semaphore_mem>>)
      %dma_wait3A_514 = arith.constant 0 : i32
      %dma_wait3A_515 = arith.constant 0 : i32
      %dma_wait3A_516 = arith.constant 0 : i32
      %dma_wait3A_517 = arith.constant 0 : i32
      %dma_wait3A_518 = tpu.memref_slice %arg6[%dma_wait3A_514, %dma_wait3A_515, %dma_wait3A_516, %dma_wait3A_517] : memref<2x2x8x128xi32, #tpu.memory_space<vmem>> -> memref<1x1x1x128xi32, #tpu.memory_space<vmem>>
      %dma_wait3A_519 = tpu.memref_squeeze %dma_wait3A_518 : memref<1x1x1x128xi32, #tpu.memory_space<vmem>> -> memref<128xi32, #tpu.memory_space<vmem>>
      %dma_wait3A_520 = arith.constant 0 : i32
      %dma_wait3A_521 = arith.constant 0 : i32
      %dma_wait3A_522 = tpu.memref_slice %arg2[%dma_wait3A_520, %dma_wait3A_521] : memref<10240x128xf32, #tpu.memory_space<hbm>> -> memref<10240x128xf32, #tpu.memory_space<hbm>>
      tpu.wait_indirect_dma semaphore(%arg12 : memref<!tpu.dma_semaphore, #tpu.memory_space<semaphore_mem>>) src(%dma_wait3A_522 : memref<10240x128xf32, #tpu.memory_space<hbm>>) dst(%arg8 : memref<128x128xf32, #tpu.memory_space<vmem>>)
      %run_scoped3A_523 = arith.constant 1 : i32
      %run_scoped3A_524 = arith.constant 7 : i32
      "tpu.region"() ({
        %run_scoped3A_572 = tpu.sem_alloc : memref<!tpu.dma_semaphore, #tpu.memory_space<semaphore_mem>>
        %dma_start3A_573 = arith.constant 0 : i32
        %dma_start3A_574 = tpu.memref_slice %arg6[%select_n3A_341, %run_scoped3A_523, %run_scoped3A_524, %dma_start3A_573] : memref<2x2x8x128xi32, #tpu.memory_space<vmem>> -> memref<1x1x1x128xi32, #tpu.memory_space<vmem>>
        %dma_start3A_575 = tpu.memref_squeeze %dma_start3A_574 : memref<1x1x1x128xi32, #tpu.memory_space<vmem>> -> memref<128xi32, #tpu.memory_space<vmem>>
        %dma_start3A_576 = arith.constant 0 : i32
        %dma_start3A_577 = arith.constant 0 : i32
        %dma_start3A_578 = tpu.memref_slice %arg9[%dma_start3A_576, %dma_start3A_577] : memref<10240x128xf32, #tpu.memory_space<vmem_shared>> -> memref<10240x128xf32, #tpu.memory_space<vmem_shared>>
        tpu.enqueue_indirect_dma source(%arg8 : memref<128x128xf32, #tpu.memory_space<vmem>>) target(%dma_start3A_578 : memref<10240x128xf32, #tpu.memory_space<vmem_shared>>) offsets(%dma_start3A_575 : memref<128xi32, #tpu.memory_space<vmem>>) semaphore(%run_scoped3A_572 : memref<!tpu.dma_semaphore, #tpu.memory_space<semaphore_mem>>) {add = true}
        %dma_wait3A_579 = arith.constant 0 : i32
        %dma_wait3A_580 = tpu.memref_slice %arg6[%select_n3A_341, %run_scoped3A_523, %run_scoped3A_524, %dma_wait3A_579] : memref<2x2x8x128xi32, #tpu.memory_space<vmem>> -> memref<1x1x1x128xi32, #tpu.memory_space<vmem>>
        %dma_wait3A_581 = tpu.memref_squeeze %dma_wait3A_580 : memref<1x1x1x128xi32, #tpu.memory_space<vmem>> -> memref<128xi32, #tpu.memory_space<vmem>>
        %dma_wait3A_582 = arith.constant 0 : i32
        %dma_wait3A_583 = arith.constant 0 : i32
        %dma_wait3A_584 = tpu.memref_slice %arg9[%dma_wait3A_582, %dma_wait3A_583] : memref<10240x128xf32, #tpu.memory_space<vmem_shared>> -> memref<10240x128xf32, #tpu.memory_space<vmem_shared>>
        tpu.wait_indirect_dma semaphore(%run_scoped3A_572 : memref<!tpu.dma_semaphore, #tpu.memory_space<semaphore_mem>>) src(%arg8 : memref<128x128xf32, #tpu.memory_space<vmem>>) dst(%dma_wait3A_584 : memref<10240x128xf32, #tpu.memory_space<vmem_shared>>)
        tpu.yield
      }) : () -> ()
      %dma_start3A_525 = arith.constant 0 : i32
      %dma_start3A_526 = arith.constant 1 : i32
      %dma_start3A_527 = arith.constant 0 : i32
      %dma_start3A_528 = tpu.memref_slice %arg6[%sub3A_342, %dma_start3A_525, %dma_start3A_526, %dma_start3A_527] : memref<2x2x8x128xi32, #tpu.memory_space<vmem>> -> memref<1x1x1x128xi32, #tpu.memory_space<vmem>>
      %dma_start3A_529 = tpu.memref_squeeze %dma_start3A_528 : memref<1x1x1x128xi32, #tpu.memory_space<vmem>> -> memref<128xi32, #tpu.memory_space<vmem>>
      %dma_start3A_530 = arith.constant 0 : i32
      %dma_start3A_531 = arith.constant 0 : i32
      %dma_start3A_532 = tpu.memref_slice %arg2[%dma_start3A_530, %dma_start3A_531] : memref<10240x128xf32, #tpu.memory_space<hbm>> -> memref<10240x128xf32, #tpu.memory_space<hbm>>
      tpu.enqueue_indirect_dma source(%dma_start3A_532 : memref<10240x128xf32, #tpu.memory_space<hbm>>) target(%arg8 : memref<128x128xf32, #tpu.memory_space<vmem>>) offsets(%dma_start3A_529 : memref<128xi32, #tpu.memory_space<vmem>>) semaphore(%arg12 : memref<!tpu.dma_semaphore, #tpu.memory_space<semaphore_mem>>)
      %add3A_533 = arith.constant 2 : i32
      %add3A_534 = arith.addi %add3A_332, %add3A_533 : i32
      %mul3A_535 = arith.constant 8 : i32
      %mul3A_536 = arith.muli %mul3A_535, %add3A_534 : i32
      %add3A_537 = arith.addi %mul3A_2, %mul3A_536 : i32
      %min3A_538 = arith.constant 2552 : i32
      %min3A_539 = arith.minsi %add3A_537, %min3A_538 : i32
      %dma_start3A_540 = arith.constant 0 : i32
      %dma_start3A_541 = arith.constant 0 : i32
      %dma_start3A_542 = arith.constant 0 : i32
      %dma_start3A_543 = arith.constant 0 : i32
      %dma_start3A_544 = tpu.memref_slice %arg6[%select_n3A_341, %dma_start3A_541, %dma_start3A_542, %dma_start3A_543] : memref<2x2x8x128xi32, #tpu.memory_space<vmem>> -> memref<1x1x8x128xi32, #tpu.memory_space<vmem>>
      %dma_start3A_545 = tpu.memref_squeeze %dma_start3A_544 : memref<1x1x8x128xi32, #tpu.memory_space<vmem>> -> memref<8x128xi32, #tpu.memory_space<vmem>>
      %dma_start3A_546 = arith.constant 0 : i32
      %dma_start3A_547 = tpu.memref_slice %arg3[%dma_start3A_540, %min3A_539, %dma_start3A_546] : memref<2x2560x128xi32, #tpu.memory_space<hbm>> -> memref<1x8x128xi32, #tpu.memory_space<hbm>>
      %dma_start3A_548 = tpu.memref_squeeze %dma_start3A_547 : memref<1x8x128xi32, #tpu.memory_space<hbm>> -> memref<8x128xi32, #tpu.memory_space<hbm>>
      %dma_start3A_549 = arith.constant 0 : i32
      %dma_start3A_550 = arith.constant 0 : i32
      %dma_start3A_551 = tpu.memref_slice %arg6[%select_n3A_341, %dma_start3A_541, %dma_start3A_549, %dma_start3A_550] : memref<2x2x8x128xi32, #tpu.memory_space<vmem>> -> memref<1x1x8x128xi32, #tpu.memory_space<vmem>>
      %dma_start3A_552 = tpu.memref_squeeze %dma_start3A_551 : memref<1x1x8x128xi32, #tpu.memory_space<vmem>> -> memref<8x128xi32, #tpu.memory_space<vmem>>
      %dma_start3A_553 = arith.constant 0 : i32
      %dma_start3A_554 = tpu.memref_slice %arg3[%dma_start3A_540, %min3A_539, %dma_start3A_553] : memref<2x2560x128xi32, #tpu.memory_space<hbm>> -> memref<1x8x128xi32, #tpu.memory_space<hbm>>
      %dma_start3A_555 = tpu.memref_squeeze %dma_start3A_554 : memref<1x8x128xi32, #tpu.memory_space<hbm>> -> memref<8x128xi32, #tpu.memory_space<hbm>>
      tpu.enqueue_dma source(%dma_start3A_555 : memref<8x128xi32, #tpu.memory_space<hbm>>) target(%dma_start3A_552 : memref<8x128xi32, #tpu.memory_space<vmem>>) target_semaphore(%arg10 : memref<!tpu.dma_semaphore, #tpu.memory_space<semaphore_mem>>)
      %dma_start3A_556 = arith.constant 1 : i32
      %dma_start3A_557 = arith.constant 1 : i32
      %dma_start3A_558 = arith.constant 0 : i32
      %dma_start3A_559 = arith.constant 0 : i32
      %dma_start3A_560 = tpu.memref_slice %arg6[%select_n3A_341, %dma_start3A_557, %dma_start3A_558, %dma_start3A_559] : memref<2x2x8x128xi32, #tpu.memory_space<vmem>> -> memref<1x1x8x128xi32, #tpu.memory_space<vmem>>
      %dma_start3A_561 = tpu.memref_squeeze %dma_start3A_560 : memref<1x1x8x128xi32, #tpu.memory_space<vmem>> -> memref<8x128xi32, #tpu.memory_space<vmem>>
      %dma_start3A_562 = arith.constant 0 : i32
      %dma_start3A_563 = tpu.memref_slice %arg3[%dma_start3A_556, %min3A_539, %dma_start3A_562] : memref<2x2560x128xi32, #tpu.memory_space<hbm>> -> memref<1x8x128xi32, #tpu.memory_space<hbm>>
      %dma_start3A_564 = tpu.memref_squeeze %dma_start3A_563 : memref<1x8x128xi32, #tpu.memory_space<hbm>> -> memref<8x128xi32, #tpu.memory_space<hbm>>
      %dma_start3A_565 = arith.constant 0 : i32
      %dma_start3A_566 = arith.constant 0 : i32
      %dma_start3A_567 = tpu.memref_slice %arg6[%select_n3A_341, %dma_start3A_557, %dma_start3A_565, %dma_start3A_566] : memref<2x2x8x128xi32, #tpu.memory_space<vmem>> -> memref<1x1x8x128xi32, #tpu.memory_space<vmem>>
      %dma_start3A_568 = tpu.memref_squeeze %dma_start3A_567 : memref<1x1x8x128xi32, #tpu.memory_space<vmem>> -> memref<8x128xi32, #tpu.memory_space<vmem>>
      %dma_start3A_569 = arith.constant 0 : i32
      %dma_start3A_570 = tpu.memref_slice %arg3[%dma_start3A_556, %min3A_539, %dma_start3A_569] : memref<2x2560x128xi32, #tpu.memory_space<hbm>> -> memref<1x8x128xi32, #tpu.memory_space<hbm>>
      %dma_start3A_571 = tpu.memref_squeeze %dma_start3A_570 : memref<1x8x128xi32, #tpu.memory_space<hbm>> -> memref<8x128xi32, #tpu.memory_space<hbm>>
      tpu.enqueue_dma source(%dma_start3A_571 : memref<8x128xi32, #tpu.memory_space<hbm>>) target(%dma_start3A_568 : memref<8x128xi32, #tpu.memory_space<vmem>>) target_semaphore(%arg10 : memref<!tpu.dma_semaphore, #tpu.memory_space<semaphore_mem>>)
    }
    %scan3A_137 = arith.constant 9 : i32
    %dma_wait3A_138 = arith.constant 0 : i32
    %dma_wait3A_139 = arith.constant 0 : i32
    %dma_wait3A_140 = arith.constant 0 : i32
    %dma_wait3A_141 = arith.constant 0 : i32
    %dma_wait3A_142 = tpu.memref_slice %arg6[%dma_wait3A_138, %dma_wait3A_139, %dma_wait3A_140, %dma_wait3A_141] : memref<2x2x8x128xi32, #tpu.memory_space<vmem>> -> memref<1x1x1x128xi32, #tpu.memory_space<vmem>>
    %dma_wait3A_143 = tpu.memref_squeeze %dma_wait3A_142 : memref<1x1x1x128xi32, #tpu.memory_space<vmem>> -> memref<128xi32, #tpu.memory_space<vmem>>
    %dma_wait3A_144 = arith.constant 0 : i32
    %dma_wait3A_145 = arith.constant 0 : i32
    %dma_wait3A_146 = tpu.memref_slice %arg2[%dma_wait3A_144, %dma_wait3A_145] : memref<10240x128xf32, #tpu.memory_space<hbm>> -> memref<10240x128xf32, #tpu.memory_space<hbm>>
    tpu.wait_indirect_dma semaphore(%arg11 : memref<!tpu.dma_semaphore, #tpu.memory_space<semaphore_mem>>) src(%dma_wait3A_146 : memref<10240x128xf32, #tpu.memory_space<hbm>>) dst(%arg7 : memref<128x128xf32, #tpu.memory_space<vmem>>)
    %run_scoped3A = arith.constant 1 : i32
    %run_scoped3A_147 = arith.constant 1 : i32
    %run_scoped3A_148 = arith.constant 0 : i32
    "tpu.region"() ({
      %run_scoped3A_328 = tpu.sem_alloc : memref<!tpu.dma_semaphore, #tpu.memory_space<semaphore_mem>>
      %dma_start3A_329 = arith.constant 0 : i32
      %dma_start3A_330 = tpu.memref_slice %arg6[%run_scoped3A, %run_scoped3A_147, %run_scoped3A_148, %dma_start3A_329] : memref<2x2x8x128xi32, #tpu.memory_space<vmem>> -> memref<1x1x1x128xi32, #tpu.memory_space<vmem>>
      %dma_start3A_331 = tpu.memref_squeeze %dma_start3A_330 : memref<1x1x1x128xi32, #tpu.memory_space<vmem>> -> memref<128xi32, #tpu.memory_space<vmem>>
      %dma_start3A_332 = arith.constant 0 : i32
      %dma_start3A_333 = arith.constant 0 : i32
      %dma_start3A_334 = tpu.memref_slice %arg9[%dma_start3A_332, %dma_start3A_333] : memref<10240x128xf32, #tpu.memory_space<vmem_shared>> -> memref<10240x128xf32, #tpu.memory_space<vmem_shared>>
      tpu.enqueue_indirect_dma source(%arg7 : memref<128x128xf32, #tpu.memory_space<vmem>>) target(%dma_start3A_334 : memref<10240x128xf32, #tpu.memory_space<vmem_shared>>) offsets(%dma_start3A_331 : memref<128xi32, #tpu.memory_space<vmem>>) semaphore(%run_scoped3A_328 : memref<!tpu.dma_semaphore, #tpu.memory_space<semaphore_mem>>) {add = true}
      %dma_wait3A_335 = arith.constant 0 : i32
      %dma_wait3A_336 = tpu.memref_slice %arg6[%run_scoped3A, %run_scoped3A_147, %run_scoped3A_148, %dma_wait3A_335] : memref<2x2x8x128xi32, #tpu.memory_space<vmem>> -> memref<1x1x1x128xi32, #tpu.memory_space<vmem>>
      %dma_wait3A_337 = tpu.memref_squeeze %dma_wait3A_336 : memref<1x1x1x128xi32, #tpu.memory_space<vmem>> -> memref<128xi32, #tpu.memory_space<vmem>>
      %dma_wait3A_338 = arith.constant 0 : i32
      %dma_wait3A_339 = arith.constant 0 : i32
      %dma_wait3A_340 = tpu.memref_slice %arg9[%dma_wait3A_338, %dma_wait3A_339] : memref<10240x128xf32, #tpu.memory_space<vmem_shared>> -> memref<10240x128xf32, #tpu.memory_space<vmem_shared>>
      tpu.wait_indirect_dma semaphore(%run_scoped3A_328 : memref<!tpu.dma_semaphore, #tpu.memory_space<semaphore_mem>>) src(%arg7 : memref<128x128xf32, #tpu.memory_space<vmem>>) dst(%dma_wait3A_340 : memref<10240x128xf32, #tpu.memory_space<vmem_shared>>)
      tpu.yield
    }) : () -> ()
    %dma_start3A_149 = arith.constant 1 : i32
    %dma_start3A_150 = arith.constant 0 : i32
    %dma_start3A_151 = arith.constant 2 : i32
    %dma_start3A_152 = arith.constant 0 : i32
    %dma_start3A_153 = tpu.memref_slice %arg6[%dma_start3A_149, %dma_start3A_150, %dma_start3A_151, %dma_start3A_152] : memref<2x2x8x128xi32, #tpu.memory_space<vmem>> -> memref<1x1x1x128xi32, #tpu.memory_space<vmem>>
    %dma_start3A_154 = tpu.memref_squeeze %dma_start3A_153 : memref<1x1x1x128xi32, #tpu.memory_space<vmem>> -> memref<128xi32, #tpu.memory_space<vmem>>
    %dma_start3A_155 = arith.constant 0 : i32
    %dma_start3A_156 = arith.constant 0 : i32
    %dma_start3A_157 = tpu.memref_slice %arg2[%dma_start3A_155, %dma_start3A_156] : memref<10240x128xf32, #tpu.memory_space<hbm>> -> memref<10240x128xf32, #tpu.memory_space<hbm>>
    tpu.enqueue_indirect_dma source(%dma_start3A_157 : memref<10240x128xf32, #tpu.memory_space<hbm>>) target(%arg7 : memref<128x128xf32, #tpu.memory_space<vmem>>) offsets(%dma_start3A_154 : memref<128xi32, #tpu.memory_space<vmem>>) semaphore(%arg11 : memref<!tpu.dma_semaphore, #tpu.memory_space<semaphore_mem>>)
    %dma_wait3A_158 = arith.constant 0 : i32
    %dma_wait3A_159 = arith.constant 0 : i32
    %dma_wait3A_160 = arith.constant 0 : i32
    %dma_wait3A_161 = arith.constant 0 : i32
    %dma_wait3A_162 = tpu.memref_slice %arg6[%dma_wait3A_158, %dma_wait3A_159, %dma_wait3A_160, %dma_wait3A_161] : memref<2x2x8x128xi32, #tpu.memory_space<vmem>> -> memref<1x1x1x128xi32, #tpu.memory_space<vmem>>
    %dma_wait3A_163 = tpu.memref_squeeze %dma_wait3A_162 : memref<1x1x1x128xi32, #tpu.memory_space<vmem>> -> memref<128xi32, #tpu.memory_space<vmem>>
    %dma_wait3A_164 = arith.constant 0 : i32
    %dma_wait3A_165 = arith.constant 0 : i32
    %dma_wait3A_166 = tpu.memref_slice %arg2[%dma_wait3A_164, %dma_wait3A_165] : memref<10240x128xf32, #tpu.memory_space<hbm>> -> memref<10240x128xf32, #tpu.memory_space<hbm>>
    tpu.wait_indirect_dma semaphore(%arg12 : memref<!tpu.dma_semaphore, #tpu.memory_space<semaphore_mem>>) src(%dma_wait3A_166 : memref<10240x128xf32, #tpu.memory_space<hbm>>) dst(%arg8 : memref<128x128xf32, #tpu.memory_space<vmem>>)
    %run_scoped3A_167 = arith.constant 1 : i32
    %run_scoped3A_168 = arith.constant 1 : i32
    %run_scoped3A_169 = arith.constant 1 : i32
    "tpu.region"() ({
      %run_scoped3A_328 = tpu.sem_alloc : memref<!tpu.dma_semaphore, #tpu.memory_space<semaphore_mem>>
      %dma_start3A_329 = arith.constant 0 : i32
      %dma_start3A_330 = tpu.memref_slice %arg6[%run_scoped3A_167, %run_scoped3A_168, %run_scoped3A_169, %dma_start3A_329] : memref<2x2x8x128xi32, #tpu.memory_space<vmem>> -> memref<1x1x1x128xi32, #tpu.memory_space<vmem>>
      %dma_start3A_331 = tpu.memref_squeeze %dma_start3A_330 : memref<1x1x1x128xi32, #tpu.memory_space<vmem>> -> memref<128xi32, #tpu.memory_space<vmem>>
      %dma_start3A_332 = arith.constant 0 : i32
      %dma_start3A_333 = arith.constant 0 : i32
      %dma_start3A_334 = tpu.memref_slice %arg9[%dma_start3A_332, %dma_start3A_333] : memref<10240x128xf32, #tpu.memory_space<vmem_shared>> -> memref<10240x128xf32, #tpu.memory_space<vmem_shared>>
      tpu.enqueue_indirect_dma source(%arg8 : memref<128x128xf32, #tpu.memory_space<vmem>>) target(%dma_start3A_334 : memref<10240x128xf32, #tpu.memory_space<vmem_shared>>) offsets(%dma_start3A_331 : memref<128xi32, #tpu.memory_space<vmem>>) semaphore(%run_scoped3A_328 : memref<!tpu.dma_semaphore, #tpu.memory_space<semaphore_mem>>) {add = true}
      %dma_wait3A_335 = arith.constant 0 : i32
      %dma_wait3A_336 = tpu.memref_slice %arg6[%run_scoped3A_167, %run_scoped3A_168, %run_scoped3A_169, %dma_wait3A_335] : memref<2x2x8x128xi32, #tpu.memory_space<vmem>> -> memref<1x1x1x128xi32, #tpu.memory_space<vmem>>
      %dma_wait3A_337 = tpu.memref_squeeze %dma_wait3A_336 : memref<1x1x1x128xi32, #tpu.memory_space<vmem>> -> memref<128xi32, #tpu.memory_space<vmem>>
      %dma_wait3A_338 = arith.constant 0 : i32
      %dma_wait3A_339 = arith.constant 0 : i32
      %dma_wait3A_340 = tpu.memref_slice %arg9[%dma_wait3A_338, %dma_wait3A_339] : memref<10240x128xf32, #tpu.memory_space<vmem_shared>> -> memref<10240x128xf32, #tpu.memory_space<vmem_shared>>
      tpu.wait_indirect_dma semaphore(%run_scoped3A_328 : memref<!tpu.dma_semaphore, #tpu.memory_space<semaphore_mem>>) src(%arg8 : memref<128x128xf32, #tpu.memory_space<vmem>>) dst(%dma_wait3A_340 : memref<10240x128xf32, #tpu.memory_space<vmem_shared>>)
      tpu.yield
    }) : () -> ()
    %dma_start3A_170 = arith.constant 1 : i32
    %dma_start3A_171 = arith.constant 0 : i32
    %dma_start3A_172 = arith.constant 3 : i32
    %dma_start3A_173 = arith.constant 0 : i32
    %dma_start3A_174 = tpu.memref_slice %arg6[%dma_start3A_170, %dma_start3A_171, %dma_start3A_172, %dma_start3A_173] : memref<2x2x8x128xi32, #tpu.memory_space<vmem>> -> memref<1x1x1x128xi32, #tpu.memory_space<vmem>>
    %dma_start3A_175 = tpu.memref_squeeze %dma_start3A_174 : memref<1x1x1x128xi32, #tpu.memory_space<vmem>> -> memref<128xi32, #tpu.memory_space<vmem>>
    %dma_start3A_176 = arith.constant 0 : i32
    %dma_start3A_177 = arith.constant 0 : i32
    %dma_start3A_178 = tpu.memref_slice %arg2[%dma_start3A_176, %dma_start3A_177] : memref<10240x128xf32, #tpu.memory_space<hbm>> -> memref<10240x128xf32, #tpu.memory_space<hbm>>
    tpu.enqueue_indirect_dma source(%dma_start3A_178 : memref<10240x128xf32, #tpu.memory_space<hbm>>) target(%arg8 : memref<128x128xf32, #tpu.memory_space<vmem>>) offsets(%dma_start3A_175 : memref<128xi32, #tpu.memory_space<vmem>>) semaphore(%arg12 : memref<!tpu.dma_semaphore, #tpu.memory_space<semaphore_mem>>)
    %dma_wait3A_179 = arith.constant 0 : i32
    %dma_wait3A_180 = arith.constant 0 : i32
    %dma_wait3A_181 = arith.constant 0 : i32
    %dma_wait3A_182 = arith.constant 0 : i32
    %dma_wait3A_183 = tpu.memref_slice %arg6[%dma_wait3A_179, %dma_wait3A_180, %dma_wait3A_181, %dma_wait3A_182] : memref<2x2x8x128xi32, #tpu.memory_space<vmem>> -> memref<1x1x1x128xi32, #tpu.memory_space<vmem>>
    %dma_wait3A_184 = tpu.memref_squeeze %dma_wait3A_183 : memref<1x1x1x128xi32, #tpu.memory_space<vmem>> -> memref<128xi32, #tpu.memory_space<vmem>>
    %dma_wait3A_185 = arith.constant 0 : i32
    %dma_wait3A_186 = arith.constant 0 : i32
    %dma_wait3A_187 = tpu.memref_slice %arg2[%dma_wait3A_185, %dma_wait3A_186] : memref<10240x128xf32, #tpu.memory_space<hbm>> -> memref<10240x128xf32, #tpu.memory_space<hbm>>
    tpu.wait_indirect_dma semaphore(%arg11 : memref<!tpu.dma_semaphore, #tpu.memory_space<semaphore_mem>>) src(%dma_wait3A_187 : memref<10240x128xf32, #tpu.memory_space<hbm>>) dst(%arg7 : memref<128x128xf32, #tpu.memory_space<vmem>>)
    %run_scoped3A_188 = arith.constant 1 : i32
    %run_scoped3A_189 = arith.constant 1 : i32
    %run_scoped3A_190 = arith.constant 2 : i32
    "tpu.region"() ({
      %run_scoped3A_328 = tpu.sem_alloc : memref<!tpu.dma_semaphore, #tpu.memory_space<semaphore_mem>>
      %dma_start3A_329 = arith.constant 0 : i32
      %dma_start3A_330 = tpu.memref_slice %arg6[%run_scoped3A_188, %run_scoped3A_189, %run_scoped3A_190, %dma_start3A_329] : memref<2x2x8x128xi32, #tpu.memory_space<vmem>> -> memref<1x1x1x128xi32, #tpu.memory_space<vmem>>
      %dma_start3A_331 = tpu.memref_squeeze %dma_start3A_330 : memref<1x1x1x128xi32, #tpu.memory_space<vmem>> -> memref<128xi32, #tpu.memory_space<vmem>>
      %dma_start3A_332 = arith.constant 0 : i32
      %dma_start3A_333 = arith.constant 0 : i32
      %dma_start3A_334 = tpu.memref_slice %arg9[%dma_start3A_332, %dma_start3A_333] : memref<10240x128xf32, #tpu.memory_space<vmem_shared>> -> memref<10240x128xf32, #tpu.memory_space<vmem_shared>>
      tpu.enqueue_indirect_dma source(%arg7 : memref<128x128xf32, #tpu.memory_space<vmem>>) target(%dma_start3A_334 : memref<10240x128xf32, #tpu.memory_space<vmem_shared>>) offsets(%dma_start3A_331 : memref<128xi32, #tpu.memory_space<vmem>>) semaphore(%run_scoped3A_328 : memref<!tpu.dma_semaphore, #tpu.memory_space<semaphore_mem>>) {add = true}
      %dma_wait3A_335 = arith.constant 0 : i32
      %dma_wait3A_336 = tpu.memref_slice %arg6[%run_scoped3A_188, %run_scoped3A_189, %run_scoped3A_190, %dma_wait3A_335] : memref<2x2x8x128xi32, #tpu.memory_space<vmem>> -> memref<1x1x1x128xi32, #tpu.memory_space<vmem>>
      %dma_wait3A_337 = tpu.memref_squeeze %dma_wait3A_336 : memref<1x1x1x128xi32, #tpu.memory_space<vmem>> -> memref<128xi32, #tpu.memory_space<vmem>>
      %dma_wait3A_338 = arith.constant 0 : i32
      %dma_wait3A_339 = arith.constant 0 : i32
      %dma_wait3A_340 = tpu.memref_slice %arg9[%dma_wait3A_338, %dma_wait3A_339] : memref<10240x128xf32, #tpu.memory_space<vmem_shared>> -> memref<10240x128xf32, #tpu.memory_space<vmem_shared>>
      tpu.wait_indirect_dma semaphore(%run_scoped3A_328 : memref<!tpu.dma_semaphore, #tpu.memory_space<semaphore_mem>>) src(%arg7 : memref<128x128xf32, #tpu.memory_space<vmem>>) dst(%dma_wait3A_340 : memref<10240x128xf32, #tpu.memory_space<vmem_shared>>)
      tpu.yield
    }) : () -> ()
    %dma_start3A_191 = arith.constant 1 : i32
    %dma_start3A_192 = arith.constant 0 : i32
    %dma_start3A_193 = arith.constant 4 : i32
    %dma_start3A_194 = arith.constant 0 : i32
    %dma_start3A_195 = tpu.memref_slice %arg6[%dma_start3A_191, %dma_start3A_192, %dma_start3A_193, %dma_start3A_194] : memref<2x2x8x128xi32, #tpu.memory_space<vmem>> -> memref<1x1x1x128xi32, #tpu.memory_space<vmem>>
    %dma_start3A_196 = tpu.memref_squeeze %dma_start3A_195 : memref<1x1x1x128xi32, #tpu.memory_space<vmem>> -> memref<128xi32, #tpu.memory_space<vmem>>
    %dma_start3A_197 = arith.constant 0 : i32
    %dma_start3A_198 = arith.constant 0 : i32
    %dma_start3A_199 = tpu.memref_slice %arg2[%dma_start3A_197, %dma_start3A_198] : memref<10240x128xf32, #tpu.memory_space<hbm>> -> memref<10240x128xf32, #tpu.memory_space<hbm>>
    tpu.enqueue_indirect_dma source(%dma_start3A_199 : memref<10240x128xf32, #tpu.memory_space<hbm>>) target(%arg7 : memref<128x128xf32, #tpu.memory_space<vmem>>) offsets(%dma_start3A_196 : memref<128xi32, #tpu.memory_space<vmem>>) semaphore(%arg11 : memref<!tpu.dma_semaphore, #tpu.memory_space<semaphore_mem>>)
    %dma_wait3A_200 = arith.constant 0 : i32
    %dma_wait3A_201 = arith.constant 0 : i32
    %dma_wait3A_202 = arith.constant 0 : i32
    %dma_wait3A_203 = arith.constant 0 : i32
    %dma_wait3A_204 = tpu.memref_slice %arg6[%dma_wait3A_200, %dma_wait3A_201, %dma_wait3A_202, %dma_wait3A_203] : memref<2x2x8x128xi32, #tpu.memory_space<vmem>> -> memref<1x1x1x128xi32, #tpu.memory_space<vmem>>
    %dma_wait3A_205 = tpu.memref_squeeze %dma_wait3A_204 : memref<1x1x1x128xi32, #tpu.memory_space<vmem>> -> memref<128xi32, #tpu.memory_space<vmem>>
    %dma_wait3A_206 = arith.constant 0 : i32
    %dma_wait3A_207 = arith.constant 0 : i32
    %dma_wait3A_208 = tpu.memref_slice %arg2[%dma_wait3A_206, %dma_wait3A_207] : memref<10240x128xf32, #tpu.memory_space<hbm>> -> memref<10240x128xf32, #tpu.memory_space<hbm>>
    tpu.wait_indirect_dma semaphore(%arg12 : memref<!tpu.dma_semaphore, #tpu.memory_space<semaphore_mem>>) src(%dma_wait3A_208 : memref<10240x128xf32, #tpu.memory_space<hbm>>) dst(%arg8 : memref<128x128xf32, #tpu.memory_space<vmem>>)
    %run_scoped3A_209 = arith.constant 1 : i32
    %run_scoped3A_210 = arith.constant 1 : i32
    %run_scoped3A_211 = arith.constant 3 : i32
    "tpu.region"() ({
      %run_scoped3A_328 = tpu.sem_alloc : memref<!tpu.dma_semaphore, #tpu.memory_space<semaphore_mem>>
      %dma_start3A_329 = arith.constant 0 : i32
      %dma_start3A_330 = tpu.memref_slice %arg6[%run_scoped3A_209, %run_scoped3A_210, %run_scoped3A_211, %dma_start3A_329] : memref<2x2x8x128xi32, #tpu.memory_space<vmem>> -> memref<1x1x1x128xi32, #tpu.memory_space<vmem>>
      %dma_start3A_331 = tpu.memref_squeeze %dma_start3A_330 : memref<1x1x1x128xi32, #tpu.memory_space<vmem>> -> memref<128xi32, #tpu.memory_space<vmem>>
      %dma_start3A_332 = arith.constant 0 : i32
      %dma_start3A_333 = arith.constant 0 : i32
      %dma_start3A_334 = tpu.memref_slice %arg9[%dma_start3A_332, %dma_start3A_333] : memref<10240x128xf32, #tpu.memory_space<vmem_shared>> -> memref<10240x128xf32, #tpu.memory_space<vmem_shared>>
      tpu.enqueue_indirect_dma source(%arg8 : memref<128x128xf32, #tpu.memory_space<vmem>>) target(%dma_start3A_334 : memref<10240x128xf32, #tpu.memory_space<vmem_shared>>) offsets(%dma_start3A_331 : memref<128xi32, #tpu.memory_space<vmem>>) semaphore(%run_scoped3A_328 : memref<!tpu.dma_semaphore, #tpu.memory_space<semaphore_mem>>) {add = true}
      %dma_wait3A_335 = arith.constant 0 : i32
      %dma_wait3A_336 = tpu.memref_slice %arg6[%run_scoped3A_209, %run_scoped3A_210, %run_scoped3A_211, %dma_wait3A_335] : memref<2x2x8x128xi32, #tpu.memory_space<vmem>> -> memref<1x1x1x128xi32, #tpu.memory_space<vmem>>
      %dma_wait3A_337 = tpu.memref_squeeze %dma_wait3A_336 : memref<1x1x1x128xi32, #tpu.memory_space<vmem>> -> memref<128xi32, #tpu.memory_space<vmem>>
      %dma_wait3A_338 = arith.constant 0 : i32
      %dma_wait3A_339 = arith.constant 0 : i32
      %dma_wait3A_340 = tpu.memref_slice %arg9[%dma_wait3A_338, %dma_wait3A_339] : memref<10240x128xf32, #tpu.memory_space<vmem_shared>> -> memref<10240x128xf32, #tpu.memory_space<vmem_shared>>
      tpu.wait_indirect_dma semaphore(%run_scoped3A_328 : memref<!tpu.dma_semaphore, #tpu.memory_space<semaphore_mem>>) src(%arg8 : memref<128x128xf32, #tpu.memory_space<vmem>>) dst(%dma_wait3A_340 : memref<10240x128xf32, #tpu.memory_space<vmem_shared>>)
      tpu.yield
    }) : () -> ()
    %dma_start3A_212 = arith.constant 1 : i32
    %dma_start3A_213 = arith.constant 0 : i32
    %dma_start3A_214 = arith.constant 5 : i32
    %dma_start3A_215 = arith.constant 0 : i32
    %dma_start3A_216 = tpu.memref_slice %arg6[%dma_start3A_212, %dma_start3A_213, %dma_start3A_214, %dma_start3A_215] : memref<2x2x8x128xi32, #tpu.memory_space<vmem>> -> memref<1x1x1x128xi32, #tpu.memory_space<vmem>>
    %dma_start3A_217 = tpu.memref_squeeze %dma_start3A_216 : memref<1x1x1x128xi32, #tpu.memory_space<vmem>> -> memref<128xi32, #tpu.memory_space<vmem>>
    %dma_start3A_218 = arith.constant 0 : i32
    %dma_start3A_219 = arith.constant 0 : i32
    %dma_start3A_220 = tpu.memref_slice %arg2[%dma_start3A_218, %dma_start3A_219] : memref<10240x128xf32, #tpu.memory_space<hbm>> -> memref<10240x128xf32, #tpu.memory_space<hbm>>
    tpu.enqueue_indirect_dma source(%dma_start3A_220 : memref<10240x128xf32, #tpu.memory_space<hbm>>) target(%arg8 : memref<128x128xf32, #tpu.memory_space<vmem>>) offsets(%dma_start3A_217 : memref<128xi32, #tpu.memory_space<vmem>>) semaphore(%arg12 : memref<!tpu.dma_semaphore, #tpu.memory_space<semaphore_mem>>)
    %dma_wait3A_221 = arith.constant 0 : i32
    %dma_wait3A_222 = arith.constant 0 : i32
    %dma_wait3A_223 = arith.constant 0 : i32
    %dma_wait3A_224 = arith.constant 0 : i32
    %dma_wait3A_225 = tpu.memref_slice %arg6[%dma_wait3A_221, %dma_wait3A_222, %dma_wait3A_223, %dma_wait3A_224] : memref<2x2x8x128xi32, #tpu.memory_space<vmem>> -> memref<1x1x1x128xi32, #tpu.memory_space<vmem>>
    %dma_wait3A_226 = tpu.memref_squeeze %dma_wait3A_225 : memref<1x1x1x128xi32, #tpu.memory_space<vmem>> -> memref<128xi32, #tpu.memory_space<vmem>>
    %dma_wait3A_227 = arith.constant 0 : i32
    %dma_wait3A_228 = arith.constant 0 : i32
    %dma_wait3A_229 = tpu.memref_slice %arg2[%dma_wait3A_227, %dma_wait3A_228] : memref<10240x128xf32, #tpu.memory_space<hbm>> -> memref<10240x128xf32, #tpu.memory_space<hbm>>
    tpu.wait_indirect_dma semaphore(%arg11 : memref<!tpu.dma_semaphore, #tpu.memory_space<semaphore_mem>>) src(%dma_wait3A_229 : memref<10240x128xf32, #tpu.memory_space<hbm>>) dst(%arg7 : memref<128x128xf32, #tpu.memory_space<vmem>>)
    %run_scoped3A_230 = arith.constant 1 : i32
    %run_scoped3A_231 = arith.constant 1 : i32
    %run_scoped3A_232 = arith.constant 4 : i32
    "tpu.region"() ({
      %run_scoped3A_328 = tpu.sem_alloc : memref<!tpu.dma_semaphore, #tpu.memory_space<semaphore_mem>>
      %dma_start3A_329 = arith.constant 0 : i32
      %dma_start3A_330 = tpu.memref_slice %arg6[%run_scoped3A_230, %run_scoped3A_231, %run_scoped3A_232, %dma_start3A_329] : memref<2x2x8x128xi32, #tpu.memory_space<vmem>> -> memref<1x1x1x128xi32, #tpu.memory_space<vmem>>
      %dma_start3A_331 = tpu.memref_squeeze %dma_start3A_330 : memref<1x1x1x128xi32, #tpu.memory_space<vmem>> -> memref<128xi32, #tpu.memory_space<vmem>>
      %dma_start3A_332 = arith.constant 0 : i32
      %dma_start3A_333 = arith.constant 0 : i32
      %dma_start3A_334 = tpu.memref_slice %arg9[%dma_start3A_332, %dma_start3A_333] : memref<10240x128xf32, #tpu.memory_space<vmem_shared>> -> memref<10240x128xf32, #tpu.memory_space<vmem_shared>>
      tpu.enqueue_indirect_dma source(%arg7 : memref<128x128xf32, #tpu.memory_space<vmem>>) target(%dma_start3A_334 : memref<10240x128xf32, #tpu.memory_space<vmem_shared>>) offsets(%dma_start3A_331 : memref<128xi32, #tpu.memory_space<vmem>>) semaphore(%run_scoped3A_328 : memref<!tpu.dma_semaphore, #tpu.memory_space<semaphore_mem>>) {add = true}
      %dma_wait3A_335 = arith.constant 0 : i32
      %dma_wait3A_336 = tpu.memref_slice %arg6[%run_scoped3A_230, %run_scoped3A_231, %run_scoped3A_232, %dma_wait3A_335] : memref<2x2x8x128xi32, #tpu.memory_space<vmem>> -> memref<1x1x1x128xi32, #tpu.memory_space<vmem>>
      %dma_wait3A_337 = tpu.memref_squeeze %dma_wait3A_336 : memref<1x1x1x128xi32, #tpu.memory_space<vmem>> -> memref<128xi32, #tpu.memory_space<vmem>>
      %dma_wait3A_338 = arith.constant 0 : i32
      %dma_wait3A_339 = arith.constant 0 : i32
      %dma_wait3A_340 = tpu.memref_slice %arg9[%dma_wait3A_338, %dma_wait3A_339] : memref<10240x128xf32, #tpu.memory_space<vmem_shared>> -> memref<10240x128xf32, #tpu.memory_space<vmem_shared>>
      tpu.wait_indirect_dma semaphore(%run_scoped3A_328 : memref<!tpu.dma_semaphore, #tpu.memory_space<semaphore_mem>>) src(%arg7 : memref<128x128xf32, #tpu.memory_space<vmem>>) dst(%dma_wait3A_340 : memref<10240x128xf32, #tpu.memory_space<vmem_shared>>)
      tpu.yield
    }) : () -> ()
    %dma_start3A_233 = arith.constant 1 : i32
    %dma_start3A_234 = arith.constant 0 : i32
    %dma_start3A_235 = arith.constant 6 : i32
    %dma_start3A_236 = arith.constant 0 : i32
    %dma_start3A_237 = tpu.memref_slice %arg6[%dma_start3A_233, %dma_start3A_234, %dma_start3A_235, %dma_start3A_236] : memref<2x2x8x128xi32, #tpu.memory_space<vmem>> -> memref<1x1x1x128xi32, #tpu.memory_space<vmem>>
    %dma_start3A_238 = tpu.memref_squeeze %dma_start3A_237 : memref<1x1x1x128xi32, #tpu.memory_space<vmem>> -> memref<128xi32, #tpu.memory_space<vmem>>
    %dma_start3A_239 = arith.constant 0 : i32
    %dma_start3A_240 = arith.constant 0 : i32
    %dma_start3A_241 = tpu.memref_slice %arg2[%dma_start3A_239, %dma_start3A_240] : memref<10240x128xf32, #tpu.memory_space<hbm>> -> memref<10240x128xf32, #tpu.memory_space<hbm>>
    tpu.enqueue_indirect_dma source(%dma_start3A_241 : memref<10240x128xf32, #tpu.memory_space<hbm>>) target(%arg7 : memref<128x128xf32, #tpu.memory_space<vmem>>) offsets(%dma_start3A_238 : memref<128xi32, #tpu.memory_space<vmem>>) semaphore(%arg11 : memref<!tpu.dma_semaphore, #tpu.memory_space<semaphore_mem>>)
    %dma_wait3A_242 = arith.constant 0 : i32
    %dma_wait3A_243 = arith.constant 0 : i32
    %dma_wait3A_244 = arith.constant 0 : i32
    %dma_wait3A_245 = arith.constant 0 : i32
    %dma_wait3A_246 = tpu.memref_slice %arg6[%dma_wait3A_242, %dma_wait3A_243, %dma_wait3A_244, %dma_wait3A_245] : memref<2x2x8x128xi32, #tpu.memory_space<vmem>> -> memref<1x1x1x128xi32, #tpu.memory_space<vmem>>
    %dma_wait3A_247 = tpu.memref_squeeze %dma_wait3A_246 : memref<1x1x1x128xi32, #tpu.memory_space<vmem>> -> memref<128xi32, #tpu.memory_space<vmem>>
    %dma_wait3A_248 = arith.constant 0 : i32
    %dma_wait3A_249 = arith.constant 0 : i32
    %dma_wait3A_250 = tpu.memref_slice %arg2[%dma_wait3A_248, %dma_wait3A_249] : memref<10240x128xf32, #tpu.memory_space<hbm>> -> memref<10240x128xf32, #tpu.memory_space<hbm>>
    tpu.wait_indirect_dma semaphore(%arg12 : memref<!tpu.dma_semaphore, #tpu.memory_space<semaphore_mem>>) src(%dma_wait3A_250 : memref<10240x128xf32, #tpu.memory_space<hbm>>) dst(%arg8 : memref<128x128xf32, #tpu.memory_space<vmem>>)
    %run_scoped3A_251 = arith.constant 1 : i32
    %run_scoped3A_252 = arith.constant 1 : i32
    %run_scoped3A_253 = arith.constant 5 : i32
    "tpu.region"() ({
      %run_scoped3A_328 = tpu.sem_alloc : memref<!tpu.dma_semaphore, #tpu.memory_space<semaphore_mem>>
      %dma_start3A_329 = arith.constant 0 : i32
      %dma_start3A_330 = tpu.memref_slice %arg6[%run_scoped3A_251, %run_scoped3A_252, %run_scoped3A_253, %dma_start3A_329] : memref<2x2x8x128xi32, #tpu.memory_space<vmem>> -> memref<1x1x1x128xi32, #tpu.memory_space<vmem>>
      %dma_start3A_331 = tpu.memref_squeeze %dma_start3A_330 : memref<1x1x1x128xi32, #tpu.memory_space<vmem>> -> memref<128xi32, #tpu.memory_space<vmem>>
      %dma_start3A_332 = arith.constant 0 : i32
      %dma_start3A_333 = arith.constant 0 : i32
      %dma_start3A_334 = tpu.memref_slice %arg9[%dma_start3A_332, %dma_start3A_333] : memref<10240x128xf32, #tpu.memory_space<vmem_shared>> -> memref<10240x128xf32, #tpu.memory_space<vmem_shared>>
      tpu.enqueue_indirect_dma source(%arg8 : memref<128x128xf32, #tpu.memory_space<vmem>>) target(%dma_start3A_334 : memref<10240x128xf32, #tpu.memory_space<vmem_shared>>) offsets(%dma_start3A_331 : memref<128xi32, #tpu.memory_space<vmem>>) semaphore(%run_scoped3A_328 : memref<!tpu.dma_semaphore, #tpu.memory_space<semaphore_mem>>) {add = true}
      %dma_wait3A_335 = arith.constant 0 : i32
      %dma_wait3A_336 = tpu.memref_slice %arg6[%run_scoped3A_251, %run_scoped3A_252, %run_scoped3A_253, %dma_wait3A_335] : memref<2x2x8x128xi32, #tpu.memory_space<vmem>> -> memref<1x1x1x128xi32, #tpu.memory_space<vmem>>
      %dma_wait3A_337 = tpu.memref_squeeze %dma_wait3A_336 : memref<1x1x1x128xi32, #tpu.memory_space<vmem>> -> memref<128xi32, #tpu.memory_space<vmem>>
      %dma_wait3A_338 = arith.constant 0 : i32
      %dma_wait3A_339 = arith.constant 0 : i32
      %dma_wait3A_340 = tpu.memref_slice %arg9[%dma_wait3A_338, %dma_wait3A_339] : memref<10240x128xf32, #tpu.memory_space<vmem_shared>> -> memref<10240x128xf32, #tpu.memory_space<vmem_shared>>
      tpu.wait_indirect_dma semaphore(%run_scoped3A_328 : memref<!tpu.dma_semaphore, #tpu.memory_space<semaphore_mem>>) src(%arg8 : memref<128x128xf32, #tpu.memory_space<vmem>>) dst(%dma_wait3A_340 : memref<10240x128xf32, #tpu.memory_space<vmem_shared>>)
      tpu.yield
    }) : () -> ()
    %dma_start3A_254 = arith.constant 1 : i32
    %dma_start3A_255 = arith.constant 0 : i32
    %dma_start3A_256 = arith.constant 7 : i32
    %dma_start3A_257 = arith.constant 0 : i32
    %dma_start3A_258 = tpu.memref_slice %arg6[%dma_start3A_254, %dma_start3A_255, %dma_start3A_256, %dma_start3A_257] : memref<2x2x8x128xi32, #tpu.memory_space<vmem>> -> memref<1x1x1x128xi32, #tpu.memory_space<vmem>>
    %dma_start3A_259 = tpu.memref_squeeze %dma_start3A_258 : memref<1x1x1x128xi32, #tpu.memory_space<vmem>> -> memref<128xi32, #tpu.memory_space<vmem>>
    %dma_start3A_260 = arith.constant 0 : i32
    %dma_start3A_261 = arith.constant 0 : i32
    %dma_start3A_262 = tpu.memref_slice %arg2[%dma_start3A_260, %dma_start3A_261] : memref<10240x128xf32, #tpu.memory_space<hbm>> -> memref<10240x128xf32, #tpu.memory_space<hbm>>
    tpu.enqueue_indirect_dma source(%dma_start3A_262 : memref<10240x128xf32, #tpu.memory_space<hbm>>) target(%arg8 : memref<128x128xf32, #tpu.memory_space<vmem>>) offsets(%dma_start3A_259 : memref<128xi32, #tpu.memory_space<vmem>>) semaphore(%arg12 : memref<!tpu.dma_semaphore, #tpu.memory_space<semaphore_mem>>)
    %dma_wait3A_263 = arith.constant 0 : i32
    %dma_wait3A_264 = arith.constant 0 : i32
    %dma_wait3A_265 = arith.constant 0 : i32
    %dma_wait3A_266 = arith.constant 0 : i32
    %dma_wait3A_267 = tpu.memref_slice %arg6[%dma_wait3A_263, %dma_wait3A_264, %dma_wait3A_265, %dma_wait3A_266] : memref<2x2x8x128xi32, #tpu.memory_space<vmem>> -> memref<1x1x1x128xi32, #tpu.memory_space<vmem>>
    %dma_wait3A_268 = tpu.memref_squeeze %dma_wait3A_267 : memref<1x1x1x128xi32, #tpu.memory_space<vmem>> -> memref<128xi32, #tpu.memory_space<vmem>>
    %dma_wait3A_269 = arith.constant 0 : i32
    %dma_wait3A_270 = arith.constant 0 : i32
    %dma_wait3A_271 = tpu.memref_slice %arg2[%dma_wait3A_269, %dma_wait3A_270] : memref<10240x128xf32, #tpu.memory_space<hbm>> -> memref<10240x128xf32, #tpu.memory_space<hbm>>
    tpu.wait_indirect_dma semaphore(%arg11 : memref<!tpu.dma_semaphore, #tpu.memory_space<semaphore_mem>>) src(%dma_wait3A_271 : memref<10240x128xf32, #tpu.memory_space<hbm>>) dst(%arg7 : memref<128x128xf32, #tpu.memory_space<vmem>>)
    %run_scoped3A_272 = arith.constant 1 : i32
    %run_scoped3A_273 = arith.constant 1 : i32
    %run_scoped3A_274 = arith.constant 6 : i32
    "tpu.region"() ({
      %run_scoped3A_328 = tpu.sem_alloc : memref<!tpu.dma_semaphore, #tpu.memory_space<semaphore_mem>>
      %dma_start3A_329 = arith.constant 0 : i32
      %dma_start3A_330 = tpu.memref_slice %arg6[%run_scoped3A_272, %run_scoped3A_273, %run_scoped3A_274, %dma_start3A_329] : memref<2x2x8x128xi32, #tpu.memory_space<vmem>> -> memref<1x1x1x128xi32, #tpu.memory_space<vmem>>
      %dma_start3A_331 = tpu.memref_squeeze %dma_start3A_330 : memref<1x1x1x128xi32, #tpu.memory_space<vmem>> -> memref<128xi32, #tpu.memory_space<vmem>>
      %dma_start3A_332 = arith.constant 0 : i32
      %dma_start3A_333 = arith.constant 0 : i32
      %dma_start3A_334 = tpu.memref_slice %arg9[%dma_start3A_332, %dma_start3A_333] : memref<10240x128xf32, #tpu.memory_space<vmem_shared>> -> memref<10240x128xf32, #tpu.memory_space<vmem_shared>>
      tpu.enqueue_indirect_dma source(%arg7 : memref<128x128xf32, #tpu.memory_space<vmem>>) target(%dma_start3A_334 : memref<10240x128xf32, #tpu.memory_space<vmem_shared>>) offsets(%dma_start3A_331 : memref<128xi32, #tpu.memory_space<vmem>>) semaphore(%run_scoped3A_328 : memref<!tpu.dma_semaphore, #tpu.memory_space<semaphore_mem>>) {add = true}
      %dma_wait3A_335 = arith.constant 0 : i32
      %dma_wait3A_336 = tpu.memref_slice %arg6[%run_scoped3A_272, %run_scoped3A_273, %run_scoped3A_274, %dma_wait3A_335] : memref<2x2x8x128xi32, #tpu.memory_space<vmem>> -> memref<1x1x1x128xi32, #tpu.memory_space<vmem>>
      %dma_wait3A_337 = tpu.memref_squeeze %dma_wait3A_336 : memref<1x1x1x128xi32, #tpu.memory_space<vmem>> -> memref<128xi32, #tpu.memory_space<vmem>>
      %dma_wait3A_338 = arith.constant 0 : i32
      %dma_wait3A_339 = arith.constant 0 : i32
      %dma_wait3A_340 = tpu.memref_slice %arg9[%dma_wait3A_338, %dma_wait3A_339] : memref<10240x128xf32, #tpu.memory_space<vmem_shared>> -> memref<10240x128xf32, #tpu.memory_space<vmem_shared>>
      tpu.wait_indirect_dma semaphore(%run_scoped3A_328 : memref<!tpu.dma_semaphore, #tpu.memory_space<semaphore_mem>>) src(%arg7 : memref<128x128xf32, #tpu.memory_space<vmem>>) dst(%dma_wait3A_340 : memref<10240x128xf32, #tpu.memory_space<vmem_shared>>)
      tpu.yield
    }) : () -> ()
    %dma_wait3A_275 = arith.constant 0 : i32
    %dma_wait3A_276 = arith.constant 0 : i32
    %dma_wait3A_277 = arith.constant 0 : i32
    %dma_wait3A_278 = arith.constant 0 : i32
    %dma_wait3A_279 = tpu.memref_slice %arg6[%dma_wait3A_275, %dma_wait3A_276, %dma_wait3A_277, %dma_wait3A_278] : memref<2x2x8x128xi32, #tpu.memory_space<vmem>> -> memref<1x1x1x128xi32, #tpu.memory_space<vmem>>
    %dma_wait3A_280 = tpu.memref_squeeze %dma_wait3A_279 : memref<1x1x1x128xi32, #tpu.memory_space<vmem>> -> memref<128xi32, #tpu.memory_space<vmem>>
    %dma_wait3A_281 = arith.constant 0 : i32
    %dma_wait3A_282 = arith.constant 0 : i32
    %dma_wait3A_283 = tpu.memref_slice %arg2[%dma_wait3A_281, %dma_wait3A_282] : memref<10240x128xf32, #tpu.memory_space<hbm>> -> memref<10240x128xf32, #tpu.memory_space<hbm>>
    tpu.wait_indirect_dma semaphore(%arg12 : memref<!tpu.dma_semaphore, #tpu.memory_space<semaphore_mem>>) src(%dma_wait3A_283 : memref<10240x128xf32, #tpu.memory_space<hbm>>) dst(%arg8 : memref<128x128xf32, #tpu.memory_space<vmem>>)
    %run_scoped3A_284 = arith.constant 1 : i32
    %run_scoped3A_285 = arith.constant 1 : i32
    %run_scoped3A_286 = arith.constant 7 : i32
    "tpu.region"() ({
      %run_scoped3A_328 = tpu.sem_alloc : memref<!tpu.dma_semaphore, #tpu.memory_space<semaphore_mem>>
      %dma_start3A_329 = arith.constant 0 : i32
      %dma_start3A_330 = tpu.memref_slice %arg6[%run_scoped3A_284, %run_scoped3A_285, %run_scoped3A_286, %dma_start3A_329] : memref<2x2x8x128xi32, #tpu.memory_space<vmem>> -> memref<1x1x1x128xi32, #tpu.memory_space<vmem>>
      %dma_start3A_331 = tpu.memref_squeeze %dma_start3A_330 : memref<1x1x1x128xi32, #tpu.memory_space<vmem>> -> memref<128xi32, #tpu.memory_space<vmem>>
      %dma_start3A_332 = arith.constant 0 : i32
      %dma_start3A_333 = arith.constant 0 : i32
      %dma_start3A_334 = tpu.memref_slice %arg9[%dma_start3A_332, %dma_start3A_333] : memref<10240x128xf32, #tpu.memory_space<vmem_shared>> -> memref<10240x128xf32, #tpu.memory_space<vmem_shared>>
      tpu.enqueue_indirect_dma source(%arg8 : memref<128x128xf32, #tpu.memory_space<vmem>>) target(%dma_start3A_334 : memref<10240x128xf32, #tpu.memory_space<vmem_shared>>) offsets(%dma_start3A_331 : memref<128xi32, #tpu.memory_space<vmem>>) semaphore(%run_scoped3A_328 : memref<!tpu.dma_semaphore, #tpu.memory_space<semaphore_mem>>) {add = true}
      %dma_wait3A_335 = arith.constant 0 : i32
      %dma_wait3A_336 = tpu.memref_slice %arg6[%run_scoped3A_284, %run_scoped3A_285, %run_scoped3A_286, %dma_wait3A_335] : memref<2x2x8x128xi32, #tpu.memory_space<vmem>> -> memref<1x1x1x128xi32, #tpu.memory_space<vmem>>
      %dma_wait3A_337 = tpu.memref_squeeze %dma_wait3A_336 : memref<1x1x1x128xi32, #tpu.memory_space<vmem>> -> memref<128xi32, #tpu.memory_space<vmem>>
      %dma_wait3A_338 = arith.constant 0 : i32
      %dma_wait3A_339 = arith.constant 0 : i32
      %dma_wait3A_340 = tpu.memref_slice %arg9[%dma_wait3A_338, %dma_wait3A_339] : memref<10240x128xf32, #tpu.memory_space<vmem_shared>> -> memref<10240x128xf32, #tpu.memory_space<vmem_shared>>
      tpu.wait_indirect_dma semaphore(%run_scoped3A_328 : memref<!tpu.dma_semaphore, #tpu.memory_space<semaphore_mem>>) src(%arg8 : memref<128x128xf32, #tpu.memory_space<vmem>>) dst(%dma_wait3A_340 : memref<10240x128xf32, #tpu.memory_space<vmem_shared>>)
      tpu.yield
    }) : () -> ()
    %dma_wait3A_287 = arith.constant 0 : i32
    %dma_wait3A_288 = arith.constant 0 : i32
    %dma_wait3A_289 = arith.constant 0 : i32
    %dma_wait3A_290 = arith.constant 0 : i32
    %dma_wait3A_291 = arith.constant 0 : i32
    %dma_wait3A_292 = tpu.memref_slice %arg6[%dma_wait3A_288, %dma_wait3A_289, %dma_wait3A_290, %dma_wait3A_291] : memref<2x2x8x128xi32, #tpu.memory_space<vmem>> -> memref<1x1x8x128xi32, #tpu.memory_space<vmem>>
    %dma_wait3A_293 = tpu.memref_squeeze %dma_wait3A_292 : memref<1x1x8x128xi32, #tpu.memory_space<vmem>> -> memref<8x128xi32, #tpu.memory_space<vmem>>
    %dma_wait3A_294 = arith.constant 0 : i32
    %dma_wait3A_295 = arith.constant 0 : i32
    %dma_wait3A_296 = tpu.memref_slice %arg3[%dma_wait3A_287, %dma_wait3A_294, %dma_wait3A_295] : memref<2x2560x128xi32, #tpu.memory_space<hbm>> -> memref<1x8x128xi32, #tpu.memory_space<hbm>>
    %dma_wait3A_297 = tpu.memref_squeeze %dma_wait3A_296 : memref<1x8x128xi32, #tpu.memory_space<hbm>> -> memref<8x128xi32, #tpu.memory_space<hbm>>
    %dma_wait3A_298 = arith.constant 0 : i32
    %dma_wait3A_299 = arith.constant 0 : i32
    %dma_wait3A_300 = tpu.memref_slice %arg6[%dma_wait3A_288, %dma_wait3A_289, %dma_wait3A_298, %dma_wait3A_299] : memref<2x2x8x128xi32, #tpu.memory_space<vmem>> -> memref<1x1x8x128xi32, #tpu.memory_space<vmem>>
    %dma_wait3A_301 = tpu.memref_squeeze %dma_wait3A_300 : memref<1x1x8x128xi32, #tpu.memory_space<vmem>> -> memref<8x128xi32, #tpu.memory_space<vmem>>
    %dma_wait3A_302 = arith.constant 0 : i32
    %dma_wait3A_303 = arith.constant 0 : i32
    %dma_wait3A_304 = tpu.memref_slice %arg3[%dma_wait3A_287, %dma_wait3A_302, %dma_wait3A_303] : memref<2x2560x128xi32, #tpu.memory_space<hbm>> -> memref<1x8x128xi32, #tpu.memory_space<hbm>>
    %dma_wait3A_305 = tpu.memref_squeeze %dma_wait3A_304 : memref<1x8x128xi32, #tpu.memory_space<hbm>> -> memref<8x128xi32, #tpu.memory_space<hbm>>
    tpu.wait_dma2 semaphore(%arg10 : memref<!tpu.dma_semaphore, #tpu.memory_space<semaphore_mem>>) src(%dma_wait3A_305 : memref<8x128xi32, #tpu.memory_space<hbm>>) dst(%dma_wait3A_301 : memref<8x128xi32, #tpu.memory_space<vmem>>)
    %dma_wait3A_306 = arith.constant 0 : i32
    %dma_wait3A_307 = arith.constant 0 : i32
    %dma_wait3A_308 = arith.constant 0 : i32
    %dma_wait3A_309 = arith.constant 0 : i32
    %dma_wait3A_310 = arith.constant 0 : i32
    %dma_wait3A_311 = tpu.memref_slice %arg6[%dma_wait3A_307, %dma_wait3A_308, %dma_wait3A_309, %dma_wait3A_310] : memref<2x2x8x128xi32, #tpu.memory_space<vmem>> -> memref<1x1x8x128xi32, #tpu.memory_space<vmem>>
    %dma_wait3A_312 = tpu.memref_squeeze %dma_wait3A_311 : memref<1x1x8x128xi32, #tpu.memory_space<vmem>> -> memref<8x128xi32, #tpu.memory_space<vmem>>
    %dma_wait3A_313 = arith.constant 0 : i32
    %dma_wait3A_314 = arith.constant 0 : i32
    %dma_wait3A_315 = tpu.memref_slice %arg3[%dma_wait3A_306, %dma_wait3A_313, %dma_wait3A_314] : memref<2x2560x128xi32, #tpu.memory_space<hbm>> -> memref<1x8x128xi32, #tpu.memory_space<hbm>>
    %dma_wait3A_316 = tpu.memref_squeeze %dma_wait3A_315 : memref<1x8x128xi32, #tpu.memory_space<hbm>> -> memref<8x128xi32, #tpu.memory_space<hbm>>
    %dma_wait3A_317 = arith.constant 0 : i32
    %dma_wait3A_318 = arith.constant 0 : i32
    %dma_wait3A_319 = tpu.memref_slice %arg6[%dma_wait3A_307, %dma_wait3A_308, %dma_wait3A_317, %dma_wait3A_318] : memref<2x2x8x128xi32, #tpu.memory_space<vmem>> -> memref<1x1x8x128xi32, #tpu.memory_space<vmem>>
    %dma_wait3A_320 = tpu.memref_squeeze %dma_wait3A_319 : memref<1x1x8x128xi32, #tpu.memory_space<vmem>> -> memref<8x128xi32, #tpu.memory_space<vmem>>
    %dma_wait3A_321 = arith.constant 0 : i32
    %dma_wait3A_322 = arith.constant 0 : i32
    %dma_wait3A_323 = tpu.memref_slice %arg3[%dma_wait3A_306, %dma_wait3A_321, %dma_wait3A_322] : memref<2x2560x128xi32, #tpu.memory_space<hbm>> -> memref<1x8x128xi32, #tpu.memory_space<hbm>>
    %dma_wait3A_324 = tpu.memref_squeeze %dma_wait3A_323 : memref<1x8x128xi32, #tpu.memory_space<hbm>> -> memref<8x128xi32, #tpu.memory_space<hbm>>
    tpu.wait_dma2 semaphore(%arg10 : memref<!tpu.dma_semaphore, #tpu.memory_space<semaphore_mem>>) src(%dma_wait3A_324 : memref<8x128xi32, #tpu.memory_space<hbm>>) dst(%dma_wait3A_320 : memref<8x128xi32, #tpu.memory_space<vmem>>)
    %barrier3A_325 = arith.constant 0 : index
    tpu.barrier barrier_id(%barrier3A_325)
    %mul3A_326 = arith.constant 640 : i32
    %mul3A_327 = arith.muli %arg1, %mul3A_326 : i32
    "tpu.region"() ({
      %run_scoped3A_328 = tpu.sem_alloc : memref<!tpu.dma_semaphore, #tpu.memory_space<semaphore_mem>>
      %dma_start3A_329 = arith.constant 0 : i32
      %dma_start3A_330 = tpu.memref_slice %arg5[%arg0, %mul3A_327, %dma_start3A_329] : memref<2x10240x128xf32, #tpu.memory_space<hbm>> -> memref<1x640x128xf32, #tpu.memory_space<hbm>>
      %dma_start3A_331 = tpu.memref_squeeze %dma_start3A_330 : memref<1x640x128xf32, #tpu.memory_space<hbm>> -> memref<640x128xf32, #tpu.memory_space<hbm>>
      %dma_start3A_332 = arith.constant 0 : i32
      %dma_start3A_333 = tpu.memref_slice %arg9[%mul3A_327, %dma_start3A_332] : memref<10240x128xf32, #tpu.memory_space<vmem_shared>> -> memref<640x128xf32, #tpu.memory_space<vmem_shared>>
      tpu.enqueue_dma source(%dma_start3A_333 : memref<640x128xf32, #tpu.memory_space<vmem_shared>>) target(%dma_start3A_331 : memref<640x128xf32, #tpu.memory_space<hbm>>) target_semaphore(%run_scoped3A_328 : memref<!tpu.dma_semaphore, #tpu.memory_space<semaphore_mem>>)
      %dma_wait3A_334 = arith.constant 0 : i32
      %dma_wait3A_335 = tpu.memref_slice %arg5[%arg0, %mul3A_327, %dma_wait3A_334] : memref<2x10240x128xf32, #tpu.memory_space<hbm>> -> memref<1x640x128xf32, #tpu.memory_space<hbm>>
      %dma_wait3A_336 = tpu.memref_squeeze %dma_wait3A_335 : memref<1x640x128xf32, #tpu.memory_space<hbm>> -> memref<640x128xf32, #tpu.memory_space<hbm>>
      %dma_wait3A_337 = arith.constant 0 : i32
      %dma_wait3A_338 = tpu.memref_slice %arg9[%mul3A_327, %dma_wait3A_337] : memref<10240x128xf32, #tpu.memory_space<vmem_shared>> -> memref<640x128xf32, #tpu.memory_space<vmem_shared>>
      tpu.wait_dma2 semaphore(%run_scoped3A_328 : memref<!tpu.dma_semaphore, #tpu.memory_space<semaphore_mem>>) src(%dma_wait3A_338 : memref<640x128xf32, #tpu.memory_space<vmem_shared>>) dst(%dma_wait3A_336 : memref<640x128xf32, #tpu.memory_space<hbm>>)
      tpu.yield
    }) : () -> ()
    return
  }
}

#map = affine_map<(d0, d1) -> (0, 0)>
#map1 = affine_map<(d0, d1) -> (0, 0, 0)>
module attributes {stable_mosaic.version = 14 : i64} {
  func.func @_edge_body(%arg0: i32, %arg1: i32, %arg2: memref<10240x128xf32, #tpu.memory_space<hbm>>, %arg3: memref<2x2560x128xi32, #tpu.memory_space<hbm>>, %arg4: memref<640x128xf32, #tpu.memory_space<hbm>>, %arg5: memref<2x10240x128xf32, #tpu.memory_space<hbm>>, %arg6: memref<2x2x8x128xi32, #tpu.memory_space<vmem>>, %arg7: memref<128x128xf32, #tpu.memory_space<vmem>>, %arg8: memref<128x128xf32, #tpu.memory_space<vmem>>, %arg9: memref<10240x128xf32, #tpu.memory_space<vmem_shared>>, %arg10: memref<!tpu.dma_semaphore, #tpu.memory_space<semaphore_mem>>, %arg11: memref<!tpu.dma_semaphore, #tpu.memory_space<semaphore_mem>>, %arg12: memref<!tpu.dma_semaphore, #tpu.memory_space<semaphore_mem>>) attributes {dimension_semantics = [#tpu.dimension_semantics<core_parallel>, #tpu.dimension_semantics<subcore_parallel>], iteration_bounds = array<i64: 2, 16>, scalar_prefetch = 0 : i64, scratch_operands = 7 : i64, tpu.core_type = #tpu.core_type<sc_vector_subcore>, window_params = [{transform_indices = #map}, {transform_indices = #map1}, {transform_indices = #map}, {transform_indices = #map1}]} {
    %mul3A = arith.constant 16 : i32
    %mul3A_0 = arith.muli %arg0, %mul3A : i32
    %add3A = arith.addi %mul3A_0, %arg1 : i32
    %mul3A_1 = arith.constant 80 : i32
    %mul3A_2 = arith.muli %add3A, %mul3A_1 : i32
    %add3A_3 = arith.constant 0 : i32
    %add3A_4 = arith.addi %mul3A_2, %add3A_3 : i32
    %min3A = arith.constant 2552 : i32
    %min3A_5 = arith.minsi %add3A_4, %min3A : i32
    %dma_start3A = arith.constant 0 : i32
    %dma_start3A_6 = arith.constant 0 : i32
    %dma_start3A_7 = arith.constant 0 : i32
    %dma_start3A_8 = arith.constant 0 : i32
    %dma_start3A_9 = arith.constant 0 : i32
    %dma_start3A_10 = tpu.memref_slice %arg6[%dma_start3A_6, %dma_start3A_7, %dma_start3A_8, %dma_start3A_9] : memref<2x2x8x128xi32, #tpu.memory_space<vmem>> -> memref<1x1x8x128xi32, #tpu.memory_space<vmem>>
    %dma_start3A_11 = tpu.memref_squeeze %dma_start3A_10 : memref<1x1x8x128xi32, #tpu.memory_space<vmem>> -> memref<8x128xi32, #tpu.memory_space<vmem>>
    %dma_start3A_12 = arith.constant 0 : i32
    %dma_start3A_13 = tpu.memref_slice %arg3[%dma_start3A, %min3A_5, %dma_start3A_12] : memref<2x2560x128xi32, #tpu.memory_space<hbm>> -> memref<1x8x128xi32, #tpu.memory_space<hbm>>
    %dma_start3A_14 = tpu.memref_squeeze %dma_start3A_13 : memref<1x8x128xi32, #tpu.memory_space<hbm>> -> memref<8x128xi32, #tpu.memory_space<hbm>>
    %dma_start3A_15 = arith.constant 0 : i32
    %dma_start3A_16 = arith.constant 0 : i32
    %dma_start3A_17 = tpu.memref_slice %arg6[%dma_start3A_6, %dma_start3A_7, %dma_start3A_15, %dma_start3A_16] : memref<2x2x8x128xi32, #tpu.memory_space<vmem>> -> memref<1x1x8x128xi32, #tpu.memory_space<vmem>>
    %dma_start3A_18 = tpu.memref_squeeze %dma_start3A_17 : memref<1x1x8x128xi32, #tpu.memory_space<vmem>> -> memref<8x128xi32, #tpu.memory_space<vmem>>
    %dma_start3A_19 = arith.constant 0 : i32
    %dma_start3A_20 = tpu.memref_slice %arg3[%dma_start3A, %min3A_5, %dma_start3A_19] : memref<2x2560x128xi32, #tpu.memory_space<hbm>> -> memref<1x8x128xi32, #tpu.memory_space<hbm>>
    %dma_start3A_21 = tpu.memref_squeeze %dma_start3A_20 : memref<1x8x128xi32, #tpu.memory_space<hbm>> -> memref<8x128xi32, #tpu.memory_space<hbm>>
    tpu.enqueue_dma source(%dma_start3A_21 : memref<8x128xi32, #tpu.memory_space<hbm>>) target(%dma_start3A_18 : memref<8x128xi32, #tpu.memory_space<vmem>>) target_semaphore(%arg10 : memref<!tpu.dma_semaphore, #tpu.memory_space<semaphore_mem>>)
    %dma_start3A_22 = arith.constant 1 : i32
    %dma_start3A_23 = arith.constant 0 : i32
    %dma_start3A_24 = arith.constant 1 : i32
    %dma_start3A_25 = arith.constant 0 : i32
    %dma_start3A_26 = arith.constant 0 : i32
    %dma_start3A_27 = tpu.memref_slice %arg6[%dma_start3A_23, %dma_start3A_24, %dma_start3A_25, %dma_start3A_26] : memref<2x2x8x128xi32, #tpu.memory_space<vmem>> -> memref<1x1x8x128xi32, #tpu.memory_space<vmem>>
    %dma_start3A_28 = tpu.memref_squeeze %dma_start3A_27 : memref<1x1x8x128xi32, #tpu.memory_space<vmem>> -> memref<8x128xi32, #tpu.memory_space<vmem>>
    %dma_start3A_29 = arith.constant 0 : i32
    %dma_start3A_30 = tpu.memref_slice %arg3[%dma_start3A_22, %min3A_5, %dma_start3A_29] : memref<2x2560x128xi32, #tpu.memory_space<hbm>> -> memref<1x8x128xi32, #tpu.memory_space<hbm>>
    %dma_start3A_31 = tpu.memref_squeeze %dma_start3A_30 : memref<1x8x128xi32, #tpu.memory_space<hbm>> -> memref<8x128xi32, #tpu.memory_space<hbm>>
    %dma_start3A_32 = arith.constant 0 : i32
    %dma_start3A_33 = arith.constant 0 : i32
    %dma_start3A_34 = tpu.memref_slice %arg6[%dma_start3A_23, %dma_start3A_24, %dma_start3A_32, %dma_start3A_33] : memref<2x2x8x128xi32, #tpu.memory_space<vmem>> -> memref<1x1x8x128xi32, #tpu.memory_space<vmem>>
    %dma_start3A_35 = tpu.memref_squeeze %dma_start3A_34 : memref<1x1x8x128xi32, #tpu.memory_space<vmem>> -> memref<8x128xi32, #tpu.memory_space<vmem>>
    %dma_start3A_36 = arith.constant 0 : i32
    %dma_start3A_37 = tpu.memref_slice %arg3[%dma_start3A_22, %min3A_5, %dma_start3A_36] : memref<2x2560x128xi32, #tpu.memory_space<hbm>> -> memref<1x8x128xi32, #tpu.memory_space<hbm>>
    %dma_start3A_38 = tpu.memref_squeeze %dma_start3A_37 : memref<1x8x128xi32, #tpu.memory_space<hbm>> -> memref<8x128xi32, #tpu.memory_space<hbm>>
    tpu.enqueue_dma source(%dma_start3A_38 : memref<8x128xi32, #tpu.memory_space<hbm>>) target(%dma_start3A_35 : memref<8x128xi32, #tpu.memory_space<vmem>>) target_semaphore(%arg10 : memref<!tpu.dma_semaphore, #tpu.memory_space<semaphore_mem>>)
    %mul3A_39 = arith.constant 640 : i32
    %mul3A_40 = arith.muli %arg1, %mul3A_39 : i32
    "tpu.region"() ({
      %run_scoped3A_328 = tpu.sem_alloc : memref<!tpu.dma_semaphore, #tpu.memory_space<semaphore_mem>>
      %dma_start3A_329 = arith.constant 0 : i32
      %dma_start3A_330 = tpu.memref_slice %arg9[%mul3A_40, %dma_start3A_329] : memref<10240x128xf32, #tpu.memory_space<vmem_shared>> -> memref<640x128xf32, #tpu.memory_space<vmem_shared>>
      tpu.enqueue_dma source(%arg4 : memref<640x128xf32, #tpu.memory_space<hbm>>) target(%dma_start3A_330 : memref<640x128xf32, #tpu.memory_space<vmem_shared>>) target_semaphore(%run_scoped3A_328 : memref<!tpu.dma_semaphore, #tpu.memory_space<semaphore_mem>>)
      %dma_wait3A_331 = arith.constant 0 : i32
      %dma_wait3A_332 = tpu.memref_slice %arg9[%mul3A_40, %dma_wait3A_331] : memref<10240x128xf32, #tpu.memory_space<vmem_shared>> -> memref<640x128xf32, #tpu.memory_space<vmem_shared>>
      tpu.wait_dma2 semaphore(%run_scoped3A_328 : memref<!tpu.dma_semaphore, #tpu.memory_space<semaphore_mem>>) src(%arg4 : memref<640x128xf32, #tpu.memory_space<hbm>>) dst(%dma_wait3A_332 : memref<640x128xf32, #tpu.memory_space<vmem_shared>>)
      tpu.yield
    }) : () -> ()
    %dma_wait3A = arith.constant 0 : i32
    %dma_wait3A_41 = arith.constant 0 : i32
    %dma_wait3A_42 = arith.constant 0 : i32
    %dma_wait3A_43 = arith.constant 0 : i32
    %dma_wait3A_44 = arith.constant 0 : i32
    %dma_wait3A_45 = tpu.memref_slice %arg6[%dma_wait3A_41, %dma_wait3A_42, %dma_wait3A_43, %dma_wait3A_44] : memref<2x2x8x128xi32, #tpu.memory_space<vmem>> -> memref<1x1x8x128xi32, #tpu.memory_space<vmem>>
    %dma_wait3A_46 = tpu.memref_squeeze %dma_wait3A_45 : memref<1x1x8x128xi32, #tpu.memory_space<vmem>> -> memref<8x128xi32, #tpu.memory_space<vmem>>
    %dma_wait3A_47 = arith.constant 0 : i32
    %dma_wait3A_48 = arith.constant 0 : i32
    %dma_wait3A_49 = tpu.memref_slice %arg3[%dma_wait3A, %dma_wait3A_47, %dma_wait3A_48] : memref<2x2560x128xi32, #tpu.memory_space<hbm>> -> memref<1x8x128xi32, #tpu.memory_space<hbm>>
    %dma_wait3A_50 = tpu.memref_squeeze %dma_wait3A_49 : memref<1x8x128xi32, #tpu.memory_space<hbm>> -> memref<8x128xi32, #tpu.memory_space<hbm>>
    %dma_wait3A_51 = arith.constant 0 : i32
    %dma_wait3A_52 = arith.constant 0 : i32
    %dma_wait3A_53 = tpu.memref_slice %arg6[%dma_wait3A_41, %dma_wait3A_42, %dma_wait3A_51, %dma_wait3A_52] : memref<2x2x8x128xi32, #tpu.memory_space<vmem>> -> memref<1x1x8x128xi32, #tpu.memory_space<vmem>>
    %dma_wait3A_54 = tpu.memref_squeeze %dma_wait3A_53 : memref<1x1x8x128xi32, #tpu.memory_space<vmem>> -> memref<8x128xi32, #tpu.memory_space<vmem>>
    %dma_wait3A_55 = arith.constant 0 : i32
    %dma_wait3A_56 = arith.constant 0 : i32
    %dma_wait3A_57 = tpu.memref_slice %arg3[%dma_wait3A, %dma_wait3A_55, %dma_wait3A_56] : memref<2x2560x128xi32, #tpu.memory_space<hbm>> -> memref<1x8x128xi32, #tpu.memory_space<hbm>>
    %dma_wait3A_58 = tpu.memref_squeeze %dma_wait3A_57 : memref<1x8x128xi32, #tpu.memory_space<hbm>> -> memref<8x128xi32, #tpu.memory_space<hbm>>
    tpu.wait_dma2 semaphore(%arg10 : memref<!tpu.dma_semaphore, #tpu.memory_space<semaphore_mem>>) src(%dma_wait3A_58 : memref<8x128xi32, #tpu.memory_space<hbm>>) dst(%dma_wait3A_54 : memref<8x128xi32, #tpu.memory_space<vmem>>)
    %dma_wait3A_59 = arith.constant 0 : i32
    %dma_wait3A_60 = arith.constant 0 : i32
    %dma_wait3A_61 = arith.constant 0 : i32
    %dma_wait3A_62 = arith.constant 0 : i32
    %dma_wait3A_63 = arith.constant 0 : i32
    %dma_wait3A_64 = tpu.memref_slice %arg6[%dma_wait3A_60, %dma_wait3A_61, %dma_wait3A_62, %dma_wait3A_63] : memref<2x2x8x128xi32, #tpu.memory_space<vmem>> -> memref<1x1x8x128xi32, #tpu.memory_space<vmem>>
    %dma_wait3A_65 = tpu.memref_squeeze %dma_wait3A_64 : memref<1x1x8x128xi32, #tpu.memory_space<vmem>> -> memref<8x128xi32, #tpu.memory_space<vmem>>
    %dma_wait3A_66 = arith.constant 0 : i32
    %dma_wait3A_67 = arith.constant 0 : i32
    %dma_wait3A_68 = tpu.memref_slice %arg3[%dma_wait3A_59, %dma_wait3A_66, %dma_wait3A_67] : memref<2x2560x128xi32, #tpu.memory_space<hbm>> -> memref<1x8x128xi32, #tpu.memory_space<hbm>>
    %dma_wait3A_69 = tpu.memref_squeeze %dma_wait3A_68 : memref<1x8x128xi32, #tpu.memory_space<hbm>> -> memref<8x128xi32, #tpu.memory_space<hbm>>
    %dma_wait3A_70 = arith.constant 0 : i32
    %dma_wait3A_71 = arith.constant 0 : i32
    %dma_wait3A_72 = tpu.memref_slice %arg6[%dma_wait3A_60, %dma_wait3A_61, %dma_wait3A_70, %dma_wait3A_71] : memref<2x2x8x128xi32, #tpu.memory_space<vmem>> -> memref<1x1x8x128xi32, #tpu.memory_space<vmem>>
    %dma_wait3A_73 = tpu.memref_squeeze %dma_wait3A_72 : memref<1x1x8x128xi32, #tpu.memory_space<vmem>> -> memref<8x128xi32, #tpu.memory_space<vmem>>
    %dma_wait3A_74 = arith.constant 0 : i32
    %dma_wait3A_75 = arith.constant 0 : i32
    %dma_wait3A_76 = tpu.memref_slice %arg3[%dma_wait3A_59, %dma_wait3A_74, %dma_wait3A_75] : memref<2x2560x128xi32, #tpu.memory_space<hbm>> -> memref<1x8x128xi32, #tpu.memory_space<hbm>>
    %dma_wait3A_77 = tpu.memref_squeeze %dma_wait3A_76 : memref<1x8x128xi32, #tpu.memory_space<hbm>> -> memref<8x128xi32, #tpu.memory_space<hbm>>
    tpu.wait_dma2 semaphore(%arg10 : memref<!tpu.dma_semaphore, #tpu.memory_space<semaphore_mem>>) src(%dma_wait3A_77 : memref<8x128xi32, #tpu.memory_space<hbm>>) dst(%dma_wait3A_73 : memref<8x128xi32, #tpu.memory_space<vmem>>)
    %add3A_78 = arith.constant 8 : i32
    %add3A_79 = arith.addi %mul3A_2, %add3A_78 : i32
    %min3A_80 = arith.constant 2552 : i32
    %min3A_81 = arith.minsi %add3A_79, %min3A_80 : i32
    %dma_start3A_82 = arith.constant 0 : i32
    %dma_start3A_83 = arith.constant 1 : i32
    %dma_start3A_84 = arith.constant 0 : i32
    %dma_start3A_85 = arith.constant 0 : i32
    %dma_start3A_86 = arith.constant 0 : i32
    %dma_start3A_87 = tpu.memref_slice %arg6[%dma_start3A_83, %dma_start3A_84, %dma_start3A_85, %dma_start3A_86] : memref<2x2x8x128xi32, #tpu.memory_space<vmem>> -> memref<1x1x8x128xi32, #tpu.memory_space<vmem>>
    %dma_start3A_88 = tpu.memref_squeeze %dma_start3A_87 : memref<1x1x8x128xi32, #tpu.memory_space<vmem>> -> memref<8x128xi32, #tpu.memory_space<vmem>>
    %dma_start3A_89 = arith.constant 0 : i32
    %dma_start3A_90 = tpu.memref_slice %arg3[%dma_start3A_82, %min3A_81, %dma_start3A_89] : memref<2x2560x128xi32, #tpu.memory_space<hbm>> -> memref<1x8x128xi32, #tpu.memory_space<hbm>>
    %dma_start3A_91 = tpu.memref_squeeze %dma_start3A_90 : memref<1x8x128xi32, #tpu.memory_space<hbm>> -> memref<8x128xi32, #tpu.memory_space<hbm>>
    %dma_start3A_92 = arith.constant 0 : i32
    %dma_start3A_93 = arith.constant 0 : i32
    %dma_start3A_94 = tpu.memref_slice %arg6[%dma_start3A_83, %dma_start3A_84, %dma_start3A_92, %dma_start3A_93] : memref<2x2x8x128xi32, #tpu.memory_space<vmem>> -> memref<1x1x8x128xi32, #tpu.memory_space<vmem>>
    %dma_start3A_95 = tpu.memref_squeeze %dma_start3A_94 : memref<1x1x8x128xi32, #tpu.memory_space<vmem>> -> memref<8x128xi32, #tpu.memory_space<vmem>>
    %dma_start3A_96 = arith.constant 0 : i32
    %dma_start3A_97 = tpu.memref_slice %arg3[%dma_start3A_82, %min3A_81, %dma_start3A_96] : memref<2x2560x128xi32, #tpu.memory_space<hbm>> -> memref<1x8x128xi32, #tpu.memory_space<hbm>>
    %dma_start3A_98 = tpu.memref_squeeze %dma_start3A_97 : memref<1x8x128xi32, #tpu.memory_space<hbm>> -> memref<8x128xi32, #tpu.memory_space<hbm>>
    tpu.enqueue_dma source(%dma_start3A_98 : memref<8x128xi32, #tpu.memory_space<hbm>>) target(%dma_start3A_95 : memref<8x128xi32, #tpu.memory_space<vmem>>) target_semaphore(%arg10 : memref<!tpu.dma_semaphore, #tpu.memory_space<semaphore_mem>>)
    %dma_start3A_99 = arith.constant 1 : i32
    %dma_start3A_100 = arith.constant 1 : i32
    %dma_start3A_101 = arith.constant 1 : i32
    %dma_start3A_102 = arith.constant 0 : i32
    %dma_start3A_103 = arith.constant 0 : i32
    %dma_start3A_104 = tpu.memref_slice %arg6[%dma_start3A_100, %dma_start3A_101, %dma_start3A_102, %dma_start3A_103] : memref<2x2x8x128xi32, #tpu.memory_space<vmem>> -> memref<1x1x8x128xi32, #tpu.memory_space<vmem>>
    %dma_start3A_105 = tpu.memref_squeeze %dma_start3A_104 : memref<1x1x8x128xi32, #tpu.memory_space<vmem>> -> memref<8x128xi32, #tpu.memory_space<vmem>>
    %dma_start3A_106 = arith.constant 0 : i32
    %dma_start3A_107 = tpu.memref_slice %arg3[%dma_start3A_99, %min3A_81, %dma_start3A_106] : memref<2x2560x128xi32, #tpu.memory_space<hbm>> -> memref<1x8x128xi32, #tpu.memory_space<hbm>>
    %dma_start3A_108 = tpu.memref_squeeze %dma_start3A_107 : memref<1x8x128xi32, #tpu.memory_space<hbm>> -> memref<8x128xi32, #tpu.memory_space<hbm>>
    %dma_start3A_109 = arith.constant 0 : i32
    %dma_start3A_110 = arith.constant 0 : i32
    %dma_start3A_111 = tpu.memref_slice %arg6[%dma_start3A_100, %dma_start3A_101, %dma_start3A_109, %dma_start3A_110] : memref<2x2x8x128xi32, #tpu.memory_space<vmem>> -> memref<1x1x8x128xi32, #tpu.memory_space<vmem>>
    %dma_start3A_112 = tpu.memref_squeeze %dma_start3A_111 : memref<1x1x8x128xi32, #tpu.memory_space<vmem>> -> memref<8x128xi32, #tpu.memory_space<vmem>>
    %dma_start3A_113 = arith.constant 0 : i32
    %dma_start3A_114 = tpu.memref_slice %arg3[%dma_start3A_99, %min3A_81, %dma_start3A_113] : memref<2x2560x128xi32, #tpu.memory_space<hbm>> -> memref<1x8x128xi32, #tpu.memory_space<hbm>>
    %dma_start3A_115 = tpu.memref_squeeze %dma_start3A_114 : memref<1x8x128xi32, #tpu.memory_space<hbm>> -> memref<8x128xi32, #tpu.memory_space<hbm>>
    tpu.enqueue_dma source(%dma_start3A_115 : memref<8x128xi32, #tpu.memory_space<hbm>>) target(%dma_start3A_112 : memref<8x128xi32, #tpu.memory_space<vmem>>) target_semaphore(%arg10 : memref<!tpu.dma_semaphore, #tpu.memory_space<semaphore_mem>>)
    %dma_start3A_116 = arith.constant 0 : i32
    %dma_start3A_117 = arith.constant 0 : i32
    %dma_start3A_118 = arith.constant 0 : i32
    %dma_start3A_119 = arith.constant 0 : i32
    %dma_start3A_120 = tpu.memref_slice %arg6[%dma_start3A_116, %dma_start3A_117, %dma_start3A_118, %dma_start3A_119] : memref<2x2x8x128xi32, #tpu.memory_space<vmem>> -> memref<1x1x1x128xi32, #tpu.memory_space<vmem>>
    %dma_start3A_121 = tpu.memref_squeeze %dma_start3A_120 : memref<1x1x1x128xi32, #tpu.memory_space<vmem>> -> memref<128xi32, #tpu.memory_space<vmem>>
    %dma_start3A_122 = arith.constant 0 : i32
    %dma_start3A_123 = arith.constant 0 : i32
    %dma_start3A_124 = tpu.memref_slice %arg2[%dma_start3A_122, %dma_start3A_123] : memref<10240x128xf32, #tpu.memory_space<hbm>> -> memref<10240x128xf32, #tpu.memory_space<hbm>>
    tpu.enqueue_indirect_dma source(%dma_start3A_124 : memref<10240x128xf32, #tpu.memory_space<hbm>>) target(%arg7 : memref<128x128xf32, #tpu.memory_space<vmem>>) offsets(%dma_start3A_121 : memref<128xi32, #tpu.memory_space<vmem>>) semaphore(%arg11 : memref<!tpu.dma_semaphore, #tpu.memory_space<semaphore_mem>>)
    %dma_start3A_125 = arith.constant 0 : i32
    %dma_start3A_126 = arith.constant 0 : i32
    %dma_start3A_127 = arith.constant 1 : i32
    %dma_start3A_128 = arith.constant 0 : i32
    %dma_start3A_129 = tpu.memref_slice %arg6[%dma_start3A_125, %dma_start3A_126, %dma_start3A_127, %dma_start3A_128] : memref<2x2x8x128xi32, #tpu.memory_space<vmem>> -> memref<1x1x1x128xi32, #tpu.memory_space<vmem>>
    %dma_start3A_130 = tpu.memref_squeeze %dma_start3A_129 : memref<1x1x1x128xi32, #tpu.memory_space<vmem>> -> memref<128xi32, #tpu.memory_space<vmem>>
    %dma_start3A_131 = arith.constant 0 : i32
    %dma_start3A_132 = arith.constant 0 : i32
    %dma_start3A_133 = tpu.memref_slice %arg2[%dma_start3A_131, %dma_start3A_132] : memref<10240x128xf32, #tpu.memory_space<hbm>> -> memref<10240x128xf32, #tpu.memory_space<hbm>>
    tpu.enqueue_indirect_dma source(%dma_start3A_133 : memref<10240x128xf32, #tpu.memory_space<hbm>>) target(%arg8 : memref<128x128xf32, #tpu.memory_space<vmem>>) offsets(%dma_start3A_130 : memref<128xi32, #tpu.memory_space<vmem>>) semaphore(%arg12 : memref<!tpu.dma_semaphore, #tpu.memory_space<semaphore_mem>>)
    %barrier3A = arith.constant 0 : index
    tpu.barrier barrier_id(%barrier3A)
    %scan3A = arith.constant 0 : i32
    %scan3A_134 = arith.constant 9 : i32
    %scan3A_135 = arith.addi %scan3A, %scan3A_134 : i32
    %scan3A_136 = arith.constant 1 : i32
    scf.for %scan3A_328 = %scan3A to %scan3A_135 step %scan3A_136  : i32 {
      %mul3A_329 = arith.constant 1 : i32
      %mul3A_330 = arith.muli %scan3A_328, %mul3A_329 : i32
      %add3A_331 = arith.constant 0 : i32
      %add3A_332 = arith.addi %add3A_331, %mul3A_330 : i32
      %jit3A = arith.constant 2 : i32
      %eq3A = arith.constant 0 : i32
      %eq3A_333 = arith.cmpi eq, %jit3A, %eq3A : i32
      %jit3A_334 = arith.constant 1 : i32
      %select_n3A = arith.select %eq3A_333, %jit3A_334, %jit3A : i32
      %rem3A = arith.remsi %add3A_332, %select_n3A : i32
      %ne3A = arith.constant 0 : i32
      %ne3A_335 = arith.cmpi ne, %rem3A, %ne3A : i32
      %lt3A = arith.constant 0 : i32
      %lt3A_336 = arith.cmpi slt, %rem3A, %lt3A : i32
      %lt3A_337 = arith.constant 0 : i32
      %lt3A_338 = arith.cmpi slt, %select_n3A, %lt3A_337 : i32
      %ne3A_339 = arith.xori %lt3A_336, %lt3A_338 : i1
      %and3A = arith.andi %ne3A_339, %ne3A_335 : i1
      %add3A_340 = arith.addi %rem3A, %select_n3A : i32
      %select_n3A_341 = arith.select %and3A, %add3A_340, %rem3A : i32
      %sub3A = arith.constant 1 : i32
      %sub3A_342 = arith.subi %sub3A, %select_n3A_341 : i32
      %dma_wait3A_343 = arith.constant 0 : i32
      %dma_wait3A_344 = arith.constant 0 : i32
      %dma_wait3A_345 = arith.constant 0 : i32
      %dma_wait3A_346 = arith.constant 0 : i32
      %dma_wait3A_347 = tpu.memref_slice %arg6[%dma_wait3A_343, %dma_wait3A_344, %dma_wait3A_345, %dma_wait3A_346] : memref<2x2x8x128xi32, #tpu.memory_space<vmem>> -> memref<1x1x1x128xi32, #tpu.memory_space<vmem>>
      %dma_wait3A_348 = tpu.memref_squeeze %dma_wait3A_347 : memref<1x1x1x128xi32, #tpu.memory_space<vmem>> -> memref<128xi32, #tpu.memory_space<vmem>>
      %dma_wait3A_349 = arith.constant 0 : i32
      %dma_wait3A_350 = arith.constant 0 : i32
      %dma_wait3A_351 = tpu.memref_slice %arg2[%dma_wait3A_349, %dma_wait3A_350] : memref<10240x128xf32, #tpu.memory_space<hbm>> -> memref<10240x128xf32, #tpu.memory_space<hbm>>
      tpu.wait_indirect_dma semaphore(%arg11 : memref<!tpu.dma_semaphore, #tpu.memory_space<semaphore_mem>>) src(%dma_wait3A_351 : memref<10240x128xf32, #tpu.memory_space<hbm>>) dst(%arg7 : memref<128x128xf32, #tpu.memory_space<vmem>>)
      %run_scoped3A_352 = arith.constant 1 : i32
      %run_scoped3A_353 = arith.constant 0 : i32
      "tpu.region"() ({
        %run_scoped3A_572 = tpu.sem_alloc : memref<!tpu.dma_semaphore, #tpu.memory_space<semaphore_mem>>
        %dma_start3A_573 = arith.constant 0 : i32
        %dma_start3A_574 = tpu.memref_slice %arg6[%select_n3A_341, %run_scoped3A_352, %run_scoped3A_353, %dma_start3A_573] : memref<2x2x8x128xi32, #tpu.memory_space<vmem>> -> memref<1x1x1x128xi32, #tpu.memory_space<vmem>>
        %dma_start3A_575 = tpu.memref_squeeze %dma_start3A_574 : memref<1x1x1x128xi32, #tpu.memory_space<vmem>> -> memref<128xi32, #tpu.memory_space<vmem>>
        %dma_start3A_576 = arith.constant 0 : i32
        %dma_start3A_577 = arith.constant 0 : i32
        %dma_start3A_578 = tpu.memref_slice %arg9[%dma_start3A_576, %dma_start3A_577] : memref<10240x128xf32, #tpu.memory_space<vmem_shared>> -> memref<10240x128xf32, #tpu.memory_space<vmem_shared>>
        tpu.enqueue_indirect_dma source(%arg7 : memref<128x128xf32, #tpu.memory_space<vmem>>) target(%dma_start3A_578 : memref<10240x128xf32, #tpu.memory_space<vmem_shared>>) offsets(%dma_start3A_575 : memref<128xi32, #tpu.memory_space<vmem>>) semaphore(%run_scoped3A_572 : memref<!tpu.dma_semaphore, #tpu.memory_space<semaphore_mem>>) {add = true}
        %dma_wait3A_579 = arith.constant 0 : i32
        %dma_wait3A_580 = tpu.memref_slice %arg6[%select_n3A_341, %run_scoped3A_352, %run_scoped3A_353, %dma_wait3A_579] : memref<2x2x8x128xi32, #tpu.memory_space<vmem>> -> memref<1x1x1x128xi32, #tpu.memory_space<vmem>>
        %dma_wait3A_581 = tpu.memref_squeeze %dma_wait3A_580 : memref<1x1x1x128xi32, #tpu.memory_space<vmem>> -> memref<128xi32, #tpu.memory_space<vmem>>
        %dma_wait3A_582 = arith.constant 0 : i32
        %dma_wait3A_583 = arith.constant 0 : i32
        %dma_wait3A_584 = tpu.memref_slice %arg9[%dma_wait3A_582, %dma_wait3A_583] : memref<10240x128xf32, #tpu.memory_space<vmem_shared>> -> memref<10240x128xf32, #tpu.memory_space<vmem_shared>>
        tpu.wait_indirect_dma semaphore(%run_scoped3A_572 : memref<!tpu.dma_semaphore, #tpu.memory_space<semaphore_mem>>) src(%arg7 : memref<128x128xf32, #tpu.memory_space<vmem>>) dst(%dma_wait3A_584 : memref<10240x128xf32, #tpu.memory_space<vmem_shared>>)
        tpu.yield
      }) : () -> ()
      %dma_start3A_354 = arith.constant 0 : i32
      %dma_start3A_355 = arith.constant 2 : i32
      %dma_start3A_356 = arith.constant 0 : i32
      %dma_start3A_357 = tpu.memref_slice %arg6[%select_n3A_341, %dma_start3A_354, %dma_start3A_355, %dma_start3A_356] : memref<2x2x8x128xi32, #tpu.memory_space<vmem>> -> memref<1x1x1x128xi32, #tpu.memory_space<vmem>>
      %dma_start3A_358 = tpu.memref_squeeze %dma_start3A_357 : memref<1x1x1x128xi32, #tpu.memory_space<vmem>> -> memref<128xi32, #tpu.memory_space<vmem>>
      %dma_start3A_359 = arith.constant 0 : i32
      %dma_start3A_360 = arith.constant 0 : i32
      %dma_start3A_361 = tpu.memref_slice %arg2[%dma_start3A_359, %dma_start3A_360] : memref<10240x128xf32, #tpu.memory_space<hbm>> -> memref<10240x128xf32, #tpu.memory_space<hbm>>
      tpu.enqueue_indirect_dma source(%dma_start3A_361 : memref<10240x128xf32, #tpu.memory_space<hbm>>) target(%arg7 : memref<128x128xf32, #tpu.memory_space<vmem>>) offsets(%dma_start3A_358 : memref<128xi32, #tpu.memory_space<vmem>>) semaphore(%arg11 : memref<!tpu.dma_semaphore, #tpu.memory_space<semaphore_mem>>)
      %dma_wait3A_362 = arith.constant 0 : i32
      %dma_wait3A_363 = arith.constant 0 : i32
      %dma_wait3A_364 = arith.constant 0 : i32
      %dma_wait3A_365 = arith.constant 0 : i32
      %dma_wait3A_366 = tpu.memref_slice %arg6[%dma_wait3A_362, %dma_wait3A_363, %dma_wait3A_364, %dma_wait3A_365] : memref<2x2x8x128xi32, #tpu.memory_space<vmem>> -> memref<1x1x1x128xi32, #tpu.memory_space<vmem>>
      %dma_wait3A_367 = tpu.memref_squeeze %dma_wait3A_366 : memref<1x1x1x128xi32, #tpu.memory_space<vmem>> -> memref<128xi32, #tpu.memory_space<vmem>>
      %dma_wait3A_368 = arith.constant 0 : i32
      %dma_wait3A_369 = arith.constant 0 : i32
      %dma_wait3A_370 = tpu.memref_slice %arg2[%dma_wait3A_368, %dma_wait3A_369] : memref<10240x128xf32, #tpu.memory_space<hbm>> -> memref<10240x128xf32, #tpu.memory_space<hbm>>
      tpu.wait_indirect_dma semaphore(%arg12 : memref<!tpu.dma_semaphore, #tpu.memory_space<semaphore_mem>>) src(%dma_wait3A_370 : memref<10240x128xf32, #tpu.memory_space<hbm>>) dst(%arg8 : memref<128x128xf32, #tpu.memory_space<vmem>>)
      %run_scoped3A_371 = arith.constant 1 : i32
      %run_scoped3A_372 = arith.constant 1 : i32
      "tpu.region"() ({
        %run_scoped3A_572 = tpu.sem_alloc : memref<!tpu.dma_semaphore, #tpu.memory_space<semaphore_mem>>
        %dma_start3A_573 = arith.constant 0 : i32
        %dma_start3A_574 = tpu.memref_slice %arg6[%select_n3A_341, %run_scoped3A_371, %run_scoped3A_372, %dma_start3A_573] : memref<2x2x8x128xi32, #tpu.memory_space<vmem>> -> memref<1x1x1x128xi32, #tpu.memory_space<vmem>>
        %dma_start3A_575 = tpu.memref_squeeze %dma_start3A_574 : memref<1x1x1x128xi32, #tpu.memory_space<vmem>> -> memref<128xi32, #tpu.memory_space<vmem>>
        %dma_start3A_576 = arith.constant 0 : i32
        %dma_start3A_577 = arith.constant 0 : i32
        %dma_start3A_578 = tpu.memref_slice %arg9[%dma_start3A_576, %dma_start3A_577] : memref<10240x128xf32, #tpu.memory_space<vmem_shared>> -> memref<10240x128xf32, #tpu.memory_space<vmem_shared>>
        tpu.enqueue_indirect_dma source(%arg8 : memref<128x128xf32, #tpu.memory_space<vmem>>) target(%dma_start3A_578 : memref<10240x128xf32, #tpu.memory_space<vmem_shared>>) offsets(%dma_start3A_575 : memref<128xi32, #tpu.memory_space<vmem>>) semaphore(%run_scoped3A_572 : memref<!tpu.dma_semaphore, #tpu.memory_space<semaphore_mem>>) {add = true}
        %dma_wait3A_579 = arith.constant 0 : i32
        %dma_wait3A_580 = tpu.memref_slice %arg6[%select_n3A_341, %run_scoped3A_371, %run_scoped3A_372, %dma_wait3A_579] : memref<2x2x8x128xi32, #tpu.memory_space<vmem>> -> memref<1x1x1x128xi32, #tpu.memory_space<vmem>>
        %dma_wait3A_581 = tpu.memref_squeeze %dma_wait3A_580 : memref<1x1x1x128xi32, #tpu.memory_space<vmem>> -> memref<128xi32, #tpu.memory_space<vmem>>
        %dma_wait3A_582 = arith.constant 0 : i32
        %dma_wait3A_583 = arith.constant 0 : i32
        %dma_wait3A_584 = tpu.memref_slice %arg9[%dma_wait3A_582, %dma_wait3A_583] : memref<10240x128xf32, #tpu.memory_space<vmem_shared>> -> memref<10240x128xf32, #tpu.memory_space<vmem_shared>>
        tpu.wait_indirect_dma semaphore(%run_scoped3A_572 : memref<!tpu.dma_semaphore, #tpu.memory_space<semaphore_mem>>) src(%arg8 : memref<128x128xf32, #tpu.memory_space<vmem>>) dst(%dma_wait3A_584 : memref<10240x128xf32, #tpu.memory_space<vmem_shared>>)
        tpu.yield
      }) : () -> ()
      %dma_start3A_373 = arith.constant 0 : i32
      %dma_start3A_374 = arith.constant 3 : i32
      %dma_start3A_375 = arith.constant 0 : i32
      %dma_start3A_376 = tpu.memref_slice %arg6[%select_n3A_341, %dma_start3A_373, %dma_start3A_374, %dma_start3A_375] : memref<2x2x8x128xi32, #tpu.memory_space<vmem>> -> memref<1x1x1x128xi32, #tpu.memory_space<vmem>>
      %dma_start3A_377 = tpu.memref_squeeze %dma_start3A_376 : memref<1x1x1x128xi32, #tpu.memory_space<vmem>> -> memref<128xi32, #tpu.memory_space<vmem>>
      %dma_start3A_378 = arith.constant 0 : i32
      %dma_start3A_379 = arith.constant 0 : i32
      %dma_start3A_380 = tpu.memref_slice %arg2[%dma_start3A_378, %dma_start3A_379] : memref<10240x128xf32, #tpu.memory_space<hbm>> -> memref<10240x128xf32, #tpu.memory_space<hbm>>
      tpu.enqueue_indirect_dma source(%dma_start3A_380 : memref<10240x128xf32, #tpu.memory_space<hbm>>) target(%arg8 : memref<128x128xf32, #tpu.memory_space<vmem>>) offsets(%dma_start3A_377 : memref<128xi32, #tpu.memory_space<vmem>>) semaphore(%arg12 : memref<!tpu.dma_semaphore, #tpu.memory_space<semaphore_mem>>)
      %dma_wait3A_381 = arith.constant 0 : i32
      %dma_wait3A_382 = arith.constant 0 : i32
      %dma_wait3A_383 = arith.constant 0 : i32
      %dma_wait3A_384 = arith.constant 0 : i32
      %dma_wait3A_385 = tpu.memref_slice %arg6[%dma_wait3A_381, %dma_wait3A_382, %dma_wait3A_383, %dma_wait3A_384] : memref<2x2x8x128xi32, #tpu.memory_space<vmem>> -> memref<1x1x1x128xi32, #tpu.memory_space<vmem>>
      %dma_wait3A_386 = tpu.memref_squeeze %dma_wait3A_385 : memref<1x1x1x128xi32, #tpu.memory_space<vmem>> -> memref<128xi32, #tpu.memory_space<vmem>>
      %dma_wait3A_387 = arith.constant 0 : i32
      %dma_wait3A_388 = arith.constant 0 : i32
      %dma_wait3A_389 = tpu.memref_slice %arg2[%dma_wait3A_387, %dma_wait3A_388] : memref<10240x128xf32, #tpu.memory_space<hbm>> -> memref<10240x128xf32, #tpu.memory_space<hbm>>
      tpu.wait_indirect_dma semaphore(%arg11 : memref<!tpu.dma_semaphore, #tpu.memory_space<semaphore_mem>>) src(%dma_wait3A_389 : memref<10240x128xf32, #tpu.memory_space<hbm>>) dst(%arg7 : memref<128x128xf32, #tpu.memory_space<vmem>>)
      %run_scoped3A_390 = arith.constant 1 : i32
      %run_scoped3A_391 = arith.constant 2 : i32
      "tpu.region"() ({
        %run_scoped3A_572 = tpu.sem_alloc : memref<!tpu.dma_semaphore, #tpu.memory_space<semaphore_mem>>
        %dma_start3A_573 = arith.constant 0 : i32
        %dma_start3A_574 = tpu.memref_slice %arg6[%select_n3A_341, %run_scoped3A_390, %run_scoped3A_391, %dma_start3A_573] : memref<2x2x8x128xi32, #tpu.memory_space<vmem>> -> memref<1x1x1x128xi32, #tpu.memory_space<vmem>>
        %dma_start3A_575 = tpu.memref_squeeze %dma_start3A_574 : memref<1x1x1x128xi32, #tpu.memory_space<vmem>> -> memref<128xi32, #tpu.memory_space<vmem>>
        %dma_start3A_576 = arith.constant 0 : i32
        %dma_start3A_577 = arith.constant 0 : i32
        %dma_start3A_578 = tpu.memref_slice %arg9[%dma_start3A_576, %dma_start3A_577] : memref<10240x128xf32, #tpu.memory_space<vmem_shared>> -> memref<10240x128xf32, #tpu.memory_space<vmem_shared>>
        tpu.enqueue_indirect_dma source(%arg7 : memref<128x128xf32, #tpu.memory_space<vmem>>) target(%dma_start3A_578 : memref<10240x128xf32, #tpu.memory_space<vmem_shared>>) offsets(%dma_start3A_575 : memref<128xi32, #tpu.memory_space<vmem>>) semaphore(%run_scoped3A_572 : memref<!tpu.dma_semaphore, #tpu.memory_space<semaphore_mem>>) {add = true}
        %dma_wait3A_579 = arith.constant 0 : i32
        %dma_wait3A_580 = tpu.memref_slice %arg6[%select_n3A_341, %run_scoped3A_390, %run_scoped3A_391, %dma_wait3A_579] : memref<2x2x8x128xi32, #tpu.memory_space<vmem>> -> memref<1x1x1x128xi32, #tpu.memory_space<vmem>>
        %dma_wait3A_581 = tpu.memref_squeeze %dma_wait3A_580 : memref<1x1x1x128xi32, #tpu.memory_space<vmem>> -> memref<128xi32, #tpu.memory_space<vmem>>
        %dma_wait3A_582 = arith.constant 0 : i32
        %dma_wait3A_583 = arith.constant 0 : i32
        %dma_wait3A_584 = tpu.memref_slice %arg9[%dma_wait3A_582, %dma_wait3A_583] : memref<10240x128xf32, #tpu.memory_space<vmem_shared>> -> memref<10240x128xf32, #tpu.memory_space<vmem_shared>>
        tpu.wait_indirect_dma semaphore(%run_scoped3A_572 : memref<!tpu.dma_semaphore, #tpu.memory_space<semaphore_mem>>) src(%arg7 : memref<128x128xf32, #tpu.memory_space<vmem>>) dst(%dma_wait3A_584 : memref<10240x128xf32, #tpu.memory_space<vmem_shared>>)
        tpu.yield
      }) : () -> ()
      %dma_start3A_392 = arith.constant 0 : i32
      %dma_start3A_393 = arith.constant 4 : i32
      %dma_start3A_394 = arith.constant 0 : i32
      %dma_start3A_395 = tpu.memref_slice %arg6[%select_n3A_341, %dma_start3A_392, %dma_start3A_393, %dma_start3A_394] : memref<2x2x8x128xi32, #tpu.memory_space<vmem>> -> memref<1x1x1x128xi32, #tpu.memory_space<vmem>>
      %dma_start3A_396 = tpu.memref_squeeze %dma_start3A_395 : memref<1x1x1x128xi32, #tpu.memory_space<vmem>> -> memref<128xi32, #tpu.memory_space<vmem>>
      %dma_start3A_397 = arith.constant 0 : i32
      %dma_start3A_398 = arith.constant 0 : i32
      %dma_start3A_399 = tpu.memref_slice %arg2[%dma_start3A_397, %dma_start3A_398] : memref<10240x128xf32, #tpu.memory_space<hbm>> -> memref<10240x128xf32, #tpu.memory_space<hbm>>
      tpu.enqueue_indirect_dma source(%dma_start3A_399 : memref<10240x128xf32, #tpu.memory_space<hbm>>) target(%arg7 : memref<128x128xf32, #tpu.memory_space<vmem>>) offsets(%dma_start3A_396 : memref<128xi32, #tpu.memory_space<vmem>>) semaphore(%arg11 : memref<!tpu.dma_semaphore, #tpu.memory_space<semaphore_mem>>)
      %dma_wait3A_400 = arith.constant 0 : i32
      %dma_wait3A_401 = arith.constant 0 : i32
      %dma_wait3A_402 = arith.constant 0 : i32
      %dma_wait3A_403 = arith.constant 0 : i32
      %dma_wait3A_404 = tpu.memref_slice %arg6[%dma_wait3A_400, %dma_wait3A_401, %dma_wait3A_402, %dma_wait3A_403] : memref<2x2x8x128xi32, #tpu.memory_space<vmem>> -> memref<1x1x1x128xi32, #tpu.memory_space<vmem>>
      %dma_wait3A_405 = tpu.memref_squeeze %dma_wait3A_404 : memref<1x1x1x128xi32, #tpu.memory_space<vmem>> -> memref<128xi32, #tpu.memory_space<vmem>>
      %dma_wait3A_406 = arith.constant 0 : i32
      %dma_wait3A_407 = arith.constant 0 : i32
      %dma_wait3A_408 = tpu.memref_slice %arg2[%dma_wait3A_406, %dma_wait3A_407] : memref<10240x128xf32, #tpu.memory_space<hbm>> -> memref<10240x128xf32, #tpu.memory_space<hbm>>
      tpu.wait_indirect_dma semaphore(%arg12 : memref<!tpu.dma_semaphore, #tpu.memory_space<semaphore_mem>>) src(%dma_wait3A_408 : memref<10240x128xf32, #tpu.memory_space<hbm>>) dst(%arg8 : memref<128x128xf32, #tpu.memory_space<vmem>>)
      %run_scoped3A_409 = arith.constant 1 : i32
      %run_scoped3A_410 = arith.constant 3 : i32
      "tpu.region"() ({
        %run_scoped3A_572 = tpu.sem_alloc : memref<!tpu.dma_semaphore, #tpu.memory_space<semaphore_mem>>
        %dma_start3A_573 = arith.constant 0 : i32
        %dma_start3A_574 = tpu.memref_slice %arg6[%select_n3A_341, %run_scoped3A_409, %run_scoped3A_410, %dma_start3A_573] : memref<2x2x8x128xi32, #tpu.memory_space<vmem>> -> memref<1x1x1x128xi32, #tpu.memory_space<vmem>>
        %dma_start3A_575 = tpu.memref_squeeze %dma_start3A_574 : memref<1x1x1x128xi32, #tpu.memory_space<vmem>> -> memref<128xi32, #tpu.memory_space<vmem>>
        %dma_start3A_576 = arith.constant 0 : i32
        %dma_start3A_577 = arith.constant 0 : i32
        %dma_start3A_578 = tpu.memref_slice %arg9[%dma_start3A_576, %dma_start3A_577] : memref<10240x128xf32, #tpu.memory_space<vmem_shared>> -> memref<10240x128xf32, #tpu.memory_space<vmem_shared>>
        tpu.enqueue_indirect_dma source(%arg8 : memref<128x128xf32, #tpu.memory_space<vmem>>) target(%dma_start3A_578 : memref<10240x128xf32, #tpu.memory_space<vmem_shared>>) offsets(%dma_start3A_575 : memref<128xi32, #tpu.memory_space<vmem>>) semaphore(%run_scoped3A_572 : memref<!tpu.dma_semaphore, #tpu.memory_space<semaphore_mem>>) {add = true}
        %dma_wait3A_579 = arith.constant 0 : i32
        %dma_wait3A_580 = tpu.memref_slice %arg6[%select_n3A_341, %run_scoped3A_409, %run_scoped3A_410, %dma_wait3A_579] : memref<2x2x8x128xi32, #tpu.memory_space<vmem>> -> memref<1x1x1x128xi32, #tpu.memory_space<vmem>>
        %dma_wait3A_581 = tpu.memref_squeeze %dma_wait3A_580 : memref<1x1x1x128xi32, #tpu.memory_space<vmem>> -> memref<128xi32, #tpu.memory_space<vmem>>
        %dma_wait3A_582 = arith.constant 0 : i32
        %dma_wait3A_583 = arith.constant 0 : i32
        %dma_wait3A_584 = tpu.memref_slice %arg9[%dma_wait3A_582, %dma_wait3A_583] : memref<10240x128xf32, #tpu.memory_space<vmem_shared>> -> memref<10240x128xf32, #tpu.memory_space<vmem_shared>>
        tpu.wait_indirect_dma semaphore(%run_scoped3A_572 : memref<!tpu.dma_semaphore, #tpu.memory_space<semaphore_mem>>) src(%arg8 : memref<128x128xf32, #tpu.memory_space<vmem>>) dst(%dma_wait3A_584 : memref<10240x128xf32, #tpu.memory_space<vmem_shared>>)
        tpu.yield
      }) : () -> ()
      %dma_start3A_411 = arith.constant 0 : i32
      %dma_start3A_412 = arith.constant 5 : i32
      %dma_start3A_413 = arith.constant 0 : i32
      %dma_start3A_414 = tpu.memref_slice %arg6[%select_n3A_341, %dma_start3A_411, %dma_start3A_412, %dma_start3A_413] : memref<2x2x8x128xi32, #tpu.memory_space<vmem>> -> memref<1x1x1x128xi32, #tpu.memory_space<vmem>>
      %dma_start3A_415 = tpu.memref_squeeze %dma_start3A_414 : memref<1x1x1x128xi32, #tpu.memory_space<vmem>> -> memref<128xi32, #tpu.memory_space<vmem>>
      %dma_start3A_416 = arith.constant 0 : i32
      %dma_start3A_417 = arith.constant 0 : i32
      %dma_start3A_418 = tpu.memref_slice %arg2[%dma_start3A_416, %dma_start3A_417] : memref<10240x128xf32, #tpu.memory_space<hbm>> -> memref<10240x128xf32, #tpu.memory_space<hbm>>
      tpu.enqueue_indirect_dma source(%dma_start3A_418 : memref<10240x128xf32, #tpu.memory_space<hbm>>) target(%arg8 : memref<128x128xf32, #tpu.memory_space<vmem>>) offsets(%dma_start3A_415 : memref<128xi32, #tpu.memory_space<vmem>>) semaphore(%arg12 : memref<!tpu.dma_semaphore, #tpu.memory_space<semaphore_mem>>)
      %dma_wait3A_419 = arith.constant 0 : i32
      %dma_wait3A_420 = arith.constant 0 : i32
      %dma_wait3A_421 = arith.constant 0 : i32
      %dma_wait3A_422 = arith.constant 0 : i32
      %dma_wait3A_423 = tpu.memref_slice %arg6[%dma_wait3A_419, %dma_wait3A_420, %dma_wait3A_421, %dma_wait3A_422] : memref<2x2x8x128xi32, #tpu.memory_space<vmem>> -> memref<1x1x1x128xi32, #tpu.memory_space<vmem>>
      %dma_wait3A_424 = tpu.memref_squeeze %dma_wait3A_423 : memref<1x1x1x128xi32, #tpu.memory_space<vmem>> -> memref<128xi32, #tpu.memory_space<vmem>>
      %dma_wait3A_425 = arith.constant 0 : i32
      %dma_wait3A_426 = arith.constant 0 : i32
      %dma_wait3A_427 = tpu.memref_slice %arg2[%dma_wait3A_425, %dma_wait3A_426] : memref<10240x128xf32, #tpu.memory_space<hbm>> -> memref<10240x128xf32, #tpu.memory_space<hbm>>
      tpu.wait_indirect_dma semaphore(%arg11 : memref<!tpu.dma_semaphore, #tpu.memory_space<semaphore_mem>>) src(%dma_wait3A_427 : memref<10240x128xf32, #tpu.memory_space<hbm>>) dst(%arg7 : memref<128x128xf32, #tpu.memory_space<vmem>>)
      %run_scoped3A_428 = arith.constant 1 : i32
      %run_scoped3A_429 = arith.constant 4 : i32
      "tpu.region"() ({
        %run_scoped3A_572 = tpu.sem_alloc : memref<!tpu.dma_semaphore, #tpu.memory_space<semaphore_mem>>
        %dma_start3A_573 = arith.constant 0 : i32
        %dma_start3A_574 = tpu.memref_slice %arg6[%select_n3A_341, %run_scoped3A_428, %run_scoped3A_429, %dma_start3A_573] : memref<2x2x8x128xi32, #tpu.memory_space<vmem>> -> memref<1x1x1x128xi32, #tpu.memory_space<vmem>>
        %dma_start3A_575 = tpu.memref_squeeze %dma_start3A_574 : memref<1x1x1x128xi32, #tpu.memory_space<vmem>> -> memref<128xi32, #tpu.memory_space<vmem>>
        %dma_start3A_576 = arith.constant 0 : i32
        %dma_start3A_577 = arith.constant 0 : i32
        %dma_start3A_578 = tpu.memref_slice %arg9[%dma_start3A_576, %dma_start3A_577] : memref<10240x128xf32, #tpu.memory_space<vmem_shared>> -> memref<10240x128xf32, #tpu.memory_space<vmem_shared>>
        tpu.enqueue_indirect_dma source(%arg7 : memref<128x128xf32, #tpu.memory_space<vmem>>) target(%dma_start3A_578 : memref<10240x128xf32, #tpu.memory_space<vmem_shared>>) offsets(%dma_start3A_575 : memref<128xi32, #tpu.memory_space<vmem>>) semaphore(%run_scoped3A_572 : memref<!tpu.dma_semaphore, #tpu.memory_space<semaphore_mem>>) {add = true}
        %dma_wait3A_579 = arith.constant 0 : i32
        %dma_wait3A_580 = tpu.memref_slice %arg6[%select_n3A_341, %run_scoped3A_428, %run_scoped3A_429, %dma_wait3A_579] : memref<2x2x8x128xi32, #tpu.memory_space<vmem>> -> memref<1x1x1x128xi32, #tpu.memory_space<vmem>>
        %dma_wait3A_581 = tpu.memref_squeeze %dma_wait3A_580 : memref<1x1x1x128xi32, #tpu.memory_space<vmem>> -> memref<128xi32, #tpu.memory_space<vmem>>
        %dma_wait3A_582 = arith.constant 0 : i32
        %dma_wait3A_583 = arith.constant 0 : i32
        %dma_wait3A_584 = tpu.memref_slice %arg9[%dma_wait3A_582, %dma_wait3A_583] : memref<10240x128xf32, #tpu.memory_space<vmem_shared>> -> memref<10240x128xf32, #tpu.memory_space<vmem_shared>>
        tpu.wait_indirect_dma semaphore(%run_scoped3A_572 : memref<!tpu.dma_semaphore, #tpu.memory_space<semaphore_mem>>) src(%arg7 : memref<128x128xf32, #tpu.memory_space<vmem>>) dst(%dma_wait3A_584 : memref<10240x128xf32, #tpu.memory_space<vmem_shared>>)
        tpu.yield
      }) : () -> ()
      %dma_start3A_430 = arith.constant 0 : i32
      %dma_start3A_431 = arith.constant 6 : i32
      %dma_start3A_432 = arith.constant 0 : i32
      %dma_start3A_433 = tpu.memref_slice %arg6[%select_n3A_341, %dma_start3A_430, %dma_start3A_431, %dma_start3A_432] : memref<2x2x8x128xi32, #tpu.memory_space<vmem>> -> memref<1x1x1x128xi32, #tpu.memory_space<vmem>>
      %dma_start3A_434 = tpu.memref_squeeze %dma_start3A_433 : memref<1x1x1x128xi32, #tpu.memory_space<vmem>> -> memref<128xi32, #tpu.memory_space<vmem>>
      %dma_start3A_435 = arith.constant 0 : i32
      %dma_start3A_436 = arith.constant 0 : i32
      %dma_start3A_437 = tpu.memref_slice %arg2[%dma_start3A_435, %dma_start3A_436] : memref<10240x128xf32, #tpu.memory_space<hbm>> -> memref<10240x128xf32, #tpu.memory_space<hbm>>
      tpu.enqueue_indirect_dma source(%dma_start3A_437 : memref<10240x128xf32, #tpu.memory_space<hbm>>) target(%arg7 : memref<128x128xf32, #tpu.memory_space<vmem>>) offsets(%dma_start3A_434 : memref<128xi32, #tpu.memory_space<vmem>>) semaphore(%arg11 : memref<!tpu.dma_semaphore, #tpu.memory_space<semaphore_mem>>)
      %dma_wait3A_438 = arith.constant 0 : i32
      %dma_wait3A_439 = arith.constant 0 : i32
      %dma_wait3A_440 = arith.constant 0 : i32
      %dma_wait3A_441 = arith.constant 0 : i32
      %dma_wait3A_442 = tpu.memref_slice %arg6[%dma_wait3A_438, %dma_wait3A_439, %dma_wait3A_440, %dma_wait3A_441] : memref<2x2x8x128xi32, #tpu.memory_space<vmem>> -> memref<1x1x1x128xi32, #tpu.memory_space<vmem>>
      %dma_wait3A_443 = tpu.memref_squeeze %dma_wait3A_442 : memref<1x1x1x128xi32, #tpu.memory_space<vmem>> -> memref<128xi32, #tpu.memory_space<vmem>>
      %dma_wait3A_444 = arith.constant 0 : i32
      %dma_wait3A_445 = arith.constant 0 : i32
      %dma_wait3A_446 = tpu.memref_slice %arg2[%dma_wait3A_444, %dma_wait3A_445] : memref<10240x128xf32, #tpu.memory_space<hbm>> -> memref<10240x128xf32, #tpu.memory_space<hbm>>
      tpu.wait_indirect_dma semaphore(%arg12 : memref<!tpu.dma_semaphore, #tpu.memory_space<semaphore_mem>>) src(%dma_wait3A_446 : memref<10240x128xf32, #tpu.memory_space<hbm>>) dst(%arg8 : memref<128x128xf32, #tpu.memory_space<vmem>>)
      %run_scoped3A_447 = arith.constant 1 : i32
      %run_scoped3A_448 = arith.constant 5 : i32
      "tpu.region"() ({
        %run_scoped3A_572 = tpu.sem_alloc : memref<!tpu.dma_semaphore, #tpu.memory_space<semaphore_mem>>
        %dma_start3A_573 = arith.constant 0 : i32
        %dma_start3A_574 = tpu.memref_slice %arg6[%select_n3A_341, %run_scoped3A_447, %run_scoped3A_448, %dma_start3A_573] : memref<2x2x8x128xi32, #tpu.memory_space<vmem>> -> memref<1x1x1x128xi32, #tpu.memory_space<vmem>>
        %dma_start3A_575 = tpu.memref_squeeze %dma_start3A_574 : memref<1x1x1x128xi32, #tpu.memory_space<vmem>> -> memref<128xi32, #tpu.memory_space<vmem>>
        %dma_start3A_576 = arith.constant 0 : i32
        %dma_start3A_577 = arith.constant 0 : i32
        %dma_start3A_578 = tpu.memref_slice %arg9[%dma_start3A_576, %dma_start3A_577] : memref<10240x128xf32, #tpu.memory_space<vmem_shared>> -> memref<10240x128xf32, #tpu.memory_space<vmem_shared>>
        tpu.enqueue_indirect_dma source(%arg8 : memref<128x128xf32, #tpu.memory_space<vmem>>) target(%dma_start3A_578 : memref<10240x128xf32, #tpu.memory_space<vmem_shared>>) offsets(%dma_start3A_575 : memref<128xi32, #tpu.memory_space<vmem>>) semaphore(%run_scoped3A_572 : memref<!tpu.dma_semaphore, #tpu.memory_space<semaphore_mem>>) {add = true}
        %dma_wait3A_579 = arith.constant 0 : i32
        %dma_wait3A_580 = tpu.memref_slice %arg6[%select_n3A_341, %run_scoped3A_447, %run_scoped3A_448, %dma_wait3A_579] : memref<2x2x8x128xi32, #tpu.memory_space<vmem>> -> memref<1x1x1x128xi32, #tpu.memory_space<vmem>>
        %dma_wait3A_581 = tpu.memref_squeeze %dma_wait3A_580 : memref<1x1x1x128xi32, #tpu.memory_space<vmem>> -> memref<128xi32, #tpu.memory_space<vmem>>
        %dma_wait3A_582 = arith.constant 0 : i32
        %dma_wait3A_583 = arith.constant 0 : i32
        %dma_wait3A_584 = tpu.memref_slice %arg9[%dma_wait3A_582, %dma_wait3A_583] : memref<10240x128xf32, #tpu.memory_space<vmem_shared>> -> memref<10240x128xf32, #tpu.memory_space<vmem_shared>>
        tpu.wait_indirect_dma semaphore(%run_scoped3A_572 : memref<!tpu.dma_semaphore, #tpu.memory_space<semaphore_mem>>) src(%arg8 : memref<128x128xf32, #tpu.memory_space<vmem>>) dst(%dma_wait3A_584 : memref<10240x128xf32, #tpu.memory_space<vmem_shared>>)
        tpu.yield
      }) : () -> ()
      %dma_start3A_449 = arith.constant 0 : i32
      %dma_start3A_450 = arith.constant 7 : i32
      %dma_start3A_451 = arith.constant 0 : i32
      %dma_start3A_452 = tpu.memref_slice %arg6[%select_n3A_341, %dma_start3A_449, %dma_start3A_450, %dma_start3A_451] : memref<2x2x8x128xi32, #tpu.memory_space<vmem>> -> memref<1x1x1x128xi32, #tpu.memory_space<vmem>>
      %dma_start3A_453 = tpu.memref_squeeze %dma_start3A_452 : memref<1x1x1x128xi32, #tpu.memory_space<vmem>> -> memref<128xi32, #tpu.memory_space<vmem>>
      %dma_start3A_454 = arith.constant 0 : i32
      %dma_start3A_455 = arith.constant 0 : i32
      %dma_start3A_456 = tpu.memref_slice %arg2[%dma_start3A_454, %dma_start3A_455] : memref<10240x128xf32, #tpu.memory_space<hbm>> -> memref<10240x128xf32, #tpu.memory_space<hbm>>
      tpu.enqueue_indirect_dma source(%dma_start3A_456 : memref<10240x128xf32, #tpu.memory_space<hbm>>) target(%arg8 : memref<128x128xf32, #tpu.memory_space<vmem>>) offsets(%dma_start3A_453 : memref<128xi32, #tpu.memory_space<vmem>>) semaphore(%arg12 : memref<!tpu.dma_semaphore, #tpu.memory_space<semaphore_mem>>)
      %dma_wait3A_457 = arith.constant 0 : i32
      %dma_wait3A_458 = arith.constant 0 : i32
      %dma_wait3A_459 = arith.constant 0 : i32
      %dma_wait3A_460 = arith.constant 0 : i32
      %dma_wait3A_461 = tpu.memref_slice %arg6[%dma_wait3A_457, %dma_wait3A_458, %dma_wait3A_459, %dma_wait3A_460] : memref<2x2x8x128xi32, #tpu.memory_space<vmem>> -> memref<1x1x1x128xi32, #tpu.memory_space<vmem>>
      %dma_wait3A_462 = tpu.memref_squeeze %dma_wait3A_461 : memref<1x1x1x128xi32, #tpu.memory_space<vmem>> -> memref<128xi32, #tpu.memory_space<vmem>>
      %dma_wait3A_463 = arith.constant 0 : i32
      %dma_wait3A_464 = arith.constant 0 : i32
      %dma_wait3A_465 = tpu.memref_slice %arg2[%dma_wait3A_463, %dma_wait3A_464] : memref<10240x128xf32, #tpu.memory_space<hbm>> -> memref<10240x128xf32, #tpu.memory_space<hbm>>
      tpu.wait_indirect_dma semaphore(%arg11 : memref<!tpu.dma_semaphore, #tpu.memory_space<semaphore_mem>>) src(%dma_wait3A_465 : memref<10240x128xf32, #tpu.memory_space<hbm>>) dst(%arg7 : memref<128x128xf32, #tpu.memory_space<vmem>>)
      %run_scoped3A_466 = arith.constant 1 : i32
      %run_scoped3A_467 = arith.constant 6 : i32
      "tpu.region"() ({
        %run_scoped3A_572 = tpu.sem_alloc : memref<!tpu.dma_semaphore, #tpu.memory_space<semaphore_mem>>
        %dma_start3A_573 = arith.constant 0 : i32
        %dma_start3A_574 = tpu.memref_slice %arg6[%select_n3A_341, %run_scoped3A_466, %run_scoped3A_467, %dma_start3A_573] : memref<2x2x8x128xi32, #tpu.memory_space<vmem>> -> memref<1x1x1x128xi32, #tpu.memory_space<vmem>>
        %dma_start3A_575 = tpu.memref_squeeze %dma_start3A_574 : memref<1x1x1x128xi32, #tpu.memory_space<vmem>> -> memref<128xi32, #tpu.memory_space<vmem>>
        %dma_start3A_576 = arith.constant 0 : i32
        %dma_start3A_577 = arith.constant 0 : i32
        %dma_start3A_578 = tpu.memref_slice %arg9[%dma_start3A_576, %dma_start3A_577] : memref<10240x128xf32, #tpu.memory_space<vmem_shared>> -> memref<10240x128xf32, #tpu.memory_space<vmem_shared>>
        tpu.enqueue_indirect_dma source(%arg7 : memref<128x128xf32, #tpu.memory_space<vmem>>) target(%dma_start3A_578 : memref<10240x128xf32, #tpu.memory_space<vmem_shared>>) offsets(%dma_start3A_575 : memref<128xi32, #tpu.memory_space<vmem>>) semaphore(%run_scoped3A_572 : memref<!tpu.dma_semaphore, #tpu.memory_space<semaphore_mem>>) {add = true}
        %dma_wait3A_579 = arith.constant 0 : i32
        %dma_wait3A_580 = tpu.memref_slice %arg6[%select_n3A_341, %run_scoped3A_466, %run_scoped3A_467, %dma_wait3A_579] : memref<2x2x8x128xi32, #tpu.memory_space<vmem>> -> memref<1x1x1x128xi32, #tpu.memory_space<vmem>>
        %dma_wait3A_581 = tpu.memref_squeeze %dma_wait3A_580 : memref<1x1x1x128xi32, #tpu.memory_space<vmem>> -> memref<128xi32, #tpu.memory_space<vmem>>
        %dma_wait3A_582 = arith.constant 0 : i32
        %dma_wait3A_583 = arith.constant 0 : i32
        %dma_wait3A_584 = tpu.memref_slice %arg9[%dma_wait3A_582, %dma_wait3A_583] : memref<10240x128xf32, #tpu.memory_space<vmem_shared>> -> memref<10240x128xf32, #tpu.memory_space<vmem_shared>>
        tpu.wait_indirect_dma semaphore(%run_scoped3A_572 : memref<!tpu.dma_semaphore, #tpu.memory_space<semaphore_mem>>) src(%arg7 : memref<128x128xf32, #tpu.memory_space<vmem>>) dst(%dma_wait3A_584 : memref<10240x128xf32, #tpu.memory_space<vmem_shared>>)
        tpu.yield
      }) : () -> ()
      %dma_wait3A_468 = arith.constant 0 : i32
      %dma_wait3A_469 = arith.constant 0 : i32
      %dma_wait3A_470 = arith.constant 0 : i32
      %dma_wait3A_471 = arith.constant 0 : i32
      %dma_wait3A_472 = arith.constant 0 : i32
      %dma_wait3A_473 = tpu.memref_slice %arg6[%dma_wait3A_469, %dma_wait3A_470, %dma_wait3A_471, %dma_wait3A_472] : memref<2x2x8x128xi32, #tpu.memory_space<vmem>> -> memref<1x1x8x128xi32, #tpu.memory_space<vmem>>
      %dma_wait3A_474 = tpu.memref_squeeze %dma_wait3A_473 : memref<1x1x8x128xi32, #tpu.memory_space<vmem>> -> memref<8x128xi32, #tpu.memory_space<vmem>>
      %dma_wait3A_475 = arith.constant 0 : i32
      %dma_wait3A_476 = arith.constant 0 : i32
      %dma_wait3A_477 = tpu.memref_slice %arg3[%dma_wait3A_468, %dma_wait3A_475, %dma_wait3A_476] : memref<2x2560x128xi32, #tpu.memory_space<hbm>> -> memref<1x8x128xi32, #tpu.memory_space<hbm>>
      %dma_wait3A_478 = tpu.memref_squeeze %dma_wait3A_477 : memref<1x8x128xi32, #tpu.memory_space<hbm>> -> memref<8x128xi32, #tpu.memory_space<hbm>>
      %dma_wait3A_479 = arith.constant 0 : i32
      %dma_wait3A_480 = arith.constant 0 : i32
      %dma_wait3A_481 = tpu.memref_slice %arg6[%dma_wait3A_469, %dma_wait3A_470, %dma_wait3A_479, %dma_wait3A_480] : memref<2x2x8x128xi32, #tpu.memory_space<vmem>> -> memref<1x1x8x128xi32, #tpu.memory_space<vmem>>
      %dma_wait3A_482 = tpu.memref_squeeze %dma_wait3A_481 : memref<1x1x8x128xi32, #tpu.memory_space<vmem>> -> memref<8x128xi32, #tpu.memory_space<vmem>>
      %dma_wait3A_483 = arith.constant 0 : i32
      %dma_wait3A_484 = arith.constant 0 : i32
      %dma_wait3A_485 = tpu.memref_slice %arg3[%dma_wait3A_468, %dma_wait3A_483, %dma_wait3A_484] : memref<2x2560x128xi32, #tpu.memory_space<hbm>> -> memref<1x8x128xi32, #tpu.memory_space<hbm>>
      %dma_wait3A_486 = tpu.memref_squeeze %dma_wait3A_485 : memref<1x8x128xi32, #tpu.memory_space<hbm>> -> memref<8x128xi32, #tpu.memory_space<hbm>>
      tpu.wait_dma2 semaphore(%arg10 : memref<!tpu.dma_semaphore, #tpu.memory_space<semaphore_mem>>) src(%dma_wait3A_486 : memref<8x128xi32, #tpu.memory_space<hbm>>) dst(%dma_wait3A_482 : memref<8x128xi32, #tpu.memory_space<vmem>>)
      %dma_wait3A_487 = arith.constant 0 : i32
      %dma_wait3A_488 = arith.constant 0 : i32
      %dma_wait3A_489 = arith.constant 0 : i32
      %dma_wait3A_490 = arith.constant 0 : i32
      %dma_wait3A_491 = arith.constant 0 : i32
      %dma_wait3A_492 = tpu.memref_slice %arg6[%dma_wait3A_488, %dma_wait3A_489, %dma_wait3A_490, %dma_wait3A_491] : memref<2x2x8x128xi32, #tpu.memory_space<vmem>> -> memref<1x1x8x128xi32, #tpu.memory_space<vmem>>
      %dma_wait3A_493 = tpu.memref_squeeze %dma_wait3A_492 : memref<1x1x8x128xi32, #tpu.memory_space<vmem>> -> memref<8x128xi32, #tpu.memory_space<vmem>>
      %dma_wait3A_494 = arith.constant 0 : i32
      %dma_wait3A_495 = arith.constant 0 : i32
      %dma_wait3A_496 = tpu.memref_slice %arg3[%dma_wait3A_487, %dma_wait3A_494, %dma_wait3A_495] : memref<2x2560x128xi32, #tpu.memory_space<hbm>> -> memref<1x8x128xi32, #tpu.memory_space<hbm>>
      %dma_wait3A_497 = tpu.memref_squeeze %dma_wait3A_496 : memref<1x8x128xi32, #tpu.memory_space<hbm>> -> memref<8x128xi32, #tpu.memory_space<hbm>>
      %dma_wait3A_498 = arith.constant 0 : i32
      %dma_wait3A_499 = arith.constant 0 : i32
      %dma_wait3A_500 = tpu.memref_slice %arg6[%dma_wait3A_488, %dma_wait3A_489, %dma_wait3A_498, %dma_wait3A_499] : memref<2x2x8x128xi32, #tpu.memory_space<vmem>> -> memref<1x1x8x128xi32, #tpu.memory_space<vmem>>
      %dma_wait3A_501 = tpu.memref_squeeze %dma_wait3A_500 : memref<1x1x8x128xi32, #tpu.memory_space<vmem>> -> memref<8x128xi32, #tpu.memory_space<vmem>>
      %dma_wait3A_502 = arith.constant 0 : i32
      %dma_wait3A_503 = arith.constant 0 : i32
      %dma_wait3A_504 = tpu.memref_slice %arg3[%dma_wait3A_487, %dma_wait3A_502, %dma_wait3A_503] : memref<2x2560x128xi32, #tpu.memory_space<hbm>> -> memref<1x8x128xi32, #tpu.memory_space<hbm>>
      %dma_wait3A_505 = tpu.memref_squeeze %dma_wait3A_504 : memref<1x8x128xi32, #tpu.memory_space<hbm>> -> memref<8x128xi32, #tpu.memory_space<hbm>>
      tpu.wait_dma2 semaphore(%arg10 : memref<!tpu.dma_semaphore, #tpu.memory_space<semaphore_mem>>) src(%dma_wait3A_505 : memref<8x128xi32, #tpu.memory_space<hbm>>) dst(%dma_wait3A_501 : memref<8x128xi32, #tpu.memory_space<vmem>>)
      %dma_start3A_506 = arith.constant 0 : i32
      %dma_start3A_507 = arith.constant 0 : i32
      %dma_start3A_508 = arith.constant 0 : i32
      %dma_start3A_509 = tpu.memref_slice %arg6[%sub3A_342, %dma_start3A_506, %dma_start3A_507, %dma_start3A_508] : memref<2x2x8x128xi32, #tpu.memory_space<vmem>> -> memref<1x1x1x128xi32, #tpu.memory_space<vmem>>
      %dma_start3A_510 = tpu.memref_squeeze %dma_start3A_509 : memref<1x1x1x128xi32, #tpu.memory_space<vmem>> -> memref<128xi32, #tpu.memory_space<vmem>>
      %dma_start3A_511 = arith.constant 0 : i32
      %dma_start3A_512 = arith.constant 0 : i32
      %dma_start3A_513 = tpu.memref_slice %arg2[%dma_start3A_511, %dma_start3A_512] : memref<10240x128xf32, #tpu.memory_space<hbm>> -> memref<10240x128xf32, #tpu.memory_space<hbm>>
      tpu.enqueue_indirect_dma source(%dma_start3A_513 : memref<10240x128xf32, #tpu.memory_space<hbm>>) target(%arg7 : memref<128x128xf32, #tpu.memory_space<vmem>>) offsets(%dma_start3A_510 : memref<128xi32, #tpu.memory_space<vmem>>) semaphore(%arg11 : memref<!tpu.dma_semaphore, #tpu.memory_space<semaphore_mem>>)
      %dma_wait3A_514 = arith.constant 0 : i32
      %dma_wait3A_515 = arith.constant 0 : i32
      %dma_wait3A_516 = arith.constant 0 : i32
      %dma_wait3A_517 = arith.constant 0 : i32
      %dma_wait3A_518 = tpu.memref_slice %arg6[%dma_wait3A_514, %dma_wait3A_515, %dma_wait3A_516, %dma_wait3A_517] : memref<2x2x8x128xi32, #tpu.memory_space<vmem>> -> memref<1x1x1x128xi32, #tpu.memory_space<vmem>>
      %dma_wait3A_519 = tpu.memref_squeeze %dma_wait3A_518 : memref<1x1x1x128xi32, #tpu.memory_space<vmem>> -> memref<128xi32, #tpu.memory_space<vmem>>
      %dma_wait3A_520 = arith.constant 0 : i32
      %dma_wait3A_521 = arith.constant 0 : i32
      %dma_wait3A_522 = tpu.memref_slice %arg2[%dma_wait3A_520, %dma_wait3A_521] : memref<10240x128xf32, #tpu.memory_space<hbm>> -> memref<10240x128xf32, #tpu.memory_space<hbm>>
      tpu.wait_indirect_dma semaphore(%arg12 : memref<!tpu.dma_semaphore, #tpu.memory_space<semaphore_mem>>) src(%dma_wait3A_522 : memref<10240x128xf32, #tpu.memory_space<hbm>>) dst(%arg8 : memref<128x128xf32, #tpu.memory_space<vmem>>)
      %run_scoped3A_523 = arith.constant 1 : i32
      %run_scoped3A_524 = arith.constant 7 : i32
      "tpu.region"() ({
        %run_scoped3A_572 = tpu.sem_alloc : memref<!tpu.dma_semaphore, #tpu.memory_space<semaphore_mem>>
        %dma_start3A_573 = arith.constant 0 : i32
        %dma_start3A_574 = tpu.memref_slice %arg6[%select_n3A_341, %run_scoped3A_523, %run_scoped3A_524, %dma_start3A_573] : memref<2x2x8x128xi32, #tpu.memory_space<vmem>> -> memref<1x1x1x128xi32, #tpu.memory_space<vmem>>
        %dma_start3A_575 = tpu.memref_squeeze %dma_start3A_574 : memref<1x1x1x128xi32, #tpu.memory_space<vmem>> -> memref<128xi32, #tpu.memory_space<vmem>>
        %dma_start3A_576 = arith.constant 0 : i32
        %dma_start3A_577 = arith.constant 0 : i32
        %dma_start3A_578 = tpu.memref_slice %arg9[%dma_start3A_576, %dma_start3A_577] : memref<10240x128xf32, #tpu.memory_space<vmem_shared>> -> memref<10240x128xf32, #tpu.memory_space<vmem_shared>>
        tpu.enqueue_indirect_dma source(%arg8 : memref<128x128xf32, #tpu.memory_space<vmem>>) target(%dma_start3A_578 : memref<10240x128xf32, #tpu.memory_space<vmem_shared>>) offsets(%dma_start3A_575 : memref<128xi32, #tpu.memory_space<vmem>>) semaphore(%run_scoped3A_572 : memref<!tpu.dma_semaphore, #tpu.memory_space<semaphore_mem>>) {add = true}
        %dma_wait3A_579 = arith.constant 0 : i32
        %dma_wait3A_580 = tpu.memref_slice %arg6[%select_n3A_341, %run_scoped3A_523, %run_scoped3A_524, %dma_wait3A_579] : memref<2x2x8x128xi32, #tpu.memory_space<vmem>> -> memref<1x1x1x128xi32, #tpu.memory_space<vmem>>
        %dma_wait3A_581 = tpu.memref_squeeze %dma_wait3A_580 : memref<1x1x1x128xi32, #tpu.memory_space<vmem>> -> memref<128xi32, #tpu.memory_space<vmem>>
        %dma_wait3A_582 = arith.constant 0 : i32
        %dma_wait3A_583 = arith.constant 0 : i32
        %dma_wait3A_584 = tpu.memref_slice %arg9[%dma_wait3A_582, %dma_wait3A_583] : memref<10240x128xf32, #tpu.memory_space<vmem_shared>> -> memref<10240x128xf32, #tpu.memory_space<vmem_shared>>
        tpu.wait_indirect_dma semaphore(%run_scoped3A_572 : memref<!tpu.dma_semaphore, #tpu.memory_space<semaphore_mem>>) src(%arg8 : memref<128x128xf32, #tpu.memory_space<vmem>>) dst(%dma_wait3A_584 : memref<10240x128xf32, #tpu.memory_space<vmem_shared>>)
        tpu.yield
      }) : () -> ()
      %dma_start3A_525 = arith.constant 0 : i32
      %dma_start3A_526 = arith.constant 1 : i32
      %dma_start3A_527 = arith.constant 0 : i32
      %dma_start3A_528 = tpu.memref_slice %arg6[%sub3A_342, %dma_start3A_525, %dma_start3A_526, %dma_start3A_527] : memref<2x2x8x128xi32, #tpu.memory_space<vmem>> -> memref<1x1x1x128xi32, #tpu.memory_space<vmem>>
      %dma_start3A_529 = tpu.memref_squeeze %dma_start3A_528 : memref<1x1x1x128xi32, #tpu.memory_space<vmem>> -> memref<128xi32, #tpu.memory_space<vmem>>
      %dma_start3A_530 = arith.constant 0 : i32
      %dma_start3A_531 = arith.constant 0 : i32
      %dma_start3A_532 = tpu.memref_slice %arg2[%dma_start3A_530, %dma_start3A_531] : memref<10240x128xf32, #tpu.memory_space<hbm>> -> memref<10240x128xf32, #tpu.memory_space<hbm>>
      tpu.enqueue_indirect_dma source(%dma_start3A_532 : memref<10240x128xf32, #tpu.memory_space<hbm>>) target(%arg8 : memref<128x128xf32, #tpu.memory_space<vmem>>) offsets(%dma_start3A_529 : memref<128xi32, #tpu.memory_space<vmem>>) semaphore(%arg12 : memref<!tpu.dma_semaphore, #tpu.memory_space<semaphore_mem>>)
      %add3A_533 = arith.constant 2 : i32
      %add3A_534 = arith.addi %add3A_332, %add3A_533 : i32
      %mul3A_535 = arith.constant 8 : i32
      %mul3A_536 = arith.muli %mul3A_535, %add3A_534 : i32
      %add3A_537 = arith.addi %mul3A_2, %mul3A_536 : i32
      %min3A_538 = arith.constant 2552 : i32
      %min3A_539 = arith.minsi %add3A_537, %min3A_538 : i32
      %dma_start3A_540 = arith.constant 0 : i32
      %dma_start3A_541 = arith.constant 0 : i32
      %dma_start3A_542 = arith.constant 0 : i32
      %dma_start3A_543 = arith.constant 0 : i32
      %dma_start3A_544 = tpu.memref_slice %arg6[%select_n3A_341, %dma_start3A_541, %dma_start3A_542, %dma_start3A_543] : memref<2x2x8x128xi32, #tpu.memory_space<vmem>> -> memref<1x1x8x128xi32, #tpu.memory_space<vmem>>
      %dma_start3A_545 = tpu.memref_squeeze %dma_start3A_544 : memref<1x1x8x128xi32, #tpu.memory_space<vmem>> -> memref<8x128xi32, #tpu.memory_space<vmem>>
      %dma_start3A_546 = arith.constant 0 : i32
      %dma_start3A_547 = tpu.memref_slice %arg3[%dma_start3A_540, %min3A_539, %dma_start3A_546] : memref<2x2560x128xi32, #tpu.memory_space<hbm>> -> memref<1x8x128xi32, #tpu.memory_space<hbm>>
      %dma_start3A_548 = tpu.memref_squeeze %dma_start3A_547 : memref<1x8x128xi32, #tpu.memory_space<hbm>> -> memref<8x128xi32, #tpu.memory_space<hbm>>
      %dma_start3A_549 = arith.constant 0 : i32
      %dma_start3A_550 = arith.constant 0 : i32
      %dma_start3A_551 = tpu.memref_slice %arg6[%select_n3A_341, %dma_start3A_541, %dma_start3A_549, %dma_start3A_550] : memref<2x2x8x128xi32, #tpu.memory_space<vmem>> -> memref<1x1x8x128xi32, #tpu.memory_space<vmem>>
      %dma_start3A_552 = tpu.memref_squeeze %dma_start3A_551 : memref<1x1x8x128xi32, #tpu.memory_space<vmem>> -> memref<8x128xi32, #tpu.memory_space<vmem>>
      %dma_start3A_553 = arith.constant 0 : i32
      %dma_start3A_554 = tpu.memref_slice %arg3[%dma_start3A_540, %min3A_539, %dma_start3A_553] : memref<2x2560x128xi32, #tpu.memory_space<hbm>> -> memref<1x8x128xi32, #tpu.memory_space<hbm>>
      %dma_start3A_555 = tpu.memref_squeeze %dma_start3A_554 : memref<1x8x128xi32, #tpu.memory_space<hbm>> -> memref<8x128xi32, #tpu.memory_space<hbm>>
      tpu.enqueue_dma source(%dma_start3A_555 : memref<8x128xi32, #tpu.memory_space<hbm>>) target(%dma_start3A_552 : memref<8x128xi32, #tpu.memory_space<vmem>>) target_semaphore(%arg10 : memref<!tpu.dma_semaphore, #tpu.memory_space<semaphore_mem>>)
      %dma_start3A_556 = arith.constant 1 : i32
      %dma_start3A_557 = arith.constant 1 : i32
      %dma_start3A_558 = arith.constant 0 : i32
      %dma_start3A_559 = arith.constant 0 : i32
      %dma_start3A_560 = tpu.memref_slice %arg6[%select_n3A_341, %dma_start3A_557, %dma_start3A_558, %dma_start3A_559] : memref<2x2x8x128xi32, #tpu.memory_space<vmem>> -> memref<1x1x8x128xi32, #tpu.memory_space<vmem>>
      %dma_start3A_561 = tpu.memref_squeeze %dma_start3A_560 : memref<1x1x8x128xi32, #tpu.memory_space<vmem>> -> memref<8x128xi32, #tpu.memory_space<vmem>>
      %dma_start3A_562 = arith.constant 0 : i32
      %dma_start3A_563 = tpu.memref_slice %arg3[%dma_start3A_556, %min3A_539, %dma_start3A_562] : memref<2x2560x128xi32, #tpu.memory_space<hbm>> -> memref<1x8x128xi32, #tpu.memory_space<hbm>>
      %dma_start3A_564 = tpu.memref_squeeze %dma_start3A_563 : memref<1x8x128xi32, #tpu.memory_space<hbm>> -> memref<8x128xi32, #tpu.memory_space<hbm>>
      %dma_start3A_565 = arith.constant 0 : i32
      %dma_start3A_566 = arith.constant 0 : i32
      %dma_start3A_567 = tpu.memref_slice %arg6[%select_n3A_341, %dma_start3A_557, %dma_start3A_565, %dma_start3A_566] : memref<2x2x8x128xi32, #tpu.memory_space<vmem>> -> memref<1x1x8x128xi32, #tpu.memory_space<vmem>>
      %dma_start3A_568 = tpu.memref_squeeze %dma_start3A_567 : memref<1x1x8x128xi32, #tpu.memory_space<vmem>> -> memref<8x128xi32, #tpu.memory_space<vmem>>
      %dma_start3A_569 = arith.constant 0 : i32
      %dma_start3A_570 = tpu.memref_slice %arg3[%dma_start3A_556, %min3A_539, %dma_start3A_569] : memref<2x2560x128xi32, #tpu.memory_space<hbm>> -> memref<1x8x128xi32, #tpu.memory_space<hbm>>
      %dma_start3A_571 = tpu.memref_squeeze %dma_start3A_570 : memref<1x8x128xi32, #tpu.memory_space<hbm>> -> memref<8x128xi32, #tpu.memory_space<hbm>>
      tpu.enqueue_dma source(%dma_start3A_571 : memref<8x128xi32, #tpu.memory_space<hbm>>) target(%dma_start3A_568 : memref<8x128xi32, #tpu.memory_space<vmem>>) target_semaphore(%arg10 : memref<!tpu.dma_semaphore, #tpu.memory_space<semaphore_mem>>)
    }
    %scan3A_137 = arith.constant 9 : i32
    %dma_wait3A_138 = arith.constant 0 : i32
    %dma_wait3A_139 = arith.constant 0 : i32
    %dma_wait3A_140 = arith.constant 0 : i32
    %dma_wait3A_141 = arith.constant 0 : i32
    %dma_wait3A_142 = tpu.memref_slice %arg6[%dma_wait3A_138, %dma_wait3A_139, %dma_wait3A_140, %dma_wait3A_141] : memref<2x2x8x128xi32, #tpu.memory_space<vmem>> -> memref<1x1x1x128xi32, #tpu.memory_space<vmem>>
    %dma_wait3A_143 = tpu.memref_squeeze %dma_wait3A_142 : memref<1x1x1x128xi32, #tpu.memory_space<vmem>> -> memref<128xi32, #tpu.memory_space<vmem>>
    %dma_wait3A_144 = arith.constant 0 : i32
    %dma_wait3A_145 = arith.constant 0 : i32
    %dma_wait3A_146 = tpu.memref_slice %arg2[%dma_wait3A_144, %dma_wait3A_145] : memref<10240x128xf32, #tpu.memory_space<hbm>> -> memref<10240x128xf32, #tpu.memory_space<hbm>>
    tpu.wait_indirect_dma semaphore(%arg11 : memref<!tpu.dma_semaphore, #tpu.memory_space<semaphore_mem>>) src(%dma_wait3A_146 : memref<10240x128xf32, #tpu.memory_space<hbm>>) dst(%arg7 : memref<128x128xf32, #tpu.memory_space<vmem>>)
    %run_scoped3A = arith.constant 1 : i32
    %run_scoped3A_147 = arith.constant 1 : i32
    %run_scoped3A_148 = arith.constant 0 : i32
    "tpu.region"() ({
      %run_scoped3A_328 = tpu.sem_alloc : memref<!tpu.dma_semaphore, #tpu.memory_space<semaphore_mem>>
      %dma_start3A_329 = arith.constant 0 : i32
      %dma_start3A_330 = tpu.memref_slice %arg6[%run_scoped3A, %run_scoped3A_147, %run_scoped3A_148, %dma_start3A_329] : memref<2x2x8x128xi32, #tpu.memory_space<vmem>> -> memref<1x1x1x128xi32, #tpu.memory_space<vmem>>
      %dma_start3A_331 = tpu.memref_squeeze %dma_start3A_330 : memref<1x1x1x128xi32, #tpu.memory_space<vmem>> -> memref<128xi32, #tpu.memory_space<vmem>>
      %dma_start3A_332 = arith.constant 0 : i32
      %dma_start3A_333 = arith.constant 0 : i32
      %dma_start3A_334 = tpu.memref_slice %arg9[%dma_start3A_332, %dma_start3A_333] : memref<10240x128xf32, #tpu.memory_space<vmem_shared>> -> memref<10240x128xf32, #tpu.memory_space<vmem_shared>>
      tpu.enqueue_indirect_dma source(%arg7 : memref<128x128xf32, #tpu.memory_space<vmem>>) target(%dma_start3A_334 : memref<10240x128xf32, #tpu.memory_space<vmem_shared>>) offsets(%dma_start3A_331 : memref<128xi32, #tpu.memory_space<vmem>>) semaphore(%run_scoped3A_328 : memref<!tpu.dma_semaphore, #tpu.memory_space<semaphore_mem>>) {add = true}
      %dma_wait3A_335 = arith.constant 0 : i32
      %dma_wait3A_336 = tpu.memref_slice %arg6[%run_scoped3A, %run_scoped3A_147, %run_scoped3A_148, %dma_wait3A_335] : memref<2x2x8x128xi32, #tpu.memory_space<vmem>> -> memref<1x1x1x128xi32, #tpu.memory_space<vmem>>
      %dma_wait3A_337 = tpu.memref_squeeze %dma_wait3A_336 : memref<1x1x1x128xi32, #tpu.memory_space<vmem>> -> memref<128xi32, #tpu.memory_space<vmem>>
      %dma_wait3A_338 = arith.constant 0 : i32
      %dma_wait3A_339 = arith.constant 0 : i32
      %dma_wait3A_340 = tpu.memref_slice %arg9[%dma_wait3A_338, %dma_wait3A_339] : memref<10240x128xf32, #tpu.memory_space<vmem_shared>> -> memref<10240x128xf32, #tpu.memory_space<vmem_shared>>
      tpu.wait_indirect_dma semaphore(%run_scoped3A_328 : memref<!tpu.dma_semaphore, #tpu.memory_space<semaphore_mem>>) src(%arg7 : memref<128x128xf32, #tpu.memory_space<vmem>>) dst(%dma_wait3A_340 : memref<10240x128xf32, #tpu.memory_space<vmem_shared>>)
      tpu.yield
    }) : () -> ()
    %dma_start3A_149 = arith.constant 1 : i32
    %dma_start3A_150 = arith.constant 0 : i32
    %dma_start3A_151 = arith.constant 2 : i32
    %dma_start3A_152 = arith.constant 0 : i32
    %dma_start3A_153 = tpu.memref_slice %arg6[%dma_start3A_149, %dma_start3A_150, %dma_start3A_151, %dma_start3A_152] : memref<2x2x8x128xi32, #tpu.memory_space<vmem>> -> memref<1x1x1x128xi32, #tpu.memory_space<vmem>>
    %dma_start3A_154 = tpu.memref_squeeze %dma_start3A_153 : memref<1x1x1x128xi32, #tpu.memory_space<vmem>> -> memref<128xi32, #tpu.memory_space<vmem>>
    %dma_start3A_155 = arith.constant 0 : i32
    %dma_start3A_156 = arith.constant 0 : i32
    %dma_start3A_157 = tpu.memref_slice %arg2[%dma_start3A_155, %dma_start3A_156] : memref<10240x128xf32, #tpu.memory_space<hbm>> -> memref<10240x128xf32, #tpu.memory_space<hbm>>
    tpu.enqueue_indirect_dma source(%dma_start3A_157 : memref<10240x128xf32, #tpu.memory_space<hbm>>) target(%arg7 : memref<128x128xf32, #tpu.memory_space<vmem>>) offsets(%dma_start3A_154 : memref<128xi32, #tpu.memory_space<vmem>>) semaphore(%arg11 : memref<!tpu.dma_semaphore, #tpu.memory_space<semaphore_mem>>)
    %dma_wait3A_158 = arith.constant 0 : i32
    %dma_wait3A_159 = arith.constant 0 : i32
    %dma_wait3A_160 = arith.constant 0 : i32
    %dma_wait3A_161 = arith.constant 0 : i32
    %dma_wait3A_162 = tpu.memref_slice %arg6[%dma_wait3A_158, %dma_wait3A_159, %dma_wait3A_160, %dma_wait3A_161] : memref<2x2x8x128xi32, #tpu.memory_space<vmem>> -> memref<1x1x1x128xi32, #tpu.memory_space<vmem>>
    %dma_wait3A_163 = tpu.memref_squeeze %dma_wait3A_162 : memref<1x1x1x128xi32, #tpu.memory_space<vmem>> -> memref<128xi32, #tpu.memory_space<vmem>>
    %dma_wait3A_164 = arith.constant 0 : i32
    %dma_wait3A_165 = arith.constant 0 : i32
    %dma_wait3A_166 = tpu.memref_slice %arg2[%dma_wait3A_164, %dma_wait3A_165] : memref<10240x128xf32, #tpu.memory_space<hbm>> -> memref<10240x128xf32, #tpu.memory_space<hbm>>
    tpu.wait_indirect_dma semaphore(%arg12 : memref<!tpu.dma_semaphore, #tpu.memory_space<semaphore_mem>>) src(%dma_wait3A_166 : memref<10240x128xf32, #tpu.memory_space<hbm>>) dst(%arg8 : memref<128x128xf32, #tpu.memory_space<vmem>>)
    %run_scoped3A_167 = arith.constant 1 : i32
    %run_scoped3A_168 = arith.constant 1 : i32
    %run_scoped3A_169 = arith.constant 1 : i32
    "tpu.region"() ({
      %run_scoped3A_328 = tpu.sem_alloc : memref<!tpu.dma_semaphore, #tpu.memory_space<semaphore_mem>>
      %dma_start3A_329 = arith.constant 0 : i32
      %dma_start3A_330 = tpu.memref_slice %arg6[%run_scoped3A_167, %run_scoped3A_168, %run_scoped3A_169, %dma_start3A_329] : memref<2x2x8x128xi32, #tpu.memory_space<vmem>> -> memref<1x1x1x128xi32, #tpu.memory_space<vmem>>
      %dma_start3A_331 = tpu.memref_squeeze %dma_start3A_330 : memref<1x1x1x128xi32, #tpu.memory_space<vmem>> -> memref<128xi32, #tpu.memory_space<vmem>>
      %dma_start3A_332 = arith.constant 0 : i32
      %dma_start3A_333 = arith.constant 0 : i32
      %dma_start3A_334 = tpu.memref_slice %arg9[%dma_start3A_332, %dma_start3A_333] : memref<10240x128xf32, #tpu.memory_space<vmem_shared>> -> memref<10240x128xf32, #tpu.memory_space<vmem_shared>>
      tpu.enqueue_indirect_dma source(%arg8 : memref<128x128xf32, #tpu.memory_space<vmem>>) target(%dma_start3A_334 : memref<10240x128xf32, #tpu.memory_space<vmem_shared>>) offsets(%dma_start3A_331 : memref<128xi32, #tpu.memory_space<vmem>>) semaphore(%run_scoped3A_328 : memref<!tpu.dma_semaphore, #tpu.memory_space<semaphore_mem>>) {add = true}
      %dma_wait3A_335 = arith.constant 0 : i32
      %dma_wait3A_336 = tpu.memref_slice %arg6[%run_scoped3A_167, %run_scoped3A_168, %run_scoped3A_169, %dma_wait3A_335] : memref<2x2x8x128xi32, #tpu.memory_space<vmem>> -> memref<1x1x1x128xi32, #tpu.memory_space<vmem>>
      %dma_wait3A_337 = tpu.memref_squeeze %dma_wait3A_336 : memref<1x1x1x128xi32, #tpu.memory_space<vmem>> -> memref<128xi32, #tpu.memory_space<vmem>>
      %dma_wait3A_338 = arith.constant 0 : i32
      %dma_wait3A_339 = arith.constant 0 : i32
      %dma_wait3A_340 = tpu.memref_slice %arg9[%dma_wait3A_338, %dma_wait3A_339] : memref<10240x128xf32, #tpu.memory_space<vmem_shared>> -> memref<10240x128xf32, #tpu.memory_space<vmem_shared>>
      tpu.wait_indirect_dma semaphore(%run_scoped3A_328 : memref<!tpu.dma_semaphore, #tpu.memory_space<semaphore_mem>>) src(%arg8 : memref<128x128xf32, #tpu.memory_space<vmem>>) dst(%dma_wait3A_340 : memref<10240x128xf32, #tpu.memory_space<vmem_shared>>)
      tpu.yield
    }) : () -> ()
    %dma_start3A_170 = arith.constant 1 : i32
    %dma_start3A_171 = arith.constant 0 : i32
    %dma_start3A_172 = arith.constant 3 : i32
    %dma_start3A_173 = arith.constant 0 : i32
    %dma_start3A_174 = tpu.memref_slice %arg6[%dma_start3A_170, %dma_start3A_171, %dma_start3A_172, %dma_start3A_173] : memref<2x2x8x128xi32, #tpu.memory_space<vmem>> -> memref<1x1x1x128xi32, #tpu.memory_space<vmem>>
    %dma_start3A_175 = tpu.memref_squeeze %dma_start3A_174 : memref<1x1x1x128xi32, #tpu.memory_space<vmem>> -> memref<128xi32, #tpu.memory_space<vmem>>
    %dma_start3A_176 = arith.constant 0 : i32
    %dma_start3A_177 = arith.constant 0 : i32
    %dma_start3A_178 = tpu.memref_slice %arg2[%dma_start3A_176, %dma_start3A_177] : memref<10240x128xf32, #tpu.memory_space<hbm>> -> memref<10240x128xf32, #tpu.memory_space<hbm>>
    tpu.enqueue_indirect_dma source(%dma_start3A_178 : memref<10240x128xf32, #tpu.memory_space<hbm>>) target(%arg8 : memref<128x128xf32, #tpu.memory_space<vmem>>) offsets(%dma_start3A_175 : memref<128xi32, #tpu.memory_space<vmem>>) semaphore(%arg12 : memref<!tpu.dma_semaphore, #tpu.memory_space<semaphore_mem>>)
    %dma_wait3A_179 = arith.constant 0 : i32
    %dma_wait3A_180 = arith.constant 0 : i32
    %dma_wait3A_181 = arith.constant 0 : i32
    %dma_wait3A_182 = arith.constant 0 : i32
    %dma_wait3A_183 = tpu.memref_slice %arg6[%dma_wait3A_179, %dma_wait3A_180, %dma_wait3A_181, %dma_wait3A_182] : memref<2x2x8x128xi32, #tpu.memory_space<vmem>> -> memref<1x1x1x128xi32, #tpu.memory_space<vmem>>
    %dma_wait3A_184 = tpu.memref_squeeze %dma_wait3A_183 : memref<1x1x1x128xi32, #tpu.memory_space<vmem>> -> memref<128xi32, #tpu.memory_space<vmem>>
    %dma_wait3A_185 = arith.constant 0 : i32
    %dma_wait3A_186 = arith.constant 0 : i32
    %dma_wait3A_187 = tpu.memref_slice %arg2[%dma_wait3A_185, %dma_wait3A_186] : memref<10240x128xf32, #tpu.memory_space<hbm>> -> memref<10240x128xf32, #tpu.memory_space<hbm>>
    tpu.wait_indirect_dma semaphore(%arg11 : memref<!tpu.dma_semaphore, #tpu.memory_space<semaphore_mem>>) src(%dma_wait3A_187 : memref<10240x128xf32, #tpu.memory_space<hbm>>) dst(%arg7 : memref<128x128xf32, #tpu.memory_space<vmem>>)
    %run_scoped3A_188 = arith.constant 1 : i32
    %run_scoped3A_189 = arith.constant 1 : i32
    %run_scoped3A_190 = arith.constant 2 : i32
    "tpu.region"() ({
      %run_scoped3A_328 = tpu.sem_alloc : memref<!tpu.dma_semaphore, #tpu.memory_space<semaphore_mem>>
      %dma_start3A_329 = arith.constant 0 : i32
      %dma_start3A_330 = tpu.memref_slice %arg6[%run_scoped3A_188, %run_scoped3A_189, %run_scoped3A_190, %dma_start3A_329] : memref<2x2x8x128xi32, #tpu.memory_space<vmem>> -> memref<1x1x1x128xi32, #tpu.memory_space<vmem>>
      %dma_start3A_331 = tpu.memref_squeeze %dma_start3A_330 : memref<1x1x1x128xi32, #tpu.memory_space<vmem>> -> memref<128xi32, #tpu.memory_space<vmem>>
      %dma_start3A_332 = arith.constant 0 : i32
      %dma_start3A_333 = arith.constant 0 : i32
      %dma_start3A_334 = tpu.memref_slice %arg9[%dma_start3A_332, %dma_start3A_333] : memref<10240x128xf32, #tpu.memory_space<vmem_shared>> -> memref<10240x128xf32, #tpu.memory_space<vmem_shared>>
      tpu.enqueue_indirect_dma source(%arg7 : memref<128x128xf32, #tpu.memory_space<vmem>>) target(%dma_start3A_334 : memref<10240x128xf32, #tpu.memory_space<vmem_shared>>) offsets(%dma_start3A_331 : memref<128xi32, #tpu.memory_space<vmem>>) semaphore(%run_scoped3A_328 : memref<!tpu.dma_semaphore, #tpu.memory_space<semaphore_mem>>) {add = true}
      %dma_wait3A_335 = arith.constant 0 : i32
      %dma_wait3A_336 = tpu.memref_slice %arg6[%run_scoped3A_188, %run_scoped3A_189, %run_scoped3A_190, %dma_wait3A_335] : memref<2x2x8x128xi32, #tpu.memory_space<vmem>> -> memref<1x1x1x128xi32, #tpu.memory_space<vmem>>
      %dma_wait3A_337 = tpu.memref_squeeze %dma_wait3A_336 : memref<1x1x1x128xi32, #tpu.memory_space<vmem>> -> memref<128xi32, #tpu.memory_space<vmem>>
      %dma_wait3A_338 = arith.constant 0 : i32
      %dma_wait3A_339 = arith.constant 0 : i32
      %dma_wait3A_340 = tpu.memref_slice %arg9[%dma_wait3A_338, %dma_wait3A_339] : memref<10240x128xf32, #tpu.memory_space<vmem_shared>> -> memref<10240x128xf32, #tpu.memory_space<vmem_shared>>
      tpu.wait_indirect_dma semaphore(%run_scoped3A_328 : memref<!tpu.dma_semaphore, #tpu.memory_space<semaphore_mem>>) src(%arg7 : memref<128x128xf32, #tpu.memory_space<vmem>>) dst(%dma_wait3A_340 : memref<10240x128xf32, #tpu.memory_space<vmem_shared>>)
      tpu.yield
    }) : () -> ()
    %dma_start3A_191 = arith.constant 1 : i32
    %dma_start3A_192 = arith.constant 0 : i32
    %dma_start3A_193 = arith.constant 4 : i32
    %dma_start3A_194 = arith.constant 0 : i32
    %dma_start3A_195 = tpu.memref_slice %arg6[%dma_start3A_191, %dma_start3A_192, %dma_start3A_193, %dma_start3A_194] : memref<2x2x8x128xi32, #tpu.memory_space<vmem>> -> memref<1x1x1x128xi32, #tpu.memory_space<vmem>>
    %dma_start3A_196 = tpu.memref_squeeze %dma_start3A_195 : memref<1x1x1x128xi32, #tpu.memory_space<vmem>> -> memref<128xi32, #tpu.memory_space<vmem>>
    %dma_start3A_197 = arith.constant 0 : i32
    %dma_start3A_198 = arith.constant 0 : i32
    %dma_start3A_199 = tpu.memref_slice %arg2[%dma_start3A_197, %dma_start3A_198] : memref<10240x128xf32, #tpu.memory_space<hbm>> -> memref<10240x128xf32, #tpu.memory_space<hbm>>
    tpu.enqueue_indirect_dma source(%dma_start3A_199 : memref<10240x128xf32, #tpu.memory_space<hbm>>) target(%arg7 : memref<128x128xf32, #tpu.memory_space<vmem>>) offsets(%dma_start3A_196 : memref<128xi32, #tpu.memory_space<vmem>>) semaphore(%arg11 : memref<!tpu.dma_semaphore, #tpu.memory_space<semaphore_mem>>)
    %dma_wait3A_200 = arith.constant 0 : i32
    %dma_wait3A_201 = arith.constant 0 : i32
    %dma_wait3A_202 = arith.constant 0 : i32
    %dma_wait3A_203 = arith.constant 0 : i32
    %dma_wait3A_204 = tpu.memref_slice %arg6[%dma_wait3A_200, %dma_wait3A_201, %dma_wait3A_202, %dma_wait3A_203] : memref<2x2x8x128xi32, #tpu.memory_space<vmem>> -> memref<1x1x1x128xi32, #tpu.memory_space<vmem>>
    %dma_wait3A_205 = tpu.memref_squeeze %dma_wait3A_204 : memref<1x1x1x128xi32, #tpu.memory_space<vmem>> -> memref<128xi32, #tpu.memory_space<vmem>>
    %dma_wait3A_206 = arith.constant 0 : i32
    %dma_wait3A_207 = arith.constant 0 : i32
    %dma_wait3A_208 = tpu.memref_slice %arg2[%dma_wait3A_206, %dma_wait3A_207] : memref<10240x128xf32, #tpu.memory_space<hbm>> -> memref<10240x128xf32, #tpu.memory_space<hbm>>
    tpu.wait_indirect_dma semaphore(%arg12 : memref<!tpu.dma_semaphore, #tpu.memory_space<semaphore_mem>>) src(%dma_wait3A_208 : memref<10240x128xf32, #tpu.memory_space<hbm>>) dst(%arg8 : memref<128x128xf32, #tpu.memory_space<vmem>>)
    %run_scoped3A_209 = arith.constant 1 : i32
    %run_scoped3A_210 = arith.constant 1 : i32
    %run_scoped3A_211 = arith.constant 3 : i32
    "tpu.region"() ({
      %run_scoped3A_328 = tpu.sem_alloc : memref<!tpu.dma_semaphore, #tpu.memory_space<semaphore_mem>>
      %dma_start3A_329 = arith.constant 0 : i32
      %dma_start3A_330 = tpu.memref_slice %arg6[%run_scoped3A_209, %run_scoped3A_210, %run_scoped3A_211, %dma_start3A_329] : memref<2x2x8x128xi32, #tpu.memory_space<vmem>> -> memref<1x1x1x128xi32, #tpu.memory_space<vmem>>
      %dma_start3A_331 = tpu.memref_squeeze %dma_start3A_330 : memref<1x1x1x128xi32, #tpu.memory_space<vmem>> -> memref<128xi32, #tpu.memory_space<vmem>>
      %dma_start3A_332 = arith.constant 0 : i32
      %dma_start3A_333 = arith.constant 0 : i32
      %dma_start3A_334 = tpu.memref_slice %arg9[%dma_start3A_332, %dma_start3A_333] : memref<10240x128xf32, #tpu.memory_space<vmem_shared>> -> memref<10240x128xf32, #tpu.memory_space<vmem_shared>>
      tpu.enqueue_indirect_dma source(%arg8 : memref<128x128xf32, #tpu.memory_space<vmem>>) target(%dma_start3A_334 : memref<10240x128xf32, #tpu.memory_space<vmem_shared>>) offsets(%dma_start3A_331 : memref<128xi32, #tpu.memory_space<vmem>>) semaphore(%run_scoped3A_328 : memref<!tpu.dma_semaphore, #tpu.memory_space<semaphore_mem>>) {add = true}
      %dma_wait3A_335 = arith.constant 0 : i32
      %dma_wait3A_336 = tpu.memref_slice %arg6[%run_scoped3A_209, %run_scoped3A_210, %run_scoped3A_211, %dma_wait3A_335] : memref<2x2x8x128xi32, #tpu.memory_space<vmem>> -> memref<1x1x1x128xi32, #tpu.memory_space<vmem>>
      %dma_wait3A_337 = tpu.memref_squeeze %dma_wait3A_336 : memref<1x1x1x128xi32, #tpu.memory_space<vmem>> -> memref<128xi32, #tpu.memory_space<vmem>>
      %dma_wait3A_338 = arith.constant 0 : i32
      %dma_wait3A_339 = arith.constant 0 : i32
      %dma_wait3A_340 = tpu.memref_slice %arg9[%dma_wait3A_338, %dma_wait3A_339] : memref<10240x128xf32, #tpu.memory_space<vmem_shared>> -> memref<10240x128xf32, #tpu.memory_space<vmem_shared>>
      tpu.wait_indirect_dma semaphore(%run_scoped3A_328 : memref<!tpu.dma_semaphore, #tpu.memory_space<semaphore_mem>>) src(%arg8 : memref<128x128xf32, #tpu.memory_space<vmem>>) dst(%dma_wait3A_340 : memref<10240x128xf32, #tpu.memory_space<vmem_shared>>)
      tpu.yield
    }) : () -> ()
    %dma_start3A_212 = arith.constant 1 : i32
    %dma_start3A_213 = arith.constant 0 : i32
    %dma_start3A_214 = arith.constant 5 : i32
    %dma_start3A_215 = arith.constant 0 : i32
    %dma_start3A_216 = tpu.memref_slice %arg6[%dma_start3A_212, %dma_start3A_213, %dma_start3A_214, %dma_start3A_215] : memref<2x2x8x128xi32, #tpu.memory_space<vmem>> -> memref<1x1x1x128xi32, #tpu.memory_space<vmem>>
    %dma_start3A_217 = tpu.memref_squeeze %dma_start3A_216 : memref<1x1x1x128xi32, #tpu.memory_space<vmem>> -> memref<128xi32, #tpu.memory_space<vmem>>
    %dma_start3A_218 = arith.constant 0 : i32
    %dma_start3A_219 = arith.constant 0 : i32
    %dma_start3A_220 = tpu.memref_slice %arg2[%dma_start3A_218, %dma_start3A_219] : memref<10240x128xf32, #tpu.memory_space<hbm>> -> memref<10240x128xf32, #tpu.memory_space<hbm>>
    tpu.enqueue_indirect_dma source(%dma_start3A_220 : memref<10240x128xf32, #tpu.memory_space<hbm>>) target(%arg8 : memref<128x128xf32, #tpu.memory_space<vmem>>) offsets(%dma_start3A_217 : memref<128xi32, #tpu.memory_space<vmem>>) semaphore(%arg12 : memref<!tpu.dma_semaphore, #tpu.memory_space<semaphore_mem>>)
    %dma_wait3A_221 = arith.constant 0 : i32
    %dma_wait3A_222 = arith.constant 0 : i32
    %dma_wait3A_223 = arith.constant 0 : i32
    %dma_wait3A_224 = arith.constant 0 : i32
    %dma_wait3A_225 = tpu.memref_slice %arg6[%dma_wait3A_221, %dma_wait3A_222, %dma_wait3A_223, %dma_wait3A_224] : memref<2x2x8x128xi32, #tpu.memory_space<vmem>> -> memref<1x1x1x128xi32, #tpu.memory_space<vmem>>
    %dma_wait3A_226 = tpu.memref_squeeze %dma_wait3A_225 : memref<1x1x1x128xi32, #tpu.memory_space<vmem>> -> memref<128xi32, #tpu.memory_space<vmem>>
    %dma_wait3A_227 = arith.constant 0 : i32
    %dma_wait3A_228 = arith.constant 0 : i32
    %dma_wait3A_229 = tpu.memref_slice %arg2[%dma_wait3A_227, %dma_wait3A_228] : memref<10240x128xf32, #tpu.memory_space<hbm>> -> memref<10240x128xf32, #tpu.memory_space<hbm>>
    tpu.wait_indirect_dma semaphore(%arg11 : memref<!tpu.dma_semaphore, #tpu.memory_space<semaphore_mem>>) src(%dma_wait3A_229 : memref<10240x128xf32, #tpu.memory_space<hbm>>) dst(%arg7 : memref<128x128xf32, #tpu.memory_space<vmem>>)
    %run_scoped3A_230 = arith.constant 1 : i32
    %run_scoped3A_231 = arith.constant 1 : i32
    %run_scoped3A_232 = arith.constant 4 : i32
    "tpu.region"() ({
      %run_scoped3A_328 = tpu.sem_alloc : memref<!tpu.dma_semaphore, #tpu.memory_space<semaphore_mem>>
      %dma_start3A_329 = arith.constant 0 : i32
      %dma_start3A_330 = tpu.memref_slice %arg6[%run_scoped3A_230, %run_scoped3A_231, %run_scoped3A_232, %dma_start3A_329] : memref<2x2x8x128xi32, #tpu.memory_space<vmem>> -> memref<1x1x1x128xi32, #tpu.memory_space<vmem>>
      %dma_start3A_331 = tpu.memref_squeeze %dma_start3A_330 : memref<1x1x1x128xi32, #tpu.memory_space<vmem>> -> memref<128xi32, #tpu.memory_space<vmem>>
      %dma_start3A_332 = arith.constant 0 : i32
      %dma_start3A_333 = arith.constant 0 : i32
      %dma_start3A_334 = tpu.memref_slice %arg9[%dma_start3A_332, %dma_start3A_333] : memref<10240x128xf32, #tpu.memory_space<vmem_shared>> -> memref<10240x128xf32, #tpu.memory_space<vmem_shared>>
      tpu.enqueue_indirect_dma source(%arg7 : memref<128x128xf32, #tpu.memory_space<vmem>>) target(%dma_start3A_334 : memref<10240x128xf32, #tpu.memory_space<vmem_shared>>) offsets(%dma_start3A_331 : memref<128xi32, #tpu.memory_space<vmem>>) semaphore(%run_scoped3A_328 : memref<!tpu.dma_semaphore, #tpu.memory_space<semaphore_mem>>) {add = true}
      %dma_wait3A_335 = arith.constant 0 : i32
      %dma_wait3A_336 = tpu.memref_slice %arg6[%run_scoped3A_230, %run_scoped3A_231, %run_scoped3A_232, %dma_wait3A_335] : memref<2x2x8x128xi32, #tpu.memory_space<vmem>> -> memref<1x1x1x128xi32, #tpu.memory_space<vmem>>
      %dma_wait3A_337 = tpu.memref_squeeze %dma_wait3A_336 : memref<1x1x1x128xi32, #tpu.memory_space<vmem>> -> memref<128xi32, #tpu.memory_space<vmem>>
      %dma_wait3A_338 = arith.constant 0 : i32
      %dma_wait3A_339 = arith.constant 0 : i32
      %dma_wait3A_340 = tpu.memref_slice %arg9[%dma_wait3A_338, %dma_wait3A_339] : memref<10240x128xf32, #tpu.memory_space<vmem_shared>> -> memref<10240x128xf32, #tpu.memory_space<vmem_shared>>
      tpu.wait_indirect_dma semaphore(%run_scoped3A_328 : memref<!tpu.dma_semaphore, #tpu.memory_space<semaphore_mem>>) src(%arg7 : memref<128x128xf32, #tpu.memory_space<vmem>>) dst(%dma_wait3A_340 : memref<10240x128xf32, #tpu.memory_space<vmem_shared>>)
      tpu.yield
    }) : () -> ()
    %dma_start3A_233 = arith.constant 1 : i32
    %dma_start3A_234 = arith.constant 0 : i32
    %dma_start3A_235 = arith.constant 6 : i32
    %dma_start3A_236 = arith.constant 0 : i32
    %dma_start3A_237 = tpu.memref_slice %arg6[%dma_start3A_233, %dma_start3A_234, %dma_start3A_235, %dma_start3A_236] : memref<2x2x8x128xi32, #tpu.memory_space<vmem>> -> memref<1x1x1x128xi32, #tpu.memory_space<vmem>>
    %dma_start3A_238 = tpu.memref_squeeze %dma_start3A_237 : memref<1x1x1x128xi32, #tpu.memory_space<vmem>> -> memref<128xi32, #tpu.memory_space<vmem>>
    %dma_start3A_239 = arith.constant 0 : i32
    %dma_start3A_240 = arith.constant 0 : i32
    %dma_start3A_241 = tpu.memref_slice %arg2[%dma_start3A_239, %dma_start3A_240] : memref<10240x128xf32, #tpu.memory_space<hbm>> -> memref<10240x128xf32, #tpu.memory_space<hbm>>
    tpu.enqueue_indirect_dma source(%dma_start3A_241 : memref<10240x128xf32, #tpu.memory_space<hbm>>) target(%arg7 : memref<128x128xf32, #tpu.memory_space<vmem>>) offsets(%dma_start3A_238 : memref<128xi32, #tpu.memory_space<vmem>>) semaphore(%arg11 : memref<!tpu.dma_semaphore, #tpu.memory_space<semaphore_mem>>)
    %dma_wait3A_242 = arith.constant 0 : i32
    %dma_wait3A_243 = arith.constant 0 : i32
    %dma_wait3A_244 = arith.constant 0 : i32
    %dma_wait3A_245 = arith.constant 0 : i32
    %dma_wait3A_246 = tpu.memref_slice %arg6[%dma_wait3A_242, %dma_wait3A_243, %dma_wait3A_244, %dma_wait3A_245] : memref<2x2x8x128xi32, #tpu.memory_space<vmem>> -> memref<1x1x1x128xi32, #tpu.memory_space<vmem>>
    %dma_wait3A_247 = tpu.memref_squeeze %dma_wait3A_246 : memref<1x1x1x128xi32, #tpu.memory_space<vmem>> -> memref<128xi32, #tpu.memory_space<vmem>>
    %dma_wait3A_248 = arith.constant 0 : i32
    %dma_wait3A_249 = arith.constant 0 : i32
    %dma_wait3A_250 = tpu.memref_slice %arg2[%dma_wait3A_248, %dma_wait3A_249] : memref<10240x128xf32, #tpu.memory_space<hbm>> -> memref<10240x128xf32, #tpu.memory_space<hbm>>
    tpu.wait_indirect_dma semaphore(%arg12 : memref<!tpu.dma_semaphore, #tpu.memory_space<semaphore_mem>>) src(%dma_wait3A_250 : memref<10240x128xf32, #tpu.memory_space<hbm>>) dst(%arg8 : memref<128x128xf32, #tpu.memory_space<vmem>>)
    %run_scoped3A_251 = arith.constant 1 : i32
    %run_scoped3A_252 = arith.constant 1 : i32
    %run_scoped3A_253 = arith.constant 5 : i32
    "tpu.region"() ({
      %run_scoped3A_328 = tpu.sem_alloc : memref<!tpu.dma_semaphore, #tpu.memory_space<semaphore_mem>>
      %dma_start3A_329 = arith.constant 0 : i32
      %dma_start3A_330 = tpu.memref_slice %arg6[%run_scoped3A_251, %run_scoped3A_252, %run_scoped3A_253, %dma_start3A_329] : memref<2x2x8x128xi32, #tpu.memory_space<vmem>> -> memref<1x1x1x128xi32, #tpu.memory_space<vmem>>
      %dma_start3A_331 = tpu.memref_squeeze %dma_start3A_330 : memref<1x1x1x128xi32, #tpu.memory_space<vmem>> -> memref<128xi32, #tpu.memory_space<vmem>>
      %dma_start3A_332 = arith.constant 0 : i32
      %dma_start3A_333 = arith.constant 0 : i32
      %dma_start3A_334 = tpu.memref_slice %arg9[%dma_start3A_332, %dma_start3A_333] : memref<10240x128xf32, #tpu.memory_space<vmem_shared>> -> memref<10240x128xf32, #tpu.memory_space<vmem_shared>>
      tpu.enqueue_indirect_dma source(%arg8 : memref<128x128xf32, #tpu.memory_space<vmem>>) target(%dma_start3A_334 : memref<10240x128xf32, #tpu.memory_space<vmem_shared>>) offsets(%dma_start3A_331 : memref<128xi32, #tpu.memory_space<vmem>>) semaphore(%run_scoped3A_328 : memref<!tpu.dma_semaphore, #tpu.memory_space<semaphore_mem>>) {add = true}
      %dma_wait3A_335 = arith.constant 0 : i32
      %dma_wait3A_336 = tpu.memref_slice %arg6[%run_scoped3A_251, %run_scoped3A_252, %run_scoped3A_253, %dma_wait3A_335] : memref<2x2x8x128xi32, #tpu.memory_space<vmem>> -> memref<1x1x1x128xi32, #tpu.memory_space<vmem>>
      %dma_wait3A_337 = tpu.memref_squeeze %dma_wait3A_336 : memref<1x1x1x128xi32, #tpu.memory_space<vmem>> -> memref<128xi32, #tpu.memory_space<vmem>>
      %dma_wait3A_338 = arith.constant 0 : i32
      %dma_wait3A_339 = arith.constant 0 : i32
      %dma_wait3A_340 = tpu.memref_slice %arg9[%dma_wait3A_338, %dma_wait3A_339] : memref<10240x128xf32, #tpu.memory_space<vmem_shared>> -> memref<10240x128xf32, #tpu.memory_space<vmem_shared>>
      tpu.wait_indirect_dma semaphore(%run_scoped3A_328 : memref<!tpu.dma_semaphore, #tpu.memory_space<semaphore_mem>>) src(%arg8 : memref<128x128xf32, #tpu.memory_space<vmem>>) dst(%dma_wait3A_340 : memref<10240x128xf32, #tpu.memory_space<vmem_shared>>)
      tpu.yield
    }) : () -> ()
    %dma_start3A_254 = arith.constant 1 : i32
    %dma_start3A_255 = arith.constant 0 : i32
    %dma_start3A_256 = arith.constant 7 : i32
    %dma_start3A_257 = arith.constant 0 : i32
    %dma_start3A_258 = tpu.memref_slice %arg6[%dma_start3A_254, %dma_start3A_255, %dma_start3A_256, %dma_start3A_257] : memref<2x2x8x128xi32, #tpu.memory_space<vmem>> -> memref<1x1x1x128xi32, #tpu.memory_space<vmem>>
    %dma_start3A_259 = tpu.memref_squeeze %dma_start3A_258 : memref<1x1x1x128xi32, #tpu.memory_space<vmem>> -> memref<128xi32, #tpu.memory_space<vmem>>
    %dma_start3A_260 = arith.constant 0 : i32
    %dma_start3A_261 = arith.constant 0 : i32
    %dma_start3A_262 = tpu.memref_slice %arg2[%dma_start3A_260, %dma_start3A_261] : memref<10240x128xf32, #tpu.memory_space<hbm>> -> memref<10240x128xf32, #tpu.memory_space<hbm>>
    tpu.enqueue_indirect_dma source(%dma_start3A_262 : memref<10240x128xf32, #tpu.memory_space<hbm>>) target(%arg8 : memref<128x128xf32, #tpu.memory_space<vmem>>) offsets(%dma_start3A_259 : memref<128xi32, #tpu.memory_space<vmem>>) semaphore(%arg12 : memref<!tpu.dma_semaphore, #tpu.memory_space<semaphore_mem>>)
    %dma_wait3A_263 = arith.constant 0 : i32
    %dma_wait3A_264 = arith.constant 0 : i32
    %dma_wait3A_265 = arith.constant 0 : i32
    %dma_wait3A_266 = arith.constant 0 : i32
    %dma_wait3A_267 = tpu.memref_slice %arg6[%dma_wait3A_263, %dma_wait3A_264, %dma_wait3A_265, %dma_wait3A_266] : memref<2x2x8x128xi32, #tpu.memory_space<vmem>> -> memref<1x1x1x128xi32, #tpu.memory_space<vmem>>
    %dma_wait3A_268 = tpu.memref_squeeze %dma_wait3A_267 : memref<1x1x1x128xi32, #tpu.memory_space<vmem>> -> memref<128xi32, #tpu.memory_space<vmem>>
    %dma_wait3A_269 = arith.constant 0 : i32
    %dma_wait3A_270 = arith.constant 0 : i32
    %dma_wait3A_271 = tpu.memref_slice %arg2[%dma_wait3A_269, %dma_wait3A_270] : memref<10240x128xf32, #tpu.memory_space<hbm>> -> memref<10240x128xf32, #tpu.memory_space<hbm>>
    tpu.wait_indirect_dma semaphore(%arg11 : memref<!tpu.dma_semaphore, #tpu.memory_space<semaphore_mem>>) src(%dma_wait3A_271 : memref<10240x128xf32, #tpu.memory_space<hbm>>) dst(%arg7 : memref<128x128xf32, #tpu.memory_space<vmem>>)
    %run_scoped3A_272 = arith.constant 1 : i32
    %run_scoped3A_273 = arith.constant 1 : i32
    %run_scoped3A_274 = arith.constant 6 : i32
    "tpu.region"() ({
      %run_scoped3A_328 = tpu.sem_alloc : memref<!tpu.dma_semaphore, #tpu.memory_space<semaphore_mem>>
      %dma_start3A_329 = arith.constant 0 : i32
      %dma_start3A_330 = tpu.memref_slice %arg6[%run_scoped3A_272, %run_scoped3A_273, %run_scoped3A_274, %dma_start3A_329] : memref<2x2x8x128xi32, #tpu.memory_space<vmem>> -> memref<1x1x1x128xi32, #tpu.memory_space<vmem>>
      %dma_start3A_331 = tpu.memref_squeeze %dma_start3A_330 : memref<1x1x1x128xi32, #tpu.memory_space<vmem>> -> memref<128xi32, #tpu.memory_space<vmem>>
      %dma_start3A_332 = arith.constant 0 : i32
      %dma_start3A_333 = arith.constant 0 : i32
      %dma_start3A_334 = tpu.memref_slice %arg9[%dma_start3A_332, %dma_start3A_333] : memref<10240x128xf32, #tpu.memory_space<vmem_shared>> -> memref<10240x128xf32, #tpu.memory_space<vmem_shared>>
      tpu.enqueue_indirect_dma source(%arg7 : memref<128x128xf32, #tpu.memory_space<vmem>>) target(%dma_start3A_334 : memref<10240x128xf32, #tpu.memory_space<vmem_shared>>) offsets(%dma_start3A_331 : memref<128xi32, #tpu.memory_space<vmem>>) semaphore(%run_scoped3A_328 : memref<!tpu.dma_semaphore, #tpu.memory_space<semaphore_mem>>) {add = true}
      %dma_wait3A_335 = arith.constant 0 : i32
      %dma_wait3A_336 = tpu.memref_slice %arg6[%run_scoped3A_272, %run_scoped3A_273, %run_scoped3A_274, %dma_wait3A_335] : memref<2x2x8x128xi32, #tpu.memory_space<vmem>> -> memref<1x1x1x128xi32, #tpu.memory_space<vmem>>
      %dma_wait3A_337 = tpu.memref_squeeze %dma_wait3A_336 : memref<1x1x1x128xi32, #tpu.memory_space<vmem>> -> memref<128xi32, #tpu.memory_space<vmem>>
      %dma_wait3A_338 = arith.constant 0 : i32
      %dma_wait3A_339 = arith.constant 0 : i32
      %dma_wait3A_340 = tpu.memref_slice %arg9[%dma_wait3A_338, %dma_wait3A_339] : memref<10240x128xf32, #tpu.memory_space<vmem_shared>> -> memref<10240x128xf32, #tpu.memory_space<vmem_shared>>
      tpu.wait_indirect_dma semaphore(%run_scoped3A_328 : memref<!tpu.dma_semaphore, #tpu.memory_space<semaphore_mem>>) src(%arg7 : memref<128x128xf32, #tpu.memory_space<vmem>>) dst(%dma_wait3A_340 : memref<10240x128xf32, #tpu.memory_space<vmem_shared>>)
      tpu.yield
    }) : () -> ()
    %dma_wait3A_275 = arith.constant 0 : i32
    %dma_wait3A_276 = arith.constant 0 : i32
    %dma_wait3A_277 = arith.constant 0 : i32
    %dma_wait3A_278 = arith.constant 0 : i32
    %dma_wait3A_279 = tpu.memref_slice %arg6[%dma_wait3A_275, %dma_wait3A_276, %dma_wait3A_277, %dma_wait3A_278] : memref<2x2x8x128xi32, #tpu.memory_space<vmem>> -> memref<1x1x1x128xi32, #tpu.memory_space<vmem>>
    %dma_wait3A_280 = tpu.memref_squeeze %dma_wait3A_279 : memref<1x1x1x128xi32, #tpu.memory_space<vmem>> -> memref<128xi32, #tpu.memory_space<vmem>>
    %dma_wait3A_281 = arith.constant 0 : i32
    %dma_wait3A_282 = arith.constant 0 : i32
    %dma_wait3A_283 = tpu.memref_slice %arg2[%dma_wait3A_281, %dma_wait3A_282] : memref<10240x128xf32, #tpu.memory_space<hbm>> -> memref<10240x128xf32, #tpu.memory_space<hbm>>
    tpu.wait_indirect_dma semaphore(%arg12 : memref<!tpu.dma_semaphore, #tpu.memory_space<semaphore_mem>>) src(%dma_wait3A_283 : memref<10240x128xf32, #tpu.memory_space<hbm>>) dst(%arg8 : memref<128x128xf32, #tpu.memory_space<vmem>>)
    %run_scoped3A_284 = arith.constant 1 : i32
    %run_scoped3A_285 = arith.constant 1 : i32
    %run_scoped3A_286 = arith.constant 7 : i32
    "tpu.region"() ({
      %run_scoped3A_328 = tpu.sem_alloc : memref<!tpu.dma_semaphore, #tpu.memory_space<semaphore_mem>>
      %dma_start3A_329 = arith.constant 0 : i32
      %dma_start3A_330 = tpu.memref_slice %arg6[%run_scoped3A_284, %run_scoped3A_285, %run_scoped3A_286, %dma_start3A_329] : memref<2x2x8x128xi32, #tpu.memory_space<vmem>> -> memref<1x1x1x128xi32, #tpu.memory_space<vmem>>
      %dma_start3A_331 = tpu.memref_squeeze %dma_start3A_330 : memref<1x1x1x128xi32, #tpu.memory_space<vmem>> -> memref<128xi32, #tpu.memory_space<vmem>>
      %dma_start3A_332 = arith.constant 0 : i32
      %dma_start3A_333 = arith.constant 0 : i32
      %dma_start3A_334 = tpu.memref_slice %arg9[%dma_start3A_332, %dma_start3A_333] : memref<10240x128xf32, #tpu.memory_space<vmem_shared>> -> memref<10240x128xf32, #tpu.memory_space<vmem_shared>>
      tpu.enqueue_indirect_dma source(%arg8 : memref<128x128xf32, #tpu.memory_space<vmem>>) target(%dma_start3A_334 : memref<10240x128xf32, #tpu.memory_space<vmem_shared>>) offsets(%dma_start3A_331 : memref<128xi32, #tpu.memory_space<vmem>>) semaphore(%run_scoped3A_328 : memref<!tpu.dma_semaphore, #tpu.memory_space<semaphore_mem>>) {add = true}
      %dma_wait3A_335 = arith.constant 0 : i32
      %dma_wait3A_336 = tpu.memref_slice %arg6[%run_scoped3A_284, %run_scoped3A_285, %run_scoped3A_286, %dma_wait3A_335] : memref<2x2x8x128xi32, #tpu.memory_space<vmem>> -> memref<1x1x1x128xi32, #tpu.memory_space<vmem>>
      %dma_wait3A_337 = tpu.memref_squeeze %dma_wait3A_336 : memref<1x1x1x128xi32, #tpu.memory_space<vmem>> -> memref<128xi32, #tpu.memory_space<vmem>>
      %dma_wait3A_338 = arith.constant 0 : i32
      %dma_wait3A_339 = arith.constant 0 : i32
      %dma_wait3A_340 = tpu.memref_slice %arg9[%dma_wait3A_338, %dma_wait3A_339] : memref<10240x128xf32, #tpu.memory_space<vmem_shared>> -> memref<10240x128xf32, #tpu.memory_space<vmem_shared>>
      tpu.wait_indirect_dma semaphore(%run_scoped3A_328 : memref<!tpu.dma_semaphore, #tpu.memory_space<semaphore_mem>>) src(%arg8 : memref<128x128xf32, #tpu.memory_space<vmem>>) dst(%dma_wait3A_340 : memref<10240x128xf32, #tpu.memory_space<vmem_shared>>)
      tpu.yield
    }) : () -> ()
    %dma_wait3A_287 = arith.constant 0 : i32
    %dma_wait3A_288 = arith.constant 0 : i32
    %dma_wait3A_289 = arith.constant 0 : i32
    %dma_wait3A_290 = arith.constant 0 : i32
    %dma_wait3A_291 = arith.constant 0 : i32
    %dma_wait3A_292 = tpu.memref_slice %arg6[%dma_wait3A_288, %dma_wait3A_289, %dma_wait3A_290, %dma_wait3A_291] : memref<2x2x8x128xi32, #tpu.memory_space<vmem>> -> memref<1x1x8x128xi32, #tpu.memory_space<vmem>>
    %dma_wait3A_293 = tpu.memref_squeeze %dma_wait3A_292 : memref<1x1x8x128xi32, #tpu.memory_space<vmem>> -> memref<8x128xi32, #tpu.memory_space<vmem>>
    %dma_wait3A_294 = arith.constant 0 : i32
    %dma_wait3A_295 = arith.constant 0 : i32
    %dma_wait3A_296 = tpu.memref_slice %arg3[%dma_wait3A_287, %dma_wait3A_294, %dma_wait3A_295] : memref<2x2560x128xi32, #tpu.memory_space<hbm>> -> memref<1x8x128xi32, #tpu.memory_space<hbm>>
    %dma_wait3A_297 = tpu.memref_squeeze %dma_wait3A_296 : memref<1x8x128xi32, #tpu.memory_space<hbm>> -> memref<8x128xi32, #tpu.memory_space<hbm>>
    %dma_wait3A_298 = arith.constant 0 : i32
    %dma_wait3A_299 = arith.constant 0 : i32
    %dma_wait3A_300 = tpu.memref_slice %arg6[%dma_wait3A_288, %dma_wait3A_289, %dma_wait3A_298, %dma_wait3A_299] : memref<2x2x8x128xi32, #tpu.memory_space<vmem>> -> memref<1x1x8x128xi32, #tpu.memory_space<vmem>>
    %dma_wait3A_301 = tpu.memref_squeeze %dma_wait3A_300 : memref<1x1x8x128xi32, #tpu.memory_space<vmem>> -> memref<8x128xi32, #tpu.memory_space<vmem>>
    %dma_wait3A_302 = arith.constant 0 : i32
    %dma_wait3A_303 = arith.constant 0 : i32
    %dma_wait3A_304 = tpu.memref_slice %arg3[%dma_wait3A_287, %dma_wait3A_302, %dma_wait3A_303] : memref<2x2560x128xi32, #tpu.memory_space<hbm>> -> memref<1x8x128xi32, #tpu.memory_space<hbm>>
    %dma_wait3A_305 = tpu.memref_squeeze %dma_wait3A_304 : memref<1x8x128xi32, #tpu.memory_space<hbm>> -> memref<8x128xi32, #tpu.memory_space<hbm>>
    tpu.wait_dma2 semaphore(%arg10 : memref<!tpu.dma_semaphore, #tpu.memory_space<semaphore_mem>>) src(%dma_wait3A_305 : memref<8x128xi32, #tpu.memory_space<hbm>>) dst(%dma_wait3A_301 : memref<8x128xi32, #tpu.memory_space<vmem>>)
    %dma_wait3A_306 = arith.constant 0 : i32
    %dma_wait3A_307 = arith.constant 0 : i32
    %dma_wait3A_308 = arith.constant 0 : i32
    %dma_wait3A_309 = arith.constant 0 : i32
    %dma_wait3A_310 = arith.constant 0 : i32
    %dma_wait3A_311 = tpu.memref_slice %arg6[%dma_wait3A_307, %dma_wait3A_308, %dma_wait3A_309, %dma_wait3A_310] : memref<2x2x8x128xi32, #tpu.memory_space<vmem>> -> memref<1x1x8x128xi32, #tpu.memory_space<vmem>>
    %dma_wait3A_312 = tpu.memref_squeeze %dma_wait3A_311 : memref<1x1x8x128xi32, #tpu.memory_space<vmem>> -> memref<8x128xi32, #tpu.memory_space<vmem>>
    %dma_wait3A_313 = arith.constant 0 : i32
    %dma_wait3A_314 = arith.constant 0 : i32
    %dma_wait3A_315 = tpu.memref_slice %arg3[%dma_wait3A_306, %dma_wait3A_313, %dma_wait3A_314] : memref<2x2560x128xi32, #tpu.memory_space<hbm>> -> memref<1x8x128xi32, #tpu.memory_space<hbm>>
    %dma_wait3A_316 = tpu.memref_squeeze %dma_wait3A_315 : memref<1x8x128xi32, #tpu.memory_space<hbm>> -> memref<8x128xi32, #tpu.memory_space<hbm>>
    %dma_wait3A_317 = arith.constant 0 : i32
    %dma_wait3A_318 = arith.constant 0 : i32
    %dma_wait3A_319 = tpu.memref_slice %arg6[%dma_wait3A_307, %dma_wait3A_308, %dma_wait3A_317, %dma_wait3A_318] : memref<2x2x8x128xi32, #tpu.memory_space<vmem>> -> memref<1x1x8x128xi32, #tpu.memory_space<vmem>>
    %dma_wait3A_320 = tpu.memref_squeeze %dma_wait3A_319 : memref<1x1x8x128xi32, #tpu.memory_space<vmem>> -> memref<8x128xi32, #tpu.memory_space<vmem>>
    %dma_wait3A_321 = arith.constant 0 : i32
    %dma_wait3A_322 = arith.constant 0 : i32
    %dma_wait3A_323 = tpu.memref_slice %arg3[%dma_wait3A_306, %dma_wait3A_321, %dma_wait3A_322] : memref<2x2560x128xi32, #tpu.memory_space<hbm>> -> memref<1x8x128xi32, #tpu.memory_space<hbm>>
    %dma_wait3A_324 = tpu.memref_squeeze %dma_wait3A_323 : memref<1x8x128xi32, #tpu.memory_space<hbm>> -> memref<8x128xi32, #tpu.memory_space<hbm>>
    tpu.wait_dma2 semaphore(%arg10 : memref<!tpu.dma_semaphore, #tpu.memory_space<semaphore_mem>>) src(%dma_wait3A_324 : memref<8x128xi32, #tpu.memory_space<hbm>>) dst(%dma_wait3A_320 : memref<8x128xi32, #tpu.memory_space<vmem>>)
    %barrier3A_325 = arith.constant 0 : index
    tpu.barrier barrier_id(%barrier3A_325)
    %mul3A_326 = arith.constant 640 : i32
    %mul3A_327 = arith.muli %arg1, %mul3A_326 : i32
    "tpu.region"() ({
      %run_scoped3A_328 = tpu.sem_alloc : memref<!tpu.dma_semaphore, #tpu.memory_space<semaphore_mem>>
      %dma_start3A_329 = arith.constant 0 : i32
      %dma_start3A_330 = tpu.memref_slice %arg5[%arg0, %mul3A_327, %dma_start3A_329] : memref<2x10240x128xf32, #tpu.memory_space<hbm>> -> memref<1x640x128xf32, #tpu.memory_space<hbm>>
      %dma_start3A_331 = tpu.memref_squeeze %dma_start3A_330 : memref<1x640x128xf32, #tpu.memory_space<hbm>> -> memref<640x128xf32, #tpu.memory_space<hbm>>
      %dma_start3A_332 = arith.constant 0 : i32
      %dma_start3A_333 = tpu.memref_slice %arg9[%mul3A_327, %dma_start3A_332] : memref<10240x128xf32, #tpu.memory_space<vmem_shared>> -> memref<640x128xf32, #tpu.memory_space<vmem_shared>>
      tpu.enqueue_dma source(%dma_start3A_333 : memref<640x128xf32, #tpu.memory_space<vmem_shared>>) target(%dma_start3A_331 : memref<640x128xf32, #tpu.memory_space<hbm>>) target_semaphore(%run_scoped3A_328 : memref<!tpu.dma_semaphore, #tpu.memory_space<semaphore_mem>>)
      %dma_wait3A_334 = arith.constant 0 : i32
      %dma_wait3A_335 = tpu.memref_slice %arg5[%arg0, %mul3A_327, %dma_wait3A_334] : memref<2x10240x128xf32, #tpu.memory_space<hbm>> -> memref<1x640x128xf32, #tpu.memory_space<hbm>>
      %dma_wait3A_336 = tpu.memref_squeeze %dma_wait3A_335 : memref<1x640x128xf32, #tpu.memory_space<hbm>> -> memref<640x128xf32, #tpu.memory_space<hbm>>
      %dma_wait3A_337 = arith.constant 0 : i32
      %dma_wait3A_338 = tpu.memref_slice %arg9[%mul3A_327, %dma_wait3A_337] : memref<10240x128xf32, #tpu.memory_space<vmem_shared>> -> memref<640x128xf32, #tpu.memory_space<vmem_shared>>
      tpu.wait_dma2 semaphore(%run_scoped3A_328 : memref<!tpu.dma_semaphore, #tpu.memory_space<semaphore_mem>>) src(%dma_wait3A_338 : memref<640x128xf32, #tpu.memory_space<vmem_shared>>) dst(%dma_wait3A_336 : memref<640x128xf32, #tpu.memory_space<hbm>>)
      tpu.yield
    }) : () -> ()
    return
  }
}

module attributes {stable_mosaic.version = 14 : i64} {
  func.func @_tc1_body(%arg0: i32, %arg1: memref<1280x128xf32, #tpu.memory_space<vmem>>, %arg2: memref<128x128xf32, #tpu.memory_space<vmem>>, %arg3: memref<2x1280xf32, #tpu.memory_space<vmem>>, %arg4: memref<1280x128xf32, #tpu.memory_space<vmem>>) attributes {dimension_semantics = [#tpu.dimension_semantics<arbitrary>], iteration_bounds = array<i64: 8>, scalar_prefetch = 0 : i64, scratch_operands = 0 : i64, tpu.core_type = #tpu.core_type<tc>, window_params = [{transform_indices = @transform_0, window_bounds = array<i64: 1280, 128>}, {pipeline_mode = #tpu.pipeline_mode<synchronous>, transform_indices = @transform_1, window_bounds = array<i64: 128, 128>}, {transform_indices = @transform_2, window_bounds = array<i64: 2, 1280>}, {transform_indices = @transform_3, window_bounds = array<i64: 1280, 128>}]} {
    %get3A = arith.constant 0 : index
    %get3A_0 = arith.constant 0 : index
    %get3A_1 = vector.load %arg1[%get3A, %get3A_0] : memref<1280x128xf32, #tpu.memory_space<vmem>>, vector<1280x128xf32>
    %get3A_2 = arith.constant 0 : index
    %get3A_3 = arith.constant 0 : index
    %get3A_4 = vector.load %arg2[%get3A_2, %get3A_3] : memref<128x128xf32, #tpu.memory_space<vmem>>, vector<128x128xf32>
    %dot_general3A = arith.constant dense<0.000000e+00> : vector<1280x128xf32>
    %dot_general3A_5 = tpu.matmul %get3A_1, %get3A_4, %dot_general3A {dimension_numbers = #tpu.dot_dimension_numbers<[1], [0], [0], [1], [0, 0, 1, 1], [], []>, precision = #tpu.contract_precision<fp32>, transpose_lhs_hint = false} : vector<1280x128xf32>, vector<128x128xf32>, vector<1280x128xf32> -> vector<1280x128xf32>
    %get3A_6 = arith.constant 0 : index
    %get3A_7 = arith.constant 0 : index
    %get3A_8 = vector.load %arg3[%get3A_6, %get3A_7] : memref<2x1280xf32, #tpu.memory_space<vmem>>, vector<1x1280xf32>
    %get3A_9 = arith.constant 1 : index
    %get3A_10 = arith.constant 0 : index
    %get3A_11 = vector.load %arg3[%get3A_9, %get3A_10] : memref<2x1280xf32, #tpu.memory_space<vmem>>, vector<1x1280xf32>
    %add3A = arith.addf %get3A_8, %get3A_11 : vector<1x1280xf32>
    %add3A_12 = arith.constant 1.000000e+00 : f32
    %add3A_13 = vector.broadcast %add3A_12 : f32 to vector<1x1280xf32>
    %add3A_14 = arith.addf %add3A, %add3A_13 : vector<1x1280xf32>
    %rsqrt3A = math.rsqrt %add3A_14 : vector<1x1280xf32>
    %transpose3A = tpu.transpose %rsqrt3A, [1, 0] : vector<1x1280xf32> -> vector<1280x1xf32>
    %mul3A = vector.broadcast %transpose3A : vector<1280x1xf32> to vector<1280x128xf32>
    %mul3A_15 = arith.mulf %dot_general3A_5, %mul3A : vector<1280x128xf32>
    %swap3A = arith.constant 0 : index
    %swap3A_16 = arith.constant 0 : index
    %swap3A_17 = vector.load %arg4[%swap3A, %swap3A_16] : memref<1280x128xf32, #tpu.memory_space<vmem>>, vector<1280x128xf32>
    tpu.vector_store %arg4[%swap3A, %swap3A_16], %mul3A_15 {strides = array<i32>} : memref<1280x128xf32, #tpu.memory_space<vmem>>, vector<1280x128xf32>,
    return
  }
  func.func @transform_0(%arg0: i32) -> (i32, i32) {
    %c0_i32 = arith.constant 0 : i32
    %c0_i32_0 = arith.constant 0 : i32
    return %arg0, %c0_i32 : i32, i32
  }
  func.func @transform_1(%arg0: i32) -> (i32, i32) {
    %c0_i32 = arith.constant 0 : i32
    %c0_i32_0 = arith.constant 0 : i32
    %c0_i32_1 = arith.constant 0 : i32
    return %c0_i32, %c0_i32_0 : i32, i32
  }
  func.func @transform_2(%arg0: i32) -> (i32, i32) {
    %c0_i32 = arith.constant 0 : i32
    %c0_i32_0 = arith.constant 0 : i32
    return %c0_i32, %arg0 : i32, i32
  }
  func.func @transform_3(%arg0: i32) -> (i32, i32) {
    %c0_i32 = arith.constant 0 : i32
    %c0_i32_0 = arith.constant 0 : i32
    return %arg0, %c0_i32 : i32, i32
  }
}

module attributes {stable_mosaic.version = 14 : i64} {
  func.func @_tc2_body(%arg0: i32, %arg1: memref<2x1280x128xf32, #tpu.memory_space<vmem>>, %arg2: memref<1280x128xf32, #tpu.memory_space<vmem>>, %arg3: memref<2x1280xf32, #tpu.memory_space<vmem>>, %arg4: memref<128x128xf32, #tpu.memory_space<vmem>>, %arg5: memref<1x128xf32, #tpu.memory_space<vmem>>, %arg6: memref<1280x128xf32, #tpu.memory_space<vmem>>) attributes {dimension_semantics = [#tpu.dimension_semantics<arbitrary>], iteration_bounds = array<i64: 8>, scalar_prefetch = 0 : i64, scratch_operands = 0 : i64, tpu.core_type = #tpu.core_type<tc>, window_params = [{transform_indices = @transform_0, window_bounds = array<i64: 2, 1280, 128>}, {transform_indices = @transform_1, window_bounds = array<i64: 1280, 128>}, {transform_indices = @transform_2, window_bounds = array<i64: 2, 1280>}, {pipeline_mode = #tpu.pipeline_mode<synchronous>, transform_indices = @transform_3, window_bounds = array<i64: 128, 128>}, {pipeline_mode = #tpu.pipeline_mode<synchronous>, transform_indices = @transform_4, window_bounds = array<i64: 1, 128>}, {transform_indices = @transform_5, window_bounds = array<i64: 1280, 128>}]} {
    %get3A = arith.constant 0 : index
    %get3A_0 = arith.constant 0 : index
    %get3A_1 = vector.load %arg3[%get3A, %get3A_0] : memref<2x1280xf32, #tpu.memory_space<vmem>>, vector<1x1280xf32>
    %get3A_2 = arith.constant 1 : index
    %get3A_3 = arith.constant 0 : index
    %get3A_4 = vector.load %arg3[%get3A_2, %get3A_3] : memref<2x1280xf32, #tpu.memory_space<vmem>>, vector<1x1280xf32>
    %add3A = arith.addf %get3A_1, %get3A_4 : vector<1x1280xf32>
    %add3A_5 = arith.constant 1.000000e+00 : f32
    %add3A_6 = vector.broadcast %add3A_5 : f32 to vector<1x1280xf32>
    %add3A_7 = arith.addf %add3A, %add3A_6 : vector<1x1280xf32>
    %rsqrt3A = math.rsqrt %add3A_7 : vector<1x1280xf32>
    %transpose3A = tpu.transpose %rsqrt3A, [1, 0] : vector<1x1280xf32> -> vector<1280x1xf32>
    %get3A_8 = arith.constant 0 : index
    %get3A_9 = arith.constant 0 : index
    %get3A_10 = arith.constant 0 : index
    %get3A_11 = vector.load %arg1[%get3A_8, %get3A_9, %get3A_10] : memref<2x1280x128xf32, #tpu.memory_space<vmem>>, vector<1x1280x128xf32>
    %get3A_12 = vector.shape_cast %get3A_11 : vector<1x1280x128xf32> to vector<1280x128xf32>
    %get3A_13 = arith.constant 1 : index
    %get3A_14 = arith.constant 0 : index
    %get3A_15 = arith.constant 0 : index
    %get3A_16 = vector.load %arg1[%get3A_13, %get3A_14, %get3A_15] : memref<2x1280x128xf32, #tpu.memory_space<vmem>>, vector<1x1280x128xf32>
    %get3A_17 = vector.shape_cast %get3A_16 : vector<1x1280x128xf32> to vector<1280x128xf32>
    %add3A_18 = arith.addf %get3A_12, %get3A_17 : vector<1280x128xf32>
    %get3A_19 = arith.constant 0 : index
    %get3A_20 = arith.constant 0 : index
    %get3A_21 = vector.load %arg2[%get3A_19, %get3A_20] : memref<1280x128xf32, #tpu.memory_space<vmem>>, vector<1280x128xf32>
    %add3A_22 = arith.addf %add3A_18, %get3A_21 : vector<1280x128xf32>
    %mul3A = vector.broadcast %transpose3A : vector<1280x1xf32> to vector<1280x128xf32>
    %mul3A_23 = arith.mulf %mul3A, %add3A_22 : vector<1280x128xf32>
    %get3A_24 = arith.constant 0 : index
    %get3A_25 = arith.constant 0 : index
    %get3A_26 = vector.load %arg5[%get3A_24, %get3A_25] : memref<1x128xf32, #tpu.memory_space<vmem>>, vector<1x128xf32>
    %add3A_27 = vector.broadcast %get3A_26 : vector<1x128xf32> to vector<1280x128xf32>
    %add3A_28 = arith.addf %mul3A_23, %add3A_27 : vector<1280x128xf32>
    %max3A = arith.constant 0.000000e+00 : f32
    %max3A_29 = vector.broadcast %max3A : f32 to vector<1280x128xf32>
    %max3A_30 = arith.maximumf %add3A_28, %max3A_29 : vector<1280x128xf32>
    %get3A_31 = arith.constant 0 : index
    %get3A_32 = arith.constant 0 : index
    %get3A_33 = vector.load %arg4[%get3A_31, %get3A_32] : memref<128x128xf32, #tpu.memory_space<vmem>>, vector<128x128xf32>
    %dot_general3A = arith.constant dense<0.000000e+00> : vector<1280x128xf32>
    %dot_general3A_34 = tpu.matmul %max3A_30, %get3A_33, %dot_general3A {dimension_numbers = #tpu.dot_dimension_numbers<[1], [0], [0], [1], [0, 0, 1, 1], [], []>, precision = #tpu.contract_precision<fp32>, transpose_lhs_hint = false} : vector<1280x128xf32>, vector<128x128xf32>, vector<1280x128xf32> -> vector<1280x128xf32>
    %mul3A_35 = vector.broadcast %transpose3A : vector<1280x1xf32> to vector<1280x128xf32>
    %mul3A_36 = arith.mulf %dot_general3A_34, %mul3A_35 : vector<1280x128xf32>
    %swap3A = arith.constant 0 : index
    %swap3A_37 = arith.constant 0 : index
    %swap3A_38 = vector.load %arg6[%swap3A, %swap3A_37] : memref<1280x128xf32, #tpu.memory_space<vmem>>, vector<1280x128xf32>
    tpu.vector_store %arg6[%swap3A, %swap3A_37], %mul3A_36 {strides = array<i32>} : memref<1280x128xf32, #tpu.memory_space<vmem>>, vector<1280x128xf32>,
    return
  }
  func.func @transform_0(%arg0: i32) -> (i32, i32, i32) {
    %c0_i32 = arith.constant 0 : i32
    %c0_i32_0 = arith.constant 0 : i32
    %c0_i32_1 = arith.constant 0 : i32
    return %c0_i32, %arg0, %c0_i32_0 : i32, i32, i32
  }
  func.func @transform_1(%arg0: i32) -> (i32, i32) {
    %c0_i32 = arith.constant 0 : i32
    %c0_i32_0 = arith.constant 0 : i32
    return %arg0, %c0_i32 : i32, i32
  }
  func.func @transform_2(%arg0: i32) -> (i32, i32) {
    %c0_i32 = arith.constant 0 : i32
    %c0_i32_0 = arith.constant 0 : i32
    return %c0_i32, %arg0 : i32, i32
  }
  func.func @transform_3(%arg0: i32) -> (i32, i32) {
    %c0_i32 = arith.constant 0 : i32
    %c0_i32_0 = arith.constant 0 : i32
    %c0_i32_1 = arith.constant 0 : i32
    return %c0_i32, %c0_i32_0 : i32, i32
  }
  func.func @transform_4(%arg0: i32) -> (i32, i32) {
    %c0_i32 = arith.constant 0 : i32
    %c0_i32_0 = arith.constant 0 : i32
    %c0_i32_1 = arith.constant 0 : i32
    return %c0_i32, %c0_i32_0 : i32, i32
  }
  func.func @transform_5(%arg0: i32) -> (i32, i32) {
    %c0_i32 = arith.constant 0 : i32
    %c0_i32_0 = arith.constant 0 : i32
    return %arg0, %c0_i32 : i32, i32
  }
}

module attributes {stable_mosaic.version = 14 : i64} {
  func.func @_tc3_body(%arg0: i32, %arg1: memref<2x1280x128xf32, #tpu.memory_space<vmem>>, %arg2: memref<1280x128xf32, #tpu.memory_space<vmem>>, %arg3: memref<2x1280xf32, #tpu.memory_space<vmem>>, %arg4: memref<1x128xf32, #tpu.memory_space<vmem>>, %arg5: memref<1280x128xf32, #tpu.memory_space<vmem>>) attributes {dimension_semantics = [#tpu.dimension_semantics<arbitrary>], iteration_bounds = array<i64: 8>, scalar_prefetch = 0 : i64, scratch_operands = 0 : i64, tpu.core_type = #tpu.core_type<tc>, window_params = [{transform_indices = @transform_0, window_bounds = array<i64: 2, 1280, 128>}, {transform_indices = @transform_1, window_bounds = array<i64: 1280, 128>}, {transform_indices = @transform_2, window_bounds = array<i64: 2, 1280>}, {pipeline_mode = #tpu.pipeline_mode<synchronous>, transform_indices = @transform_3, window_bounds = array<i64: 1, 128>}, {transform_indices = @transform_4, window_bounds = array<i64: 1280, 128>}]} {
    %get3A = arith.constant 0 : index
    %get3A_0 = arith.constant 0 : index
    %get3A_1 = vector.load %arg3[%get3A, %get3A_0] : memref<2x1280xf32, #tpu.memory_space<vmem>>, vector<1x1280xf32>
    %get3A_2 = arith.constant 1 : index
    %get3A_3 = arith.constant 0 : index
    %get3A_4 = vector.load %arg3[%get3A_2, %get3A_3] : memref<2x1280xf32, #tpu.memory_space<vmem>>, vector<1x1280xf32>
    %add3A = arith.addf %get3A_1, %get3A_4 : vector<1x1280xf32>
    %add3A_5 = arith.constant 1.000000e+00 : f32
    %add3A_6 = vector.broadcast %add3A_5 : f32 to vector<1x1280xf32>
    %add3A_7 = arith.addf %add3A, %add3A_6 : vector<1x1280xf32>
    %rsqrt3A = math.rsqrt %add3A_7 : vector<1x1280xf32>
    %transpose3A = tpu.transpose %rsqrt3A, [1, 0] : vector<1x1280xf32> -> vector<1280x1xf32>
    %get3A_8 = arith.constant 0 : index
    %get3A_9 = arith.constant 0 : index
    %get3A_10 = arith.constant 0 : index
    %get3A_11 = vector.load %arg1[%get3A_8, %get3A_9, %get3A_10] : memref<2x1280x128xf32, #tpu.memory_space<vmem>>, vector<1x1280x128xf32>
    %get3A_12 = vector.shape_cast %get3A_11 : vector<1x1280x128xf32> to vector<1280x128xf32>
    %get3A_13 = arith.constant 1 : index
    %get3A_14 = arith.constant 0 : index
    %get3A_15 = arith.constant 0 : index
    %get3A_16 = vector.load %arg1[%get3A_13, %get3A_14, %get3A_15] : memref<2x1280x128xf32, #tpu.memory_space<vmem>>, vector<1x1280x128xf32>
    %get3A_17 = vector.shape_cast %get3A_16 : vector<1x1280x128xf32> to vector<1280x128xf32>
    %add3A_18 = arith.addf %get3A_12, %get3A_17 : vector<1280x128xf32>
    %get3A_19 = arith.constant 0 : index
    %get3A_20 = arith.constant 0 : index
    %get3A_21 = vector.load %arg2[%get3A_19, %get3A_20] : memref<1280x128xf32, #tpu.memory_space<vmem>>, vector<1280x128xf32>
    %add3A_22 = arith.addf %add3A_18, %get3A_21 : vector<1280x128xf32>
    %mul3A = vector.broadcast %transpose3A : vector<1280x1xf32> to vector<1280x128xf32>
    %mul3A_23 = arith.mulf %mul3A, %add3A_22 : vector<1280x128xf32>
    %get3A_24 = arith.constant 0 : index
    %get3A_25 = arith.constant 0 : index
    %get3A_26 = vector.load %arg4[%get3A_24, %get3A_25] : memref<1x128xf32, #tpu.memory_space<vmem>>, vector<1x128xf32>
    %add3A_27 = vector.broadcast %get3A_26 : vector<1x128xf32> to vector<1280x128xf32>
    %add3A_28 = arith.addf %mul3A_23, %add3A_27 : vector<1280x128xf32>
    %swap3A = arith.constant 0 : index
    %swap3A_29 = arith.constant 0 : index
    %swap3A_30 = vector.load %arg5[%swap3A, %swap3A_29] : memref<1280x128xf32, #tpu.memory_space<vmem>>, vector<1280x128xf32>
    tpu.vector_store %arg5[%swap3A, %swap3A_29], %add3A_28 {strides = array<i32>} : memref<1280x128xf32, #tpu.memory_space<vmem>>, vector<1280x128xf32>,
    return
  }
  func.func @transform_0(%arg0: i32) -> (i32, i32, i32) {
    %c0_i32 = arith.constant 0 : i32
    %c0_i32_0 = arith.constant 0 : i32
    %c0_i32_1 = arith.constant 0 : i32
    return %c0_i32, %arg0, %c0_i32_0 : i32, i32, i32
  }
  func.func @transform_1(%arg0: i32) -> (i32, i32) {
    %c0_i32 = arith.constant 0 : i32
    %c0_i32_0 = arith.constant 0 : i32
    return %arg0, %c0_i32 : i32, i32
  }
  func.func @transform_2(%arg0: i32) -> (i32, i32) {
    %c0_i32 = arith.constant 0 : i32
    %c0_i32_0 = arith.constant 0 : i32
    return %c0_i32, %arg0 : i32, i32
  }
  func.func @transform_3(%arg0: i32) -> (i32, i32) {
    %c0_i32 = arith.constant 0 : i32
    %c0_i32_0 = arith.constant 0 : i32
    %c0_i32_1 = arith.constant 0 : i32
    return %c0_i32, %c0_i32_0 : i32, i32
  }
  func.func @transform_4(%arg0: i32) -> (i32, i32) {
    %c0_i32 = arith.constant 0 : i32
    %c0_i32_0 = arith.constant 0 : i32
    return %arg0, %c0_i32 : i32, i32
  }
}

</mosaic_0001>

<sc_bundles>
// kernel: kernel.11.cloned.1.call-start
scs
__scs_entry_jumppad:
0x0: {  	(pc) =	sbr.rel $0x88, $3  }
0x1: {  	(tag) =	ssettag $0x0;
	lr =	simm.s32 $0x1  }
0x2: {  	[smem:$0x3F9B] =	sst lr;
	_ =	strace $0xD0000000  }
0x3: {  	_ = 	snop  }
0x4: {  	_ = 	snop  }
0x5: {  	_ = 	snop  }
0x6: {  	_ = 	snop  }
0x7: {  	_ = 	snop  }
__scs_overlays_trampoline_lowered:
0x8: {  	[smem:$0x3FAA] =	sst s0  }
0x9: {  	[smem:$0x3FAB] =	sst s1  }
0xa: {  	[smem:$0x3FAC] =	sst s2  }
0xb: {  	[smem:$0x3FAD] =	sst s3  }
0xc: {  	[smem:$0x3FAE] =	sst s4  }
0xd: {  	[smem:$0x3FAF] =	sst s5  }
0xe: {  	[smem:$0x3FB0] =	sst s6  }
0xf: {  	[smem:$0x3FB1] =	sst s7  }
0x10: {  	[smem:$0x3FB2] =	sst s8  }
0x11: {  	[smem:$0x3FB3] =	sst s9;
	s0 =	simm.s32 @!p0 $0x0  }
0x12: {  	s1 =	sld [smem:$0x3F99];
	s0 =	simm.s32 @p0 $0x1  }
0x13: {  	[smem:$0x3FB4] =	sst s0;
	s0 =	simm.s32 @!p1 $0x0  }
0x14: {  	s2 =	sld [smem:$0x3F98];
	s0 =	simm.s32 @p1 $0x1  }
0x15: {  	[smem:$0x3FB5] =	sst s0;
	s0 =	simm.s32 @!p2 $0x0  }
0x16: {  	s3 =	sld [smem:$0x3FDB];
	s0 =	simm.s32 @p2 $0x1  }
0x17: {  	s4 =	simm.s32 $0x1BF5;
	[smem:$0x3FB7] =	sst s0  }
0x18: {  	s0 =	sld [smem:$0x3F9A];
	_ =	swait.ge [sflag:s4], $0x0  }
0x19: {  	s7 =	sld [smem:$0x3F9B]  }
0x1a: {  	s8 =	sadd.s32 $0xFFFFE003, lr  }
0x1b: {  	s9 =	sadd.s32 $0xFFFFFEF7, lr;
	s5 =	simm.s32 $0xFFFFFFFF;
	p2 =	slt.u32 s8, $0xFFFFF086  }
0x1c: {  	p1 =	slt.u32 s9, $0xF7A;
	s5 =	simm.s32 @!p2 $0x0  }
0x1d: {  	s5 =	simm.s32 @p1 $0x1;
	p0 =	seq.s32 s7, s2  }
0x1e: {  	s7 =	smul.u32 @!p0 $0xF7A, s2;
	p2 =	seq.s32 @!p0 s5, $0x0  }
0x1f: {  	s9 =	smul.u32 $0xF7A, s1;
	s8 =	simm.s32 @!p0 $0x1BF5;
	p2 =	por !p2, p0  }
0x20: {  	[sflag:s8] =	ssyncset.s32 @!p0 $0xFFFFF086;
	s6 =	sadd.s32 @!p0 s3, s7;
	s7 =	simm.s32 @!p0 $0x108  }
0x21: {  	s3 =	sadd.s32 s3, s9;
	s6 =	sadd.s32 @!p0 $0x88, s6;
	s7 =	simm.s32 @p2 $0x1082  }
0x22: {  	[simem:s7], [sflag:s8] =	dma.local @!p0 [hbm:s6], $0xF7A  }
0x23: {  	s9 =	sor.u32 $0xD0000000, s2;
	s6 =	simm.s32 $0x108;
	_ =	swait.ge @!p0 [sflag:s8], $0x0  }
0x24: {  	s3 =	sadd.s32 $0x88, s3;
	s6 =	simm.s32 @!p1 $0x1082;
	[sflag:s4] =	ssyncset.s32 $0xFFFFF086  }
0x25: {  	[simem:s6], [sflag:s4] =	dma.local [hbm:s3], $0xF7A  }
0x26: {  	[smem:$0x3F9B] =	sst s1;
	(tag) =	ssettag s2;
	_ =	strace s9  }
0x27: {  	s1 =	sld [smem:$0x3FAB]  }
0x28: {  	s2 =	sld [smem:$0x3FAC]  }
0x29: {  	s4 =	sld [smem:$0x3FAE]  }
0x2a: {  	p0 =	seq.s32 s5, $0x0;
	s5 =	sld [smem:$0x3FAF]  }
0x2b: {  	s6 =	sld [smem:$0x3FB0]  }
0x2c: {  	s7 =	sld [smem:$0x3FB1]  }
0x2d: {  	s3 =	simm.s32 $0x108;
	s8 =	sld [smem:$0x3FB2]  }
0x2e: {  	s3 =	simm.s32 @!p0 $0x1082;
	s9 =	sld [smem:$0x3FB3]  }
0x2f: {  	lr =	sadd.s32 s0, s3;
	s0 =	sld [smem:$0x3FAA]  }
0x30: {  	s3 =	sld [smem:$0x3FAD]  }
0x31: {  	[smem:$0x3FB6] =	sst s10  }
0x32: {  	s10 =	sld [smem:$0x3FB4];
	_ =	sdelay $0x3  }
0x33: {  	p0 =	seq.s32 s10, $0x1;
	s10 =	sld [smem:$0x3FB6];
	_ =	sdelay $0x3  }
0x34: {  	[smem:$0x3FB6] =	sst s10  }
0x35: {  	s10 =	sld [smem:$0x3FB5];
	_ =	sdelay $0x3  }
0x36: {  	p1 =	seq.s32 s10, $0x1;
	s10 =	sld [smem:$0x3FB6];
	_ =	sdelay $0x3  }
0x37: {  	[smem:$0x3FB6] =	sst s10  }
0x38: {  	s10 =	sld [smem:$0x3FB7]  }
0x39: {  	_ = 	snop;
	(pc) =	sbr.ind lr, $3  }
0x3a: {  	_ = 	snop  }
0x3b: {  	_ = 	snop  }
0x3c: {  	p2 =	seq.s32 s10, $0x1;
	s10 =	sld [smem:$0x3FB6]  }
0x3d: {  	_ =	shalt  }
0x3e: {  	_ =	shalt  }
0x3f: {  	_ =	shalt  }
0x40: {  	_ =	shalt  }
0x41: {  	_ =	shalt  }
0x42: {  	_ =	shalt  }
0x43: {  	_ =	shalt  }
0x44: {  	_ =	shalt  }
0x45: {  	_ =	shalt  }
0x46: {  	_ =	shalt  }
0x47: {  	_ =	shalt  }
0x48: {  	_ =	shalt  }
0x49: {  	_ =	shalt  }
0x4a: {  	_ =	shalt  }
0x4b: {  	_ =	shalt  }
0x4c: {  	_ =	shalt  }
0x4d: {  	_ =	shalt  }
0x4e: {  	_ =	shalt  }
0x4f: {  	_ =	shalt  }
0x50: {  	_ =	shalt  }
0x51: {  	_ =	shalt  }
0x52: {  	_ =	shalt  }
0x53: {  	_ =	shalt  }
0x54: {  	_ =	shalt  }
0x55: {  	_ =	shalt  }
0x56: {  	_ =	shalt  }
0x57: {  	_ =	shalt  }
0x58: {  	_ =	shalt  }
0x59: {  	_ =	shalt  }
0x5a: {  	_ =	shalt  }
0x5b: {  	_ =	shalt  }
0x5c: {  	_ =	shalt  }
0x5d: {  	_ =	shalt  }
0x5e: {  	_ =	shalt  }
0x5f: {  	_ =	shalt  }
0x60: {  	_ =	shalt  }
0x61: {  	_ =	shalt  }
0x62: {  	_ =	shalt  }
0x63: {  	_ =	shalt  }
0x64: {  	_ =	shalt  }
0x65: {  	_ =	shalt  }
0x66: {  	_ =	shalt  }
0x67: {  	_ =	shalt  }
0x68: {  	_ =	shalt  }
0x69: {  	_ =	shalt  }
0x6a: {  	_ =	shalt  }
0x6b: {  	_ =	shalt  }
0x6c: {  	_ =	shalt  }
0x6d: {  	_ =	shalt  }
0x6e: {  	_ =	shalt  }
0x6f: {  	_ =	shalt  }
0x70: {  	_ =	shalt  }
0x71: {  	_ =	shalt  }
0x72: {  	_ =	shalt  }
0x73: {  	_ =	shalt  }
0x74: {  	_ =	shalt  }
0x75: {  	_ =	shalt  }
0x76: {  	_ =	shalt  }
0x77: {  	_ =	shalt  }
0x78: {  	_ =	shalt  }
0x79: {  	_ =	shalt  }
0x7a: {  	_ =	shalt  }
0x7b: {  	_ =	shalt  }
0x7c: {  	_ =	shalt  }
0x7d: {  	_ =	shalt  }
0x7e: {  	_ =	shalt  }
0x7f: {  	_ =	shalt  }
0x80: {  	_ =	shalt  }
0x81: {  	_ =	shalt  }
0x82: {  	_ =	shalt  }
0x83: {  	_ =	shalt  }
0x84: {  	_ =	shalt  }
0x85: {  	_ =	shalt  }
0x86: {  	_ =	shalt  }
0x87: {  	_ =	shalt  }
.Lfunc_end0:
.L_simem_size_0:
called_computation.1_lowered:
.L_overlay_start_0:
0x88: {  	s2 =	sld [smem:$0x3FD9]  }
0x89: {  	s3 =	sld [smem:$0x3FFE];
	_ =	sdelay $0x1  }
0x8a: {  	s1 =	srdreg.scid  }
0x8b: {  	s0 =	sand.u32 $0x1, s1  }
0x8c: {  	s17 =	sshll.u32 s0, $0xA;
	s2 =	sadd.s32 s3, s2  }
0x8d: {  	s2 =	sadd.s32 s2, s17  }
0x8e: {  	[smem:$0x3FC2] =	sst s2  }
0x8f: {  	_ = 	snop  }
0x90: {  	s2 =	sld [smem:$0x3FD0];
	(tm) =	ssettm $0x1  }
0x91: {  	s18 =	sld [smem:$0x3FFB];
	_ =	sdelay $0x3  }
0x92: {  	_ =	strace s18  }
0x93: {  	s3 =	sld [smem:$0x3FFC];
	_ =	sdelay $0x3  }
0x94: {  	_ =	strace s3  }
0x95: {  	s3 =	sld [smem:$0x3FFD];
	_ =	sdelay $0x3  }
0x96: {  	_ =	strace s3  }
0x97: {  	_ =	strace $0x8FFFFFFF  }
0x98: {  	s19 =	sld [smem:$0x3FDB];
	_ =	sdelay $0x1  }
0x99: {  	s4 =	simm.s32 $_scs_section_size  }
0x9a: {  	s5 =	simm.s32 $_size__tile_overlayer_lowered;
	s6 =	simm.s32 $_tile_overlayer_lowered  }
0x9b: {  	s22 =	simm.s32 $0x1BFF;
	s21 =	sshll.u32 s6, $0x1;
	s3 =	sadd.s32 s4, s19  }
0x9c: {  	s7 =	simm.s32 $0x0;
	s20 =	sshll.u32 s5, $0x1;
	s5 =	sadd.s32 s21, s3  }
0x9d: {  	[timem:s7], [sflag:s22] =	dma.local [hbm:s5], s20  }
0x9e: {  	_ =	swait.ge [sflag:s22], s20  }
0x9f: {  	s4 =	ssub.s32 $0x0, s20;
	[sflag:s22] =	ssyncset.done $0x0  }
0xa0: {  	[sflag:s22] =	ssyncadd.s32 s4;
	_ =	sdelay $0x1  }
0xa1: {  	s23 =	simm.s32 $0x1B8B  }
0xa2: {  	_ =	swait.ge [sflag:s23], $0x1  }
0xa3: {  	[sflag:s23] =	ssyncset.done $0x0  }
0xa4: {  	s25 =	simm.s32 $0x1B8E;
	s24 =	sld [smem:$0x3FFE];
	[sflag:s23] =	ssyncadd.s32 $0xFFFFFFFF  }
0xa5: {  	s26 =	simm.s32 $execute0_lowered;
	[smem:$0x3FD2] =	sst s25  }
0xa6: {  	s5 =	sshll.u32 s26, $0x1;
	_ =	strace $0x80000049;
	[dreg:$0x1] =	wrdreg $0xFFFFFFFF  }
0xa7: {  	s28 =	simm.s32 $_size_execute0_lowered;
	s3 =	sadd.s32 s3, s5;
	[dreg:$0x0] =	wrdreg $0x0  }
0xa8: {  	s5 =	sshll.u32 s28, $0x1;
	[dreg:$0x2] =	wrdreg s3  }
0xa9: {  	[dreg:$0x3] =	wrdreg s5  }
0xaa: {  	[dreg:$0x4] =	wrdreg $0xC0  }
0xab: {  	_ =	task [dreg:s7], $0x5FFFF  }
0xac: {  	[dreg:$0x1] =	wrdreg $0xFFFFFFFF  }
0xad: {  	[dreg:$0x0] =	wrdreg $0x60  }
0xae: {  	[dreg:$0x2] =	wrdreg s24  }
0xaf: {  	[dreg:$0x3] =	wrdreg s2  }
0xb0: {  	[dreg:$0x4] =	wrdreg $0x90000  }
0xb1: {  	[dreg:$0x5] =	wrdreg $0x9  }
0xb2: {  	_ =	task.clear_ibuf [dreg:s7], $0x6FFFF;
	_ =	strace $0x90000049  }
0xb3: {  	s29 =	simm.s32 $0x9;
	_ =	strace $0x8000004B  }
0xb4: {  	_ =	swait.ge [sflag:s29], $0x1  }
0xb5: {  	[sflag:s29] =	ssyncadd.s32 $0xFFFFFFFF  }
0xb6: {  	_ =	strace $0x9000004B  }
0xb7: {  	_ =	sfence  }
0xb8: {  	s30 =	sld [smem:$0x0];
	_ =	sdelay $0x2  }
0xb9: {  	s31 =	sshll.u32 s1, $0xD;
	s1 =	sshrl.u32 s1, $0x2  }
0xba: {  	s3 =	sand.u32 $0x4000, s31;
	s1 =	sadd.s32 s1, s30  }
0xbb: {  	s0 =	sor.u32 s3, s0;
	s1 =	sshll.u32 s1, $0x11  }
0xbc: {  	s0 =	sor.u32 s1, s0  }
0xbd: {  	s0 =	sadd.s32 $0x8F2B, s0  }
0xbe: {  	[sflag:s0] =	ssyncadd.remote.s32 $0x1  }
0xbf: {  	_ =	sfence.sel $0xFFFF  }
0xc0: {  	[dreg:$0x0] =	wrdreg $0xFFFFFFFF;
	(pc) =	sbr.abs _section_cstart, $3  }
0xc1: {  	[dreg:$0x1] =	wrdreg $0xFFFFFFFF  }
0xc2: {  	_ =	task.clear_ibuf [dreg:s7], $0x2FFFF;
	_ =	strace $0x9FFFFFFF  }
0xc3: {  	(tm) =	ssettm $0x7FFFFFFF  }
tec
execute0_lowered:
.L_overlay_start_1:
0x0: {  	(tag) =	ssettag $0x1  }
0x1: {  	s0 =	rddreg [dreg:$0x0]  }
0x2: {  	s1 =	rddreg [dreg:$0x1]  }
0x3: {  	s2 =	rddreg [dreg:$0x2];
	s3 =	srdreg.scid  }
0x4: {  	s4 =	simm.s32 $0x0;
	s15 =	stileid.u32;
	s18 =	simm.s32 $0x4  }
0x5: {  	s19 =	simm.s32 $0x1;
	s21 =	simm.s32 $0xC00;
	s22 =	simm.s32 $0x80  }
0x6: {  	s23 =	simm.s32 $0x1000;
	s24 =	simm.s32 $0x5000;
	s25 =	simm.s32 $0x2  }
0x7: {  	s3 =	sand.u32 $0x1, s3;
	[smem:$0x7FF] =	sst s4;
	s8 =	smul.u32 $0x14000, s15  }
0x8: {  	s5 =	sadd.s32 $0x2A00, s0;
	s6 =	sadd.s32 $0x2AA00, s0;
	s11 =	smul.u32 $0x50000, s15  }
0x9: {  	s12 =	sshll.u32 s15, $0x6;
	s7 =	smul.u32 $0x140000, s3;
	_ =	strace $0x8000004A  }
0xa: {  	s9 =	sshll.u32 s3, $0x4;
	s28 =	ssub.s32 $0x2, s3;
	s3 =	smul.u32 $0x500, s3  }
0xb: {  	s26 =	sor.u32 s15, s9;
	s29 =	sshrl.u32 s28, $0x1;
	s15 =	smul.u32 $0x50, s15  }
0xc: {  	s11 =	sshrl.u32 s11, $0x2;
	s7 =	sadd.s32 s8, s7;
	s10 =	smul.u32 $0x500, s26  }
0xd: {  	s14 =	ssub.s32 s28, s29;
	s8 =	sadd.s32 $0xA000, s1;
	s16 =	sadd.s32 s11, s2  }
0xe: {  	s26 =	simm.s32 $0x3;
	s7 =	sshrl.u32 s7, $0x3;
	s30 =	sadd.s32 s15, s3  }
0xf: {  	s14 =	smax.u32 s14, $0x1;
	s17 =	sshrl.u32 s16, $0x3;
	s3 =	simm.s32 $0x0  }
0x10: {  	s0 =	sadd.s32 s7, s0;
	s7 =	sadd.s32 s1, s10;
	s9 =	sadd.s32 s10, s8  }
0x11: {  	s13 =	sor.u32 $0x80, s10;
	s10 =	sor.u32 $0x1C04, s12;
	s31 =	sadd.s32 $0x10, s30  }
0x12: {  	s11 =	sadd.s32 s1, s13;
	s12 =	sadd.s32 s13, s8;
	s13 =	sadd.s32 $0x2D200, s0  }
.LBB2_1:
0x13: {  	[tilespmem:s4], [sflag:$0x1] =	stream.linear.gather [hbm4b:s7+s4], $0x400, $0x38;
	[tilespmem:$0x1D000] =	vst v63  }
0x14: {  	s0 =	simm.s32 $0x400  }
0x15: {  	[tilespmem:s0], [sflag:$0x1] =	stream.linear.gather [hbm4b:s9+s4], $0x400, $0x38;
	[tilespmem:$0x1D000] =	vst v63  }
0x16: {  	[spmem:s17], [sflag:s10] =	dma.local [hbm:s6], $0x2800  }
0x17: {  	_ =	swait.ge [sflag:s18], $0x2800  }
0x18: {  	[sflag:s18] =	ssyncset.done $0x0  }
0x19: {  	[sflag:s18] =	ssyncadd.s32 $0xFFFFD800  }
0x1a: {  	_ =	swait.ge [sflag:s19], $0x400  }
0x1b: {  	[sflag:s19] =	ssyncset.done $0x0  }
0x1c: {  	[sflag:s19] =	ssyncadd.s32 $0xFFFFFC00  }
0x1d: {  	_ =	swait.ge [sflag:s19], $0x400  }
0x1e: {  	[sflag:s19] =	ssyncset.done $0x0  }
0x1f: {  	s20 =	simm.s32 $0x800;
	[sflag:s19] =	ssyncadd.s32 $0xFFFFFC00  }
0x20: {  	[tilespmem:s20], [sflag:$0x1] =	stream.linear.gather [hbm4b:s11+s4], $0x400, $0x38;
	[tilespmem:$0x1D000] =	vst v63  }
0x21: {  	_ = 	snop  }
0x22: {  	[tilespmem:s21], [sflag:$0x1] =	stream.linear.gather [hbm4b:s12+s4], $0x400, $0x38;
	[tilespmem:$0x1D000] =	vst v63  }
0x23: {  	_ = 	snop  }
0x24: {  	[tilespmem:s23], [sflag:$0x2] =	stream.indirect.gather [hbm4b:s5+s22], $0x80, s4, s22, $0xb8;
	[tilespmem:$0x1D000] =	vst v63  }
0x25: {  	_ = 	snop  }
0x26: {  	[tilespmem:s24], [sflag:$0x3] =	stream.indirect.gather [hbm4b:s5+s22], $0x80, s22, s22, $0xb8;
	[tilespmem:$0x1D000] =	vst v63  }
0x27: {  	[bflag:$0x0] =	sbarrier.arrive $0xFFFF  }
0x28: {  	_ =	swait.ge [sflag:s25], $0x4000  }
0x29: {  	s15 =	sand.u32 $0x800, s4;
	[sflag:s25] =	ssyncset.done $0x0  }
0x2a: {  	s16 =	sor.u32 $0x400, s15;
	[sflag:s25] =	ssyncadd.s32 $0xFFFFC000  }
0x2b: {  	[spmem:s2] =	stream.indirect.scatter.add.f32 [tilespmem:s23], [sflag:$0x4], $0x80, s16, s22, $0xb8;
	[tilespmem:$0x1D000] =	vst v63  }
0x2c: {  	_ =	swait.ge [sflag:s18], $0x4000  }
0x2d: {  	[sflag:s18] =	ssyncset.done $0x0  }
0x2e: {  	s20 =	sor.u32 $0x100, s15;
	[sflag:s18] =	ssyncadd.s32 $0xFFFFC000  }
0x2f: {  	[tilespmem:s23], [sflag:$0x2] =	stream.indirect.gather [hbm4b:s5+s22], $0x80, s20, s22, $0xb8;
	[tilespmem:$0x1D000] =	vst v63  }
0x30: {  	_ =	swait.ge [sflag:s26], $0x4000  }
0x31: {  	[sflag:s26] =	ssyncset.done $0x0  }
0x32: {  	s29 =	sor.u32 $0x480, s15;
	[sflag:s26] =	ssyncadd.s32 $0xFFFFC000  }
0x33: {  	[spmem:s2] =	stream.indirect.scatter.add.f32 [tilespmem:s24], [sflag:$0x4], $0x80, s29, s22, $0xb8;
	[tilespmem:$0x1D000] =	vst v63  }
0x34: {  	_ =	swait.ge [sflag:s18], $0x4000  }
0x35: {  	[sflag:s18] =	ssyncset.done $0x0  }
0x36: {  	s0 =	sor.u32 $0x180, s15;
	[sflag:s18] =	ssyncadd.s32 $0xFFFFC000  }
0x37: {  	[tilespmem:s24], [sflag:$0x3] =	stream.indirect.gather [hbm4b:s5+s22], $0x80, s0, s22, $0xb8;
	[tilespmem:$0x1D000] =	vst v63  }
0x38: {  	_ =	swait.ge [sflag:s25], $0x4000  }
0x39: {  	[sflag:s25] =	ssyncset.done $0x0  }
0x3a: {  	s29 =	sor.u32 $0x500, s15;
	[sflag:s25] =	ssyncadd.s32 $0xFFFFC000  }
0x3b: {  	[spmem:s2] =	stream.indirect.scatter.add.f32 [tilespmem:s23], [sflag:$0x4], $0x80, s29, s22, $0xb8;
	[tilespmem:$0x1D000] =	vst v63  }
0x3c: {  	_ =	swait.ge [sflag:s18], $0x4000  }
0x3d: {  	[sflag:s18] =	ssyncset.done $0x0  }
0x3e: {  	s0 =	sor.u32 $0x200, s15;
	[sflag:s18] =	ssyncadd.s32 $0xFFFFC000  }
0x3f: {  	[tilespmem:s23], [sflag:$0x2] =	stream.indirect.gather [hbm4b:s5+s22], $0x80, s0, s22, $0xb8;
	[tilespmem:$0x1D000] =	vst v63  }
0x40: {  	_ =	swait.ge [sflag:s26], $0x4000  }
0x41: {  	[sflag:s26] =	ssyncset.done $0x0  }
0x42: {  	s29 =	sor.u32 $0x580, s15;
	[sflag:s26] =	ssyncadd.s32 $0xFFFFC000  }
0x43: {  	[spmem:s2] =	stream.indirect.scatter.add.f32 [tilespmem:s24], [sflag:$0x4], $0x80, s29, s22, $0xb8;
	[tilespmem:$0x1D000] =	vst v63  }
0x44: {  	_ =	swait.ge [sflag:s18], $0x4000  }
0x45: {  	[sflag:s18] =	ssyncset.done $0x0  }
0x46: {  	s0 =	sor.u32 $0x280, s15;
	[sflag:s18] =	ssyncadd.s32 $0xFFFFC000  }
0x47: {  	[tilespmem:s24], [sflag:$0x3] =	stream.indirect.gather [hbm4b:s5+s22], $0x80, s0, s22, $0xb8;
	[tilespmem:$0x1D000] =	vst v63  }
0x48: {  	_ =	swait.ge [sflag:s25], $0x4000  }
0x49: {  	[sflag:s25] =	ssyncset.done $0x0  }
0x4a: {  	s29 =	sor.u32 $0x600, s15;
	[sflag:s25] =	ssyncadd.s32 $0xFFFFC000  }
0x4b: {  	[spmem:s2] =	stream.indirect.scatter.add.f32 [tilespmem:s23], [sflag:$0x4], $0x80, s29, s22, $0xb8;
	[tilespmem:$0x1D000] =	vst v63  }
0x4c: {  	_ =	swait.ge [sflag:s18], $0x4000  }
0x4d: {  	[sflag:s18] =	ssyncset.done $0x0  }
0x4e: {  	s0 =	sor.u32 $0x300, s15;
	[sflag:s18] =	ssyncadd.s32 $0xFFFFC000  }
0x4f: {  	[tilespmem:s23], [sflag:$0x2] =	stream.indirect.gather [hbm4b:s5+s22], $0x80, s0, s22, $0xb8;
	[tilespmem:$0x1D000] =	vst v63  }
0x50: {  	_ =	swait.ge [sflag:s26], $0x4000  }
0x51: {  	[sflag:s26] =	ssyncset.done $0x0  }
0x52: {  	s29 =	sor.u32 $0x680, s15;
	[sflag:s26] =	ssyncadd.s32 $0xFFFFC000  }
0x53: {  	[spmem:s2] =	stream.indirect.scatter.add.f32 [tilespmem:s24], [sflag:$0x4], $0x80, s29, s22, $0xb8;
	[tilespmem:$0x1D000] =	vst v63  }
0x54: {  	_ =	swait.ge [sflag:s18], $0x4000  }
0x55: {  	[sflag:s18] =	ssyncset.done $0x0  }
0x56: {  	s0 =	sor.u32 $0x380, s15;
	[sflag:s18] =	ssyncadd.s32 $0xFFFFC000  }
0x57: {  	[tilespmem:s24], [sflag:$0x3] =	stream.indirect.gather [hbm4b:s5+s22], $0x80, s0, s22, $0xb8;
	[tilespmem:$0x1D000] =	vst v63  }
0x58: {  	_ =	swait.ge [sflag:s25], $0x4000  }
0x59: {  	[sflag:s25] =	ssyncset.done $0x0  }
0x5a: {  	s29 =	sor.u32 $0x700, s15;
	[sflag:s25] =	ssyncadd.s32 $0xFFFFC000  }
0x5b: {  	[spmem:s2] =	stream.indirect.scatter.add.f32 [tilespmem:s23], [sflag:$0x4], $0x80, s29, s22, $0xb8;
	[tilespmem:$0x1D000] =	vst v63  }
0x5c: {  	_ =	swait.ge [sflag:s18], $0x4000  }
0x5d: {  	[sflag:s18] =	ssyncset.done $0x0  }
0x5e: {  	[sflag:s18] =	ssyncadd.s32 $0xFFFFC000  }
0x5f: {  	_ =	swait.ge [sflag:s19], $0x400  }
0x60: {  	[sflag:s19] =	ssyncset.done $0x0  }
0x61: {  	[sflag:s19] =	ssyncadd.s32 $0xFFFFFC00  }
0x62: {  	_ =	swait.ge [sflag:s19], $0x400  }
0x63: {  	[sflag:s19] =	ssyncset.done $0x0  }
0x64: {  	s0 =	sxor.u32 $0x800, s15;
	[sflag:s19] =	ssyncadd.s32 $0xFFFFFC00  }
0x65: {  	[tilespmem:s23], [sflag:$0x2] =	stream.indirect.gather [hbm4b:s5+s22], $0x80, s0, s22, $0xb8;
	[tilespmem:$0x1D000] =	vst v63  }
0x66: {  	_ =	swait.ge [sflag:s26], $0x4000  }
0x67: {  	[sflag:s26] =	ssyncset.done $0x0  }
0x68: {  	s29 =	sor.u32 $0x780, s15;
	[sflag:s26] =	ssyncadd.s32 $0xFFFFC000  }
0x69: {  	[spmem:s2] =	stream.indirect.scatter.add.f32 [tilespmem:s24], [sflag:$0x4], $0x80, s29, s22, $0xb8;
	[tilespmem:$0x1D000] =	vst v63  }
0x6a: {  	p0 =	slt.s32 s31, $0x9F8;
	s20 =	smov.u32 s31;
	_ =	swait.ge [sflag:s18], $0x4000  }
0x6b: {  	s20 =	simm.s32 @!p0 $0x9F8;
	[sflag:s18] =	ssyncset.done $0x0  }
0x6c: {  	s0 =	sshll.u32 s20, $0x4;
	s29 =	sxor.u32 $0x880, s15;
	[sflag:s18] =	ssyncadd.s32 $0xFFFFC000  }
0x6d: {  	[tilespmem:s24], [sflag:$0x3] =	stream.indirect.gather [hbm4b:s5+s22], $0x80, s29, s22, $0xb8;
	[tilespmem:$0x1D000] =	vst v63  }
0x6e: {  	s20 =	sadd.s32 s1, s0  }
0x6f: {  	[tilespmem:s15], [sflag:$0x1] =	stream.linear.gather [hbm4b:s20+s4], $0x400, $0x38;
	[tilespmem:$0x1D000] =	vst v63  }
0x70: {  	s28 =	smov.u32 s31;
	s30 =	sadd.s32 s0, s8;
	s20 =	simm.s32 $0x800  }
.LBB2_2:
0x71: {  	p0 =	sne.s32 s20, $0x4000  }
0x72: {  	s28 =	sadd.s32 $0x8, s28;
	s29 =	smov.u32 s20;
	s20 =	sadd.s32 $0x800, s20  }
0x73: {  	[tilespmem:s16], [sflag:$0x1] =	stream.linear.gather [hbm4b:s30+s4], $0x400, $0x38;
	[tilespmem:$0x1D000] =	vst v63  }
0x74: {  	_ =	swait.ge [sflag:s25], $0x4000  }
0x75: {  	s29 =	sand.u32 $0x800, s29;
	[sflag:s25] =	ssyncset.done $0x0  }
0x76: {  	s16 =	sor.u32 $0x400, s29;
	[sflag:s25] =	ssyncadd.s32 $0xFFFFC000  }
0x77: {  	[spmem:s2] =	stream.indirect.scatter.add.f32 [tilespmem:s23], [sflag:$0x4], $0x80, s16, s22, $0xb8;
	[tilespmem:$0x1D000] =	vst v63  }
0x78: {  	_ =	swait.ge [sflag:s18], $0x4000  }
0x79: {  	[sflag:s18] =	ssyncset.done $0x0  }
0x7a: {  	s30 =	sor.u32 $0x100, s29;
	[sflag:s18] =	ssyncadd.s32 $0xFFFFC000  }
0x7b: {  	[tilespmem:s23], [sflag:$0x2] =	stream.indirect.gather [hbm4b:s5+s22], $0x80, s30, s22, $0xb8;
	[tilespmem:$0x1D000] =	vst v63  }
0x7c: {  	_ =	swait.ge [sflag:s26], $0x4000  }
0x7d: {  	[sflag:s26] =	ssyncset.done $0x0  }
0x7e: {  	s30 =	sor.u32 $0x480, s29;
	[sflag:s26] =	ssyncadd.s32 $0xFFFFC000  }
0x7f: {  	[spmem:s2] =	stream.indirect.scatter.add.f32 [tilespmem:s24], [sflag:$0x4], $0x80, s30, s22, $0xb8;
	[tilespmem:$0x1D000] =	vst v63  }
0x80: {  	_ =	swait.ge [sflag:s18], $0x4000  }
0x81: {  	[sflag:s18] =	ssyncset.done $0x0  }
0x82: {  	s30 =	sor.u32 $0x180, s29;
	[sflag:s18] =	ssyncadd.s32 $0xFFFFC000  }
0x83: {  	[tilespmem:s24], [sflag:$0x3] =	stream.indirect.gather [hbm4b:s5+s22], $0x80, s30, s22, $0xb8;
	[tilespmem:$0x1D000] =	vst v63  }
0x84: {  	_ =	swait.ge [sflag:s25], $0x4000  }
0x85: {  	[sflag:s25] =	ssyncset.done $0x0  }
0x86: {  	s30 =	sor.u32 $0x500, s29;
	[sflag:s25] =	ssyncadd.s32 $0xFFFFC000  }
0x87: {  	[spmem:s2] =	stream.indirect.scatter.add.f32 [tilespmem:s23], [sflag:$0x4], $0x80, s30, s22, $0xb8;
	[tilespmem:$0x1D000] =	vst v63  }
0x88: {  	_ =	swait.ge [sflag:s18], $0x4000  }
0x89: {  	[sflag:s18] =	ssyncset.done $0x0  }
0x8a: {  	s30 =	sor.u32 $0x200, s29;
	[sflag:s18] =	ssyncadd.s32 $0xFFFFC000  }
0x8b: {  	[tilespmem:s23], [sflag:$0x2] =	stream.indirect.gather [hbm4b:s5+s22], $0x80, s30, s22, $0xb8;
	[tilespmem:$0x1D000] =	vst v63  }
0x8c: {  	_ =	swait.ge [sflag:s26], $0x4000  }
0x8d: {  	[sflag:s26] =	ssyncset.done $0x0  }
0x8e: {  	s30 =	sor.u32 $0x580, s29;
	[sflag:s26] =	ssyncadd.s32 $0xFFFFC000  }
0x8f: {  	[spmem:s2] =	stream.indirect.scatter.add.f32 [tilespmem:s24], [sflag:$0x4], $0x80, s30, s22, $0xb8;
	[tilespmem:$0x1D000] =	vst v63  }
0x90: {  	_ =	swait.ge [sflag:s18], $0x4000  }
0x91: {  	[sflag:s18] =	ssyncset.done $0x0  }
0x92: {  	s30 =	sor.u32 $0x280, s29;
	[sflag:s18] =	ssyncadd.s32 $0xFFFFC000  }
0x93: {  	[tilespmem:s24], [sflag:$0x3] =	stream.indirect.gather [hbm4b:s5+s22], $0x80, s30, s22, $0xb8;
	[tilespmem:$0x1D000] =	vst v63  }
0x94: {  	_ =	swait.ge [sflag:s25], $0x4000  }
0x95: {  	[sflag:s25] =	ssyncset.done $0x0  }
0x96: {  	s30 =	sor.u32 $0x600, s29;
	[sflag:s25] =	ssyncadd.s32 $0xFFFFC000  }
0x97: {  	[spmem:s2] =	stream.indirect.scatter.add.f32 [tilespmem:s23], [sflag:$0x4], $0x80, s30, s22, $0xb8;
	[tilespmem:$0x1D000] =	vst v63  }
0x98: {  	_ =	swait.ge [sflag:s18], $0x4000  }
0x99: {  	[sflag:s18] =	ssyncset.done $0x0  }
0x9a: {  	s30 =	sor.u32 $0x300, s29;
	[sflag:s18] =	ssyncadd.s32 $0xFFFFC000  }
0x9b: {  	[tilespmem:s23], [sflag:$0x2] =	stream.indirect.gather [hbm4b:s5+s22], $0x80, s30, s22, $0xb8;
	[tilespmem:$0x1D000] =	vst v63  }
0x9c: {  	_ =	swait.ge [sflag:s26], $0x4000  }
0x9d: {  	[sflag:s26] =	ssyncset.done $0x0  }
0x9e: {  	s30 =	sor.u32 $0x680, s29;
	[sflag:s26] =	ssyncadd.s32 $0xFFFFC000  }
0x9f: {  	[spmem:s2] =	stream.indirect.scatter.add.f32 [tilespmem:s24], [sflag:$0x4], $0x80, s30, s22, $0xb8;
	[tilespmem:$0x1D000] =	vst v63  }
0xa0: {  	_ =	swait.ge [sflag:s18], $0x4000  }
0xa1: {  	[sflag:s18] =	ssyncset.done $0x0  }
0xa2: {  	s30 =	sor.u32 $0x380, s29;
	[sflag:s18] =	ssyncadd.s32 $0xFFFFC000  }
0xa3: {  	[tilespmem:s24], [sflag:$0x3] =	stream.indirect.gather [hbm4b:s5+s22], $0x80, s30, s22, $0xb8;
	[tilespmem:$0x1D000] =	vst v63  }
0xa4: {  	_ =	swait.ge [sflag:s25], $0x4000  }
0xa5: {  	[sflag:s25] =	ssyncset.done $0x0  }
0xa6: {  	s30 =	sor.u32 $0x700, s29;
	[sflag:s25] =	ssyncadd.s32 $0xFFFFC000  }
0xa7: {  	[spmem:s2] =	stream.indirect.scatter.add.f32 [tilespmem:s23], [sflag:$0x4], $0x80, s30, s22, $0xb8;
	[tilespmem:$0x1D000] =	vst v63  }
0xa8: {  	_ =	swait.ge [sflag:s18], $0x4000  }
0xa9: {  	[sflag:s18] =	ssyncset.done $0x0  }
0xaa: {  	[sflag:s18] =	ssyncadd.s32 $0xFFFFC000  }
0xab: {  	_ =	swait.ge [sflag:s19], $0x400  }
0xac: {  	[sflag:s19] =	ssyncset.done $0x0  }
0xad: {  	[sflag:s19] =	ssyncadd.s32 $0xFFFFFC00  }
0xae: {  	_ =	swait.ge [sflag:s19], $0x400  }
0xaf: {  	[sflag:s19] =	ssyncset.done $0x0  }
0xb0: {  	s30 =	sxor.u32 $0x800, s29;
	[sflag:s19] =	ssyncadd.s32 $0xFFFFFC00  }
0xb1: {  	[tilespmem:s23], [sflag:$0x2] =	stream.indirect.gather [hbm4b:s5+s22], $0x80, s30, s22, $0xb8;
	[tilespmem:$0x1D000] =	vst v63  }
0xb2: {  	_ =	swait.ge [sflag:s26], $0x4000  }
0xb3: {  	[sflag:s26] =	ssyncset.done $0x0  }
0xb4: {  	s30 =	sor.u32 $0x780, s29;
	[sflag:s26] =	ssyncadd.s32 $0xFFFFC000  }
0xb5: {  	[spmem:s2] =	stream.indirect.scatter.add.f32 [tilespmem:s24], [sflag:$0x4], $0x80, s30, s22, $0xb8;
	[tilespmem:$0x1D000] =	vst v63  }
0xb6: {  	p1 =	slt.s32 s28, $0x9F8;
	s15 =	smov.u32 s28;
	_ =	swait.ge [sflag:s18], $0x4000  }
0xb7: {  	s15 =	simm.s32 @!p1 $0x9F8;
	[sflag:s18] =	ssyncset.done $0x0  }
.Ltmp0:
0xb8: {  	s30 =	sxor.u32 $0x880, s29;
	[sflag:s18] =	ssyncadd.s32 $0xFFFFC000;
	(pc) =	sbr.rel @p0 .LBB2_2-.Ltmp0, $4  }
0xb9: {  	[tilespmem:s24], [sflag:$0x3] =	stream.indirect.gather [hbm4b:s5+s22], $0x80, s30, s22, $0xb8;
	[tilespmem:$0x1D000] =	vst v63  }
0xba: {  	s15 =	sshll.u32 s15, $0x4  }
0xbb: {  	s0 =	sadd.s32 s1, s15;
	s30 =	sadd.s32 s15, s8  }
0xbc: {  	[tilespmem:s29], [sflag:$0x1] =	stream.linear.gather [hbm4b:s0+s4], $0x400, $0x38;
	[tilespmem:$0x1D000] =	vst v63  }
0xbd: {  	[tilespmem:s16], [sflag:$0x1] =	stream.linear.gather [hbm4b:s30+s4], $0x400, $0x38;
	[tilespmem:$0x1D000] =	vst v63  }
0xbe: {  	_ =	swait.ge [sflag:s25], $0x4000  }
0xbf: {  	[sflag:s25] =	ssyncset.done $0x0  }
0xc0: {  	[sflag:s25] =	ssyncadd.s32 $0xFFFFC000  }
0xc1: {  	[spmem:s2] =	stream.indirect.scatter.add.f32 [tilespmem:s23], [sflag:$0x4], $0x80, s21, s22, $0xb8;
	[tilespmem:$0x1D000] =	vst v63  }
0xc2: {  	_ =	swait.ge [sflag:s18], $0x4000  }
0xc3: {  	[sflag:s18] =	ssyncset.done $0x0  }
0xc4: {  	s0 =	simm.s32 $0x900;
	[sflag:s18] =	ssyncadd.s32 $0xFFFFC000  }
0xc5: {  	[tilespmem:s23], [sflag:$0x2] =	stream.indirect.gather [hbm4b:s5+s22], $0x80, s0, s22, $0xb8;
	[tilespmem:$0x1D000] =	vst v63  }
0xc6: {  	_ =	swait.ge [sflag:s26], $0x4000  }
0xc7: {  	[sflag:s26] =	ssyncset.done $0x0  }
0xc8: {  	s15 =	simm.s32 $0xC80;
	[sflag:s26] =	ssyncadd.s32 $0xFFFFC000  }
0xc9: {  	[spmem:s2] =	stream.indirect.scatter.add.f32 [tilespmem:s24], [sflag:$0x4], $0x80, s15, s22, $0xb8;
	[tilespmem:$0x1D000] =	vst v63  }
0xca: {  	_ =	swait.ge [sflag:s18], $0x4000  }
0xcb: {  	[sflag:s18] =	ssyncset.done $0x0  }
0xcc: {  	s16 =	simm.s32 $0x980;
	[sflag:s18] =	ssyncadd.s32 $0xFFFFC000  }
0xcd: {  	[tilespmem:s24], [sflag:$0x3] =	stream.indirect.gather [hbm4b:s5+s22], $0x80, s16, s22, $0xb8;
	[tilespmem:$0x1D000] =	vst v63  }
0xce: {  	_ =	swait.ge [sflag:s25], $0x4000  }
0xcf: {  	[sflag:s25] =	ssyncset.done $0x0  }
0xd0: {  	s20 =	simm.s32 $0xD00;
	[sflag:s25] =	ssyncadd.s32 $0xFFFFC000  }
0xd1: {  	[spmem:s2] =	stream.indirect.scatter.add.f32 [tilespmem:s23], [sflag:$0x4], $0x80, s20, s22, $0xb8;
	[tilespmem:$0x1D000] =	vst v63  }
0xd2: {  	_ =	swait.ge [sflag:s18], $0x4000  }
0xd3: {  	[sflag:s18] =	ssyncset.done $0x0  }
0xd4: {  	s28 =	simm.s32 $0xA00;
	[sflag:s18] =	ssyncadd.s32 $0xFFFFC000  }
0xd5: {  	[tilespmem:s23], [sflag:$0x2] =	stream.indirect.gather [hbm4b:s5+s22], $0x80, s28, s22, $0xb8;
	[tilespmem:$0x1D000] =	vst v63  }
0xd6: {  	_ =	swait.ge [sflag:s26], $0x4000  }
0xd7: {  	[sflag:s26] =	ssyncset.done $0x0  }
0xd8: {  	s29 =	simm.s32 $0xD80;
	[sflag:s26] =	ssyncadd.s32 $0xFFFFC000  }
0xd9: {  	[spmem:s2] =	stream.indirect.scatter.add.f32 [tilespmem:s24], [sflag:$0x4], $0x80, s29, s22, $0xb8;
	[tilespmem:$0x1D000] =	vst v63  }
0xda: {  	_ =	swait.ge [sflag:s18], $0x4000  }
0xdb: {  	[sflag:s18] =	ssyncset.done $0x0  }
0xdc: {  	s30 =	simm.s32 $0xA80;
	[sflag:s18] =	ssyncadd.s32 $0xFFFFC000  }
0xdd: {  	[tilespmem:s24], [sflag:$0x3] =	stream.indirect.gather [hbm4b:s5+s22], $0x80, s30, s22, $0xb8;
	[tilespmem:$0x1D000] =	vst v63  }
0xde: {  	_ =	swait.ge [sflag:s25], $0x4000  }
0xdf: {  	[sflag:s25] =	ssyncset.done $0x0  }
0xe0: {  	s15 =	simm.s32 $0xE00;
	[sflag:s25] =	ssyncadd.s32 $0xFFFFC000  }
0xe1: {  	[spmem:s2] =	stream.indirect.scatter.add.f32 [tilespmem:s23], [sflag:$0x4], $0x80, s15, s22, $0xb8;
	[tilespmem:$0x1D000] =	vst v63  }
0xe2: {  	_ =	swait.ge [sflag:s18], $0x4000  }
0xe3: {  	[sflag:s18] =	ssyncset.done $0x0  }
0xe4: {  	s16 =	simm.s32 $0xB00;
	[sflag:s18] =	ssyncadd.s32 $0xFFFFC000  }
0xe5: {  	[tilespmem:s23], [sflag:$0x2] =	stream.indirect.gather [hbm4b:s5+s22], $0x80, s16, s22, $0xb8;
	[tilespmem:$0x1D000] =	vst v63  }
0xe6: {  	_ =	swait.ge [sflag:s26], $0x4000  }
0xe7: {  	[sflag:s26] =	ssyncset.done $0x0  }
0xe8: {  	s20 =	simm.s32 $0xE80;
	[sflag:s26] =	ssyncadd.s32 $0xFFFFC000  }
0xe9: {  	[spmem:s2] =	stream.indirect.scatter.add.f32 [tilespmem:s24], [sflag:$0x4], $0x80, s20, s22, $0xb8;
	[tilespmem:$0x1D000] =	vst v63  }
0xea: {  	_ =	swait.ge [sflag:s18], $0x4000  }
0xeb: {  	[sflag:s18] =	ssyncset.done $0x0  }
0xec: {  	s28 =	simm.s32 $0xB80;
	[sflag:s18] =	ssyncadd.s32 $0xFFFFC000  }
0xed: {  	[tilespmem:s24], [sflag:$0x3] =	stream.indirect.gather [hbm4b:s5+s22], $0x80, s28, s22, $0xb8;
	[tilespmem:$0x1D000] =	vst v63  }
0xee: {  	_ =	swait.ge [sflag:s25], $0x4000  }
0xef: {  	[sflag:s25] =	ssyncset.done $0x0  }
0xf0: {  	s29 =	simm.s32 $0xF00;
	[sflag:s25] =	ssyncadd.s32 $0xFFFFC000  }
0xf1: {  	[spmem:s2] =	stream.indirect.scatter.add.f32 [tilespmem:s23], [sflag:$0x4], $0x80, s29, s22, $0xb8;
	[tilespmem:$0x1D000] =	vst v63  }
0xf2: {  	_ =	swait.ge [sflag:s18], $0x4000  }
0xf3: {  	[sflag:s18] =	ssyncset.done $0x0  }
0xf4: {  	[sflag:s18] =	ssyncadd.s32 $0xFFFFC000  }
0xf5: {  	_ =	swait.ge [sflag:s26], $0x4000  }
0xf6: {  	[sflag:s26] =	ssyncset.done $0x0  }
0xf7: {  	s30 =	simm.s32 $0xF80;
	[sflag:s26] =	ssyncadd.s32 $0xFFFFC000  }
0xf8: {  	[spmem:s2] =	stream.indirect.scatter.add.f32 [tilespmem:s24], [sflag:$0x4], $0x80, s30, s22, $0xb8;
	[tilespmem:$0x1D000] =	vst v63  }
0xf9: {  	_ =	swait.ge [sflag:s18], $0x4000  }
0xfa: {  	[sflag:s18] =	ssyncset.done $0x0  }
0xfb: {  	[sflag:s18] =	ssyncadd.s32 $0xFFFFC000  }
0xfc: {  	_ =	swait.ge [sflag:s19], $0x400  }
0xfd: {  	[sflag:s19] =	ssyncset.done $0x0  }
0xfe: {  	[sflag:s19] =	ssyncadd.s32 $0xFFFFFC00  }
0xff: {  	_ =	swait.ge [sflag:s19], $0x400  }
0x100: {  	s3 =	sadd.s32 $0x1, s3;
	[sflag:s19] =	ssyncset.done $0x0  }
0x101: {  	p0 =	sne.s32 s3, s14;
	[sflag:s19] =	ssyncadd.s32 $0xFFFFFC00  }
.Ltmp1:
0x102: {  	[bflag:$0x0] =	sbarrier.arrive $0xFFFF;
	(pc) =	sbr.rel @p0 .LBB2_1-.Ltmp1, $4  }
0x103: {  	[hbm:s13], [sflag:s10] =	dma.local [spmem:s17], $0x2800  }
0x104: {  	_ =	swait.ge [sflag:s18], $0x2800  }
0x105: {  	[sflag:s18] =	ssyncset.done $0x0  }
0x106: {  	[sflag:s18] =	ssyncadd.s32 $0xFFFFD800  }
0x107: {  	_ =	sfence.sel $0x180000  }
0x108: {  	[bflag:$0x0] =	sbarrier.arrive $0xFFFF  }
0x109: {  	_ =	strace $0x9000004A  }
0x10a: {  	s0 =	stileid.u32;
	[bflag:$0x2] =	sbarrier.arrive $0xFFFF  }
0x10b: {  	p0 =	sne.s32 s0, $0x0;
	s0 =	rddreg [dreg:$0x3]  }
0x10c: {  	s0 =	sadd.s32 @!p0 $0x100000, s0  }
0x10d: {  	[sflag:s0] =	ssyncadd.tile.s32 @!p0 $0x1;
	_ =	shalt  }
.Lfunc_end2:
_tile_overlayer_lowered:
.L_overlay_start_2:
0x10e: {  	(tag) =	ssettag $0x2  }
0x10f: {  	s0 =	rddreg [dreg:$0x0];
	s2 =	stileid.u32  }
0x110: {  	s1 =	rddreg [dreg:$0x1];
	p0 =	sne.s32 s2, $0x0  }
0x111: {  	s3 =	rddreg [dreg:$0x2];
	[bflag:$0x3] =	sbarrier.arrive $0xFFFF;
	s2 =	simm.s32 @!p0 $0x1C04  }
0x112: {  	[timem:s3], [sflag:s2] =	dma.local @!p0 [hbm:s0], s1  }
0x113: {  	s0 =	simm.s32 @!p0 $0x4  }
0x114: {  	_ =	swait.ge @!p0 [sflag:s0], s1  }
0x115: {  	s1 =	ssub.s32 @!p0 $0x0, s1;
	[sflag:s0] =	ssyncset.done @!p0 $0x0  }
0x116: {  	[sflag:s0] =	ssyncadd.s32 @!p0 s1  }
0x117: {  	[bflag:$0x3] =	sbarrier.arrive $0xFFFF  }
0x118: {  	_ =	shalt  }

// kernel: kernel.14.cloned.1.call-start
scs
__scs_entry_jumppad:
0x0: {  	(pc) =	sbr.rel $0x88, $3  }
0x1: {  	(tag) =	ssettag $0x0;
	lr =	simm.s32 $0x1  }
0x2: {  	[smem:$0x3F9B] =	sst lr;
	_ =	strace $0xD0000000  }
0x3: {  	_ = 	snop  }
0x4: {  	_ = 	snop  }
0x5: {  	_ = 	snop  }
0x6: {  	_ = 	snop  }
0x7: {  	_ = 	snop  }
__scs_overlays_trampoline_lowered:
0x8: {  	[smem:$0x3FAA] =	sst s0  }
0x9: {  	[smem:$0x3FAB] =	sst s1  }
0xa: {  	[smem:$0x3FAC] =	sst s2  }
0xb: {  	[smem:$0x3FAD] =	sst s3  }
0xc: {  	[smem:$0x3FAE] =	sst s4  }
0xd: {  	[smem:$0x3FAF] =	sst s5  }
0xe: {  	[smem:$0x3FB0] =	sst s6  }
0xf: {  	[smem:$0x3FB1] =	sst s7  }
0x10: {  	[smem:$0x3FB2] =	sst s8  }
0x11: {  	[smem:$0x3FB3] =	sst s9;
	s0 =	simm.s32 @!p0 $0x0  }
0x12: {  	s1 =	sld [smem:$0x3F99];
	s0 =	simm.s32 @p0 $0x1  }
0x13: {  	[smem:$0x3FB4] =	sst s0;
	s0 =	simm.s32 @!p1 $0x0  }
0x14: {  	s2 =	sld [smem:$0x3F98];
	s0 =	simm.s32 @p1 $0x1  }
0x15: {  	[smem:$0x3FB5] =	sst s0;
	s0 =	simm.s32 @!p2 $0x0  }
0x16: {  	s3 =	sld [smem:$0x3FDB];
	s0 =	simm.s32 @p2 $0x1  }
0x17: {  	s4 =	simm.s32 $0x1BF5;
	[smem:$0x3FB7] =	sst s0  }
0x18: {  	s0 =	sld [smem:$0x3F9A];
	_ =	swait.ge [sflag:s4], $0x0  }
0x19: {  	s7 =	sld [smem:$0x3F9B]  }
0x1a: {  	s8 =	sadd.s32 $0xFFFFE003, lr  }
0x1b: {  	s9 =	sadd.s32 $0xFFFFFEF7, lr;
	s5 =	simm.s32 $0xFFFFFFFF;
	p2 =	slt.u32 s8, $0xFFFFF086  }
0x1c: {  	p1 =	slt.u32 s9, $0xF7A;
	s5 =	simm.s32 @!p2 $0x0  }
0x1d: {  	s5 =	simm.s32 @p1 $0x1;
	p0 =	seq.s32 s7, s2  }
0x1e: {  	s7 =	smul.u32 @!p0 $0xF7A, s2;
	p2 =	seq.s32 @!p0 s5, $0x0  }
0x1f: {  	s9 =	smul.u32 $0xF7A, s1;
	s8 =	simm.s32 @!p0 $0x1BF5;
	p2 =	por !p2, p0  }
0x20: {  	[sflag:s8] =	ssyncset.s32 @!p0 $0xFFFFF086;
	s6 =	sadd.s32 @!p0 s3, s7;
	s7 =	simm.s32 @!p0 $0x108  }
0x21: {  	s3 =	sadd.s32 s3, s9;
	s6 =	sadd.s32 @!p0 $0x88, s6;
	s7 =	simm.s32 @p2 $0x1082  }
0x22: {  	[simem:s7], [sflag:s8] =	dma.local @!p0 [hbm:s6], $0xF7A  }
0x23: {  	s9 =	sor.u32 $0xD0000000, s2;
	s6 =	simm.s32 $0x108;
	_ =	swait.ge @!p0 [sflag:s8], $0x0  }
0x24: {  	s3 =	sadd.s32 $0x88, s3;
	s6 =	simm.s32 @!p1 $0x1082;
	[sflag:s4] =	ssyncset.s32 $0xFFFFF086  }
0x25: {  	[simem:s6], [sflag:s4] =	dma.local [hbm:s3], $0xF7A  }
0x26: {  	[smem:$0x3F9B] =	sst s1;
	(tag) =	ssettag s2;
	_ =	strace s9  }
0x27: {  	s1 =	sld [smem:$0x3FAB]  }
0x28: {  	s2 =	sld [smem:$0x3FAC]  }
0x29: {  	s4 =	sld [smem:$0x3FAE]  }
0x2a: {  	p0 =	seq.s32 s5, $0x0;
	s5 =	sld [smem:$0x3FAF]  }
0x2b: {  	s6 =	sld [smem:$0x3FB0]  }
0x2c: {  	s7 =	sld [smem:$0x3FB1]  }
0x2d: {  	s3 =	simm.s32 $0x108;
	s8 =	sld [smem:$0x3FB2]  }
0x2e: {  	s3 =	simm.s32 @!p0 $0x1082;
	s9 =	sld [smem:$0x3FB3]  }
0x2f: {  	lr =	sadd.s32 s0, s3;
	s0 =	sld [smem:$0x3FAA]  }
0x30: {  	s3 =	sld [smem:$0x3FAD]  }
0x31: {  	[smem:$0x3FB6] =	sst s10  }
0x32: {  	s10 =	sld [smem:$0x3FB4];
	_ =	sdelay $0x3  }
0x33: {  	p0 =	seq.s32 s10, $0x1;
	s10 =	sld [smem:$0x3FB6];
	_ =	sdelay $0x3  }
0x34: {  	[smem:$0x3FB6] =	sst s10  }
0x35: {  	s10 =	sld [smem:$0x3FB5];
	_ =	sdelay $0x3  }
0x36: {  	p1 =	seq.s32 s10, $0x1;
	s10 =	sld [smem:$0x3FB6];
	_ =	sdelay $0x3  }
0x37: {  	[smem:$0x3FB6] =	sst s10  }
0x38: {  	s10 =	sld [smem:$0x3FB7]  }
0x39: {  	_ = 	snop;
	(pc) =	sbr.ind lr, $3  }
0x3a: {  	_ = 	snop  }
0x3b: {  	_ = 	snop  }
0x3c: {  	p2 =	seq.s32 s10, $0x1;
	s10 =	sld [smem:$0x3FB6]  }
0x3d: {  	_ =	shalt  }
0x3e: {  	_ =	shalt  }
0x3f: {  	_ =	shalt  }
0x40: {  	_ =	shalt  }
0x41: {  	_ =	shalt  }
0x42: {  	_ =	shalt  }
0x43: {  	_ =	shalt  }
0x44: {  	_ =	shalt  }
0x45: {  	_ =	shalt  }
0x46: {  	_ =	shalt  }
0x47: {  	_ =	shalt  }
0x48: {  	_ =	shalt  }
0x49: {  	_ =	shalt  }
0x4a: {  	_ =	shalt  }
0x4b: {  	_ =	shalt  }
0x4c: {  	_ =	shalt  }
0x4d: {  	_ =	shalt  }
0x4e: {  	_ =	shalt  }
0x4f: {  	_ =	shalt  }
0x50: {  	_ =	shalt  }
0x51: {  	_ =	shalt  }
0x52: {  	_ =	shalt  }
0x53: {  	_ =	shalt  }
0x54: {  	_ =	shalt  }
0x55: {  	_ =	shalt  }
0x56: {  	_ =	shalt  }
0x57: {  	_ =	shalt  }
0x58: {  	_ =	shalt  }
0x59: {  	_ =	shalt  }
0x5a: {  	_ =	shalt  }
0x5b: {  	_ =	shalt  }
0x5c: {  	_ =	shalt  }
0x5d: {  	_ =	shalt  }
0x5e: {  	_ =	shalt  }
0x5f: {  	_ =	shalt  }
0x60: {  	_ =	shalt  }
0x61: {  	_ =	shalt  }
0x62: {  	_ =	shalt  }
0x63: {  	_ =	shalt  }
0x64: {  	_ =	shalt  }
0x65: {  	_ =	shalt  }
0x66: {  	_ =	shalt  }
0x67: {  	_ =	shalt  }
0x68: {  	_ =	shalt  }
0x69: {  	_ =	shalt  }
0x6a: {  	_ =	shalt  }
0x6b: {  	_ =	shalt  }
0x6c: {  	_ =	shalt  }
0x6d: {  	_ =	shalt  }
0x6e: {  	_ =	shalt  }
0x6f: {  	_ =	shalt  }
0x70: {  	_ =	shalt  }
0x71: {  	_ =	shalt  }
0x72: {  	_ =	shalt  }
0x73: {  	_ =	shalt  }
0x74: {  	_ =	shalt  }
0x75: {  	_ =	shalt  }
0x76: {  	_ =	shalt  }
0x77: {  	_ =	shalt  }
0x78: {  	_ =	shalt  }
0x79: {  	_ =	shalt  }
0x7a: {  	_ =	shalt  }
0x7b: {  	_ =	shalt  }
0x7c: {  	_ =	shalt  }
0x7d: {  	_ =	shalt  }
0x7e: {  	_ =	shalt  }
0x7f: {  	_ =	shalt  }
0x80: {  	_ =	shalt  }
0x81: {  	_ =	shalt  }
0x82: {  	_ =	shalt  }
0x83: {  	_ =	shalt  }
0x84: {  	_ =	shalt  }
0x85: {  	_ =	shalt  }
0x86: {  	_ =	shalt  }
0x87: {  	_ =	shalt  }
.Lfunc_end0:
.L_simem_size_0:
called_computation.2_lowered:
.L_overlay_start_0:
0x88: {  	s2 =	sld [smem:$0x3FD9]  }
0x89: {  	s3 =	sld [smem:$0x3FFE];
	_ =	sdelay $0x1  }
0x8a: {  	s1 =	srdreg.scid  }
0x8b: {  	s0 =	sand.u32 $0x1, s1  }
0x8c: {  	s17 =	sshll.u32 s0, $0xA;
	s2 =	sadd.s32 s3, s2  }
0x8d: {  	s2 =	sadd.s32 s2, s17  }
0x8e: {  	[smem:$0x3FC2] =	sst s2  }
0x8f: {  	_ = 	snop  }
0x90: {  	s2 =	sld [smem:$0x3FD0];
	(tm) =	ssettm $0x1  }
0x91: {  	s18 =	sld [smem:$0x3FFB];
	_ =	sdelay $0x3  }
0x92: {  	_ =	strace s18  }
0x93: {  	s3 =	sld [smem:$0x3FFC];
	_ =	sdelay $0x3  }
0x94: {  	_ =	strace s3  }
0x95: {  	s3 =	sld [smem:$0x3FFD];
	_ =	sdelay $0x3  }
0x96: {  	_ =	strace s3  }
0x97: {  	_ =	strace $0x8FFFFFFF  }
0x98: {  	s19 =	sld [smem:$0x3FDB];
	_ =	sdelay $0x1  }
0x99: {  	s4 =	simm.s32 $_scs_section_size  }
0x9a: {  	s5 =	simm.s32 $_size__tile_overlayer_lowered;
	s6 =	simm.s32 $_tile_overlayer_lowered  }
0x9b: {  	s22 =	simm.s32 $0x1BFF;
	s21 =	sshll.u32 s6, $0x1;
	s3 =	sadd.s32 s4, s19  }
0x9c: {  	s7 =	simm.s32 $0x0;
	s20 =	sshll.u32 s5, $0x1;
	s5 =	sadd.s32 s21, s3  }
0x9d: {  	[timem:s7], [sflag:s22] =	dma.local [hbm:s5], s20  }
0x9e: {  	_ =	swait.ge [sflag:s22], s20  }
0x9f: {  	s4 =	ssub.s32 $0x0, s20;
	[sflag:s22] =	ssyncset.done $0x0  }
0xa0: {  	[sflag:s22] =	ssyncadd.s32 s4;
	_ =	sdelay $0x1  }
0xa1: {  	s23 =	simm.s32 $0x1B8B  }
0xa2: {  	_ =	swait.ge [sflag:s23], $0x1  }
0xa3: {  	[sflag:s23] =	ssyncset.done $0x0  }
0xa4: {  	s25 =	simm.s32 $0x1B8E;
	s24 =	sld [smem:$0x3FFE];
	[sflag:s23] =	ssyncadd.s32 $0xFFFFFFFF  }
0xa5: {  	s26 =	simm.s32 $execute0_lowered;
	[smem:$0x3FD2] =	sst s25  }
0xa6: {  	s5 =	sshll.u32 s26, $0x1;
	_ =	strace $0x8000004C;
	[dreg:$0x1] =	wrdreg $0xFFFFFFFF  }
0xa7: {  	s28 =	simm.s32 $_size_execute0_lowered;
	s3 =	sadd.s32 s3, s5;
	[dreg:$0x0] =	wrdreg $0x0  }
0xa8: {  	s5 =	sshll.u32 s28, $0x1;
	[dreg:$0x2] =	wrdreg s3  }
0xa9: {  	[dreg:$0x3] =	wrdreg s5  }
0xaa: {  	[dreg:$0x4] =	wrdreg $0xC0  }
0xab: {  	_ =	task [dreg:s7], $0x5FFFF  }
0xac: {  	[dreg:$0x1] =	wrdreg $0xFFFFFFFF  }
0xad: {  	[dreg:$0x0] =	wrdreg $0x60  }
0xae: {  	[dreg:$0x2] =	wrdreg s24  }
0xaf: {  	[dreg:$0x3] =	wrdreg s2  }
0xb0: {  	[dreg:$0x4] =	wrdreg $0x90000  }
0xb1: {  	[dreg:$0x5] =	wrdreg $0x9  }
0xb2: {  	_ =	task.clear_ibuf [dreg:s7], $0x6FFFF;
	_ =	strace $0x9000004C  }
0xb3: {  	s29 =	simm.s32 $0x9;
	_ =	strace $0x8000004E  }
0xb4: {  	_ =	swait.ge [sflag:s29], $0x1  }
0xb5: {  	[sflag:s29] =	ssyncadd.s32 $0xFFFFFFFF  }
0xb6: {  	_ =	strace $0x9000004E  }
0xb7: {  	_ =	sfence  }
0xb8: {  	s30 =	sld [smem:$0x0];
	_ =	sdelay $0x2  }
0xb9: {  	s31 =	sshll.u32 s1, $0xD;
	s1 =	sshrl.u32 s1, $0x2  }
0xba: {  	s3 =	sand.u32 $0x4000, s31;
	s1 =	sadd.s32 s1, s30  }
0xbb: {  	s0 =	sor.u32 s3, s0;
	s1 =	sshll.u32 s1, $0x11  }
0xbc: {  	s0 =	sor.u32 s1, s0  }
0xbd: {  	s0 =	sadd.s32 $0x8F2B, s0  }
0xbe: {  	[sflag:s0] =	ssyncadd.remote.s32 $0x1  }
0xbf: {  	_ =	sfence.sel $0xFFFF  }
0xc0: {  	[dreg:$0x0] =	wrdreg $0xFFFFFFFF;
	(pc) =	sbr.abs _section_cstart, $3  }
0xc1: {  	[dreg:$0x1] =	wrdreg $0xFFFFFFFF  }
0xc2: {  	_ =	task.clear_ibuf [dreg:s7], $0x2FFFF;
	_ =	strace $0x9FFFFFFF  }
0xc3: {  	(tm) =	ssettm $0x7FFFFFFF  }
tec
execute0_lowered:
.L_overlay_start_1:
0x0: {  	(tag) =	ssettag $0x1  }
0x1: {  	s0 =	rddreg [dreg:$0x0]  }
0x2: {  	s1 =	rddreg [dreg:$0x1]  }
0x3: {  	s2 =	rddreg [dreg:$0x2];
	s3 =	srdreg.scid  }
0x4: {  	s4 =	simm.s32 $0x0;
	s15 =	stileid.u32;
	s18 =	simm.s32 $0x4  }
0x5: {  	s19 =	simm.s32 $0x1;
	s21 =	simm.s32 $0xC00;
	s22 =	simm.s32 $0x80  }
0x6: {  	s23 =	simm.s32 $0x1000;
	s24 =	simm.s32 $0x5000;
	s25 =	simm.s32 $0x2  }
0x7: {  	s3 =	sand.u32 $0x1, s3;
	[smem:$0x7FF] =	sst s4;
	s8 =	smul.u32 $0x14000, s15  }
0x8: {  	s5 =	sadd.s32 $0x2A00, s0;
	s6 =	sadd.s32 $0x2AA00, s0;
	s11 =	smul.u32 $0x50000, s15  }
0x9: {  	s12 =	sshll.u32 s15, $0x6;
	s7 =	smul.u32 $0x140000, s3;
	_ =	strace $0x8000004D  }
0xa: {  	s9 =	sshll.u32 s3, $0x4;
	s28 =	ssub.s32 $0x2, s3;
	s3 =	smul.u32 $0x500, s3  }
0xb: {  	s26 =	sor.u32 s15, s9;
	s29 =	sshrl.u32 s28, $0x1;
	s15 =	smul.u32 $0x50, s15  }
0xc: {  	s11 =	sshrl.u32 s11, $0x2;
	s7 =	sadd.s32 s8, s7;
	s10 =	smul.u32 $0x500, s26  }
0xd: {  	s14 =	ssub.s32 s28, s29;
	s8 =	sadd.s32 $0xA000, s1;
	s16 =	sadd.s32 s11, s2  }
0xe: {  	s26 =	simm.s32 $0x3;
	s7 =	sshrl.u32 s7, $0x3;
	s30 =	sadd.s32 s15, s3  }
0xf: {  	s14 =	smax.u32 s14, $0x1;
	s17 =	sshrl.u32 s16, $0x3;
	s3 =	simm.s32 $0x0  }
0x10: {  	s0 =	sadd.s32 s7, s0;
	s7 =	sadd.s32 s1, s10;
	s9 =	sadd.s32 s10, s8  }
0x11: {  	s13 =	sor.u32 $0x80, s10;
	s10 =	sor.u32 $0x1C04, s12;
	s31 =	sadd.s32 $0x10, s30  }
0x12: {  	s11 =	sadd.s32 s1, s13;
	s12 =	sadd.s32 s13, s8;
	s13 =	sadd.s32 $0x2D200, s0  }
.LBB2_1:
0x13: {  	[tilespmem:s4], [sflag:$0x1] =	stream.linear.gather [hbm4b:s7+s4], $0x400, $0x38;
	[tilespmem:$0x1D000] =	vst v63  }
0x14: {  	s0 =	simm.s32 $0x400  }
0x15: {  	[tilespmem:s0], [sflag:$0x1] =	stream.linear.gather [hbm4b:s9+s4], $0x400, $0x38;
	[tilespmem:$0x1D000] =	vst v63  }
0x16: {  	[spmem:s17], [sflag:s10] =	dma.local [hbm:s6], $0x2800  }
0x17: {  	_ =	swait.ge [sflag:s18], $0x2800  }
0x18: {  	[sflag:s18] =	ssyncset.done $0x0  }
0x19: {  	[sflag:s18] =	ssyncadd.s32 $0xFFFFD800  }
0x1a: {  	_ =	swait.ge [sflag:s19], $0x400  }
0x1b: {  	[sflag:s19] =	ssyncset.done $0x0  }
0x1c: {  	[sflag:s19] =	ssyncadd.s32 $0xFFFFFC00  }
0x1d: {  	_ =	swait.ge [sflag:s19], $0x400  }
0x1e: {  	[sflag:s19] =	ssyncset.done $0x0  }
0x1f: {  	s20 =	simm.s32 $0x800;
	[sflag:s19] =	ssyncadd.s32 $0xFFFFFC00  }
0x20: {  	[tilespmem:s20], [sflag:$0x1] =	stream.linear.gather [hbm4b:s11+s4], $0x400, $0x38;
	[tilespmem:$0x1D000] =	vst v63  }
0x21: {  	_ = 	snop  }
0x22: {  	[tilespmem:s21], [sflag:$0x1] =	stream.linear.gather [hbm4b:s12+s4], $0x400, $0x38;
	[tilespmem:$0x1D000] =	vst v63  }
0x23: {  	_ = 	snop  }
0x24: {  	[tilespmem:s23], [sflag:$0x2] =	stream.indirect.gather [hbm4b:s5+s22], $0x80, s4, s22, $0xb8;
	[tilespmem:$0x1D000] =	vst v63  }
0x25: {  	_ = 	snop  }
0x26: {  	[tilespmem:s24], [sflag:$0x3] =	stream.indirect.gather [hbm4b:s5+s22], $0x80, s22, s22, $0xb8;
	[tilespmem:$0x1D000] =	vst v63  }
0x27: {  	[bflag:$0x0] =	sbarrier.arrive $0xFFFF  }
0x28: {  	_ =	swait.ge [sflag:s25], $0x4000  }
0x29: {  	s15 =	sand.u32 $0x800, s4;
	[sflag:s25] =	ssyncset.done $0x0  }
0x2a: {  	s16 =	sor.u32 $0x400, s15;
	[sflag:s25] =	ssyncadd.s32 $0xFFFFC000  }
0x2b: {  	[spmem:s2] =	stream.indirect.scatter.add.f32 [tilespmem:s23], [sflag:$0x4], $0x80, s16, s22, $0xb8;
	[tilespmem:$0x1D000] =	vst v63  }
0x2c: {  	_ =	swait.ge [sflag:s18], $0x4000  }
0x2d: {  	[sflag:s18] =	ssyncset.done $0x0  }
0x2e: {  	s20 =	sor.u32 $0x100, s15;
	[sflag:s18] =	ssyncadd.s32 $0xFFFFC000  }
0x2f: {  	[tilespmem:s23], [sflag:$0x2] =	stream.indirect.gather [hbm4b:s5+s22], $0x80, s20, s22, $0xb8;
	[tilespmem:$0x1D000] =	vst v63  }
0x30: {  	_ =	swait.ge [sflag:s26], $0x4000  }
0x31: {  	[sflag:s26] =	ssyncset.done $0x0  }
0x32: {  	s29 =	sor.u32 $0x480, s15;
	[sflag:s26] =	ssyncadd.s32 $0xFFFFC000  }
0x33: {  	[spmem:s2] =	stream.indirect.scatter.add.f32 [tilespmem:s24], [sflag:$0x4], $0x80, s29, s22, $0xb8;
	[tilespmem:$0x1D000] =	vst v63  }
0x34: {  	_ =	swait.ge [sflag:s18], $0x4000  }
0x35: {  	[sflag:s18] =	ssyncset.done $0x0  }
0x36: {  	s0 =	sor.u32 $0x180, s15;
	[sflag:s18] =	ssyncadd.s32 $0xFFFFC000  }
0x37: {  	[tilespmem:s24], [sflag:$0x3] =	stream.indirect.gather [hbm4b:s5+s22], $0x80, s0, s22, $0xb8;
	[tilespmem:$0x1D000] =	vst v63  }
0x38: {  	_ =	swait.ge [sflag:s25], $0x4000  }
0x39: {  	[sflag:s25] =	ssyncset.done $0x0  }
0x3a: {  	s29 =	sor.u32 $0x500, s15;
	[sflag:s25] =	ssyncadd.s32 $0xFFFFC000  }
0x3b: {  	[spmem:s2] =	stream.indirect.scatter.add.f32 [tilespmem:s23], [sflag:$0x4], $0x80, s29, s22, $0xb8;
	[tilespmem:$0x1D000] =	vst v63  }
0x3c: {  	_ =	swait.ge [sflag:s18], $0x4000  }
0x3d: {  	[sflag:s18] =	ssyncset.done $0x0  }
0x3e: {  	s0 =	sor.u32 $0x200, s15;
	[sflag:s18] =	ssyncadd.s32 $0xFFFFC000  }
0x3f: {  	[tilespmem:s23], [sflag:$0x2] =	stream.indirect.gather [hbm4b:s5+s22], $0x80, s0, s22, $0xb8;
	[tilespmem:$0x1D000] =	vst v63  }
0x40: {  	_ =	swait.ge [sflag:s26], $0x4000  }
0x41: {  	[sflag:s26] =	ssyncset.done $0x0  }
0x42: {  	s29 =	sor.u32 $0x580, s15;
	[sflag:s26] =	ssyncadd.s32 $0xFFFFC000  }
0x43: {  	[spmem:s2] =	stream.indirect.scatter.add.f32 [tilespmem:s24], [sflag:$0x4], $0x80, s29, s22, $0xb8;
	[tilespmem:$0x1D000] =	vst v63  }
0x44: {  	_ =	swait.ge [sflag:s18], $0x4000  }
0x45: {  	[sflag:s18] =	ssyncset.done $0x0  }
0x46: {  	s0 =	sor.u32 $0x280, s15;
	[sflag:s18] =	ssyncadd.s32 $0xFFFFC000  }
0x47: {  	[tilespmem:s24], [sflag:$0x3] =	stream.indirect.gather [hbm4b:s5+s22], $0x80, s0, s22, $0xb8;
	[tilespmem:$0x1D000] =	vst v63  }
0x48: {  	_ =	swait.ge [sflag:s25], $0x4000  }
0x49: {  	[sflag:s25] =	ssyncset.done $0x0  }
0x4a: {  	s29 =	sor.u32 $0x600, s15;
	[sflag:s25] =	ssyncadd.s32 $0xFFFFC000  }
0x4b: {  	[spmem:s2] =	stream.indirect.scatter.add.f32 [tilespmem:s23], [sflag:$0x4], $0x80, s29, s22, $0xb8;
	[tilespmem:$0x1D000] =	vst v63  }
0x4c: {  	_ =	swait.ge [sflag:s18], $0x4000  }
0x4d: {  	[sflag:s18] =	ssyncset.done $0x0  }
0x4e: {  	s0 =	sor.u32 $0x300, s15;
	[sflag:s18] =	ssyncadd.s32 $0xFFFFC000  }
0x4f: {  	[tilespmem:s23], [sflag:$0x2] =	stream.indirect.gather [hbm4b:s5+s22], $0x80, s0, s22, $0xb8;
	[tilespmem:$0x1D000] =	vst v63  }
0x50: {  	_ =	swait.ge [sflag:s26], $0x4000  }
0x51: {  	[sflag:s26] =	ssyncset.done $0x0  }
0x52: {  	s29 =	sor.u32 $0x680, s15;
	[sflag:s26] =	ssyncadd.s32 $0xFFFFC000  }
0x53: {  	[spmem:s2] =	stream.indirect.scatter.add.f32 [tilespmem:s24], [sflag:$0x4], $0x80, s29, s22, $0xb8;
	[tilespmem:$0x1D000] =	vst v63  }
0x54: {  	_ =	swait.ge [sflag:s18], $0x4000  }
0x55: {  	[sflag:s18] =	ssyncset.done $0x0  }
0x56: {  	s0 =	sor.u32 $0x380, s15;
	[sflag:s18] =	ssyncadd.s32 $0xFFFFC000  }
0x57: {  	[tilespmem:s24], [sflag:$0x3] =	stream.indirect.gather [hbm4b:s5+s22], $0x80, s0, s22, $0xb8;
	[tilespmem:$0x1D000] =	vst v63  }
0x58: {  	_ =	swait.ge [sflag:s25], $0x4000  }
0x59: {  	[sflag:s25] =	ssyncset.done $0x0  }
0x5a: {  	s29 =	sor.u32 $0x700, s15;
	[sflag:s25] =	ssyncadd.s32 $0xFFFFC000  }
0x5b: {  	[spmem:s2] =	stream.indirect.scatter.add.f32 [tilespmem:s23], [sflag:$0x4], $0x80, s29, s22, $0xb8;
	[tilespmem:$0x1D000] =	vst v63  }
0x5c: {  	_ =	swait.ge [sflag:s18], $0x4000  }
0x5d: {  	[sflag:s18] =	ssyncset.done $0x0  }
0x5e: {  	[sflag:s18] =	ssyncadd.s32 $0xFFFFC000  }
0x5f: {  	_ =	swait.ge [sflag:s19], $0x400  }
0x60: {  	[sflag:s19] =	ssyncset.done $0x0  }
0x61: {  	[sflag:s19] =	ssyncadd.s32 $0xFFFFFC00  }
0x62: {  	_ =	swait.ge [sflag:s19], $0x400  }
0x63: {  	[sflag:s19] =	ssyncset.done $0x0  }
0x64: {  	s0 =	sxor.u32 $0x800, s15;
	[sflag:s19] =	ssyncadd.s32 $0xFFFFFC00  }
0x65: {  	[tilespmem:s23], [sflag:$0x2] =	stream.indirect.gather [hbm4b:s5+s22], $0x80, s0, s22, $0xb8;
	[tilespmem:$0x1D000] =	vst v63  }
0x66: {  	_ =	swait.ge [sflag:s26], $0x4000  }
0x67: {  	[sflag:s26] =	ssyncset.done $0x0  }
0x68: {  	s29 =	sor.u32 $0x780, s15;
	[sflag:s26] =	ssyncadd.s32 $0xFFFFC000  }
0x69: {  	[spmem:s2] =	stream.indirect.scatter.add.f32 [tilespmem:s24], [sflag:$0x4], $0x80, s29, s22, $0xb8;
	[tilespmem:$0x1D000] =	vst v63  }
0x6a: {  	p0 =	slt.s32 s31, $0x9F8;
	s20 =	smov.u32 s31;
	_ =	swait.ge [sflag:s18], $0x4000  }
0x6b: {  	s20 =	simm.s32 @!p0 $0x9F8;
	[sflag:s18] =	ssyncset.done $0x0  }
0x6c: {  	s0 =	sshll.u32 s20, $0x4;
	s29 =	sxor.u32 $0x880, s15;
	[sflag:s18] =	ssyncadd.s32 $0xFFFFC000  }
0x6d: {  	[tilespmem:s24], [sflag:$0x3] =	stream.indirect.gather [hbm4b:s5+s22], $0x80, s29, s22, $0xb8;
	[tilespmem:$0x1D000] =	vst v63  }
0x6e: {  	s20 =	sadd.s32 s1, s0  }
0x6f: {  	[tilespmem:s15], [sflag:$0x1] =	stream.linear.gather [hbm4b:s20+s4], $0x400, $0x38;
	[tilespmem:$0x1D000] =	vst v63  }
0x70: {  	s28 =	smov.u32 s31;
	s30 =	sadd.s32 s0, s8;
	s20 =	simm.s32 $0x800  }
.LBB2_2:
0x71: {  	p0 =	sne.s32 s20, $0x4000  }
0x72: {  	s28 =	sadd.s32 $0x8, s28;
	s29 =	smov.u32 s20;
	s20 =	sadd.s32 $0x800, s20  }
0x73: {  	[tilespmem:s16], [sflag:$0x1] =	stream.linear.gather [hbm4b:s30+s4], $0x400, $0x38;
	[tilespmem:$0x1D000] =	vst v63  }
0x74: {  	_ =	swait.ge [sflag:s25], $0x4000  }
0x75: {  	s29 =	sand.u32 $0x800, s29;
	[sflag:s25] =	ssyncset.done $0x0  }
0x76: {  	s16 =	sor.u32 $0x400, s29;
	[sflag:s25] =	ssyncadd.s32 $0xFFFFC000  }
0x77: {  	[spmem:s2] =	stream.indirect.scatter.add.f32 [tilespmem:s23], [sflag:$0x4], $0x80, s16, s22, $0xb8;
	[tilespmem:$0x1D000] =	vst v63  }
0x78: {  	_ =	swait.ge [sflag:s18], $0x4000  }
0x79: {  	[sflag:s18] =	ssyncset.done $0x0  }
0x7a: {  	s30 =	sor.u32 $0x100, s29;
	[sflag:s18] =	ssyncadd.s32 $0xFFFFC000  }
0x7b: {  	[tilespmem:s23], [sflag:$0x2] =	stream.indirect.gather [hbm4b:s5+s22], $0x80, s30, s22, $0xb8;
	[tilespmem:$0x1D000] =	vst v63  }
0x7c: {  	_ =	swait.ge [sflag:s26], $0x4000  }
0x7d: {  	[sflag:s26] =	ssyncset.done $0x0  }
0x7e: {  	s30 =	sor.u32 $0x480, s29;
	[sflag:s26] =	ssyncadd.s32 $0xFFFFC000  }
0x7f: {  	[spmem:s2] =	stream.indirect.scatter.add.f32 [tilespmem:s24], [sflag:$0x4], $0x80, s30, s22, $0xb8;
	[tilespmem:$0x1D000] =	vst v63  }
0x80: {  	_ =	swait.ge [sflag:s18], $0x4000  }
0x81: {  	[sflag:s18] =	ssyncset.done $0x0  }
0x82: {  	s30 =	sor.u32 $0x180, s29;
	[sflag:s18] =	ssyncadd.s32 $0xFFFFC000  }
0x83: {  	[tilespmem:s24], [sflag:$0x3] =	stream.indirect.gather [hbm4b:s5+s22], $0x80, s30, s22, $0xb8;
	[tilespmem:$0x1D000] =	vst v63  }
0x84: {  	_ =	swait.ge [sflag:s25], $0x4000  }
0x85: {  	[sflag:s25] =	ssyncset.done $0x0  }
0x86: {  	s30 =	sor.u32 $0x500, s29;
	[sflag:s25] =	ssyncadd.s32 $0xFFFFC000  }
0x87: {  	[spmem:s2] =	stream.indirect.scatter.add.f32 [tilespmem:s23], [sflag:$0x4], $0x80, s30, s22, $0xb8;
	[tilespmem:$0x1D000] =	vst v63  }
0x88: {  	_ =	swait.ge [sflag:s18], $0x4000  }
0x89: {  	[sflag:s18] =	ssyncset.done $0x0  }
0x8a: {  	s30 =	sor.u32 $0x200, s29;
	[sflag:s18] =	ssyncadd.s32 $0xFFFFC000  }
0x8b: {  	[tilespmem:s23], [sflag:$0x2] =	stream.indirect.gather [hbm4b:s5+s22], $0x80, s30, s22, $0xb8;
	[tilespmem:$0x1D000] =	vst v63  }
0x8c: {  	_ =	swait.ge [sflag:s26], $0x4000  }
0x8d: {  	[sflag:s26] =	ssyncset.done $0x0  }
0x8e: {  	s30 =	sor.u32 $0x580, s29;
	[sflag:s26] =	ssyncadd.s32 $0xFFFFC000  }
0x8f: {  	[spmem:s2] =	stream.indirect.scatter.add.f32 [tilespmem:s24], [sflag:$0x4], $0x80, s30, s22, $0xb8;
	[tilespmem:$0x1D000] =	vst v63  }
0x90: {  	_ =	swait.ge [sflag:s18], $0x4000  }
0x91: {  	[sflag:s18] =	ssyncset.done $0x0  }
0x92: {  	s30 =	sor.u32 $0x280, s29;
	[sflag:s18] =	ssyncadd.s32 $0xFFFFC000  }
0x93: {  	[tilespmem:s24], [sflag:$0x3] =	stream.indirect.gather [hbm4b:s5+s22], $0x80, s30, s22, $0xb8;
	[tilespmem:$0x1D000] =	vst v63  }
0x94: {  	_ =	swait.ge [sflag:s25], $0x4000  }
0x95: {  	[sflag:s25] =	ssyncset.done $0x0  }
0x96: {  	s30 =	sor.u32 $0x600, s29;
	[sflag:s25] =	ssyncadd.s32 $0xFFFFC000  }
0x97: {  	[spmem:s2] =	stream.indirect.scatter.add.f32 [tilespmem:s23], [sflag:$0x4], $0x80, s30, s22, $0xb8;
	[tilespmem:$0x1D000] =	vst v63  }
0x98: {  	_ =	swait.ge [sflag:s18], $0x4000  }
0x99: {  	[sflag:s18] =	ssyncset.done $0x0  }
0x9a: {  	s30 =	sor.u32 $0x300, s29;
	[sflag:s18] =	ssyncadd.s32 $0xFFFFC000  }
0x9b: {  	[tilespmem:s23], [sflag:$0x2] =	stream.indirect.gather [hbm4b:s5+s22], $0x80, s30, s22, $0xb8;
	[tilespmem:$0x1D000] =	vst v63  }
0x9c: {  	_ =	swait.ge [sflag:s26], $0x4000  }
0x9d: {  	[sflag:s26] =	ssyncset.done $0x0  }
0x9e: {  	s30 =	sor.u32 $0x680, s29;
	[sflag:s26] =	ssyncadd.s32 $0xFFFFC000  }
0x9f: {  	[spmem:s2] =	stream.indirect.scatter.add.f32 [tilespmem:s24], [sflag:$0x4], $0x80, s30, s22, $0xb8;
	[tilespmem:$0x1D000] =	vst v63  }
0xa0: {  	_ =	swait.ge [sflag:s18], $0x4000  }
0xa1: {  	[sflag:s18] =	ssyncset.done $0x0  }
0xa2: {  	s30 =	sor.u32 $0x380, s29;
	[sflag:s18] =	ssyncadd.s32 $0xFFFFC000  }
0xa3: {  	[tilespmem:s24], [sflag:$0x3] =	stream.indirect.gather [hbm4b:s5+s22], $0x80, s30, s22, $0xb8;
	[tilespmem:$0x1D000] =	vst v63  }
0xa4: {  	_ =	swait.ge [sflag:s25], $0x4000  }
0xa5: {  	[sflag:s25] =	ssyncset.done $0x0  }
0xa6: {  	s30 =	sor.u32 $0x700, s29;
	[sflag:s25] =	ssyncadd.s32 $0xFFFFC000  }
0xa7: {  	[spmem:s2] =	stream.indirect.scatter.add.f32 [tilespmem:s23], [sflag:$0x4], $0x80, s30, s22, $0xb8;
	[tilespmem:$0x1D000] =	vst v63  }
0xa8: {  	_ =	swait.ge [sflag:s18], $0x4000  }
0xa9: {  	[sflag:s18] =	ssyncset.done $0x0  }
0xaa: {  	[sflag:s18] =	ssyncadd.s32 $0xFFFFC000  }
0xab: {  	_ =	swait.ge [sflag:s19], $0x400  }
0xac: {  	[sflag:s19] =	ssyncset.done $0x0  }
0xad: {  	[sflag:s19] =	ssyncadd.s32 $0xFFFFFC00  }
0xae: {  	_ =	swait.ge [sflag:s19], $0x400  }
0xaf: {  	[sflag:s19] =	ssyncset.done $0x0  }
0xb0: {  	s30 =	sxor.u32 $0x800, s29;
	[sflag:s19] =	ssyncadd.s32 $0xFFFFFC00  }
0xb1: {  	[tilespmem:s23], [sflag:$0x2] =	stream.indirect.gather [hbm4b:s5+s22], $0x80, s30, s22, $0xb8;
	[tilespmem:$0x1D000] =	vst v63  }
0xb2: {  	_ =	swait.ge [sflag:s26], $0x4000  }
0xb3: {  	[sflag:s26] =	ssyncset.done $0x0  }
0xb4: {  	s30 =	sor.u32 $0x780, s29;
	[sflag:s26] =	ssyncadd.s32 $0xFFFFC000  }
0xb5: {  	[spmem:s2] =	stream.indirect.scatter.add.f32 [tilespmem:s24], [sflag:$0x4], $0x80, s30, s22, $0xb8;
	[tilespmem:$0x1D000] =	vst v63  }
0xb6: {  	p1 =	slt.s32 s28, $0x9F8;
	s15 =	smov.u32 s28;
	_ =	swait.ge [sflag:s18], $0x4000  }
0xb7: {  	s15 =	simm.s32 @!p1 $0x9F8;
	[sflag:s18] =	ssyncset.done $0x0  }
.Ltmp0:
0xb8: {  	s30 =	sxor.u32 $0x880, s29;
	[sflag:s18] =	ssyncadd.s32 $0xFFFFC000;
	(pc) =	sbr.rel @p0 .LBB2_2-.Ltmp0, $4  }
0xb9: {  	[tilespmem:s24], [sflag:$0x3] =	stream.indirect.gather [hbm4b:s5+s22], $0x80, s30, s22, $0xb8;
	[tilespmem:$0x1D000] =	vst v63  }
0xba: {  	s15 =	sshll.u32 s15, $0x4  }
0xbb: {  	s0 =	sadd.s32 s1, s15;
	s30 =	sadd.s32 s15, s8  }
0xbc: {  	[tilespmem:s29], [sflag:$0x1] =	stream.linear.gather [hbm4b:s0+s4], $0x400, $0x38;
	[tilespmem:$0x1D000] =	vst v63  }
0xbd: {  	[tilespmem:s16], [sflag:$0x1] =	stream.linear.gather [hbm4b:s30+s4], $0x400, $0x38;
	[tilespmem:$0x1D000] =	vst v63  }
0xbe: {  	_ =	swait.ge [sflag:s25], $0x4000  }
0xbf: {  	[sflag:s25] =	ssyncset.done $0x0  }
0xc0: {  	[sflag:s25] =	ssyncadd.s32 $0xFFFFC000  }
0xc1: {  	[spmem:s2] =	stream.indirect.scatter.add.f32 [tilespmem:s23], [sflag:$0x4], $0x80, s21, s22, $0xb8;
	[tilespmem:$0x1D000] =	vst v63  }
0xc2: {  	_ =	swait.ge [sflag:s18], $0x4000  }
0xc3: {  	[sflag:s18] =	ssyncset.done $0x0  }
0xc4: {  	s0 =	simm.s32 $0x900;
	[sflag:s18] =	ssyncadd.s32 $0xFFFFC000  }
0xc5: {  	[tilespmem:s23], [sflag:$0x2] =	stream.indirect.gather [hbm4b:s5+s22], $0x80, s0, s22, $0xb8;
	[tilespmem:$0x1D000] =	vst v63  }
0xc6: {  	_ =	swait.ge [sflag:s26], $0x4000  }
0xc7: {  	[sflag:s26] =	ssyncset.done $0x0  }
0xc8: {  	s15 =	simm.s32 $0xC80;
	[sflag:s26] =	ssyncadd.s32 $0xFFFFC000  }
0xc9: {  	[spmem:s2] =	stream.indirect.scatter.add.f32 [tilespmem:s24], [sflag:$0x4], $0x80, s15, s22, $0xb8;
	[tilespmem:$0x1D000] =	vst v63  }
0xca: {  	_ =	swait.ge [sflag:s18], $0x4000  }
0xcb: {  	[sflag:s18] =	ssyncset.done $0x0  }
0xcc: {  	s16 =	simm.s32 $0x980;
	[sflag:s18] =	ssyncadd.s32 $0xFFFFC000  }
0xcd: {  	[tilespmem:s24], [sflag:$0x3] =	stream.indirect.gather [hbm4b:s5+s22], $0x80, s16, s22, $0xb8;
	[tilespmem:$0x1D000] =	vst v63  }
0xce: {  	_ =	swait.ge [sflag:s25], $0x4000  }
0xcf: {  	[sflag:s25] =	ssyncset.done $0x0  }
0xd0: {  	s20 =	simm.s32 $0xD00;
	[sflag:s25] =	ssyncadd.s32 $0xFFFFC000  }
0xd1: {  	[spmem:s2] =	stream.indirect.scatter.add.f32 [tilespmem:s23], [sflag:$0x4], $0x80, s20, s22, $0xb8;
	[tilespmem:$0x1D000] =	vst v63  }
0xd2: {  	_ =	swait.ge [sflag:s18], $0x4000  }
0xd3: {  	[sflag:s18] =	ssyncset.done $0x0  }
0xd4: {  	s28 =	simm.s32 $0xA00;
	[sflag:s18] =	ssyncadd.s32 $0xFFFFC000  }
0xd5: {  	[tilespmem:s23], [sflag:$0x2] =	stream.indirect.gather [hbm4b:s5+s22], $0x80, s28, s22, $0xb8;
	[tilespmem:$0x1D000] =	vst v63  }
0xd6: {  	_ =	swait.ge [sflag:s26], $0x4000  }
0xd7: {  	[sflag:s26] =	ssyncset.done $0x0  }
0xd8: {  	s29 =	simm.s32 $0xD80;
	[sflag:s26] =	ssyncadd.s32 $0xFFFFC000  }
0xd9: {  	[spmem:s2] =	stream.indirect.scatter.add.f32 [tilespmem:s24], [sflag:$0x4], $0x80, s29, s22, $0xb8;
	[tilespmem:$0x1D000] =	vst v63  }
0xda: {  	_ =	swait.ge [sflag:s18], $0x4000  }
0xdb: {  	[sflag:s18] =	ssyncset.done $0x0  }
0xdc: {  	s30 =	simm.s32 $0xA80;
	[sflag:s18] =	ssyncadd.s32 $0xFFFFC000  }
0xdd: {  	[tilespmem:s24], [sflag:$0x3] =	stream.indirect.gather [hbm4b:s5+s22], $0x80, s30, s22, $0xb8;
	[tilespmem:$0x1D000] =	vst v63  }
0xde: {  	_ =	swait.ge [sflag:s25], $0x4000  }
0xdf: {  	[sflag:s25] =	ssyncset.done $0x0  }
0xe0: {  	s15 =	simm.s32 $0xE00;
	[sflag:s25] =	ssyncadd.s32 $0xFFFFC000  }
0xe1: {  	[spmem:s2] =	stream.indirect.scatter.add.f32 [tilespmem:s23], [sflag:$0x4], $0x80, s15, s22, $0xb8;
	[tilespmem:$0x1D000] =	vst v63  }
0xe2: {  	_ =	swait.ge [sflag:s18], $0x4000  }
0xe3: {  	[sflag:s18] =	ssyncset.done $0x0  }
0xe4: {  	s16 =	simm.s32 $0xB00;
	[sflag:s18] =	ssyncadd.s32 $0xFFFFC000  }
0xe5: {  	[tilespmem:s23], [sflag:$0x2] =	stream.indirect.gather [hbm4b:s5+s22], $0x80, s16, s22, $0xb8;
	[tilespmem:$0x1D000] =	vst v63  }
0xe6: {  	_ =	swait.ge [sflag:s26], $0x4000  }
0xe7: {  	[sflag:s26] =	ssyncset.done $0x0  }
0xe8: {  	s20 =	simm.s32 $0xE80;
	[sflag:s26] =	ssyncadd.s32 $0xFFFFC000  }
0xe9: {  	[spmem:s2] =	stream.indirect.scatter.add.f32 [tilespmem:s24], [sflag:$0x4], $0x80, s20, s22, $0xb8;
	[tilespmem:$0x1D000] =	vst v63  }
0xea: {  	_ =	swait.ge [sflag:s18], $0x4000  }
0xeb: {  	[sflag:s18] =	ssyncset.done $0x0  }
0xec: {  	s28 =	simm.s32 $0xB80;
	[sflag:s18] =	ssyncadd.s32 $0xFFFFC000  }
0xed: {  	[tilespmem:s24], [sflag:$0x3] =	stream.indirect.gather [hbm4b:s5+s22], $0x80, s28, s22, $0xb8;
	[tilespmem:$0x1D000] =	vst v63  }
0xee: {  	_ =	swait.ge [sflag:s25], $0x4000  }
0xef: {  	[sflag:s25] =	ssyncset.done $0x0  }
0xf0: {  	s29 =	simm.s32 $0xF00;
	[sflag:s25] =	ssyncadd.s32 $0xFFFFC000  }
0xf1: {  	[spmem:s2] =	stream.indirect.scatter.add.f32 [tilespmem:s23], [sflag:$0x4], $0x80, s29, s22, $0xb8;
	[tilespmem:$0x1D000] =	vst v63  }
0xf2: {  	_ =	swait.ge [sflag:s18], $0x4000  }
0xf3: {  	[sflag:s18] =	ssyncset.done $0x0  }
0xf4: {  	[sflag:s18] =	ssyncadd.s32 $0xFFFFC000  }
0xf5: {  	_ =	swait.ge [sflag:s26], $0x4000  }
0xf6: {  	[sflag:s26] =	ssyncset.done $0x0  }
0xf7: {  	s30 =	simm.s32 $0xF80;
	[sflag:s26] =	ssyncadd.s32 $0xFFFFC000  }
0xf8: {  	[spmem:s2] =	stream.indirect.scatter.add.f32 [tilespmem:s24], [sflag:$0x4], $0x80, s30, s22, $0xb8;
	[tilespmem:$0x1D000] =	vst v63  }
0xf9: {  	_ =	swait.ge [sflag:s18], $0x4000  }
0xfa: {  	[sflag:s18] =	ssyncset.done $0x0  }
0xfb: {  	[sflag:s18] =	ssyncadd.s32 $0xFFFFC000  }
0xfc: {  	_ =	swait.ge [sflag:s19], $0x400  }
0xfd: {  	[sflag:s19] =	ssyncset.done $0x0  }
0xfe: {  	[sflag:s19] =	ssyncadd.s32 $0xFFFFFC00  }
0xff: {  	_ =	swait.ge [sflag:s19], $0x400  }
0x100: {  	s3 =	sadd.s32 $0x1, s3;
	[sflag:s19] =	ssyncset.done $0x0  }
0x101: {  	p0 =	sne.s32 s3, s14;
	[sflag:s19] =	ssyncadd.s32 $0xFFFFFC00  }
.Ltmp1:
0x102: {  	[bflag:$0x0] =	sbarrier.arrive $0xFFFF;
	(pc) =	sbr.rel @p0 .LBB2_1-.Ltmp1, $4  }
0x103: {  	[hbm:s13], [sflag:s10] =	dma.local [spmem:s17], $0x2800  }
0x104: {  	_ =	swait.ge [sflag:s18], $0x2800  }
0x105: {  	[sflag:s18] =	ssyncset.done $0x0  }
0x106: {  	[sflag:s18] =	ssyncadd.s32 $0xFFFFD800  }
0x107: {  	_ =	sfence.sel $0x180000  }
0x108: {  	[bflag:$0x0] =	sbarrier.arrive $0xFFFF  }
0x109: {  	_ =	strace $0x9000004D  }
0x10a: {  	s0 =	stileid.u32;
	[bflag:$0x2] =	sbarrier.arrive $0xFFFF  }
0x10b: {  	p0 =	sne.s32 s0, $0x0;
	s0 =	rddreg [dreg:$0x3]  }
0x10c: {  	s0 =	sadd.s32 @!p0 $0x100000, s0  }
0x10d: {  	[sflag:s0] =	ssyncadd.tile.s32 @!p0 $0x1;
	_ =	shalt  }
.Lfunc_end2:
_tile_overlayer_lowered:
.L_overlay_start_2:
0x10e: {  	(tag) =	ssettag $0x2  }
0x10f: {  	s0 =	rddreg [dreg:$0x0];
	s2 =	stileid.u32  }
0x110: {  	s1 =	rddreg [dreg:$0x1];
	p0 =	sne.s32 s2, $0x0  }
0x111: {  	s3 =	rddreg [dreg:$0x2];
	[bflag:$0x3] =	sbarrier.arrive $0xFFFF;
	s2 =	simm.s32 @!p0 $0x1C04  }
0x112: {  	[timem:s3], [sflag:s2] =	dma.local @!p0 [hbm:s0], s1  }
0x113: {  	s0 =	simm.s32 @!p0 $0x4  }
0x114: {  	_ =	swait.ge @!p0 [sflag:s0], s1  }
0x115: {  	s1 =	ssub.s32 @!p0 $0x0, s1;
	[sflag:s0] =	ssyncset.done @!p0 $0x0  }
0x116: {  	[sflag:s0] =	ssyncadd.s32 @!p0 s1  }
0x117: {  	[bflag:$0x3] =	sbarrier.arrive $0xFFFF  }
0x118: {  	_ =	shalt  }

// kernel: kernel.8.cloned.1.call-start
scs
__scs_entry_jumppad:
0x0: {  	(pc) =	sbr.rel $0x88, $3  }
0x1: {  	(tag) =	ssettag $0x0;
	lr =	simm.s32 $0x1  }
0x2: {  	[smem:$0x3F9B] =	sst lr;
	_ =	strace $0xD0000000  }
0x3: {  	_ = 	snop  }
0x4: {  	_ = 	snop  }
0x5: {  	_ = 	snop  }
0x6: {  	_ = 	snop  }
0x7: {  	_ = 	snop  }
__scs_overlays_trampoline_lowered:
0x8: {  	[smem:$0x3FAA] =	sst s0  }
0x9: {  	[smem:$0x3FAB] =	sst s1  }
0xa: {  	[smem:$0x3FAC] =	sst s2  }
0xb: {  	[smem:$0x3FAD] =	sst s3  }
0xc: {  	[smem:$0x3FAE] =	sst s4  }
0xd: {  	[smem:$0x3FAF] =	sst s5  }
0xe: {  	[smem:$0x3FB0] =	sst s6  }
0xf: {  	[smem:$0x3FB1] =	sst s7  }
0x10: {  	[smem:$0x3FB2] =	sst s8  }
0x11: {  	[smem:$0x3FB3] =	sst s9;
	s0 =	simm.s32 @!p0 $0x0  }
0x12: {  	s1 =	sld [smem:$0x3F99];
	s0 =	simm.s32 @p0 $0x1  }
0x13: {  	[smem:$0x3FB4] =	sst s0;
	s0 =	simm.s32 @!p1 $0x0  }
0x14: {  	s2 =	sld [smem:$0x3F98];
	s0 =	simm.s32 @p1 $0x1  }
0x15: {  	[smem:$0x3FB5] =	sst s0;
	s0 =	simm.s32 @!p2 $0x0  }
0x16: {  	s3 =	sld [smem:$0x3FDB];
	s0 =	simm.s32 @p2 $0x1  }
0x17: {  	s4 =	simm.s32 $0x1BF5;
	[smem:$0x3FB7] =	sst s0  }
0x18: {  	s0 =	sld [smem:$0x3F9A];
	_ =	swait.ge [sflag:s4], $0x0  }
0x19: {  	s7 =	sld [smem:$0x3F9B]  }
0x1a: {  	s8 =	sadd.s32 $0xFFFFE003, lr  }
0x1b: {  	s9 =	sadd.s32 $0xFFFFFEF7, lr;
	s5 =	simm.s32 $0xFFFFFFFF;
	p2 =	slt.u32 s8, $0xFFFFF086  }
0x1c: {  	p1 =	slt.u32 s9, $0xF7A;
	s5 =	simm.s32 @!p2 $0x0  }
0x1d: {  	s5 =	simm.s32 @p1 $0x1;
	p0 =	seq.s32 s7, s2  }
0x1e: {  	s7 =	smul.u32 @!p0 $0xF7A, s2;
	p2 =	seq.s32 @!p0 s5, $0x0  }
0x1f: {  	s9 =	smul.u32 $0xF7A, s1;
	s8 =	simm.s32 @!p0 $0x1BF5;
	p2 =	por !p2, p0  }
0x20: {  	[sflag:s8] =	ssyncset.s32 @!p0 $0xFFFFF086;
	s6 =	sadd.s32 @!p0 s3, s7;
	s7 =	simm.s32 @!p0 $0x108  }
0x21: {  	s3 =	sadd.s32 s3, s9;
	s6 =	sadd.s32 @!p0 $0x88, s6;
	s7 =	simm.s32 @p2 $0x1082  }
0x22: {  	[simem:s7], [sflag:s8] =	dma.local @!p0 [hbm:s6], $0xF7A  }
0x23: {  	s9 =	sor.u32 $0xD0000000, s2;
	s6 =	simm.s32 $0x108;
	_ =	swait.ge @!p0 [sflag:s8], $0x0  }
0x24: {  	s3 =	sadd.s32 $0x88, s3;
	s6 =	simm.s32 @!p1 $0x1082;
	[sflag:s4] =	ssyncset.s32 $0xFFFFF086  }
0x25: {  	[simem:s6], [sflag:s4] =	dma.local [hbm:s3], $0xF7A  }
0x26: {  	[smem:$0x3F9B] =	sst s1;
	(tag) =	ssettag s2;
	_ =	strace s9  }
0x27: {  	s1 =	sld [smem:$0x3FAB]  }
0x28: {  	s2 =	sld [smem:$0x3FAC]  }
0x29: {  	s4 =	sld [smem:$0x3FAE]  }
0x2a: {  	p0 =	seq.s32 s5, $0x0;
	s5 =	sld [smem:$0x3FAF]  }
0x2b: {  	s6 =	sld [smem:$0x3FB0]  }
0x2c: {  	s7 =	sld [smem:$0x3FB1]  }
0x2d: {  	s3 =	simm.s32 $0x108;
	s8 =	sld [smem:$0x3FB2]  }
0x2e: {  	s3 =	simm.s32 @!p0 $0x1082;
	s9 =	sld [smem:$0x3FB3]  }
0x2f: {  	lr =	sadd.s32 s0, s3;
	s0 =	sld [smem:$0x3FAA]  }
0x30: {  	s3 =	sld [smem:$0x3FAD]  }
0x31: {  	[smem:$0x3FB6] =	sst s10  }
0x32: {  	s10 =	sld [smem:$0x3FB4];
	_ =	sdelay $0x3  }
0x33: {  	p0 =	seq.s32 s10, $0x1;
	s10 =	sld [smem:$0x3FB6];
	_ =	sdelay $0x3  }
0x34: {  	[smem:$0x3FB6] =	sst s10  }
0x35: {  	s10 =	sld [smem:$0x3FB5];
	_ =	sdelay $0x3  }
0x36: {  	p1 =	seq.s32 s10, $0x1;
	s10 =	sld [smem:$0x3FB6];
	_ =	sdelay $0x3  }
0x37: {  	[smem:$0x3FB6] =	sst s10  }
0x38: {  	s10 =	sld [smem:$0x3FB7]  }
0x39: {  	_ = 	snop;
	(pc) =	sbr.ind lr, $3  }
0x3a: {  	_ = 	snop  }
0x3b: {  	_ = 	snop  }
0x3c: {  	p2 =	seq.s32 s10, $0x1;
	s10 =	sld [smem:$0x3FB6]  }
0x3d: {  	_ =	shalt  }
0x3e: {  	_ =	shalt  }
0x3f: {  	_ =	shalt  }
0x40: {  	_ =	shalt  }
0x41: {  	_ =	shalt  }
0x42: {  	_ =	shalt  }
0x43: {  	_ =	shalt  }
0x44: {  	_ =	shalt  }
0x45: {  	_ =	shalt  }
0x46: {  	_ =	shalt  }
0x47: {  	_ =	shalt  }
0x48: {  	_ =	shalt  }
0x49: {  	_ =	shalt  }
0x4a: {  	_ =	shalt  }
0x4b: {  	_ =	shalt  }
0x4c: {  	_ =	shalt  }
0x4d: {  	_ =	shalt  }
0x4e: {  	_ =	shalt  }
0x4f: {  	_ =	shalt  }
0x50: {  	_ =	shalt  }
0x51: {  	_ =	shalt  }
0x52: {  	_ =	shalt  }
0x53: {  	_ =	shalt  }
0x54: {  	_ =	shalt  }
0x55: {  	_ =	shalt  }
0x56: {  	_ =	shalt  }
0x57: {  	_ =	shalt  }
0x58: {  	_ =	shalt  }
0x59: {  	_ =	shalt  }
0x5a: {  	_ =	shalt  }
0x5b: {  	_ =	shalt  }
0x5c: {  	_ =	shalt  }
0x5d: {  	_ =	shalt  }
0x5e: {  	_ =	shalt  }
0x5f: {  	_ =	shalt  }
0x60: {  	_ =	shalt  }
0x61: {  	_ =	shalt  }
0x62: {  	_ =	shalt  }
0x63: {  	_ =	shalt  }
0x64: {  	_ =	shalt  }
0x65: {  	_ =	shalt  }
0x66: {  	_ =	shalt  }
0x67: {  	_ =	shalt  }
0x68: {  	_ =	shalt  }
0x69: {  	_ =	shalt  }
0x6a: {  	_ =	shalt  }
0x6b: {  	_ =	shalt  }
0x6c: {  	_ =	shalt  }
0x6d: {  	_ =	shalt  }
0x6e: {  	_ =	shalt  }
0x6f: {  	_ =	shalt  }
0x70: {  	_ =	shalt  }
0x71: {  	_ =	shalt  }
0x72: {  	_ =	shalt  }
0x73: {  	_ =	shalt  }
0x74: {  	_ =	shalt  }
0x75: {  	_ =	shalt  }
0x76: {  	_ =	shalt  }
0x77: {  	_ =	shalt  }
0x78: {  	_ =	shalt  }
0x79: {  	_ =	shalt  }
0x7a: {  	_ =	shalt  }
0x7b: {  	_ =	shalt  }
0x7c: {  	_ =	shalt  }
0x7d: {  	_ =	shalt  }
0x7e: {  	_ =	shalt  }
0x7f: {  	_ =	shalt  }
0x80: {  	_ =	shalt  }
0x81: {  	_ =	shalt  }
0x82: {  	_ =	shalt  }
0x83: {  	_ =	shalt  }
0x84: {  	_ =	shalt  }
0x85: {  	_ =	shalt  }
0x86: {  	_ =	shalt  }
0x87: {  	_ =	shalt  }
.Lfunc_end0:
.L_simem_size_0:
called_computation_lowered:
.L_overlay_start_0:
0x88: {  	s2 =	sld [smem:$0x3FD9]  }
0x89: {  	s3 =	sld [smem:$0x3FFE];
	_ =	sdelay $0x1  }
0x8a: {  	s1 =	srdreg.scid  }
0x8b: {  	s0 =	sand.u32 $0x1, s1  }
0x8c: {  	s17 =	sshll.u32 s0, $0xA;
	s2 =	sadd.s32 s3, s2  }
0x8d: {  	s2 =	sadd.s32 s2, s17  }
0x8e: {  	[smem:$0x3FC2] =	sst s2  }
0x8f: {  	_ = 	snop  }
0x90: {  	s2 =	sld [smem:$0x3FD0];
	(tm) =	ssettm $0x1  }
0x91: {  	s18 =	sld [smem:$0x3FFB];
	_ =	sdelay $0x3  }
0x92: {  	_ =	strace s18  }
0x93: {  	s3 =	sld [smem:$0x3FFC];
	_ =	sdelay $0x3  }
0x94: {  	_ =	strace s3  }
0x95: {  	s3 =	sld [smem:$0x3FFD];
	_ =	sdelay $0x3  }
0x96: {  	_ =	strace s3  }
0x97: {  	_ =	strace $0x8FFFFFFF  }
0x98: {  	s19 =	sld [smem:$0x3FDB];
	_ =	sdelay $0x1  }
0x99: {  	s4 =	simm.s32 $_scs_section_size  }
0x9a: {  	s5 =	simm.s32 $_size__tile_overlayer_lowered;
	s6 =	simm.s32 $_tile_overlayer_lowered  }
0x9b: {  	s22 =	simm.s32 $0x1BFF;
	s21 =	sshll.u32 s6, $0x1;
	s3 =	sadd.s32 s4, s19  }
0x9c: {  	s7 =	simm.s32 $0x0;
	s20 =	sshll.u32 s5, $0x1;
	s5 =	sadd.s32 s21, s3  }
0x9d: {  	[timem:s7], [sflag:s22] =	dma.local [hbm:s5], s20  }
0x9e: {  	_ =	swait.ge [sflag:s22], s20  }
0x9f: {  	s4 =	ssub.s32 $0x0, s20;
	[sflag:s22] =	ssyncset.done $0x0  }
0xa0: {  	[sflag:s22] =	ssyncadd.s32 s4;
	_ =	sdelay $0x1  }
0xa1: {  	s23 =	simm.s32 $0x1B8B  }
0xa2: {  	_ =	swait.ge [sflag:s23], $0x1  }
0xa3: {  	[sflag:s23] =	ssyncset.done $0x0  }
0xa4: {  	s25 =	simm.s32 $0x1B8E;
	s24 =	sld [smem:$0x3FFE];
	[sflag:s23] =	ssyncadd.s32 $0xFFFFFFFF  }
0xa5: {  	s26 =	simm.s32 $execute0_lowered;
	[smem:$0x3FD2] =	sst s25  }
0xa6: {  	s5 =	sshll.u32 s26, $0x1;
	_ =	strace $0x80000046;
	[dreg:$0x1] =	wrdreg $0xFFFFFFFF  }
0xa7: {  	s28 =	simm.s32 $_size_execute0_lowered;
	s3 =	sadd.s32 s3, s5;
	[dreg:$0x0] =	wrdreg $0x0  }
0xa8: {  	s5 =	sshll.u32 s28, $0x1;
	[dreg:$0x2] =	wrdreg s3  }
0xa9: {  	[dreg:$0x3] =	wrdreg s5  }
0xaa: {  	[dreg:$0x4] =	wrdreg $0xC0  }
0xab: {  	_ =	task [dreg:s7], $0x5FFFF  }
0xac: {  	[dreg:$0x1] =	wrdreg $0xFFFFFFFF  }
0xad: {  	[dreg:$0x0] =	wrdreg $0x60  }
0xae: {  	[dreg:$0x2] =	wrdreg s2  }
0xaf: {  	[dreg:$0x3] =	wrdreg s24  }
0xb0: {  	[dreg:$0x4] =	wrdreg $0x28800  }
0xb1: {  	[dreg:$0x5] =	wrdreg $0x9  }
0xb2: {  	_ =	task.clear_ibuf [dreg:s7], $0x6FFFF;
	_ =	strace $0x90000046  }
0xb3: {  	s29 =	simm.s32 $0x9;
	_ =	strace $0x80000048  }
0xb4: {  	_ =	swait.ge [sflag:s29], $0x1  }
0xb5: {  	[sflag:s29] =	ssyncadd.s32 $0xFFFFFFFF  }
0xb6: {  	_ =	strace $0x90000048  }
0xb7: {  	_ =	sfence  }
0xb8: {  	s30 =	sld [smem:$0x0];
	_ =	sdelay $0x2  }
0xb9: {  	s31 =	sshll.u32 s1, $0xD;
	s1 =	sshrl.u32 s1, $0x2  }
0xba: {  	s3 =	sand.u32 $0x4000, s31;
	s1 =	sadd.s32 s1, s30  }
0xbb: {  	s0 =	sor.u32 s3, s0;
	s1 =	sshll.u32 s1, $0x11  }
0xbc: {  	s0 =	sor.u32 s1, s0  }
0xbd: {  	s0 =	sadd.s32 $0x8F2B, s0  }
0xbe: {  	[sflag:s0] =	ssyncadd.remote.s32 $0x1  }
0xbf: {  	_ =	sfence.sel $0xFFFF  }
0xc0: {  	[dreg:$0x0] =	wrdreg $0xFFFFFFFF;
	(pc) =	sbr.abs _section_cstart, $3  }
0xc1: {  	[dreg:$0x1] =	wrdreg $0xFFFFFFFF  }
0xc2: {  	_ =	task.clear_ibuf [dreg:s7], $0x2FFFF;
	_ =	strace $0x9FFFFFFF  }
0xc3: {  	(tm) =	ssettm $0x7FFFFFFF  }
tec
execute0_lowered:
.L_overlay_start_1:
0x0: {  	(tag) =	ssettag $0x1  }
0x1: {  	s5 =	rddreg [dreg:$0x0]  }
0x2: {  	s6 =	rddreg [dreg:$0x1]  }
0x3: {  	s2 =	rddreg [dreg:$0x2]  }
0x4: {  	s0 =	rddreg [dreg:$0x3]  }
0x5: {  	s3 =	simm.s32 $0x0;
	s4 =	srdreg.scid;
	s1 =	stileid.u32  }
0x6: {  	s11 =	simm.s32 $0x80;
	s12 =	simm.s32 $0x2800;
	s13 =	simm.s32 $0x1  }
0x7: {  	s14 =	simm.s32 $0x20;
	s15 =	simm.s32 $0x10;
	s16 =	simm.s32 $0x0  }
0x8: {  	[smem:$0x7FF] =	sst s3;
	s4 =	sand.u32 $0x1, s4;
	s7 =	smul.u32 $0x500, s1  }
0x9: {  	s28 =	smul.u32 $0xA00, s1;
	s31 =	sshll.u32 s1, $0x6;
	_ =	strace $0x80000047  }
0xa: {  	s8 =	sshll.u32 s4, $0x7;
	s9 =	sshll.u32 s4, $0x4;
	s10 =	ssub.s32 $0x2, s4  }
0xb: {  	s4 =	sadd.s32 $0x2A00, s6;
	s7 =	sor.u32 s8, s7;
	s26 =	sor.u32 s1, s9  }
0xc: {  	s29 =	sshrl.u32 s10, $0x1;
	s30 =	sshrl.u32 s28, $0x2;
	s8 =	smul.u32 $0x2800, s26  }
0xd: {  	s7 =	sshrl.u32 s7, $0x3;
	s10 =	ssub.s32 s10, s29;
	s9 =	sadd.s32 s30, s2  }
0xe: {  	s7 =	sadd.s32 s7, s6;
	s9 =	sshrl.u32 s9, $0x3;
	s8 =	sshrl.u32 s8, $0x3  }
0xf: {  	s7 =	sadd.s32 $0x2C00, s7;
	s8 =	sadd.s32 s5, s8;
	s5 =	sor.u32 $0x1C02, s31  }
0x10: {  	v0 =	vimm.f32 $1.000000000e+00;
	s6 =	sadd.s32 $0xA000, s8;
	s8 =	smax.u32 s10, $0x1;
	s10 =	simm.s32 $0x2  }
.LBB2_1:
0x11: {  	[tilespmem:$0x2800] =	vst v0  }
0x12: {  	[tilespmem:$0x2810] =	vst v0  }
0x13: {  	[tilespmem:$0x2820] =	vst v0  }
0x14: {  	[tilespmem:$0x2830] =	vst v0  }
0x15: {  	[tilespmem:$0x2840] =	vst v0  }
0x16: {  	[tilespmem:$0x2850] =	vst v0  }
0x17: {  	[tilespmem:$0x2860] =	vst v0  }
0x18: {  	[tilespmem:$0x2870] =	vst v0  }
0x19: {  	[spmem:s9], [sflag:s5] =	dma.local [hbm:s4], $0x50  }
0x1a: {  	_ =	swait.ge [sflag:s10], $0x50  }
0x1b: {  	[sflag:s10] =	ssyncset.done $0x0  }
0x1c: {  	[sflag:s10] =	ssyncadd.s32 $0xFFFFFFB0  }
0x1d: {  	[tilespmem:s3], [sflag:$0x2] =	stream.linear.gather [hbm4b:s6+s3], $0x2800, $0x38;
	[tilespmem:$0x2B00] =	vst v63  }
0x1e: {  	_ =	swait.ge [sflag:s10], $0x2800  }
0x1f: {  	[sflag:s10] =	ssyncset.done $0x0  }
0x20: {  	[sflag:s10] =	ssyncadd.s32 $0xFFFFD800  }
0x21: {  	s17 =	simm.s32 $0x0;
	[bflag:$0x0] =	sbarrier.arrive $0xFFFF  }
.LBB2_2:
0x22: {  	p0 =	sne.s32 s17, $0x9E00  }
.Ltmp0:
0x23: {  	_ = 	snop;
	(pc) =	sbr.rel @p0 .LBB2_2-.Ltmp0, $3  }
0x24: {  	_ =	sdelay $0x1  }
0x25: {  	s18 =	sshra.s32 s17, $0x2;
	s17 =	sadd.s32 $0x200, s17  }
0x26: {  	[spmem:s2] =	stream.indirect.scatter.add.f32 [tilespmem:s12], [sflag:$0x1], $0x1, s18, s11, $0xb8;
	[tilespmem:$0x2B00] =	vst v63  }
0x27: {  	_ =	swait.ge [sflag:s13], $0x80  }
0x28: {  	s17 =	simm.s32 $0x4F;
	[sflag:s13] =	ssyncset.done $0x0  }
.LBB2_4:
0x29: {  	p0 =	sne.s32 s17, $0x1;
	s17 =	sadd.s32 $0xFFFFFFFF, s17;
	[sflag:s13] =	ssyncadd.s32 $0xFFFFFF80  }
.Ltmp1:
0x2a: {  	(pc) =	sbr.rel @p0 .LBB2_4-.Ltmp1, $3  }
0x2b: {  	_ =	sdelay $0x1  }
0x2c: {  	_ =	swait.ge [sflag:s13], $0x80  }
0x2d: {  	[sflag:s13] =	ssyncset.done $0x0  }
0x2e: {  	s16 =	sadd.s32 $0x1, s16  }
0x2f: {  	[sflag:s13] =	ssyncadd.s32 $0xFFFFFF80;
	p0 =	sne.s32 s16, s8  }
.Ltmp2:
0x30: {  	[bflag:$0x0] =	sbarrier.arrive $0xFFFF;
	(pc) =	sbr.rel @p0 .LBB2_1-.Ltmp2, $4  }
0x31: {  	[hbm:s7@s14], [sflag:s5] =	dma.strided [spmem:s9@s15], $0x50, s13, $0x10   }
0x32: {  	_ =	swait.ge [sflag:s10], $0x50  }
0x33: {  	[sflag:s10] =	ssyncset.done $0x0  }
0x34: {  	[sflag:s10] =	ssyncadd.s32 $0xFFFFFFB0  }
0x35: {  	_ =	sfence.sel $0x180000  }
0x36: {  	[bflag:$0x0] =	sbarrier.arrive $0xFFFF  }
0x37: {  	p0 =	sne.s32 s1, $0x0;
	_ =	strace $0x90000047  }
0x38: {  	s0 =	sadd.s32 @!p0 $0x100000, s0;
	[bflag:$0x2] =	sbarrier.arrive $0xFFFF  }
0x39: {  	[sflag:s0] =	ssyncadd.tile.s32 @!p0 $0x1;
	_ =	shalt  }
.Lfunc_end2:
_tile_overlayer_lowered:
.L_overlay_start_2:
0x3a: {  	(tag) =	ssettag $0x2  }
0x3b: {  	s0 =	rddreg [dreg:$0x0];
	s2 =	stileid.u32  }
0x3c: {  	s1 =	rddreg [dreg:$0x1];
	p0 =	sne.s32 s2, $0x0  }
0x3d: {  	s3 =	rddreg [dreg:$0x2];
	[bflag:$0x3] =	sbarrier.arrive $0xFFFF;
	s2 =	simm.s32 @!p0 $0x1C02  }
0x3e: {  	[timem:s3], [sflag:s2] =	dma.local @!p0 [hbm:s0], s1  }
0x3f: {  	s0 =	simm.s32 @!p0 $0x2  }
0x40: {  	_ =	swait.ge @!p0 [sflag:s0], s1  }
0x41: {  	s1 =	ssub.s32 @!p0 $0x0, s1;
	[sflag:s0] =	ssyncset.done @!p0 $0x0  }
0x42: {  	[sflag:s0] =	ssyncadd.s32 @!p0 s1  }
0x43: {  	[bflag:$0x3] =	sbarrier.arrive $0xFFFF  }
0x44: {  	_ =	shalt  }

</sc_bundles>
